<compile_context>
chip_gen: v7x
topology: tpu7x:2x2x1
jax: 0.10.2.dev20260603
libtpu: 0.0.44.dev20260713+nightly
codegen_flags: <defaults>
</compile_context>

<pallas_src>
import functools

import numpy as np
import jax
import jax.numpy as jnp
from jax import lax
from jax.experimental import pallas as pl
from jax.experimental.pallas import tpu as pltpu
from jax.experimental.pallas import tpu_sc as plsc

N = 10000
NPAD = 10240
D = 128
ROW = 80
ADW = 16
NC, NS = 2, 16
NW = NC * NS
E = 320000
CHUNK = 80
CPW = 125
NB = 3
EPW = CHUNK * CPW
RPT = NPAD // NS

_f32 = jnp.float32


def _expand_mat(nh, c):
  return np.kron(np.eye(nh, dtype=np.float32), np.ones((c, 1), np.float32))


def _repeat_mat(nh, c):
  return np.kron(np.eye(nh, dtype=np.float32), np.ones((1, c), np.float32))


def _prep1_body(x_ref, w_ref, asf_ref, adf_ref, k_ref, t_ref, ad_ref, m_ref):
  x = x_ref[...]
  h = jnp.dot(x, w_ref[...], preferred_element_type=_f32)
  k = k_ref[...]
  as_ = jnp.dot(h, asf_ref[...] * k, preferred_element_type=_f32)
  ad_ = jnp.dot(h, adf_ref[...] * k, preferred_element_type=_f32)
  t_ref[...] = jnp.concatenate([as_, h, jnp.zeros((NPAD, 8), _f32)], axis=1)
  ad_ref[...] = jnp.concatenate([ad_, jnp.zeros((NPAD, 8), _f32)], axis=1)
  m = (jnp.max(as_, axis=0, keepdims=True)
       + jnp.max(ad_, axis=0, keepdims=True))
  m = jnp.where(m > 0, m, 0.2 * m)
  m_ref[...] = jnp.concatenate([m, m], axis=1)


def _prep2_body(acc_ref, t1_ref, ad1_ref, m1_ref, b1_ref, w2_ref,
                as2_ref, ad2_ref, r_ref, t_ref, ad_ref, m_ref):
  t1 = t1_ref[...]
  s = t1[:, 0:8] + ad1_ref[...][:, 0:8]
  wself = jnp.exp(jnp.maximum(s, 0.2 * s) - m1_ref[...][0:1, 0:8])
  a = acc_ref[0] + acc_ref[1]
  den = a[:, 0:8] + wself
  r = r_ref[...]
  num = a[:, 8:72] + jnp.dot(wself, r,
                             preferred_element_type=_f32) * t1[:, 8:72]
  deno = jnp.dot(den, r, preferred_element_type=_f32) + 1e-16
  o = num / deno + b1_ref[...]
  g = jnp.where(o > 0, o, jnp.exp(o) - 1.0)
  h2 = jnp.dot(g, w2_ref[...], preferred_element_type=_f32)
  as2 = jnp.dot(h2, as2_ref[...], preferred_element_type=_f32)
  ad2 = jnp.dot(h2, ad2_ref[...], preferred_element_type=_f32)
  t_ref[...] = jnp.concatenate([as2, h2, jnp.zeros((NPAD, 15), _f32)], axis=1)
  ad_ref[...] = jnp.concatenate([ad2, jnp.zeros((NPAD, 15), _f32)], axis=1)
  m = (jnp.max(as2, axis=0, keepdims=True)
       + jnp.max(ad2, axis=0, keepdims=True))
  m = jnp.where(m > 0, m, 0.2 * m)
  m_ref[...] = jnp.broadcast_to(m, (1, 16))


def _final_body(acc_ref, t2_ref, ad2_ref, m2_ref, b2_ref, out_ref):
  t2 = t2_ref[...]
  s = t2[0:N, 0:1] + ad2_ref[...][0:N, 0:1]
  wself = jnp.exp(jnp.maximum(s, 0.2 * s) - m2_ref[...][0:1, 0:1])
  a = acc_ref[0] + acc_ref[1]
  den = a[0:N, 0:1] + wself + 1e-16
  out_ref[...] = (a[0:N, 1:65] + wself * t2[0:N, 1:65]) / den + b2_ref[...]


_prep1 = pl.pallas_call(
    _prep1_body,
    out_shape=[
        jax.ShapeDtypeStruct((NPAD, ROW), _f32),
        jax.ShapeDtypeStruct((NPAD, ADW), _f32),
        jax.ShapeDtypeStruct((1, 16), _f32),
    ],
)

_prep2 = pl.pallas_call(
    _prep2_body,
    out_shape=[
        jax.ShapeDtypeStruct((NPAD, ROW), _f32),
        jax.ShapeDtypeStruct((NPAD, ADW), _f32),
        jax.ShapeDtypeStruct((1, 16), _f32),
    ],
)

_final = pl.pallas_call(
    _final_body,
    out_shape=jax.ShapeDtypeStruct((N, 64), _f32),
)


def _make_sc_edge_kernel(nh):
  mesh = plsc.VectorSubcoreMesh(
      core_axis_name="c", subcore_axis_name="s",
      num_cores=NC, num_subcores=NS)

  @functools.partial(
      pl.kernel,
      out_type=jax.ShapeDtypeStruct((NC, NPAD, ROW), _f32),
      mesh=mesh,
      compiler_params=pltpu.CompilerParams(use_tc_tiling_on_sc=False),
      scratch_types=[
          pltpu.VMEM((EPW,), jnp.int32),
          pltpu.VMEM((EPW,), jnp.int32),
          pltpu.VMEM((NB, CHUNK, ROW), _f32),
          pltpu.VMEM((NB, CHUNK, ADW), _f32),
          pltpu.VMEM((NB, CHUNK, ROW), _f32),
          pltpu.VMEM((1, 16), _f32),
          pltpu.VMEM((64, ROW), _f32),
          pltpu.VMEM_SHARED((NPAD, ROW), _f32),
          pltpu.SemaphoreType.DMA,
          [pltpu.SemaphoreType.DMA] * NB,
          [pltpu.SemaphoreType.DMA] * NB,
          [pltpu.SemaphoreType.DMA] * NB,
          pltpu.SemaphoreType.DMA,
      ],
  )
  def sc_kernel(t_hbm, adt_hbm, m_hbm, src_hbm, dst_hbm, out_hbm,
                src_v, dst_v, s_v, d_v, o_v, m_v, z_v, acc,
                sidxsem, sgas, sgbs, sscs, wsem):
    cid = lax.axis_index("c")
    sid = lax.axis_index("s")
    wid = sid * NC + cid
    base = sid * RPT

    ldi_s = pltpu.async_copy(src_hbm.at[pl.ds(wid * EPW, EPW)], src_v,
                             sidxsem)
    ldi_d = pltpu.async_copy(dst_hbm.at[pl.ds(wid * EPW, EPW)], dst_v,
                             sidxsem)
    pltpu.sync_copy(m_hbm, m_v)

    z16 = jnp.zeros((16,), _f32)
    for col in range(ROW // 16):
      def zrow(r, carry, _col=col):
        z_v[r, pl.ds(_col * 16, 16)] = z16
        return carry
      lax.fori_loop(0, 64, zrow, 0)

    def zcopy(j, carry):
      pltpu.sync_copy(z_v, acc.at[pl.ds(base + j * 64, 64)])
      return carry
    lax.fori_loop(0, RPT // 64, zcopy, 0)

    ldi_s.wait()
    ldi_d.wait()
    plsc.subcore_barrier()

    m = m_v[0, pl.ds(0, 16)]
    lane = lax.iota(jnp.int32, 16)
    head_mask = lane < nh
    one16 = jnp.ones((16,), _f32)
    zero16 = jnp.zeros((16,), jnp.int32)
    if nh == 8:
      perms = [jnp.where(head_mask, lane, zero16)]
      for k in (1, 2, 3, 4):
        perms.append(lax.shift_right_logical(lane + (16 * k - 8), 3))
    else:
      perms = [zero16] * 5

    def sidx(j):
      return src_v.at[pl.ds(j * CHUNK, CHUNK)]

    def didx(j):
      return dst_v.at[pl.ds(j * CHUNK, CHUNK)]

    def start_gather(j, b):
      pltpu.async_copy(t_hbm.at[sidx(j)], s_v.at[b], sgas[b])
      pltpu.async_copy(adt_hbm.at[didx(j)], d_v.at[b], sgbs[b])

    for b in range(NB):
      start_gather(b, b)

    def compute_edges(b):
      @plsc.parallel_loop(0, CHUNK, unroll=8)
      def edge(e):
        v0 = s_v[b, e, pl.ds(0, 16)]
        t = v0 + d_v[b, e, pl.ds(0, 16)]
        t = jnp.maximum(t, 0.2 * t) - m
        w = jnp.exp(t)
        o_v[b, e, pl.ds(0, 16)] = (
            jnp.take_along_axis(w, perms[0], axis=0, mode="promise_in_bounds")
            * jnp.where(head_mask, one16, v0))
        for k in (1, 2, 3):
          vk = s_v[b, e, pl.ds(16 * k, 16)]
          o_v[b, e, pl.ds(16 * k, 16)] = vk * jnp.take_along_axis(
              w, perms[k], axis=0, mode="promise_in_bounds")
        v4 = s_v[b, e, pl.ds(64, 16)]
        o_v[b, e, pl.ds(64, 16)] = (
            jnp.take_along_axis(w, perms[4], axis=0, mode="promise_in_bounds")
            * jnp.where(head_mask, v4, 0.0))

    def outer(jj, carry):
      for b in range(NB):
        j = NB * jj + b

        @pl.when(j < CPW)
        def _body(b=b, j=j, jj=jj):
          pltpu.make_async_copy(t_hbm.at[sidx(j)], s_v.at[b],
                                sgas[b]).wait()
          pltpu.make_async_copy(adt_hbm.at[didx(j)], d_v.at[b],
                                sgbs[b]).wait()

          @pl.when(jj > 0)
          def _wait_scatter():
            pltpu.make_async_copy(o_v.at[b], acc.at[didx(j)],
                                  sscs[b]).wait()

          compute_edges(b)
          pltpu.async_copy(o_v.at[b], acc.at[didx(j)], sscs[b], add=True)

          @pl.when(j + NB < CPW)
          def _prefetch():
            start_gather(j + NB, b)
      return carry

    lax.fori_loop(0, (CPW + NB - 1) // NB, outer, 0)
    for b in range(NB):
      pltpu.make_async_copy(o_v.at[b], acc.at[didx(0)], sscs[b]).wait()
    plsc.subcore_barrier()

    def wout(j, carry):
      pltpu.async_copy(acc.at[pl.ds(base + j * 64, 64)],
                       out_hbm.at[cid, pl.ds(base + j * 64, 64)], wsem)
      return carry
    lax.fori_loop(0, RPT // 64, wout, 0)

    def wdrain(j, carry):
      pltpu.make_async_copy(
          acc.at[pl.ds(base + j * 64, 64)],
          out_hbm.at[cid, pl.ds(base + j * 64, 64)], wsem).wait()
      return carry
    lax.fori_loop(0, RPT // 64, wdrain, 0)

  return sc_kernel


_sc_layer1 = _make_sc_edge_kernel(8)
_sc_layer2 = _make_sc_edge_kernel(1)


def kernel(x, edge_index, W1, a_src1, a_dst1, b1, W2, a_src2, a_dst2, b2):
  x_pad = jnp.pad(x, ((0, NPAD - N), (0, 0)))
  src = edge_index[0]
  dst = edge_index[1]

  kmat = jnp.asarray(_expand_mat(8, 8))
  rmat = jnp.asarray(_repeat_mat(8, 8))
  t1, ad1, m1 = _prep1(x_pad, W1, a_src1.reshape(64, 1),
                       a_dst1.reshape(64, 1), kmat)
  acc1 = _sc_layer1(t1, ad1, m1, src, dst)
  t2, ad2, m2 = _prep2(acc1, t1, ad1, m1, b1.reshape(1, 64), W2,
                       a_src2.reshape(64, 1), a_dst2.reshape(64, 1), rmat)
  acc2 = _sc_layer2(t2, ad2, m2, src, dst)
  return _final(acc2, t2, ad2, m2, b2.reshape(1, 64))

# --- scband reference (transcript-rebuilt; emitter-appended) ---
"""Pipeline reference for scband-gat-45449343926515 (READ-ONLY COPY).

The authoritative reference and input builder live on the scoring server;
editing this copy changes nothing except your own understanding.
"""

import jax, jax.numpy as jnp
import numpy as np

N = 10000
E = 320000
D = 128
H1, C1 = 8, 8
OUT = 64


def gat_layer(x, src, dst, W, a_src, a_dst, bias, heads, out_ch, concat):
    n = x.shape[0]
    h = (x @ W).reshape(n, heads, out_ch)
    alpha_src = (h * a_src[None, :, :]).sum(-1)  # [N, heads]
    alpha_dst = (h * a_dst[None, :, :]).sum(-1)  # [N, heads]
    e = jax.nn.leaky_relu(alpha_src[src] + alpha_dst[dst], 0.2)  # [Etot, heads]
    e_max = jax.lax.stop_gradient(jax.ops.segment_max(e, dst, num_segments=n))
    e_exp = jnp.exp(e - e_max[dst])
    denom = jax.ops.segment_sum(e_exp, dst, num_segments=n)
    alpha = e_exp / (denom[dst] + 1e-16)
    out = jax.ops.segment_sum(h[src] * alpha[:, :, None], dst, num_segments=n)
    if concat:
        out = out.reshape(n, heads * out_ch)
    else:
        out = out.mean(axis=1)
    return out + bias


def setup_inputs(seed: int = 0):
    key = jax.random.key(seed)
    ks = jax.random.split(key, 12)
    x = jax.random.normal(ks[0], (N, D), dtype=jnp.float32)
    edge_index = jax.random.randint(ks[1], (2, E), 0, N, dtype=jnp.int32)
    s1 = 1.0 / np.sqrt(D)
    s2 = 1.0 / np.sqrt(H1 * C1)
    W1 = jax.random.normal(ks[2], (D, H1 * C1), dtype=jnp.float32) * s1
    a_src1 = jax.random.normal(ks[3], (H1, C1), dtype=jnp.float32) * s2
    a_dst1 = jax.random.normal(ks[4], (H1, C1), dtype=jnp.float32) * s2
    b1 = jnp.zeros((H1 * C1,), dtype=jnp.float32)
    W2 = jax.random.normal(ks[5], (H1 * C1, OUT), dtype=jnp.float32) * s2
    a_src2 = jax.random.normal(ks[6], (1, OUT), dtype=jnp.float32) * (1.0 / np.sqrt(OUT))
    a_dst2 = jax.random.normal(ks[7], (1, OUT), dtype=jnp.float32) * (1.0 / np.sqrt(OUT))
    b2 = jnp.zeros((OUT,), dtype=jnp.float32)
    return {"x": x, "edge_index": edge_index, "W1": W1, "a_src1": a_src1,
            "a_dst1": a_dst1, "b1": b1, "W2": W2, "a_src2": a_src2,
            "a_dst2": a_dst2, "b2": b2}


def reference(x, edge_index, W1, a_src1, a_dst1, b1, W2, a_src2, a_dst2, b2):
    n = x.shape[0]
    # add self loops (PyG GATConv default add_self_loops=True)
    loop = jnp.arange(n, dtype=edge_index.dtype)
    src = jnp.concatenate([edge_index[0], loop])
    dst = jnp.concatenate([edge_index[1], loop])
    h = gat_layer(x, src, dst, W1, a_src1, a_dst1, b1, H1, C1, True)
    h = jax.nn.elu(h)
    out = gat_layer(h, src, dst, W2, a_src2, a_dst2, b2, 1, OUT, False)
    return out

if __name__ == "__main__":
    import jax
    _d = setup_inputs()
    print(jax.jit(kernel)(*tuple(_d.values())))

</pallas_src>

<mosaic_0001>
#map = affine_map<(d0, d1) -> (0, 0)>
#map1 = affine_map<(d0, d1) -> (0)>
#map2 = affine_map<(d0, d1) -> (0, 0, 0)>
module attributes {stable_mosaic.version = 14 : i64} {
  func.func @sc_kernel(%arg0: i32, %arg1: i32, %arg2: memref<10240x80xf32, #tpu.memory_space<hbm>>, %arg3: memref<10240x16xf32, #tpu.memory_space<hbm>>, %arg4: memref<1x16xf32, #tpu.memory_space<hbm>>, %arg5: memref<320000xi32, #tpu.memory_space<hbm>>, %arg6: memref<320000xi32, #tpu.memory_space<hbm>>, %arg7: memref<2x10240x80xf32, #tpu.memory_space<hbm>>, %arg8: memref<10000xi32, #tpu.memory_space<vmem>>, %arg9: memref<10000xi32, #tpu.memory_space<vmem>>, %arg10: memref<3x80x80xf32, #tpu.memory_space<vmem>>, %arg11: memref<3x80x16xf32, #tpu.memory_space<vmem>>, %arg12: memref<3x80x80xf32, #tpu.memory_space<vmem>>, %arg13: memref<1x16xf32, #tpu.memory_space<vmem>>, %arg14: memref<64x80xf32, #tpu.memory_space<vmem>>, %arg15: memref<10240x80xf32, #tpu.memory_space<vmem_shared>>, %arg16: memref<!tpu.dma_semaphore, #tpu.memory_space<semaphore_mem>>, %arg17: memref<!tpu.dma_semaphore, #tpu.memory_space<semaphore_mem>>, %arg18: memref<!tpu.dma_semaphore, #tpu.memory_space<semaphore_mem>>, %arg19: memref<!tpu.dma_semaphore, #tpu.memory_space<semaphore_mem>>, %arg20: memref<!tpu.dma_semaphore, #tpu.memory_space<semaphore_mem>>, %arg21: memref<!tpu.dma_semaphore, #tpu.memory_space<semaphore_mem>>, %arg22: memref<!tpu.dma_semaphore, #tpu.memory_space<semaphore_mem>>, %arg23: memref<!tpu.dma_semaphore, #tpu.memory_space<semaphore_mem>>, %arg24: memref<!tpu.dma_semaphore, #tpu.memory_space<semaphore_mem>>, %arg25: memref<!tpu.dma_semaphore, #tpu.memory_space<semaphore_mem>>, %arg26: memref<!tpu.dma_semaphore, #tpu.memory_space<semaphore_mem>>) attributes {dimension_semantics = [#tpu.dimension_semantics<core_parallel>, #tpu.dimension_semantics<subcore_parallel>], iteration_bounds = array<i64: 2, 16>, scalar_prefetch = 0 : i64, scratch_operands = 19 : i64, tpu.core_type = #tpu.core_type<sc_vector_subcore>, window_params = [{transform_indices = #map}, {transform_indices = #map}, {transform_indices = #map}, {transform_indices = #map1}, {transform_indices = #map1}, {transform_indices = #map2}]} {
    %mul3A = arith.constant 2 : i32
    %mul3A_0 = arith.muli %arg1, %mul3A : i32
    %add3A = arith.addi %mul3A_0, %arg0 : i32
    %mul3A_1 = arith.constant 640 : i32
    %mul3A_2 = arith.muli %arg1, %mul3A_1 : i32
    %mul3A_3 = arith.constant 10000 : i32
    %mul3A_4 = arith.muli %add3A, %mul3A_3 : i32
    %dma_start3A = tpu.memref_slice %arg5[%mul3A_4] : memref<320000xi32, #tpu.memory_space<hbm>> -> memref<10000xi32, #tpu.memory_space<hbm>>
    %dma_start3A_5 = tpu.memref_slice %arg5[%mul3A_4] : memref<320000xi32, #tpu.memory_space<hbm>> -> memref<10000xi32, #tpu.memory_space<hbm>>
    tpu.enqueue_dma source(%dma_start3A_5 : memref<10000xi32, #tpu.memory_space<hbm>>) target(%arg8 : memref<10000xi32, #tpu.memory_space<vmem>>) target_semaphore(%arg16 : memref<!tpu.dma_semaphore, #tpu.memory_space<semaphore_mem>>)
    %mul3A_6 = arith.constant 10000 : i32
    %mul3A_7 = arith.muli %add3A, %mul3A_6 : i32
    %dma_start3A_8 = tpu.memref_slice %arg6[%mul3A_7] : memref<320000xi32, #tpu.memory_space<hbm>> -> memref<10000xi32, #tpu.memory_space<hbm>>
    %dma_start3A_9 = tpu.memref_slice %arg6[%mul3A_7] : memref<320000xi32, #tpu.memory_space<hbm>> -> memref<10000xi32, #tpu.memory_space<hbm>>
    tpu.enqueue_dma source(%dma_start3A_9 : memref<10000xi32, #tpu.memory_space<hbm>>) target(%arg9 : memref<10000xi32, #tpu.memory_space<vmem>>) target_semaphore(%arg16 : memref<!tpu.dma_semaphore, #tpu.memory_space<semaphore_mem>>)
    "tpu.region"() ({
      %run_scoped3A = tpu.sem_alloc : memref<!tpu.dma_semaphore, #tpu.memory_space<semaphore_mem>>
      tpu.enqueue_dma source(%arg4 : memref<1x16xf32, #tpu.memory_space<hbm>>) target(%arg13 : memref<1x16xf32, #tpu.memory_space<vmem>>) target_semaphore(%run_scoped3A : memref<!tpu.dma_semaphore, #tpu.memory_space<semaphore_mem>>)
      tpu.wait_dma2 semaphore(%run_scoped3A : memref<!tpu.dma_semaphore, #tpu.memory_space<semaphore_mem>>) src(%arg4 : memref<1x16xf32, #tpu.memory_space<hbm>>) dst(%arg13 : memref<1x16xf32, #tpu.memory_space<vmem>>)
      tpu.yield
    }) : () -> ()
    %broadcast_in_dim3A = arith.constant 0.000000e+00 : f32
    %broadcast_in_dim3A_10 = vector.broadcast %broadcast_in_dim3A : f32 to vector<16xf32>
    %scan3A = arith.constant 0 : i32
    %scan3A_11 = arith.constant 0 : i32
    %scan3A_12 = arith.constant 64 : i32
    %scan3A_13 = arith.addi %scan3A_11, %scan3A_12 : i32
    %scan3A_14 = arith.constant 1 : i32
    scf.for %scan3A_168 = %scan3A_11 to %scan3A_13 step %scan3A_14  : i32 {
      %swap3A = arith.index_cast %scan3A_168 : i32 to index
      %swap3A_169 = arith.constant 0 : index
      %swap3A_170 = tpu.vector_load %arg14[%swap3A, %swap3A_169] {strides = array<i32>} : memref<64x80xf32, #tpu.memory_space<vmem>>, vector<1x16xf32>,
      %swap3A_171 = vector.shape_cast %swap3A_170 : vector<1x16xf32> to vector<16xf32>
      %swap3A_172 = vector.shape_cast %broadcast_in_dim3A_10 : vector<16xf32> to vector<1x16xf32>
      tpu.vector_store %arg14[%swap3A, %swap3A_169], %swap3A_172 {strides = array<i32>} : memref<64x80xf32, #tpu.memory_space<vmem>>, vector<1x16xf32>,
    }
    %scan3A_15 = arith.constant 64 : i32
    %scan3A_16 = arith.constant 0 : i32
    %scan3A_17 = arith.constant 0 : i32
    %scan3A_18 = arith.constant 64 : i32
    %scan3A_19 = arith.addi %scan3A_17, %scan3A_18 : i32
    %scan3A_20 = arith.constant 1 : i32
    scf.for %scan3A_168 = %scan3A_17 to %scan3A_19 step %scan3A_20  : i32 {
      %swap3A = arith.index_cast %scan3A_168 : i32 to index
      %swap3A_169 = arith.constant 16 : index
      %swap3A_170 = tpu.vector_load %arg14[%swap3A, %swap3A_169] {strides = array<i32>} : memref<64x80xf32, #tpu.memory_space<vmem>>, vector<1x16xf32>,
      %swap3A_171 = vector.shape_cast %swap3A_170 : vector<1x16xf32> to vector<16xf32>
      %swap3A_172 = vector.shape_cast %broadcast_in_dim3A_10 : vector<16xf32> to vector<1x16xf32>
      tpu.vector_store %arg14[%swap3A, %swap3A_169], %swap3A_172 {strides = array<i32>} : memref<64x80xf32, #tpu.memory_space<vmem>>, vector<1x16xf32>,
    }
    %scan3A_21 = arith.constant 64 : i32
    %scan3A_22 = arith.constant 0 : i32
    %scan3A_23 = arith.constant 0 : i32
    %scan3A_24 = arith.constant 64 : i32
    %scan3A_25 = arith.addi %scan3A_23, %scan3A_24 : i32
    %scan3A_26 = arith.constant 1 : i32
    scf.for %scan3A_168 = %scan3A_23 to %scan3A_25 step %scan3A_26  : i32 {
      %swap3A = arith.index_cast %scan3A_168 : i32 to index
      %swap3A_169 = arith.constant 32 : index
      %swap3A_170 = tpu.vector_load %arg14[%swap3A, %swap3A_169] {strides = array<i32>} : memref<64x80xf32, #tpu.memory_space<vmem>>, vector<1x16xf32>,
      %swap3A_171 = vector.shape_cast %swap3A_170 : vector<1x16xf32> to vector<16xf32>
      %swap3A_172 = vector.shape_cast %broadcast_in_dim3A_10 : vector<16xf32> to vector<1x16xf32>
      tpu.vector_store %arg14[%swap3A, %swap3A_169], %swap3A_172 {strides = array<i32>} : memref<64x80xf32, #tpu.memory_space<vmem>>, vector<1x16xf32>,
    }
    %scan3A_27 = arith.constant 64 : i32
    %scan3A_28 = arith.constant 0 : i32
    %scan3A_29 = arith.constant 0 : i32
    %scan3A_30 = arith.constant 64 : i32
    %scan3A_31 = arith.addi %scan3A_29, %scan3A_30 : i32
    %scan3A_32 = arith.constant 1 : i32
    scf.for %scan3A_168 = %scan3A_29 to %scan3A_31 step %scan3A_32  : i32 {
      %swap3A = arith.index_cast %scan3A_168 : i32 to index
      %swap3A_169 = arith.constant 48 : index
      %swap3A_170 = tpu.vector_load %arg14[%swap3A, %swap3A_169] {strides = array<i32>} : memref<64x80xf32, #tpu.memory_space<vmem>>, vector<1x16xf32>,
      %swap3A_171 = vector.shape_cast %swap3A_170 : vector<1x16xf32> to vector<16xf32>
      %swap3A_172 = vector.shape_cast %broadcast_in_dim3A_10 : vector<16xf32> to vector<1x16xf32>
      tpu.vector_store %arg14[%swap3A, %swap3A_169], %swap3A_172 {strides = array<i32>} : memref<64x80xf32, #tpu.memory_space<vmem>>, vector<1x16xf32>,
    }
    %scan3A_33 = arith.constant 64 : i32
    %scan3A_34 = arith.constant 0 : i32
    %scan3A_35 = arith.constant 0 : i32
    %scan3A_36 = arith.constant 64 : i32
    %scan3A_37 = arith.addi %scan3A_35, %scan3A_36 : i32
    %scan3A_38 = arith.constant 1 : i32
    scf.for %scan3A_168 = %scan3A_35 to %scan3A_37 step %scan3A_38  : i32 {
      %swap3A = arith.index_cast %scan3A_168 : i32 to index
      %swap3A_169 = arith.constant 64 : index
      %swap3A_170 = tpu.vector_load %arg14[%swap3A, %swap3A_169] {strides = array<i32>} : memref<64x80xf32, #tpu.memory_space<vmem>>, vector<1x16xf32>,
      %swap3A_171 = vector.shape_cast %swap3A_170 : vector<1x16xf32> to vector<16xf32>
      %swap3A_172 = vector.shape_cast %broadcast_in_dim3A_10 : vector<16xf32> to vector<1x16xf32>
      tpu.vector_store %arg14[%swap3A, %swap3A_169], %swap3A_172 {strides = array<i32>} : memref<64x80xf32, #tpu.memory_space<vmem>>, vector<1x16xf32>,
    }
    %scan3A_39 = arith.constant 64 : i32
    %scan3A_40 = arith.constant 0 : i32
    %scan3A_41 = arith.constant 0 : i32
    %scan3A_42 = arith.constant 10 : i32
    %scan3A_43 = arith.addi %scan3A_41, %scan3A_42 : i32
    %scan3A_44 = arith.constant 1 : i32
    scf.for %scan3A_168 = %scan3A_41 to %scan3A_43 step %scan3A_44  : i32 {
      %mul3A_169 = arith.constant 64 : i32
      %mul3A_170 = arith.muli %scan3A_168, %mul3A_169 : i32
      %add3A_171 = arith.addi %mul3A_2, %mul3A_170 : i32
      "tpu.region"() ({
        %run_scoped3A = tpu.sem_alloc : memref<!tpu.dma_semaphore, #tpu.memory_space<semaphore_mem>>
        %dma_start3A_172 = arith.constant 0 : i32
        %dma_start3A_173 = tpu.memref_slice %arg15[%add3A_171, %dma_start3A_172] : memref<10240x80xf32, #tpu.memory_space<vmem_shared>> -> memref<64x80xf32, #tpu.memory_space<vmem_shared>>
        %dma_start3A_174 = arith.constant 0 : i32
        %dma_start3A_175 = tpu.memref_slice %arg15[%add3A_171, %dma_start3A_174] : memref<10240x80xf32, #tpu.memory_space<vmem_shared>> -> memref<64x80xf32, #tpu.memory_space<vmem_shared>>
        tpu.enqueue_dma source(%arg14 : memref<64x80xf32, #tpu.memory_space<vmem>>) target(%dma_start3A_175 : memref<64x80xf32, #tpu.memory_space<vmem_shared>>) target_semaphore(%run_scoped3A : memref<!tpu.dma_semaphore, #tpu.memory_space<semaphore_mem>>)
        %dma_wait3A_176 = arith.constant 0 : i32
        %dma_wait3A_177 = tpu.memref_slice %arg15[%add3A_171, %dma_wait3A_176] : memref<10240x80xf32, #tpu.memory_space<vmem_shared>> -> memref<64x80xf32, #tpu.memory_space<vmem_shared>>
        %dma_wait3A_178 = arith.constant 0 : i32
        %dma_wait3A_179 = tpu.memref_slice %arg15[%add3A_171, %dma_wait3A_178] : memref<10240x80xf32, #tpu.memory_space<vmem_shared>> -> memref<64x80xf32, #tpu.memory_space<vmem_shared>>
        tpu.wait_dma2 semaphore(%run_scoped3A : memref<!tpu.dma_semaphore, #tpu.memory_space<semaphore_mem>>) src(%arg14 : memref<64x80xf32, #tpu.memory_space<vmem>>) dst(%dma_wait3A_179 : memref<64x80xf32, #tpu.memory_space<vmem_shared>>)
        tpu.yield
      }) : () -> ()
    }
    %scan3A_45 = arith.constant 10 : i32
    %dma_wait3A = tpu.memref_slice %arg5[%mul3A_4] : memref<320000xi32, #tpu.memory_space<hbm>> -> memref<10000xi32, #tpu.memory_space<hbm>>
    %dma_wait3A_46 = tpu.memref_slice %arg5[%mul3A_4] : memref<320000xi32, #tpu.memory_space<hbm>> -> memref<10000xi32, #tpu.memory_space<hbm>>
    tpu.wait_dma2 semaphore(%arg16 : memref<!tpu.dma_semaphore, #tpu.memory_space<semaphore_mem>>) src(%dma_wait3A_46 : memref<10000xi32, #tpu.memory_space<hbm>>) dst(%arg8 : memref<10000xi32, #tpu.memory_space<vmem>>)
    %dma_wait3A_47 = tpu.memref_slice %arg6[%mul3A_7] : memref<320000xi32, #tpu.memory_space<hbm>> -> memref<10000xi32, #tpu.memory_space<hbm>>
    %dma_wait3A_48 = tpu.memref_slice %arg6[%mul3A_7] : memref<320000xi32, #tpu.memory_space<hbm>> -> memref<10000xi32, #tpu.memory_space<hbm>>
    tpu.wait_dma2 semaphore(%arg16 : memref<!tpu.dma_semaphore, #tpu.memory_space<semaphore_mem>>) src(%dma_wait3A_48 : memref<10000xi32, #tpu.memory_space<hbm>>) dst(%arg9 : memref<10000xi32, #tpu.memory_space<vmem>>)
    %barrier3A = arith.constant 0 : index
    tpu.barrier barrier_id(%barrier3A)
    %get3A = arith.constant 0 : i32
    %get3A_49 = arith.index_cast %get3A : i32 to index
    %get3A_50 = arith.constant 0 : index
    %get3A_51 = tpu.vector_load %arg13[%get3A_49, %get3A_50] {strides = array<i32>} : memref<1x16xf32, #tpu.memory_space<vmem>>, vector<1x16xf32>,
    %get3A_52 = vector.shape_cast %get3A_51 : vector<1x16xf32> to vector<16xf32>
    %iota3A = tpu.iota {dimensions = array<i32: 0>} : vector<16xi32>
    %lt3A = arith.constant 1 : i32
    %lt3A_53 = vector.broadcast %lt3A : i32 to vector<16xi32>
    %lt3A_54 = arith.cmpi slt, %iota3A, %lt3A_53 : vector<16xi32>
    %broadcast_in_dim3A_55 = arith.constant 1.000000e+00 : f32
    %broadcast_in_dim3A_56 = vector.broadcast %broadcast_in_dim3A_55 : f32 to vector<16xf32>
    %broadcast_in_dim3A_57 = arith.constant 0 : i32
    %broadcast_in_dim3A_58 = vector.broadcast %broadcast_in_dim3A_57 : i32 to vector<16xi32>
    %dma_start3A_59 = arith.constant 0 : i32
    %dma_start3A_60 = arith.constant 0 : i32
    %dma_start3A_61 = arith.constant 0 : i32
    %dma_start3A_62 = tpu.memref_slice %arg10[%dma_start3A_59, %dma_start3A_60, %dma_start3A_61] : memref<3x80x80xf32, #tpu.memory_space<vmem>> -> memref<1x80x80xf32, #tpu.memory_space<vmem>>
    %dma_start3A_63 = tpu.memref_squeeze %dma_start3A_62 : memref<1x80x80xf32, #tpu.memory_space<vmem>> -> memref<80x80xf32, #tpu.memory_space<vmem>>
    %dma_start3A_64 = arith.constant 0 : i32
    %dma_start3A_65 = tpu.memref_slice %arg8[%dma_start3A_64] : memref<10000xi32, #tpu.memory_space<vmem>> -> memref<80xi32, #tpu.memory_space<vmem>>
    %dma_start3A_66 = arith.constant 0 : i32
    %dma_start3A_67 = arith.constant 0 : i32
    %dma_start3A_68 = tpu.memref_slice %arg2[%dma_start3A_66, %dma_start3A_67] : memref<10240x80xf32, #tpu.memory_space<hbm>> -> memref<10240x80xf32, #tpu.memory_space<hbm>>
    tpu.enqueue_indirect_dma source(%dma_start3A_68 : memref<10240x80xf32, #tpu.memory_space<hbm>>) target(%dma_start3A_63 : memref<80x80xf32, #tpu.memory_space<vmem>>) offsets(%dma_start3A_65 : memref<80xi32, #tpu.memory_space<vmem>>) semaphore(%arg17 : memref<!tpu.dma_semaphore, #tpu.memory_space<semaphore_mem>>)
    %dma_start3A_69 = arith.constant 0 : i32
    %dma_start3A_70 = arith.constant 0 : i32
    %dma_start3A_71 = arith.constant 0 : i32
    %dma_start3A_72 = tpu.memref_slice %arg11[%dma_start3A_69, %dma_start3A_70, %dma_start3A_71] : memref<3x80x16xf32, #tpu.memory_space<vmem>> -> memref<1x80x16xf32, #tpu.memory_space<vmem>>
    %dma_start3A_73 = tpu.memref_squeeze %dma_start3A_72 : memref<1x80x16xf32, #tpu.memory_space<vmem>> -> memref<80x16xf32, #tpu.memory_space<vmem>>
    %dma_start3A_74 = arith.constant 0 : i32
    %dma_start3A_75 = tpu.memref_slice %arg9[%dma_start3A_74] : memref<10000xi32, #tpu.memory_space<vmem>> -> memref<80xi32, #tpu.memory_space<vmem>>
    %dma_start3A_76 = arith.constant 0 : i32
    %dma_start3A_77 = arith.constant 0 : i32
    %dma_start3A_78 = tpu.memref_slice %arg3[%dma_start3A_76, %dma_start3A_77] : memref<10240x16xf32, #tpu.memory_space<hbm>> -> memref<10240x16xf32, #tpu.memory_space<hbm>>
    tpu.enqueue_indirect_dma source(%dma_start3A_78 : memref<10240x16xf32, #tpu.memory_space<hbm>>) target(%dma_start3A_73 : memref<80x16xf32, #tpu.memory_space<vmem>>) offsets(%dma_start3A_75 : memref<80xi32, #tpu.memory_space<vmem>>) semaphore(%arg20 : memref<!tpu.dma_semaphore, #tpu.memory_space<semaphore_mem>>)
    %dma_start3A_79 = arith.constant 1 : i32
    %dma_start3A_80 = arith.constant 0 : i32
    %dma_start3A_81 = arith.constant 0 : i32
    %dma_start3A_82 = tpu.memref_slice %arg10[%dma_start3A_79, %dma_start3A_80, %dma_start3A_81] : memref<3x80x80xf32, #tpu.memory_space<vmem>> -> memref<1x80x80xf32, #tpu.memory_space<vmem>>
    %dma_start3A_83 = tpu.memref_squeeze %dma_start3A_82 : memref<1x80x80xf32, #tpu.memory_space<vmem>> -> memref<80x80xf32, #tpu.memory_space<vmem>>
    %dma_start3A_84 = arith.constant 80 : i32
    %dma_start3A_85 = tpu.memref_slice %arg8[%dma_start3A_84] : memref<10000xi32, #tpu.memory_space<vmem>> -> memref<80xi32, #tpu.memory_space<vmem>>
    %dma_start3A_86 = arith.constant 0 : i32
    %dma_start3A_87 = arith.constant 0 : i32
    %dma_start3A_88 = tpu.memref_slice %arg2[%dma_start3A_86, %dma_start3A_87] : memref<10240x80xf32, #tpu.memory_space<hbm>> -> memref<10240x80xf32, #tpu.memory_space<hbm>>
    tpu.enqueue_indirect_dma source(%dma_start3A_88 : memref<10240x80xf32, #tpu.memory_space<hbm>>) target(%dma_start3A_83 : memref<80x80xf32, #tpu.memory_space<vmem>>) offsets(%dma_start3A_85 : memref<80xi32, #tpu.memory_space<vmem>>) semaphore(%arg18 : memref<!tpu.dma_semaphore, #tpu.memory_space<semaphore_mem>>)
    %dma_start3A_89 = arith.constant 1 : i32
    %dma_start3A_90 = arith.constant 0 : i32
    %dma_start3A_91 = arith.constant 0 : i32
    %dma_start3A_92 = tpu.memref_slice %arg11[%dma_start3A_89, %dma_start3A_90, %dma_start3A_91] : memref<3x80x16xf32, #tpu.memory_space<vmem>> -> memref<1x80x16xf32, #tpu.memory_space<vmem>>
    %dma_start3A_93 = tpu.memref_squeeze %dma_start3A_92 : memref<1x80x16xf32, #tpu.memory_space<vmem>> -> memref<80x16xf32, #tpu.memory_space<vmem>>
    %dma_start3A_94 = arith.constant 80 : i32
    %dma_start3A_95 = tpu.memref_slice %arg9[%dma_start3A_94] : memref<10000xi32, #tpu.memory_space<vmem>> -> memref<80xi32, #tpu.memory_space<vmem>>
    %dma_start3A_96 = arith.constant 0 : i32
    %dma_start3A_97 = arith.constant 0 : i32
    %dma_start3A_98 = tpu.memref_slice %arg3[%dma_start3A_96, %dma_start3A_97] : memref<10240x16xf32, #tpu.memory_space<hbm>> -> memref<10240x16xf32, #tpu.memory_space<hbm>>
    tpu.enqueue_indirect_dma source(%dma_start3A_98 : memref<10240x16xf32, #tpu.memory_space<hbm>>) target(%dma_start3A_93 : memref<80x16xf32, #tpu.memory_space<vmem>>) offsets(%dma_start3A_95 : memref<80xi32, #tpu.memory_space<vmem>>) semaphore(%arg21 : memref<!tpu.dma_semaphore, #tpu.memory_space<semaphore_mem>>)
    %dma_start3A_99 = arith.constant 2 : i32
    %dma_start3A_100 = arith.constant 0 : i32
    %dma_start3A_101 = arith.constant 0 : i32
    %dma_start3A_102 = tpu.memref_slice %arg10[%dma_start3A_99, %dma_start3A_100, %dma_start3A_101] : memref<3x80x80xf32, #tpu.memory_space<vmem>> -> memref<1x80x80xf32, #tpu.memory_space<vmem>>
    %dma_start3A_103 = tpu.memref_squeeze %dma_start3A_102 : memref<1x80x80xf32, #tpu.memory_space<vmem>> -> memref<80x80xf32, #tpu.memory_space<vmem>>
    %dma_start3A_104 = arith.constant 160 : i32
    %dma_start3A_105 = tpu.memref_slice %arg8[%dma_start3A_104] : memref<10000xi32, #tpu.memory_space<vmem>> -> memref<80xi32, #tpu.memory_space<vmem>>
    %dma_start3A_106 = arith.constant 0 : i32
    %dma_start3A_107 = arith.constant 0 : i32
    %dma_start3A_108 = tpu.memref_slice %arg2[%dma_start3A_106, %dma_start3A_107] : memref<10240x80xf32, #tpu.memory_space<hbm>> -> memref<10240x80xf32, #tpu.memory_space<hbm>>
    tpu.enqueue_indirect_dma source(%dma_start3A_108 : memref<10240x80xf32, #tpu.memory_space<hbm>>) target(%dma_start3A_103 : memref<80x80xf32, #tpu.memory_space<vmem>>) offsets(%dma_start3A_105 : memref<80xi32, #tpu.memory_space<vmem>>) semaphore(%arg19 : memref<!tpu.dma_semaphore, #tpu.memory_space<semaphore_mem>>)
    %dma_start3A_109 = arith.constant 2 : i32
    %dma_start3A_110 = arith.constant 0 : i32
    %dma_start3A_111 = arith.constant 0 : i32
    %dma_start3A_112 = tpu.memref_slice %arg11[%dma_start3A_109, %dma_start3A_110, %dma_start3A_111] : memref<3x80x16xf32, #tpu.memory_space<vmem>> -> memref<1x80x16xf32, #tpu.memory_space<vmem>>
    %dma_start3A_113 = tpu.memref_squeeze %dma_start3A_112 : memref<1x80x16xf32, #tpu.memory_space<vmem>> -> memref<80x16xf32, #tpu.memory_space<vmem>>
    %dma_start3A_114 = arith.constant 160 : i32
    %dma_start3A_115 = tpu.memref_slice %arg9[%dma_start3A_114] : memref<10000xi32, #tpu.memory_space<vmem>> -> memref<80xi32, #tpu.memory_space<vmem>>
    %dma_start3A_116 = arith.constant 0 : i32
    %dma_start3A_117 = arith.constant 0 : i32
    %dma_start3A_118 = tpu.memref_slice %arg3[%dma_start3A_116, %dma_start3A_117] : memref<10240x16xf32, #tpu.memory_space<hbm>> -> memref<10240x16xf32, #tpu.memory_space<hbm>>
    tpu.enqueue_indirect_dma source(%dma_start3A_118 : memref<10240x16xf32, #tpu.memory_space<hbm>>) target(%dma_start3A_113 : memref<80x16xf32, #tpu.memory_space<vmem>>) offsets(%dma_start3A_115 : memref<80xi32, #tpu.memory_space<vmem>>) semaphore(%arg22 : memref<!tpu.dma_semaphore, #tpu.memory_space<semaphore_mem>>)
    %scan3A_119 = arith.constant 0 : i32
    %scan3A_120 = arith.constant 0 : i32
    %scan3A_121 = arith.constant 42 : i32
    %scan3A_122 = arith.addi %scan3A_120, %scan3A_121 : i32
    %scan3A_123 = arith.constant 1 : i32
    scf.for %scan3A_168 = %scan3A_120 to %scan3A_122 step %scan3A_123  : i32 {
      %mul3A_169 = arith.constant 3 : i32
      %mul3A_170 = arith.muli %mul3A_169, %scan3A_168 : i32
      %add3A_171 = arith.constant 0 : i32
      %add3A_172 = arith.addi %mul3A_170, %add3A_171 : i32
      %lt3A_173 = arith.constant 125 : i32
      %lt3A_174 = arith.cmpi slt, %add3A_172, %lt3A_173 : i32
      %convert_element_type3A = arith.extui %lt3A_174 : i1 to i32
      %cond3A = arith.constant 0 : i32
      %cond3A_175 = arith.cmpi ne, %convert_element_type3A, %cond3A : i32
      scf.if %cond3A_175 {
        %mul3A_194 = arith.constant 80 : i32
        %mul3A_195 = arith.muli %add3A_172, %mul3A_194 : i32
        %dma_wait3A_196 = arith.constant 0 : i32
        %dma_wait3A_197 = arith.constant 0 : i32
        %dma_wait3A_198 = arith.constant 0 : i32
        %dma_wait3A_199 = tpu.memref_slice %arg10[%dma_wait3A_196, %dma_wait3A_197, %dma_wait3A_198] : memref<3x80x80xf32, #tpu.memory_space<vmem>> -> memref<1x80x80xf32, #tpu.memory_space<vmem>>
        %dma_wait3A_200 = tpu.memref_squeeze %dma_wait3A_199 : memref<1x80x80xf32, #tpu.memory_space<vmem>> -> memref<80x80xf32, #tpu.memory_space<vmem>>
        %dma_wait3A_201 = tpu.memref_slice %arg8[%mul3A_195] : memref<10000xi32, #tpu.memory_space<vmem>> -> memref<80xi32, #tpu.memory_space<vmem>>
        %dma_wait3A_202 = arith.constant 0 : i32
        %dma_wait3A_203 = arith.constant 0 : i32
        %dma_wait3A_204 = tpu.memref_slice %arg2[%dma_wait3A_202, %dma_wait3A_203] : memref<10240x80xf32, #tpu.memory_space<hbm>> -> memref<10240x80xf32, #tpu.memory_space<hbm>>
        tpu.wait_indirect_dma semaphore(%arg17 : memref<!tpu.dma_semaphore, #tpu.memory_space<semaphore_mem>>) src(%dma_wait3A_204 : memref<10240x80xf32, #tpu.memory_space<hbm>>) dst(%dma_wait3A_200 : memref<80x80xf32, #tpu.memory_space<vmem>>)
        %mul3A_205 = arith.constant 80 : i32
        %mul3A_206 = arith.muli %add3A_172, %mul3A_205 : i32
        %dma_wait3A_207 = arith.constant 0 : i32
        %dma_wait3A_208 = arith.constant 0 : i32
        %dma_wait3A_209 = arith.constant 0 : i32
        %dma_wait3A_210 = tpu.memref_slice %arg11[%dma_wait3A_207, %dma_wait3A_208, %dma_wait3A_209] : memref<3x80x16xf32, #tpu.memory_space<vmem>> -> memref<1x80x16xf32, #tpu.memory_space<vmem>>
        %dma_wait3A_211 = tpu.memref_squeeze %dma_wait3A_210 : memref<1x80x16xf32, #tpu.memory_space<vmem>> -> memref<80x16xf32, #tpu.memory_space<vmem>>
        %dma_wait3A_212 = tpu.memref_slice %arg9[%mul3A_206] : memref<10000xi32, #tpu.memory_space<vmem>> -> memref<80xi32, #tpu.memory_space<vmem>>
        %dma_wait3A_213 = arith.constant 0 : i32
        %dma_wait3A_214 = arith.constant 0 : i32
        %dma_wait3A_215 = tpu.memref_slice %arg3[%dma_wait3A_213, %dma_wait3A_214] : memref<10240x16xf32, #tpu.memory_space<hbm>> -> memref<10240x16xf32, #tpu.memory_space<hbm>>
        tpu.wait_indirect_dma semaphore(%arg20 : memref<!tpu.dma_semaphore, #tpu.memory_space<semaphore_mem>>) src(%dma_wait3A_215 : memref<10240x16xf32, #tpu.memory_space<hbm>>) dst(%dma_wait3A_211 : memref<80x16xf32, #tpu.memory_space<vmem>>)
        %gt3A = arith.constant 0 : i32
        %gt3A_216 = arith.cmpi sgt, %scan3A_168, %gt3A : i32
        %convert_element_type3A_217 = arith.extui %gt3A_216 : i1 to i32
        %cond3A_218 = arith.constant 0 : i32
        %cond3A_219 = arith.cmpi ne, %convert_element_type3A_217, %cond3A_218 : i32
        scf.if %cond3A_219 {
          %mul3A_240 = arith.constant 80 : i32
          %mul3A_241 = arith.muli %add3A_172, %mul3A_240 : i32
          %dma_wait3A_242 = arith.constant 0 : i32
          %dma_wait3A_243 = arith.constant 0 : i32
          %dma_wait3A_244 = arith.constant 0 : i32
          %dma_wait3A_245 = tpu.memref_slice %arg12[%dma_wait3A_242, %dma_wait3A_243, %dma_wait3A_244] : memref<3x80x80xf32, #tpu.memory_space<vmem>> -> memref<1x80x80xf32, #tpu.memory_space<vmem>>
          %dma_wait3A_246 = tpu.memref_squeeze %dma_wait3A_245 : memref<1x80x80xf32, #tpu.memory_space<vmem>> -> memref<80x80xf32, #tpu.memory_space<vmem>>
          %dma_wait3A_247 = tpu.memref_slice %arg9[%mul3A_241] : memref<10000xi32, #tpu.memory_space<vmem>> -> memref<80xi32, #tpu.memory_space<vmem>>
          %dma_wait3A_248 = arith.constant 0 : i32
          %dma_wait3A_249 = arith.constant 0 : i32
          %dma_wait3A_250 = tpu.memref_slice %arg15[%dma_wait3A_248, %dma_wait3A_249] : memref<10240x80xf32, #tpu.memory_space<vmem_shared>> -> memref<10240x80xf32, #tpu.memory_space<vmem_shared>>
          tpu.wait_indirect_dma semaphore(%arg23 : memref<!tpu.dma_semaphore, #tpu.memory_space<semaphore_mem>>) src(%dma_wait3A_246 : memref<80x80xf32, #tpu.memory_space<vmem>>) dst(%dma_wait3A_250 : memref<10240x80xf32, #tpu.memory_space<vmem_shared>>)
        } else {
        }
        %parallel_loop3A = arith.constant 0 : i32
        %parallel_loop3A_220 = arith.constant 80 : i32
        %parallel_loop3A_221 = arith.constant 1 : i32
        scf.for %parallel_loop3A_240 = %parallel_loop3A to %parallel_loop3A_220 step %parallel_loop3A_221  : i32 {
          %parallel_loop3A_241 = arith.constant 0 : i32
          %parallel_loop3A_242 = arith.index_cast %parallel_loop3A_241 : i32 to index
          %parallel_loop3A_243 = arith.index_cast %parallel_loop3A_240 : i32 to index
          %parallel_loop3A_244 = arith.constant 0 : index
          %parallel_loop3A_245 = tpu.vector_load %arg10[%parallel_loop3A_242, %parallel_loop3A_243, %parallel_loop3A_244] {strides = array<i32>} : memref<3x80x80xf32, #tpu.memory_space<vmem>>, vector<1x1x16xf32>,
          %parallel_loop3A_246 = vector.shape_cast %parallel_loop3A_245 : vector<1x1x16xf32> to vector<16xf32>
          %parallel_loop3A_247 = arith.constant 0 : i32
          %parallel_loop3A_248 = arith.index_cast %parallel_loop3A_247 : i32 to index
          %parallel_loop3A_249 = arith.index_cast %parallel_loop3A_240 : i32 to index
          %parallel_loop3A_250 = arith.constant 0 : index
          %parallel_loop3A_251 = tpu.vector_load %arg11[%parallel_loop3A_248, %parallel_loop3A_249, %parallel_loop3A_250] {strides = array<i32>} : memref<3x80x16xf32, #tpu.memory_space<vmem>>, vector<1x1x16xf32>,
          %parallel_loop3A_252 = vector.shape_cast %parallel_loop3A_251 : vector<1x1x16xf32> to vector<16xf32>
          %parallel_loop3A_253 = arith.addf %parallel_loop3A_246, %parallel_loop3A_252 : vector<16xf32>
          %parallel_loop3A_254 = arith.constant 2.000000e-01 : f32
          %parallel_loop3A_255 = vector.broadcast %parallel_loop3A_254 : f32 to vector<16xf32>
          %parallel_loop3A_256 = arith.mulf %parallel_loop3A_255, %parallel_loop3A_253 : vector<16xf32>
          %parallel_loop3A_257 = arith.maximumf %parallel_loop3A_253, %parallel_loop3A_256 : vector<16xf32>
          %parallel_loop3A_258 = arith.subf %parallel_loop3A_257, %get3A_52 : vector<16xf32>
          %parallel_loop3A_259 = math.exp %parallel_loop3A_258 : vector<16xf32>
          %parallel_loop3A_260 = vector.shape_cast %broadcast_in_dim3A_58 : vector<16xi32> to vector<16x1xi32>
          %parallel_loop3A_261 = vector.shape_cast %parallel_loop3A_260 : vector<16x1xi32> to vector<16xi32>
          %parallel_loop3A_262 = tpu.dynamic_gather %parallel_loop3A_259[%parallel_loop3A_261] in [0] : vector<16xf32>, vector<16xi32> -> vector<16xf32>
          %parallel_loop3A_263 = arith.select %lt3A_54, %broadcast_in_dim3A_56, %parallel_loop3A_246 : vector<16xi1>, vector<16xf32>
          %parallel_loop3A_264 = arith.mulf %parallel_loop3A_262, %parallel_loop3A_263 : vector<16xf32>
          %parallel_loop3A_265 = arith.constant 0 : i32
          %parallel_loop3A_266 = arith.index_cast %parallel_loop3A_265 : i32 to index
          %parallel_loop3A_267 = arith.index_cast %parallel_loop3A_240 : i32 to index
          %parallel_loop3A_268 = arith.constant 0 : index
          %parallel_loop3A_269 = tpu.vector_load %arg12[%parallel_loop3A_266, %parallel_loop3A_267, %parallel_loop3A_268] {strides = array<i32>} : memref<3x80x80xf32, #tpu.memory_space<vmem>>, vector<1x1x16xf32>,
          %parallel_loop3A_270 = vector.shape_cast %parallel_loop3A_269 : vector<1x1x16xf32> to vector<16xf32>
          %parallel_loop3A_271 = vector.shape_cast %parallel_loop3A_264 : vector<16xf32> to vector<1x1x16xf32>
          tpu.vector_store %arg12[%parallel_loop3A_266, %parallel_loop3A_267, %parallel_loop3A_268], %parallel_loop3A_271 {strides = array<i32>} : memref<3x80x80xf32, #tpu.memory_space<vmem>>, vector<1x1x16xf32>,
          %parallel_loop3A_272 = arith.constant 0 : i32
          %parallel_loop3A_273 = arith.index_cast %parallel_loop3A_272 : i32 to index
          %parallel_loop3A_274 = arith.index_cast %parallel_loop3A_240 : i32 to index
          %parallel_loop3A_275 = arith.constant 16 : index
          %parallel_loop3A_276 = tpu.vector_load %arg10[%parallel_loop3A_273, %parallel_loop3A_274, %parallel_loop3A_275] {strides = array<i32>} : memref<3x80x80xf32, #tpu.memory_space<vmem>>, vector<1x1x16xf32>,
          %parallel_loop3A_277 = vector.shape_cast %parallel_loop3A_276 : vector<1x1x16xf32> to vector<16xf32>
          %parallel_loop3A_278 = vector.shape_cast %broadcast_in_dim3A_58 : vector<16xi32> to vector<16x1xi32>
          %parallel_loop3A_279 = vector.shape_cast %parallel_loop3A_278 : vector<16x1xi32> to vector<16xi32>
          %parallel_loop3A_280 = tpu.dynamic_gather %parallel_loop3A_259[%parallel_loop3A_279] in [0] : vector<16xf32>, vector<16xi32> -> vector<16xf32>
          %parallel_loop3A_281 = arith.mulf %parallel_loop3A_277, %parallel_loop3A_280 : vector<16xf32>
          %parallel_loop3A_282 = arith.constant 0 : i32
          %parallel_loop3A_283 = arith.index_cast %parallel_loop3A_282 : i32 to index
          %parallel_loop3A_284 = arith.index_cast %parallel_loop3A_240 : i32 to index
          %parallel_loop3A_285 = arith.constant 16 : index
          %parallel_loop3A_286 = tpu.vector_load %arg12[%parallel_loop3A_283, %parallel_loop3A_284, %parallel_loop3A_285] {strides = array<i32>} : memref<3x80x80xf32, #tpu.memory_space<vmem>>, vector<1x1x16xf32>,
          %parallel_loop3A_287 = vector.shape_cast %parallel_loop3A_286 : vector<1x1x16xf32> to vector<16xf32>
          %parallel_loop3A_288 = vector.shape_cast %parallel_loop3A_281 : vector<16xf32> to vector<1x1x16xf32>
          tpu.vector_store %arg12[%parallel_loop3A_283, %parallel_loop3A_284, %parallel_loop3A_285], %parallel_loop3A_288 {strides = array<i32>} : memref<3x80x80xf32, #tpu.memory_space<vmem>>, vector<1x1x16xf32>,
          %parallel_loop3A_289 = arith.constant 0 : i32
          %parallel_loop3A_290 = arith.index_cast %parallel_loop3A_289 : i32 to index
          %parallel_loop3A_291 = arith.index_cast %parallel_loop3A_240 : i32 to index
          %parallel_loop3A_292 = arith.constant 32 : index
          %parallel_loop3A_293 = tpu.vector_load %arg10[%parallel_loop3A_290, %parallel_loop3A_291, %parallel_loop3A_292] {strides = array<i32>} : memref<3x80x80xf32, #tpu.memory_space<vmem>>, vector<1x1x16xf32>,
          %parallel_loop3A_294 = vector.shape_cast %parallel_loop3A_293 : vector<1x1x16xf32> to vector<16xf32>
          %parallel_loop3A_295 = vector.shape_cast %broadcast_in_dim3A_58 : vector<16xi32> to vector<16x1xi32>
          %parallel_loop3A_296 = vector.shape_cast %parallel_loop3A_295 : vector<16x1xi32> to vector<16xi32>
          %parallel_loop3A_297 = tpu.dynamic_gather %parallel_loop3A_259[%parallel_loop3A_296] in [0] : vector<16xf32>, vector<16xi32> -> vector<16xf32>
          %parallel_loop3A_298 = arith.mulf %parallel_loop3A_294, %parallel_loop3A_297 : vector<16xf32>
          %parallel_loop3A_299 = arith.constant 0 : i32
          %parallel_loop3A_300 = arith.index_cast %parallel_loop3A_299 : i32 to index
          %parallel_loop3A_301 = arith.index_cast %parallel_loop3A_240 : i32 to index
          %parallel_loop3A_302 = arith.constant 32 : index
          %parallel_loop3A_303 = tpu.vector_load %arg12[%parallel_loop3A_300, %parallel_loop3A_301, %parallel_loop3A_302] {strides = array<i32>} : memref<3x80x80xf32, #tpu.memory_space<vmem>>, vector<1x1x16xf32>,
          %parallel_loop3A_304 = vector.shape_cast %parallel_loop3A_303 : vector<1x1x16xf32> to vector<16xf32>
          %parallel_loop3A_305 = vector.shape_cast %parallel_loop3A_298 : vector<16xf32> to vector<1x1x16xf32>
          tpu.vector_store %arg12[%parallel_loop3A_300, %parallel_loop3A_301, %parallel_loop3A_302], %parallel_loop3A_305 {strides = array<i32>} : memref<3x80x80xf32, #tpu.memory_space<vmem>>, vector<1x1x16xf32>,
          %parallel_loop3A_306 = arith.constant 0 : i32
          %parallel_loop3A_307 = arith.index_cast %parallel_loop3A_306 : i32 to index
          %parallel_loop3A_308 = arith.index_cast %parallel_loop3A_240 : i32 to index
          %parallel_loop3A_309 = arith.constant 48 : index
          %parallel_loop3A_310 = tpu.vector_load %arg10[%parallel_loop3A_307, %parallel_loop3A_308, %parallel_loop3A_309] {strides = array<i32>} : memref<3x80x80xf32, #tpu.memory_space<vmem>>, vector<1x1x16xf32>,
          %parallel_loop3A_311 = vector.shape_cast %parallel_loop3A_310 : vector<1x1x16xf32> to vector<16xf32>
          %parallel_loop3A_312 = vector.shape_cast %broadcast_in_dim3A_58 : vector<16xi32> to vector<16x1xi32>
          %parallel_loop3A_313 = vector.shape_cast %parallel_loop3A_312 : vector<16x1xi32> to vector<16xi32>
          %parallel_loop3A_314 = tpu.dynamic_gather %parallel_loop3A_259[%parallel_loop3A_313] in [0] : vector<16xf32>, vector<16xi32> -> vector<16xf32>
          %parallel_loop3A_315 = arith.mulf %parallel_loop3A_311, %parallel_loop3A_314 : vector<16xf32>
          %parallel_loop3A_316 = arith.constant 0 : i32
          %parallel_loop3A_317 = arith.index_cast %parallel_loop3A_316 : i32 to index
          %parallel_loop3A_318 = arith.index_cast %parallel_loop3A_240 : i32 to index
          %parallel_loop3A_319 = arith.constant 48 : index
          %parallel_loop3A_320 = tpu.vector_load %arg12[%parallel_loop3A_317, %parallel_loop3A_318, %parallel_loop3A_319] {strides = array<i32>} : memref<3x80x80xf32, #tpu.memory_space<vmem>>, vector<1x1x16xf32>,
          %parallel_loop3A_321 = vector.shape_cast %parallel_loop3A_320 : vector<1x1x16xf32> to vector<16xf32>
          %parallel_loop3A_322 = vector.shape_cast %parallel_loop3A_315 : vector<16xf32> to vector<1x1x16xf32>
          tpu.vector_store %arg12[%parallel_loop3A_317, %parallel_loop3A_318, %parallel_loop3A_319], %parallel_loop3A_322 {strides = array<i32>} : memref<3x80x80xf32, #tpu.memory_space<vmem>>, vector<1x1x16xf32>,
          %parallel_loop3A_323 = arith.constant 0 : i32
          %parallel_loop3A_324 = arith.index_cast %parallel_loop3A_323 : i32 to index
          %parallel_loop3A_325 = arith.index_cast %parallel_loop3A_240 : i32 to index
          %parallel_loop3A_326 = arith.constant 64 : index
          %parallel_loop3A_327 = tpu.vector_load %arg10[%parallel_loop3A_324, %parallel_loop3A_325, %parallel_loop3A_326] {strides = array<i32>} : memref<3x80x80xf32, #tpu.memory_space<vmem>>, vector<1x1x16xf32>,
          %parallel_loop3A_328 = vector.shape_cast %parallel_loop3A_327 : vector<1x1x16xf32> to vector<16xf32>
          %parallel_loop3A_329 = vector.shape_cast %broadcast_in_dim3A_58 : vector<16xi32> to vector<16x1xi32>
          %parallel_loop3A_330 = vector.shape_cast %parallel_loop3A_329 : vector<16x1xi32> to vector<16xi32>
          %parallel_loop3A_331 = tpu.dynamic_gather %parallel_loop3A_259[%parallel_loop3A_330] in [0] : vector<16xf32>, vector<16xi32> -> vector<16xf32>
          %parallel_loop3A_332 = arith.constant 0.000000e+00 : f32
          %parallel_loop3A_333 = vector.broadcast %parallel_loop3A_332 : f32 to vector<16xf32>
          %parallel_loop3A_334 = arith.select %lt3A_54, %parallel_loop3A_328, %parallel_loop3A_333 : vector<16xi1>, vector<16xf32>
          %parallel_loop3A_335 = arith.mulf %parallel_loop3A_331, %parallel_loop3A_334 : vector<16xf32>
          %parallel_loop3A_336 = arith.constant 0 : i32
          %parallel_loop3A_337 = arith.index_cast %parallel_loop3A_336 : i32 to index
          %parallel_loop3A_338 = arith.index_cast %parallel_loop3A_240 : i32 to index
          %parallel_loop3A_339 = arith.constant 64 : index
          %parallel_loop3A_340 = tpu.vector_load %arg12[%parallel_loop3A_337, %parallel_loop3A_338, %parallel_loop3A_339] {strides = array<i32>} : memref<3x80x80xf32, #tpu.memory_space<vmem>>, vector<1x1x16xf32>,
          %parallel_loop3A_341 = vector.shape_cast %parallel_loop3A_340 : vector<1x1x16xf32> to vector<16xf32>
          %parallel_loop3A_342 = vector.shape_cast %parallel_loop3A_335 : vector<16xf32> to vector<1x1x16xf32>
          tpu.vector_store %arg12[%parallel_loop3A_337, %parallel_loop3A_338, %parallel_loop3A_339], %parallel_loop3A_342 {strides = array<i32>} : memref<3x80x80xf32, #tpu.memory_space<vmem>>, vector<1x1x16xf32>,
        } {sc.loop_unroll_factor = 8 : i64, sc.parallel_access}
        %mul3A_222 = arith.constant 80 : i32
        %mul3A_223 = arith.muli %add3A_172, %mul3A_222 : i32
        %dma_start3A_224 = arith.constant 0 : i32
        %dma_start3A_225 = arith.constant 0 : i32
        %dma_start3A_226 = arith.constant 0 : i32
        %dma_start3A_227 = tpu.memref_slice %arg12[%dma_start3A_224, %dma_start3A_225, %dma_start3A_226] : memref<3x80x80xf32, #tpu.memory_space<vmem>> -> memref<1x80x80xf32, #tpu.memory_space<vmem>>
        %dma_start3A_228 = tpu.memref_squeeze %dma_start3A_227 : memref<1x80x80xf32, #tpu.memory_space<vmem>> -> memref<80x80xf32, #tpu.memory_space<vmem>>
        %dma_start3A_229 = tpu.memref_slice %arg9[%mul3A_223] : memref<10000xi32, #tpu.memory_space<vmem>> -> memref<80xi32, #tpu.memory_space<vmem>>
        %dma_start3A_230 = arith.constant 0 : i32
        %dma_start3A_231 = arith.constant 0 : i32
        %dma_start3A_232 = tpu.memref_slice %arg15[%dma_start3A_230, %dma_start3A_231] : memref<10240x80xf32, #tpu.memory_space<vmem_shared>> -> memref<10240x80xf32, #tpu.memory_space<vmem_shared>>
        tpu.enqueue_indirect_dma source(%dma_start3A_228 : memref<80x80xf32, #tpu.memory_space<vmem>>) target(%dma_start3A_232 : memref<10240x80xf32, #tpu.memory_space<vmem_shared>>) offsets(%dma_start3A_229 : memref<80xi32, #tpu.memory_space<vmem>>) semaphore(%arg23 : memref<!tpu.dma_semaphore, #tpu.memory_space<semaphore_mem>>) {add = true}
        %add3A_233 = arith.constant 3 : i32
        %add3A_234 = arith.addi %add3A_172, %add3A_233 : i32
        %lt3A_235 = arith.constant 125 : i32
        %lt3A_236 = arith.cmpi slt, %add3A_234, %lt3A_235 : i32
        %convert_element_type3A_237 = arith.extui %lt3A_236 : i1 to i32
        %cond3A_238 = arith.constant 0 : i32
        %cond3A_239 = arith.cmpi ne, %convert_element_type3A_237, %cond3A_238 : i32
        scf.if %cond3A_239 {
          %add3A_240 = arith.constant 3 : i32
          %add3A_241 = arith.addi %add3A_172, %add3A_240 : i32
          %mul3A_242 = arith.constant 80 : i32
          %mul3A_243 = arith.muli %add3A_241, %mul3A_242 : i32
          %dma_start3A_244 = arith.constant 0 : i32
          %dma_start3A_245 = arith.constant 0 : i32
          %dma_start3A_246 = arith.constant 0 : i32
          %dma_start3A_247 = tpu.memref_slice %arg10[%dma_start3A_244, %dma_start3A_245, %dma_start3A_246] : memref<3x80x80xf32, #tpu.memory_space<vmem>> -> memref<1x80x80xf32, #tpu.memory_space<vmem>>
          %dma_start3A_248 = tpu.memref_squeeze %dma_start3A_247 : memref<1x80x80xf32, #tpu.memory_space<vmem>> -> memref<80x80xf32, #tpu.memory_space<vmem>>
          %dma_start3A_249 = tpu.memref_slice %arg8[%mul3A_243] : memref<10000xi32, #tpu.memory_space<vmem>> -> memref<80xi32, #tpu.memory_space<vmem>>
          %dma_start3A_250 = arith.constant 0 : i32
          %dma_start3A_251 = arith.constant 0 : i32
          %dma_start3A_252 = tpu.memref_slice %arg2[%dma_start3A_250, %dma_start3A_251] : memref<10240x80xf32, #tpu.memory_space<hbm>> -> memref<10240x80xf32, #tpu.memory_space<hbm>>
          tpu.enqueue_indirect_dma source(%dma_start3A_252 : memref<10240x80xf32, #tpu.memory_space<hbm>>) target(%dma_start3A_248 : memref<80x80xf32, #tpu.memory_space<vmem>>) offsets(%dma_start3A_249 : memref<80xi32, #tpu.memory_space<vmem>>) semaphore(%arg17 : memref<!tpu.dma_semaphore, #tpu.memory_space<semaphore_mem>>)
          %mul3A_253 = arith.constant 80 : i32
          %mul3A_254 = arith.muli %add3A_241, %mul3A_253 : i32
          %dma_start3A_255 = arith.constant 0 : i32
          %dma_start3A_256 = arith.constant 0 : i32
          %dma_start3A_257 = arith.constant 0 : i32
          %dma_start3A_258 = tpu.memref_slice %arg11[%dma_start3A_255, %dma_start3A_256, %dma_start3A_257] : memref<3x80x16xf32, #tpu.memory_space<vmem>> -> memref<1x80x16xf32, #tpu.memory_space<vmem>>
          %dma_start3A_259 = tpu.memref_squeeze %dma_start3A_258 : memref<1x80x16xf32, #tpu.memory_space<vmem>> -> memref<80x16xf32, #tpu.memory_space<vmem>>
          %dma_start3A_260 = tpu.memref_slice %arg9[%mul3A_254] : memref<10000xi32, #tpu.memory_space<vmem>> -> memref<80xi32, #tpu.memory_space<vmem>>
          %dma_start3A_261 = arith.constant 0 : i32
          %dma_start3A_262 = arith.constant 0 : i32
          %dma_start3A_263 = tpu.memref_slice %arg3[%dma_start3A_261, %dma_start3A_262] : memref<10240x16xf32, #tpu.memory_space<hbm>> -> memref<10240x16xf32, #tpu.memory_space<hbm>>
          tpu.enqueue_indirect_dma source(%dma_start3A_263 : memref<10240x16xf32, #tpu.memory_space<hbm>>) target(%dma_start3A_259 : memref<80x16xf32, #tpu.memory_space<vmem>>) offsets(%dma_start3A_260 : memref<80xi32, #tpu.memory_space<vmem>>) semaphore(%arg20 : memref<!tpu.dma_semaphore, #tpu.memory_space<semaphore_mem>>)
        } else {
        }
      } else {
      }
      %mul3A_176 = arith.constant 3 : i32
      %mul3A_177 = arith.muli %mul3A_176, %scan3A_168 : i32
      %add3A_178 = arith.constant 1 : i32
      %add3A_179 = arith.addi %mul3A_177, %add3A_178 : i32
      %lt3A_180 = arith.constant 125 : i32
      %lt3A_181 = arith.cmpi slt, %add3A_179, %lt3A_180 : i32
      %convert_element_type3A_182 = arith.extui %lt3A_181 : i1 to i32
      %cond3A_183 = arith.constant 0 : i32
      %cond3A_184 = arith.cmpi ne, %convert_element_type3A_182, %cond3A_183 : i32
      scf.if %cond3A_184 {
        %mul3A_194 = arith.constant 80 : i32
        %mul3A_195 = arith.muli %add3A_179, %mul3A_194 : i32
        %dma_wait3A_196 = arith.constant 1 : i32
        %dma_wait3A_197 = arith.constant 0 : i32
        %dma_wait3A_198 = arith.constant 0 : i32
        %dma_wait3A_199 = tpu.memref_slice %arg10[%dma_wait3A_196, %dma_wait3A_197, %dma_wait3A_198] : memref<3x80x80xf32, #tpu.memory_space<vmem>> -> memref<1x80x80xf32, #tpu.memory_space<vmem>>
        %dma_wait3A_200 = tpu.memref_squeeze %dma_wait3A_199 : memref<1x80x80xf32, #tpu.memory_space<vmem>> -> memref<80x80xf32, #tpu.memory_space<vmem>>
        %dma_wait3A_201 = tpu.memref_slice %arg8[%mul3A_195] : memref<10000xi32, #tpu.memory_space<vmem>> -> memref<80xi32, #tpu.memory_space<vmem>>
        %dma_wait3A_202 = arith.constant 0 : i32
        %dma_wait3A_203 = arith.constant 0 : i32
        %dma_wait3A_204 = tpu.memref_slice %arg2[%dma_wait3A_202, %dma_wait3A_203] : memref<10240x80xf32, #tpu.memory_space<hbm>> -> memref<10240x80xf32, #tpu.memory_space<hbm>>
        tpu.wait_indirect_dma semaphore(%arg18 : memref<!tpu.dma_semaphore, #tpu.memory_space<semaphore_mem>>) src(%dma_wait3A_204 : memref<10240x80xf32, #tpu.memory_space<hbm>>) dst(%dma_wait3A_200 : memref<80x80xf32, #tpu.memory_space<vmem>>)
        %mul3A_205 = arith.constant 80 : i32
        %mul3A_206 = arith.muli %add3A_179, %mul3A_205 : i32
        %dma_wait3A_207 = arith.constant 1 : i32
        %dma_wait3A_208 = arith.constant 0 : i32
        %dma_wait3A_209 = arith.constant 0 : i32
        %dma_wait3A_210 = tpu.memref_slice %arg11[%dma_wait3A_207, %dma_wait3A_208, %dma_wait3A_209] : memref<3x80x16xf32, #tpu.memory_space<vmem>> -> memref<1x80x16xf32, #tpu.memory_space<vmem>>
        %dma_wait3A_211 = tpu.memref_squeeze %dma_wait3A_210 : memref<1x80x16xf32, #tpu.memory_space<vmem>> -> memref<80x16xf32, #tpu.memory_space<vmem>>
        %dma_wait3A_212 = tpu.memref_slice %arg9[%mul3A_206] : memref<10000xi32, #tpu.memory_space<vmem>> -> memref<80xi32, #tpu.memory_space<vmem>>
        %dma_wait3A_213 = arith.constant 0 : i32
        %dma_wait3A_214 = arith.constant 0 : i32
        %dma_wait3A_215 = tpu.memref_slice %arg3[%dma_wait3A_213, %dma_wait3A_214] : memref<10240x16xf32, #tpu.memory_space<hbm>> -> memref<10240x16xf32, #tpu.memory_space<hbm>>
        tpu.wait_indirect_dma semaphore(%arg21 : memref<!tpu.dma_semaphore, #tpu.memory_space<semaphore_mem>>) src(%dma_wait3A_215 : memref<10240x16xf32, #tpu.memory_space<hbm>>) dst(%dma_wait3A_211 : memref<80x16xf32, #tpu.memory_space<vmem>>)
        %gt3A = arith.constant 0 : i32
        %gt3A_216 = arith.cmpi sgt, %scan3A_168, %gt3A : i32
        %convert_element_type3A_217 = arith.extui %gt3A_216 : i1 to i32
        %cond3A_218 = arith.constant 0 : i32
        %cond3A_219 = arith.cmpi ne, %convert_element_type3A_217, %cond3A_218 : i32
        scf.if %cond3A_219 {
          %mul3A_240 = arith.constant 80 : i32
          %mul3A_241 = arith.muli %add3A_179, %mul3A_240 : i32
          %dma_wait3A_242 = arith.constant 1 : i32
          %dma_wait3A_243 = arith.constant 0 : i32
          %dma_wait3A_244 = arith.constant 0 : i32
          %dma_wait3A_245 = tpu.memref_slice %arg12[%dma_wait3A_242, %dma_wait3A_243, %dma_wait3A_244] : memref<3x80x80xf32, #tpu.memory_space<vmem>> -> memref<1x80x80xf32, #tpu.memory_space<vmem>>
          %dma_wait3A_246 = tpu.memref_squeeze %dma_wait3A_245 : memref<1x80x80xf32, #tpu.memory_space<vmem>> -> memref<80x80xf32, #tpu.memory_space<vmem>>
          %dma_wait3A_247 = tpu.memref_slice %arg9[%mul3A_241] : memref<10000xi32, #tpu.memory_space<vmem>> -> memref<80xi32, #tpu.memory_space<vmem>>
          %dma_wait3A_248 = arith.constant 0 : i32
          %dma_wait3A_249 = arith.constant 0 : i32
          %dma_wait3A_250 = tpu.memref_slice %arg15[%dma_wait3A_248, %dma_wait3A_249] : memref<10240x80xf32, #tpu.memory_space<vmem_shared>> -> memref<10240x80xf32, #tpu.memory_space<vmem_shared>>
          tpu.wait_indirect_dma semaphore(%arg24 : memref<!tpu.dma_semaphore, #tpu.memory_space<semaphore_mem>>) src(%dma_wait3A_246 : memref<80x80xf32, #tpu.memory_space<vmem>>) dst(%dma_wait3A_250 : memref<10240x80xf32, #tpu.memory_space<vmem_shared>>)
        } else {
        }
        %parallel_loop3A = arith.constant 0 : i32
        %parallel_loop3A_220 = arith.constant 80 : i32
        %parallel_loop3A_221 = arith.constant 1 : i32
        scf.for %parallel_loop3A_240 = %parallel_loop3A to %parallel_loop3A_220 step %parallel_loop3A_221  : i32 {
          %parallel_loop3A_241 = arith.constant 1 : i32
          %parallel_loop3A_242 = arith.index_cast %parallel_loop3A_241 : i32 to index
          %parallel_loop3A_243 = arith.index_cast %parallel_loop3A_240 : i32 to index
          %parallel_loop3A_244 = arith.constant 0 : index
          %parallel_loop3A_245 = tpu.vector_load %arg10[%parallel_loop3A_242, %parallel_loop3A_243, %parallel_loop3A_244] {strides = array<i32>} : memref<3x80x80xf32, #tpu.memory_space<vmem>>, vector<1x1x16xf32>,
          %parallel_loop3A_246 = vector.shape_cast %parallel_loop3A_245 : vector<1x1x16xf32> to vector<16xf32>
          %parallel_loop3A_247 = arith.constant 1 : i32
          %parallel_loop3A_248 = arith.index_cast %parallel_loop3A_247 : i32 to index
          %parallel_loop3A_249 = arith.index_cast %parallel_loop3A_240 : i32 to index
          %parallel_loop3A_250 = arith.constant 0 : index
          %parallel_loop3A_251 = tpu.vector_load %arg11[%parallel_loop3A_248, %parallel_loop3A_249, %parallel_loop3A_250] {strides = array<i32>} : memref<3x80x16xf32, #tpu.memory_space<vmem>>, vector<1x1x16xf32>,
          %parallel_loop3A_252 = vector.shape_cast %parallel_loop3A_251 : vector<1x1x16xf32> to vector<16xf32>
          %parallel_loop3A_253 = arith.addf %parallel_loop3A_246, %parallel_loop3A_252 : vector<16xf32>
          %parallel_loop3A_254 = arith.constant 2.000000e-01 : f32
          %parallel_loop3A_255 = vector.broadcast %parallel_loop3A_254 : f32 to vector<16xf32>
          %parallel_loop3A_256 = arith.mulf %parallel_loop3A_255, %parallel_loop3A_253 : vector<16xf32>
          %parallel_loop3A_257 = arith.maximumf %parallel_loop3A_253, %parallel_loop3A_256 : vector<16xf32>
          %parallel_loop3A_258 = arith.subf %parallel_loop3A_257, %get3A_52 : vector<16xf32>
          %parallel_loop3A_259 = math.exp %parallel_loop3A_258 : vector<16xf32>
          %parallel_loop3A_260 = vector.shape_cast %broadcast_in_dim3A_58 : vector<16xi32> to vector<16x1xi32>
          %parallel_loop3A_261 = vector.shape_cast %parallel_loop3A_260 : vector<16x1xi32> to vector<16xi32>
          %parallel_loop3A_262 = tpu.dynamic_gather %parallel_loop3A_259[%parallel_loop3A_261] in [0] : vector<16xf32>, vector<16xi32> -> vector<16xf32>
          %parallel_loop3A_263 = arith.select %lt3A_54, %broadcast_in_dim3A_56, %parallel_loop3A_246 : vector<16xi1>, vector<16xf32>
          %parallel_loop3A_264 = arith.mulf %parallel_loop3A_262, %parallel_loop3A_263 : vector<16xf32>
          %parallel_loop3A_265 = arith.constant 1 : i32
          %parallel_loop3A_266 = arith.index_cast %parallel_loop3A_265 : i32 to index
          %parallel_loop3A_267 = arith.index_cast %parallel_loop3A_240 : i32 to index
          %parallel_loop3A_268 = arith.constant 0 : index
          %parallel_loop3A_269 = tpu.vector_load %arg12[%parallel_loop3A_266, %parallel_loop3A_267, %parallel_loop3A_268] {strides = array<i32>} : memref<3x80x80xf32, #tpu.memory_space<vmem>>, vector<1x1x16xf32>,
          %parallel_loop3A_270 = vector.shape_cast %parallel_loop3A_269 : vector<1x1x16xf32> to vector<16xf32>
          %parallel_loop3A_271 = vector.shape_cast %parallel_loop3A_264 : vector<16xf32> to vector<1x1x16xf32>
          tpu.vector_store %arg12[%parallel_loop3A_266, %parallel_loop3A_267, %parallel_loop3A_268], %parallel_loop3A_271 {strides = array<i32>} : memref<3x80x80xf32, #tpu.memory_space<vmem>>, vector<1x1x16xf32>,
          %parallel_loop3A_272 = arith.constant 1 : i32
          %parallel_loop3A_273 = arith.index_cast %parallel_loop3A_272 : i32 to index
          %parallel_loop3A_274 = arith.index_cast %parallel_loop3A_240 : i32 to index
          %parallel_loop3A_275 = arith.constant 16 : index
          %parallel_loop3A_276 = tpu.vector_load %arg10[%parallel_loop3A_273, %parallel_loop3A_274, %parallel_loop3A_275] {strides = array<i32>} : memref<3x80x80xf32, #tpu.memory_space<vmem>>, vector<1x1x16xf32>,
          %parallel_loop3A_277 = vector.shape_cast %parallel_loop3A_276 : vector<1x1x16xf32> to vector<16xf32>
          %parallel_loop3A_278 = vector.shape_cast %broadcast_in_dim3A_58 : vector<16xi32> to vector<16x1xi32>
          %parallel_loop3A_279 = vector.shape_cast %parallel_loop3A_278 : vector<16x1xi32> to vector<16xi32>
          %parallel_loop3A_280 = tpu.dynamic_gather %parallel_loop3A_259[%parallel_loop3A_279] in [0] : vector<16xf32>, vector<16xi32> -> vector<16xf32>
          %parallel_loop3A_281 = arith.mulf %parallel_loop3A_277, %parallel_loop3A_280 : vector<16xf32>
          %parallel_loop3A_282 = arith.constant 1 : i32
          %parallel_loop3A_283 = arith.index_cast %parallel_loop3A_282 : i32 to index
          %parallel_loop3A_284 = arith.index_cast %parallel_loop3A_240 : i32 to index
          %parallel_loop3A_285 = arith.constant 16 : index
          %parallel_loop3A_286 = tpu.vector_load %arg12[%parallel_loop3A_283, %parallel_loop3A_284, %parallel_loop3A_285] {strides = array<i32>} : memref<3x80x80xf32, #tpu.memory_space<vmem>>, vector<1x1x16xf32>,
          %parallel_loop3A_287 = vector.shape_cast %parallel_loop3A_286 : vector<1x1x16xf32> to vector<16xf32>
          %parallel_loop3A_288 = vector.shape_cast %parallel_loop3A_281 : vector<16xf32> to vector<1x1x16xf32>
          tpu.vector_store %arg12[%parallel_loop3A_283, %parallel_loop3A_284, %parallel_loop3A_285], %parallel_loop3A_288 {strides = array<i32>} : memref<3x80x80xf32, #tpu.memory_space<vmem>>, vector<1x1x16xf32>,
          %parallel_loop3A_289 = arith.constant 1 : i32
          %parallel_loop3A_290 = arith.index_cast %parallel_loop3A_289 : i32 to index
          %parallel_loop3A_291 = arith.index_cast %parallel_loop3A_240 : i32 to index
          %parallel_loop3A_292 = arith.constant 32 : index
          %parallel_loop3A_293 = tpu.vector_load %arg10[%parallel_loop3A_290, %parallel_loop3A_291, %parallel_loop3A_292] {strides = array<i32>} : memref<3x80x80xf32, #tpu.memory_space<vmem>>, vector<1x1x16xf32>,
          %parallel_loop3A_294 = vector.shape_cast %parallel_loop3A_293 : vector<1x1x16xf32> to vector<16xf32>
          %parallel_loop3A_295 = vector.shape_cast %broadcast_in_dim3A_58 : vector<16xi32> to vector<16x1xi32>
          %parallel_loop3A_296 = vector.shape_cast %parallel_loop3A_295 : vector<16x1xi32> to vector<16xi32>
          %parallel_loop3A_297 = tpu.dynamic_gather %parallel_loop3A_259[%parallel_loop3A_296] in [0] : vector<16xf32>, vector<16xi32> -> vector<16xf32>
          %parallel_loop3A_298 = arith.mulf %parallel_loop3A_294, %parallel_loop3A_297 : vector<16xf32>
          %parallel_loop3A_299 = arith.constant 1 : i32
          %parallel_loop3A_300 = arith.index_cast %parallel_loop3A_299 : i32 to index
          %parallel_loop3A_301 = arith.index_cast %parallel_loop3A_240 : i32 to index
          %parallel_loop3A_302 = arith.constant 32 : index
          %parallel_loop3A_303 = tpu.vector_load %arg12[%parallel_loop3A_300, %parallel_loop3A_301, %parallel_loop3A_302] {strides = array<i32>} : memref<3x80x80xf32, #tpu.memory_space<vmem>>, vector<1x1x16xf32>,
          %parallel_loop3A_304 = vector.shape_cast %parallel_loop3A_303 : vector<1x1x16xf32> to vector<16xf32>
          %parallel_loop3A_305 = vector.shape_cast %parallel_loop3A_298 : vector<16xf32> to vector<1x1x16xf32>
          tpu.vector_store %arg12[%parallel_loop3A_300, %parallel_loop3A_301, %parallel_loop3A_302], %parallel_loop3A_305 {strides = array<i32>} : memref<3x80x80xf32, #tpu.memory_space<vmem>>, vector<1x1x16xf32>,
          %parallel_loop3A_306 = arith.constant 1 : i32
          %parallel_loop3A_307 = arith.index_cast %parallel_loop3A_306 : i32 to index
          %parallel_loop3A_308 = arith.index_cast %parallel_loop3A_240 : i32 to index
          %parallel_loop3A_309 = arith.constant 48 : index
          %parallel_loop3A_310 = tpu.vector_load %arg10[%parallel_loop3A_307, %parallel_loop3A_308, %parallel_loop3A_309] {strides = array<i32>} : memref<3x80x80xf32, #tpu.memory_space<vmem>>, vector<1x1x16xf32>,
          %parallel_loop3A_311 = vector.shape_cast %parallel_loop3A_310 : vector<1x1x16xf32> to vector<16xf32>
          %parallel_loop3A_312 = vector.shape_cast %broadcast_in_dim3A_58 : vector<16xi32> to vector<16x1xi32>
          %parallel_loop3A_313 = vector.shape_cast %parallel_loop3A_312 : vector<16x1xi32> to vector<16xi32>
          %parallel_loop3A_314 = tpu.dynamic_gather %parallel_loop3A_259[%parallel_loop3A_313] in [0] : vector<16xf32>, vector<16xi32> -> vector<16xf32>
          %parallel_loop3A_315 = arith.mulf %parallel_loop3A_311, %parallel_loop3A_314 : vector<16xf32>
          %parallel_loop3A_316 = arith.constant 1 : i32
          %parallel_loop3A_317 = arith.index_cast %parallel_loop3A_316 : i32 to index
          %parallel_loop3A_318 = arith.index_cast %parallel_loop3A_240 : i32 to index
          %parallel_loop3A_319 = arith.constant 48 : index
          %parallel_loop3A_320 = tpu.vector_load %arg12[%parallel_loop3A_317, %parallel_loop3A_318, %parallel_loop3A_319] {strides = array<i32>} : memref<3x80x80xf32, #tpu.memory_space<vmem>>, vector<1x1x16xf32>,
          %parallel_loop3A_321 = vector.shape_cast %parallel_loop3A_320 : vector<1x1x16xf32> to vector<16xf32>
          %parallel_loop3A_322 = vector.shape_cast %parallel_loop3A_315 : vector<16xf32> to vector<1x1x16xf32>
          tpu.vector_store %arg12[%parallel_loop3A_317, %parallel_loop3A_318, %parallel_loop3A_319], %parallel_loop3A_322 {strides = array<i32>} : memref<3x80x80xf32, #tpu.memory_space<vmem>>, vector<1x1x16xf32>,
          %parallel_loop3A_323 = arith.constant 1 : i32
          %parallel_loop3A_324 = arith.index_cast %parallel_loop3A_323 : i32 to index
          %parallel_loop3A_325 = arith.index_cast %parallel_loop3A_240 : i32 to index
          %parallel_loop3A_326 = arith.constant 64 : index
          %parallel_loop3A_327 = tpu.vector_load %arg10[%parallel_loop3A_324, %parallel_loop3A_325, %parallel_loop3A_326] {strides = array<i32>} : memref<3x80x80xf32, #tpu.memory_space<vmem>>, vector<1x1x16xf32>,
          %parallel_loop3A_328 = vector.shape_cast %parallel_loop3A_327 : vector<1x1x16xf32> to vector<16xf32>
          %parallel_loop3A_329 = vector.shape_cast %broadcast_in_dim3A_58 : vector<16xi32> to vector<16x1xi32>
          %parallel_loop3A_330 = vector.shape_cast %parallel_loop3A_329 : vector<16x1xi32> to vector<16xi32>
          %parallel_loop3A_331 = tpu.dynamic_gather %parallel_loop3A_259[%parallel_loop3A_330] in [0] : vector<16xf32>, vector<16xi32> -> vector<16xf32>
          %parallel_loop3A_332 = arith.constant 0.000000e+00 : f32
          %parallel_loop3A_333 = vector.broadcast %parallel_loop3A_332 : f32 to vector<16xf32>
          %parallel_loop3A_334 = arith.select %lt3A_54, %parallel_loop3A_328, %parallel_loop3A_333 : vector<16xi1>, vector<16xf32>
          %parallel_loop3A_335 = arith.mulf %parallel_loop3A_331, %parallel_loop3A_334 : vector<16xf32>
          %parallel_loop3A_336 = arith.constant 1 : i32
          %parallel_loop3A_337 = arith.index_cast %parallel_loop3A_336 : i32 to index
          %parallel_loop3A_338 = arith.index_cast %parallel_loop3A_240 : i32 to index
          %parallel_loop3A_339 = arith.constant 64 : index
          %parallel_loop3A_340 = tpu.vector_load %arg12[%parallel_loop3A_337, %parallel_loop3A_338, %parallel_loop3A_339] {strides = array<i32>} : memref<3x80x80xf32, #tpu.memory_space<vmem>>, vector<1x1x16xf32>,
          %parallel_loop3A_341 = vector.shape_cast %parallel_loop3A_340 : vector<1x1x16xf32> to vector<16xf32>
          %parallel_loop3A_342 = vector.shape_cast %parallel_loop3A_335 : vector<16xf32> to vector<1x1x16xf32>
          tpu.vector_store %arg12[%parallel_loop3A_337, %parallel_loop3A_338, %parallel_loop3A_339], %parallel_loop3A_342 {strides = array<i32>} : memref<3x80x80xf32, #tpu.memory_space<vmem>>, vector<1x1x16xf32>,
        } {sc.loop_unroll_factor = 8 : i64, sc.parallel_access}
        %mul3A_222 = arith.constant 80 : i32
        %mul3A_223 = arith.muli %add3A_179, %mul3A_222 : i32
        %dma_start3A_224 = arith.constant 1 : i32
        %dma_start3A_225 = arith.constant 0 : i32
        %dma_start3A_226 = arith.constant 0 : i32
        %dma_start3A_227 = tpu.memref_slice %arg12[%dma_start3A_224, %dma_start3A_225, %dma_start3A_226] : memref<3x80x80xf32, #tpu.memory_space<vmem>> -> memref<1x80x80xf32, #tpu.memory_space<vmem>>
        %dma_start3A_228 = tpu.memref_squeeze %dma_start3A_227 : memref<1x80x80xf32, #tpu.memory_space<vmem>> -> memref<80x80xf32, #tpu.memory_space<vmem>>
        %dma_start3A_229 = tpu.memref_slice %arg9[%mul3A_223] : memref<10000xi32, #tpu.memory_space<vmem>> -> memref<80xi32, #tpu.memory_space<vmem>>
        %dma_start3A_230 = arith.constant 0 : i32
        %dma_start3A_231 = arith.constant 0 : i32
        %dma_start3A_232 = tpu.memref_slice %arg15[%dma_start3A_230, %dma_start3A_231] : memref<10240x80xf32, #tpu.memory_space<vmem_shared>> -> memref<10240x80xf32, #tpu.memory_space<vmem_shared>>
        tpu.enqueue_indirect_dma source(%dma_start3A_228 : memref<80x80xf32, #tpu.memory_space<vmem>>) target(%dma_start3A_232 : memref<10240x80xf32, #tpu.memory_space<vmem_shared>>) offsets(%dma_start3A_229 : memref<80xi32, #tpu.memory_space<vmem>>) semaphore(%arg24 : memref<!tpu.dma_semaphore, #tpu.memory_space<semaphore_mem>>) {add = true}
        %add3A_233 = arith.constant 3 : i32
        %add3A_234 = arith.addi %add3A_179, %add3A_233 : i32
        %lt3A_235 = arith.constant 125 : i32
        %lt3A_236 = arith.cmpi slt, %add3A_234, %lt3A_235 : i32
        %convert_element_type3A_237 = arith.extui %lt3A_236 : i1 to i32
        %cond3A_238 = arith.constant 0 : i32
        %cond3A_239 = arith.cmpi ne, %convert_element_type3A_237, %cond3A_238 : i32
        scf.if %cond3A_239 {
          %add3A_240 = arith.constant 3 : i32
          %add3A_241 = arith.addi %add3A_179, %add3A_240 : i32
          %mul3A_242 = arith.constant 80 : i32
          %mul3A_243 = arith.muli %add3A_241, %mul3A_242 : i32
          %dma_start3A_244 = arith.constant 1 : i32
          %dma_start3A_245 = arith.constant 0 : i32
          %dma_start3A_246 = arith.constant 0 : i32
          %dma_start3A_247 = tpu.memref_slice %arg10[%dma_start3A_244, %dma_start3A_245, %dma_start3A_246] : memref<3x80x80xf32, #tpu.memory_space<vmem>> -> memref<1x80x80xf32, #tpu.memory_space<vmem>>
          %dma_start3A_248 = tpu.memref_squeeze %dma_start3A_247 : memref<1x80x80xf32, #tpu.memory_space<vmem>> -> memref<80x80xf32, #tpu.memory_space<vmem>>
          %dma_start3A_249 = tpu.memref_slice %arg8[%mul3A_243] : memref<10000xi32, #tpu.memory_space<vmem>> -> memref<80xi32, #tpu.memory_space<vmem>>
          %dma_start3A_250 = arith.constant 0 : i32
          %dma_start3A_251 = arith.constant 0 : i32
          %dma_start3A_252 = tpu.memref_slice %arg2[%dma_start3A_250, %dma_start3A_251] : memref<10240x80xf32, #tpu.memory_space<hbm>> -> memref<10240x80xf32, #tpu.memory_space<hbm>>
          tpu.enqueue_indirect_dma source(%dma_start3A_252 : memref<10240x80xf32, #tpu.memory_space<hbm>>) target(%dma_start3A_248 : memref<80x80xf32, #tpu.memory_space<vmem>>) offsets(%dma_start3A_249 : memref<80xi32, #tpu.memory_space<vmem>>) semaphore(%arg18 : memref<!tpu.dma_semaphore, #tpu.memory_space<semaphore_mem>>)
          %mul3A_253 = arith.constant 80 : i32
          %mul3A_254 = arith.muli %add3A_241, %mul3A_253 : i32
          %dma_start3A_255 = arith.constant 1 : i32
          %dma_start3A_256 = arith.constant 0 : i32
          %dma_start3A_257 = arith.constant 0 : i32
          %dma_start3A_258 = tpu.memref_slice %arg11[%dma_start3A_255, %dma_start3A_256, %dma_start3A_257] : memref<3x80x16xf32, #tpu.memory_space<vmem>> -> memref<1x80x16xf32, #tpu.memory_space<vmem>>
          %dma_start3A_259 = tpu.memref_squeeze %dma_start3A_258 : memref<1x80x16xf32, #tpu.memory_space<vmem>> -> memref<80x16xf32, #tpu.memory_space<vmem>>
          %dma_start3A_260 = tpu.memref_slice %arg9[%mul3A_254] : memref<10000xi32, #tpu.memory_space<vmem>> -> memref<80xi32, #tpu.memory_space<vmem>>
          %dma_start3A_261 = arith.constant 0 : i32
          %dma_start3A_262 = arith.constant 0 : i32
          %dma_start3A_263 = tpu.memref_slice %arg3[%dma_start3A_261, %dma_start3A_262] : memref<10240x16xf32, #tpu.memory_space<hbm>> -> memref<10240x16xf32, #tpu.memory_space<hbm>>
          tpu.enqueue_indirect_dma source(%dma_start3A_263 : memref<10240x16xf32, #tpu.memory_space<hbm>>) target(%dma_start3A_259 : memref<80x16xf32, #tpu.memory_space<vmem>>) offsets(%dma_start3A_260 : memref<80xi32, #tpu.memory_space<vmem>>) semaphore(%arg21 : memref<!tpu.dma_semaphore, #tpu.memory_space<semaphore_mem>>)
        } else {
        }
      } else {
      }
      %mul3A_185 = arith.constant 3 : i32
      %mul3A_186 = arith.muli %mul3A_185, %scan3A_168 : i32
      %add3A_187 = arith.constant 2 : i32
      %add3A_188 = arith.addi %mul3A_186, %add3A_187 : i32
      %lt3A_189 = arith.constant 125 : i32
      %lt3A_190 = arith.cmpi slt, %add3A_188, %lt3A_189 : i32
      %convert_element_type3A_191 = arith.extui %lt3A_190 : i1 to i32
      %cond3A_192 = arith.constant 0 : i32
      %cond3A_193 = arith.cmpi ne, %convert_element_type3A_191, %cond3A_192 : i32
      scf.if %cond3A_193 {
        %mul3A_194 = arith.constant 80 : i32
        %mul3A_195 = arith.muli %add3A_188, %mul3A_194 : i32
        %dma_wait3A_196 = arith.constant 2 : i32
        %dma_wait3A_197 = arith.constant 0 : i32
        %dma_wait3A_198 = arith.constant 0 : i32
        %dma_wait3A_199 = tpu.memref_slice %arg10[%dma_wait3A_196, %dma_wait3A_197, %dma_wait3A_198] : memref<3x80x80xf32, #tpu.memory_space<vmem>> -> memref<1x80x80xf32, #tpu.memory_space<vmem>>
        %dma_wait3A_200 = tpu.memref_squeeze %dma_wait3A_199 : memref<1x80x80xf32, #tpu.memory_space<vmem>> -> memref<80x80xf32, #tpu.memory_space<vmem>>
        %dma_wait3A_201 = tpu.memref_slice %arg8[%mul3A_195] : memref<10000xi32, #tpu.memory_space<vmem>> -> memref<80xi32, #tpu.memory_space<vmem>>
        %dma_wait3A_202 = arith.constant 0 : i32
        %dma_wait3A_203 = arith.constant 0 : i32
        %dma_wait3A_204 = tpu.memref_slice %arg2[%dma_wait3A_202, %dma_wait3A_203] : memref<10240x80xf32, #tpu.memory_space<hbm>> -> memref<10240x80xf32, #tpu.memory_space<hbm>>
        tpu.wait_indirect_dma semaphore(%arg19 : memref<!tpu.dma_semaphore, #tpu.memory_space<semaphore_mem>>) src(%dma_wait3A_204 : memref<10240x80xf32, #tpu.memory_space<hbm>>) dst(%dma_wait3A_200 : memref<80x80xf32, #tpu.memory_space<vmem>>)
        %mul3A_205 = arith.constant 80 : i32
        %mul3A_206 = arith.muli %add3A_188, %mul3A_205 : i32
        %dma_wait3A_207 = arith.constant 2 : i32
        %dma_wait3A_208 = arith.constant 0 : i32
        %dma_wait3A_209 = arith.constant 0 : i32
        %dma_wait3A_210 = tpu.memref_slice %arg11[%dma_wait3A_207, %dma_wait3A_208, %dma_wait3A_209] : memref<3x80x16xf32, #tpu.memory_space<vmem>> -> memref<1x80x16xf32, #tpu.memory_space<vmem>>
        %dma_wait3A_211 = tpu.memref_squeeze %dma_wait3A_210 : memref<1x80x16xf32, #tpu.memory_space<vmem>> -> memref<80x16xf32, #tpu.memory_space<vmem>>
        %dma_wait3A_212 = tpu.memref_slice %arg9[%mul3A_206] : memref<10000xi32, #tpu.memory_space<vmem>> -> memref<80xi32, #tpu.memory_space<vmem>>
        %dma_wait3A_213 = arith.constant 0 : i32
        %dma_wait3A_214 = arith.constant 0 : i32
        %dma_wait3A_215 = tpu.memref_slice %arg3[%dma_wait3A_213, %dma_wait3A_214] : memref<10240x16xf32, #tpu.memory_space<hbm>> -> memref<10240x16xf32, #tpu.memory_space<hbm>>
        tpu.wait_indirect_dma semaphore(%arg22 : memref<!tpu.dma_semaphore, #tpu.memory_space<semaphore_mem>>) src(%dma_wait3A_215 : memref<10240x16xf32, #tpu.memory_space<hbm>>) dst(%dma_wait3A_211 : memref<80x16xf32, #tpu.memory_space<vmem>>)
        %gt3A = arith.constant 0 : i32
        %gt3A_216 = arith.cmpi sgt, %scan3A_168, %gt3A : i32
        %convert_element_type3A_217 = arith.extui %gt3A_216 : i1 to i32
        %cond3A_218 = arith.constant 0 : i32
        %cond3A_219 = arith.cmpi ne, %convert_element_type3A_217, %cond3A_218 : i32
        scf.if %cond3A_219 {
          %mul3A_240 = arith.constant 80 : i32
          %mul3A_241 = arith.muli %add3A_188, %mul3A_240 : i32
          %dma_wait3A_242 = arith.constant 2 : i32
          %dma_wait3A_243 = arith.constant 0 : i32
          %dma_wait3A_244 = arith.constant 0 : i32
          %dma_wait3A_245 = tpu.memref_slice %arg12[%dma_wait3A_242, %dma_wait3A_243, %dma_wait3A_244] : memref<3x80x80xf32, #tpu.memory_space<vmem>> -> memref<1x80x80xf32, #tpu.memory_space<vmem>>
          %dma_wait3A_246 = tpu.memref_squeeze %dma_wait3A_245 : memref<1x80x80xf32, #tpu.memory_space<vmem>> -> memref<80x80xf32, #tpu.memory_space<vmem>>
          %dma_wait3A_247 = tpu.memref_slice %arg9[%mul3A_241] : memref<10000xi32, #tpu.memory_space<vmem>> -> memref<80xi32, #tpu.memory_space<vmem>>
          %dma_wait3A_248 = arith.constant 0 : i32
          %dma_wait3A_249 = arith.constant 0 : i32
          %dma_wait3A_250 = tpu.memref_slice %arg15[%dma_wait3A_248, %dma_wait3A_249] : memref<10240x80xf32, #tpu.memory_space<vmem_shared>> -> memref<10240x80xf32, #tpu.memory_space<vmem_shared>>
          tpu.wait_indirect_dma semaphore(%arg25 : memref<!tpu.dma_semaphore, #tpu.memory_space<semaphore_mem>>) src(%dma_wait3A_246 : memref<80x80xf32, #tpu.memory_space<vmem>>) dst(%dma_wait3A_250 : memref<10240x80xf32, #tpu.memory_space<vmem_shared>>)
        } else {
        }
        %parallel_loop3A = arith.constant 0 : i32
        %parallel_loop3A_220 = arith.constant 80 : i32
        %parallel_loop3A_221 = arith.constant 1 : i32
        scf.for %parallel_loop3A_240 = %parallel_loop3A to %parallel_loop3A_220 step %parallel_loop3A_221  : i32 {
          %parallel_loop3A_241 = arith.constant 2 : i32
          %parallel_loop3A_242 = arith.index_cast %parallel_loop3A_241 : i32 to index
          %parallel_loop3A_243 = arith.index_cast %parallel_loop3A_240 : i32 to index
          %parallel_loop3A_244 = arith.constant 0 : index
          %parallel_loop3A_245 = tpu.vector_load %arg10[%parallel_loop3A_242, %parallel_loop3A_243, %parallel_loop3A_244] {strides = array<i32>} : memref<3x80x80xf32, #tpu.memory_space<vmem>>, vector<1x1x16xf32>,
          %parallel_loop3A_246 = vector.shape_cast %parallel_loop3A_245 : vector<1x1x16xf32> to vector<16xf32>
          %parallel_loop3A_247 = arith.constant 2 : i32
          %parallel_loop3A_248 = arith.index_cast %parallel_loop3A_247 : i32 to index
          %parallel_loop3A_249 = arith.index_cast %parallel_loop3A_240 : i32 to index
          %parallel_loop3A_250 = arith.constant 0 : index
          %parallel_loop3A_251 = tpu.vector_load %arg11[%parallel_loop3A_248, %parallel_loop3A_249, %parallel_loop3A_250] {strides = array<i32>} : memref<3x80x16xf32, #tpu.memory_space<vmem>>, vector<1x1x16xf32>,
          %parallel_loop3A_252 = vector.shape_cast %parallel_loop3A_251 : vector<1x1x16xf32> to vector<16xf32>
          %parallel_loop3A_253 = arith.addf %parallel_loop3A_246, %parallel_loop3A_252 : vector<16xf32>
          %parallel_loop3A_254 = arith.constant 2.000000e-01 : f32
          %parallel_loop3A_255 = vector.broadcast %parallel_loop3A_254 : f32 to vector<16xf32>
          %parallel_loop3A_256 = arith.mulf %parallel_loop3A_255, %parallel_loop3A_253 : vector<16xf32>
          %parallel_loop3A_257 = arith.maximumf %parallel_loop3A_253, %parallel_loop3A_256 : vector<16xf32>
          %parallel_loop3A_258 = arith.subf %parallel_loop3A_257, %get3A_52 : vector<16xf32>
          %parallel_loop3A_259 = math.exp %parallel_loop3A_258 : vector<16xf32>
          %parallel_loop3A_260 = vector.shape_cast %broadcast_in_dim3A_58 : vector<16xi32> to vector<16x1xi32>
          %parallel_loop3A_261 = vector.shape_cast %parallel_loop3A_260 : vector<16x1xi32> to vector<16xi32>
          %parallel_loop3A_262 = tpu.dynamic_gather %parallel_loop3A_259[%parallel_loop3A_261] in [0] : vector<16xf32>, vector<16xi32> -> vector<16xf32>
          %parallel_loop3A_263 = arith.select %lt3A_54, %broadcast_in_dim3A_56, %parallel_loop3A_246 : vector<16xi1>, vector<16xf32>
          %parallel_loop3A_264 = arith.mulf %parallel_loop3A_262, %parallel_loop3A_263 : vector<16xf32>
          %parallel_loop3A_265 = arith.constant 2 : i32
          %parallel_loop3A_266 = arith.index_cast %parallel_loop3A_265 : i32 to index
          %parallel_loop3A_267 = arith.index_cast %parallel_loop3A_240 : i32 to index
          %parallel_loop3A_268 = arith.constant 0 : index
          %parallel_loop3A_269 = tpu.vector_load %arg12[%parallel_loop3A_266, %parallel_loop3A_267, %parallel_loop3A_268] {strides = array<i32>} : memref<3x80x80xf32, #tpu.memory_space<vmem>>, vector<1x1x16xf32>,
          %parallel_loop3A_270 = vector.shape_cast %parallel_loop3A_269 : vector<1x1x16xf32> to vector<16xf32>
          %parallel_loop3A_271 = vector.shape_cast %parallel_loop3A_264 : vector<16xf32> to vector<1x1x16xf32>
          tpu.vector_store %arg12[%parallel_loop3A_266, %parallel_loop3A_267, %parallel_loop3A_268], %parallel_loop3A_271 {strides = array<i32>} : memref<3x80x80xf32, #tpu.memory_space<vmem>>, vector<1x1x16xf32>,
          %parallel_loop3A_272 = arith.constant 2 : i32
          %parallel_loop3A_273 = arith.index_cast %parallel_loop3A_272 : i32 to index
          %parallel_loop3A_274 = arith.index_cast %parallel_loop3A_240 : i32 to index
          %parallel_loop3A_275 = arith.constant 16 : index
          %parallel_loop3A_276 = tpu.vector_load %arg10[%parallel_loop3A_273, %parallel_loop3A_274, %parallel_loop3A_275] {strides = array<i32>} : memref<3x80x80xf32, #tpu.memory_space<vmem>>, vector<1x1x16xf32>,
          %parallel_loop3A_277 = vector.shape_cast %parallel_loop3A_276 : vector<1x1x16xf32> to vector<16xf32>
          %parallel_loop3A_278 = vector.shape_cast %broadcast_in_dim3A_58 : vector<16xi32> to vector<16x1xi32>
          %parallel_loop3A_279 = vector.shape_cast %parallel_loop3A_278 : vector<16x1xi32> to vector<16xi32>
          %parallel_loop3A_280 = tpu.dynamic_gather %parallel_loop3A_259[%parallel_loop3A_279] in [0] : vector<16xf32>, vector<16xi32> -> vector<16xf32>
          %parallel_loop3A_281 = arith.mulf %parallel_loop3A_277, %parallel_loop3A_280 : vector<16xf32>
          %parallel_loop3A_282 = arith.constant 2 : i32
          %parallel_loop3A_283 = arith.index_cast %parallel_loop3A_282 : i32 to index
          %parallel_loop3A_284 = arith.index_cast %parallel_loop3A_240 : i32 to index
          %parallel_loop3A_285 = arith.constant 16 : index
          %parallel_loop3A_286 = tpu.vector_load %arg12[%parallel_loop3A_283, %parallel_loop3A_284, %parallel_loop3A_285] {strides = array<i32>} : memref<3x80x80xf32, #tpu.memory_space<vmem>>, vector<1x1x16xf32>,
          %parallel_loop3A_287 = vector.shape_cast %parallel_loop3A_286 : vector<1x1x16xf32> to vector<16xf32>
          %parallel_loop3A_288 = vector.shape_cast %parallel_loop3A_281 : vector<16xf32> to vector<1x1x16xf32>
          tpu.vector_store %arg12[%parallel_loop3A_283, %parallel_loop3A_284, %parallel_loop3A_285], %parallel_loop3A_288 {strides = array<i32>} : memref<3x80x80xf32, #tpu.memory_space<vmem>>, vector<1x1x16xf32>,
          %parallel_loop3A_289 = arith.constant 2 : i32
          %parallel_loop3A_290 = arith.index_cast %parallel_loop3A_289 : i32 to index
          %parallel_loop3A_291 = arith.index_cast %parallel_loop3A_240 : i32 to index
          %parallel_loop3A_292 = arith.constant 32 : index
          %parallel_loop3A_293 = tpu.vector_load %arg10[%parallel_loop3A_290, %parallel_loop3A_291, %parallel_loop3A_292] {strides = array<i32>} : memref<3x80x80xf32, #tpu.memory_space<vmem>>, vector<1x1x16xf32>,
          %parallel_loop3A_294 = vector.shape_cast %parallel_loop3A_293 : vector<1x1x16xf32> to vector<16xf32>
          %parallel_loop3A_295 = vector.shape_cast %broadcast_in_dim3A_58 : vector<16xi32> to vector<16x1xi32>
          %parallel_loop3A_296 = vector.shape_cast %parallel_loop3A_295 : vector<16x1xi32> to vector<16xi32>
          %parallel_loop3A_297 = tpu.dynamic_gather %parallel_loop3A_259[%parallel_loop3A_296] in [0] : vector<16xf32>, vector<16xi32> -> vector<16xf32>
          %parallel_loop3A_298 = arith.mulf %parallel_loop3A_294, %parallel_loop3A_297 : vector<16xf32>
          %parallel_loop3A_299 = arith.constant 2 : i32
          %parallel_loop3A_300 = arith.index_cast %parallel_loop3A_299 : i32 to index
          %parallel_loop3A_301 = arith.index_cast %parallel_loop3A_240 : i32 to index
          %parallel_loop3A_302 = arith.constant 32 : index
          %parallel_loop3A_303 = tpu.vector_load %arg12[%parallel_loop3A_300, %parallel_loop3A_301, %parallel_loop3A_302] {strides = array<i32>} : memref<3x80x80xf32, #tpu.memory_space<vmem>>, vector<1x1x16xf32>,
          %parallel_loop3A_304 = vector.shape_cast %parallel_loop3A_303 : vector<1x1x16xf32> to vector<16xf32>
          %parallel_loop3A_305 = vector.shape_cast %parallel_loop3A_298 : vector<16xf32> to vector<1x1x16xf32>
          tpu.vector_store %arg12[%parallel_loop3A_300, %parallel_loop3A_301, %parallel_loop3A_302], %parallel_loop3A_305 {strides = array<i32>} : memref<3x80x80xf32, #tpu.memory_space<vmem>>, vector<1x1x16xf32>,
          %parallel_loop3A_306 = arith.constant 2 : i32
          %parallel_loop3A_307 = arith.index_cast %parallel_loop3A_306 : i32 to index
          %parallel_loop3A_308 = arith.index_cast %parallel_loop3A_240 : i32 to index
          %parallel_loop3A_309 = arith.constant 48 : index
          %parallel_loop3A_310 = tpu.vector_load %arg10[%parallel_loop3A_307, %parallel_loop3A_308, %parallel_loop3A_309] {strides = array<i32>} : memref<3x80x80xf32, #tpu.memory_space<vmem>>, vector<1x1x16xf32>,
          %parallel_loop3A_311 = vector.shape_cast %parallel_loop3A_310 : vector<1x1x16xf32> to vector<16xf32>
          %parallel_loop3A_312 = vector.shape_cast %broadcast_in_dim3A_58 : vector<16xi32> to vector<16x1xi32>
          %parallel_loop3A_313 = vector.shape_cast %parallel_loop3A_312 : vector<16x1xi32> to vector<16xi32>
          %parallel_loop3A_314 = tpu.dynamic_gather %parallel_loop3A_259[%parallel_loop3A_313] in [0] : vector<16xf32>, vector<16xi32> -> vector<16xf32>
          %parallel_loop3A_315 = arith.mulf %parallel_loop3A_311, %parallel_loop3A_314 : vector<16xf32>
          %parallel_loop3A_316 = arith.constant 2 : i32
          %parallel_loop3A_317 = arith.index_cast %parallel_loop3A_316 : i32 to index
          %parallel_loop3A_318 = arith.index_cast %parallel_loop3A_240 : i32 to index
          %parallel_loop3A_319 = arith.constant 48 : index
          %parallel_loop3A_320 = tpu.vector_load %arg12[%parallel_loop3A_317, %parallel_loop3A_318, %parallel_loop3A_319] {strides = array<i32>} : memref<3x80x80xf32, #tpu.memory_space<vmem>>, vector<1x1x16xf32>,
          %parallel_loop3A_321 = vector.shape_cast %parallel_loop3A_320 : vector<1x1x16xf32> to vector<16xf32>
          %parallel_loop3A_322 = vector.shape_cast %parallel_loop3A_315 : vector<16xf32> to vector<1x1x16xf32>
          tpu.vector_store %arg12[%parallel_loop3A_317, %parallel_loop3A_318, %parallel_loop3A_319], %parallel_loop3A_322 {strides = array<i32>} : memref<3x80x80xf32, #tpu.memory_space<vmem>>, vector<1x1x16xf32>,
          %parallel_loop3A_323 = arith.constant 2 : i32
          %parallel_loop3A_324 = arith.index_cast %parallel_loop3A_323 : i32 to index
          %parallel_loop3A_325 = arith.index_cast %parallel_loop3A_240 : i32 to index
          %parallel_loop3A_326 = arith.constant 64 : index
          %parallel_loop3A_327 = tpu.vector_load %arg10[%parallel_loop3A_324, %parallel_loop3A_325, %parallel_loop3A_326] {strides = array<i32>} : memref<3x80x80xf32, #tpu.memory_space<vmem>>, vector<1x1x16xf32>,
          %parallel_loop3A_328 = vector.shape_cast %parallel_loop3A_327 : vector<1x1x16xf32> to vector<16xf32>
          %parallel_loop3A_329 = vector.shape_cast %broadcast_in_dim3A_58 : vector<16xi32> to vector<16x1xi32>
          %parallel_loop3A_330 = vector.shape_cast %parallel_loop3A_329 : vector<16x1xi32> to vector<16xi32>
          %parallel_loop3A_331 = tpu.dynamic_gather %parallel_loop3A_259[%parallel_loop3A_330] in [0] : vector<16xf32>, vector<16xi32> -> vector<16xf32>
          %parallel_loop3A_332 = arith.constant 0.000000e+00 : f32
          %parallel_loop3A_333 = vector.broadcast %parallel_loop3A_332 : f32 to vector<16xf32>
          %parallel_loop3A_334 = arith.select %lt3A_54, %parallel_loop3A_328, %parallel_loop3A_333 : vector<16xi1>, vector<16xf32>
          %parallel_loop3A_335 = arith.mulf %parallel_loop3A_331, %parallel_loop3A_334 : vector<16xf32>
          %parallel_loop3A_336 = arith.constant 2 : i32
          %parallel_loop3A_337 = arith.index_cast %parallel_loop3A_336 : i32 to index
          %parallel_loop3A_338 = arith.index_cast %parallel_loop3A_240 : i32 to index
          %parallel_loop3A_339 = arith.constant 64 : index
          %parallel_loop3A_340 = tpu.vector_load %arg12[%parallel_loop3A_337, %parallel_loop3A_338, %parallel_loop3A_339] {strides = array<i32>} : memref<3x80x80xf32, #tpu.memory_space<vmem>>, vector<1x1x16xf32>,
          %parallel_loop3A_341 = vector.shape_cast %parallel_loop3A_340 : vector<1x1x16xf32> to vector<16xf32>
          %parallel_loop3A_342 = vector.shape_cast %parallel_loop3A_335 : vector<16xf32> to vector<1x1x16xf32>
          tpu.vector_store %arg12[%parallel_loop3A_337, %parallel_loop3A_338, %parallel_loop3A_339], %parallel_loop3A_342 {strides = array<i32>} : memref<3x80x80xf32, #tpu.memory_space<vmem>>, vector<1x1x16xf32>,
        } {sc.loop_unroll_factor = 8 : i64, sc.parallel_access}
        %mul3A_222 = arith.constant 80 : i32
        %mul3A_223 = arith.muli %add3A_188, %mul3A_222 : i32
        %dma_start3A_224 = arith.constant 2 : i32
        %dma_start3A_225 = arith.constant 0 : i32
        %dma_start3A_226 = arith.constant 0 : i32
        %dma_start3A_227 = tpu.memref_slice %arg12[%dma_start3A_224, %dma_start3A_225, %dma_start3A_226] : memref<3x80x80xf32, #tpu.memory_space<vmem>> -> memref<1x80x80xf32, #tpu.memory_space<vmem>>
        %dma_start3A_228 = tpu.memref_squeeze %dma_start3A_227 : memref<1x80x80xf32, #tpu.memory_space<vmem>> -> memref<80x80xf32, #tpu.memory_space<vmem>>
        %dma_start3A_229 = tpu.memref_slice %arg9[%mul3A_223] : memref<10000xi32, #tpu.memory_space<vmem>> -> memref<80xi32, #tpu.memory_space<vmem>>
        %dma_start3A_230 = arith.constant 0 : i32
        %dma_start3A_231 = arith.constant 0 : i32
        %dma_start3A_232 = tpu.memref_slice %arg15[%dma_start3A_230, %dma_start3A_231] : memref<10240x80xf32, #tpu.memory_space<vmem_shared>> -> memref<10240x80xf32, #tpu.memory_space<vmem_shared>>
        tpu.enqueue_indirect_dma source(%dma_start3A_228 : memref<80x80xf32, #tpu.memory_space<vmem>>) target(%dma_start3A_232 : memref<10240x80xf32, #tpu.memory_space<vmem_shared>>) offsets(%dma_start3A_229 : memref<80xi32, #tpu.memory_space<vmem>>) semaphore(%arg25 : memref<!tpu.dma_semaphore, #tpu.memory_space<semaphore_mem>>) {add = true}
        %add3A_233 = arith.constant 3 : i32
        %add3A_234 = arith.addi %add3A_188, %add3A_233 : i32
        %lt3A_235 = arith.constant 125 : i32
        %lt3A_236 = arith.cmpi slt, %add3A_234, %lt3A_235 : i32
        %convert_element_type3A_237 = arith.extui %lt3A_236 : i1 to i32
        %cond3A_238 = arith.constant 0 : i32
        %cond3A_239 = arith.cmpi ne, %convert_element_type3A_237, %cond3A_238 : i32
        scf.if %cond3A_239 {
          %add3A_240 = arith.constant 3 : i32
          %add3A_241 = arith.addi %add3A_188, %add3A_240 : i32
          %mul3A_242 = arith.constant 80 : i32
          %mul3A_243 = arith.muli %add3A_241, %mul3A_242 : i32
          %dma_start3A_244 = arith.constant 2 : i32
          %dma_start3A_245 = arith.constant 0 : i32
          %dma_start3A_246 = arith.constant 0 : i32
          %dma_start3A_247 = tpu.memref_slice %arg10[%dma_start3A_244, %dma_start3A_245, %dma_start3A_246] : memref<3x80x80xf32, #tpu.memory_space<vmem>> -> memref<1x80x80xf32, #tpu.memory_space<vmem>>
          %dma_start3A_248 = tpu.memref_squeeze %dma_start3A_247 : memref<1x80x80xf32, #tpu.memory_space<vmem>> -> memref<80x80xf32, #tpu.memory_space<vmem>>
          %dma_start3A_249 = tpu.memref_slice %arg8[%mul3A_243] : memref<10000xi32, #tpu.memory_space<vmem>> -> memref<80xi32, #tpu.memory_space<vmem>>
          %dma_start3A_250 = arith.constant 0 : i32
          %dma_start3A_251 = arith.constant 0 : i32
          %dma_start3A_252 = tpu.memref_slice %arg2[%dma_start3A_250, %dma_start3A_251] : memref<10240x80xf32, #tpu.memory_space<hbm>> -> memref<10240x80xf32, #tpu.memory_space<hbm>>
          tpu.enqueue_indirect_dma source(%dma_start3A_252 : memref<10240x80xf32, #tpu.memory_space<hbm>>) target(%dma_start3A_248 : memref<80x80xf32, #tpu.memory_space<vmem>>) offsets(%dma_start3A_249 : memref<80xi32, #tpu.memory_space<vmem>>) semaphore(%arg19 : memref<!tpu.dma_semaphore, #tpu.memory_space<semaphore_mem>>)
          %mul3A_253 = arith.constant 80 : i32
          %mul3A_254 = arith.muli %add3A_241, %mul3A_253 : i32
          %dma_start3A_255 = arith.constant 2 : i32
          %dma_start3A_256 = arith.constant 0 : i32
          %dma_start3A_257 = arith.constant 0 : i32
          %dma_start3A_258 = tpu.memref_slice %arg11[%dma_start3A_255, %dma_start3A_256, %dma_start3A_257] : memref<3x80x16xf32, #tpu.memory_space<vmem>> -> memref<1x80x16xf32, #tpu.memory_space<vmem>>
          %dma_start3A_259 = tpu.memref_squeeze %dma_start3A_258 : memref<1x80x16xf32, #tpu.memory_space<vmem>> -> memref<80x16xf32, #tpu.memory_space<vmem>>
          %dma_start3A_260 = tpu.memref_slice %arg9[%mul3A_254] : memref<10000xi32, #tpu.memory_space<vmem>> -> memref<80xi32, #tpu.memory_space<vmem>>
          %dma_start3A_261 = arith.constant 0 : i32
          %dma_start3A_262 = arith.constant 0 : i32
          %dma_start3A_263 = tpu.memref_slice %arg3[%dma_start3A_261, %dma_start3A_262] : memref<10240x16xf32, #tpu.memory_space<hbm>> -> memref<10240x16xf32, #tpu.memory_space<hbm>>
          tpu.enqueue_indirect_dma source(%dma_start3A_263 : memref<10240x16xf32, #tpu.memory_space<hbm>>) target(%dma_start3A_259 : memref<80x16xf32, #tpu.memory_space<vmem>>) offsets(%dma_start3A_260 : memref<80xi32, #tpu.memory_space<vmem>>) semaphore(%arg22 : memref<!tpu.dma_semaphore, #tpu.memory_space<semaphore_mem>>)
        } else {
        }
      } else {
      }
    }
    %scan3A_124 = arith.constant 42 : i32
    %dma_wait3A_125 = arith.constant 0 : i32
    %dma_wait3A_126 = arith.constant 0 : i32
    %dma_wait3A_127 = arith.constant 0 : i32
    %dma_wait3A_128 = tpu.memref_slice %arg12[%dma_wait3A_125, %dma_wait3A_126, %dma_wait3A_127] : memref<3x80x80xf32, #tpu.memory_space<vmem>> -> memref<1x80x80xf32, #tpu.memory_space<vmem>>
    %dma_wait3A_129 = tpu.memref_squeeze %dma_wait3A_128 : memref<1x80x80xf32, #tpu.memory_space<vmem>> -> memref<80x80xf32, #tpu.memory_space<vmem>>
    %dma_wait3A_130 = arith.constant 0 : i32
    %dma_wait3A_131 = tpu.memref_slice %arg9[%dma_wait3A_130] : memref<10000xi32, #tpu.memory_space<vmem>> -> memref<80xi32, #tpu.memory_space<vmem>>
    %dma_wait3A_132 = arith.constant 0 : i32
    %dma_wait3A_133 = arith.constant 0 : i32
    %dma_wait3A_134 = tpu.memref_slice %arg15[%dma_wait3A_132, %dma_wait3A_133] : memref<10240x80xf32, #tpu.memory_space<vmem_shared>> -> memref<10240x80xf32, #tpu.memory_space<vmem_shared>>
    tpu.wait_indirect_dma semaphore(%arg23 : memref<!tpu.dma_semaphore, #tpu.memory_space<semaphore_mem>>) src(%dma_wait3A_129 : memref<80x80xf32, #tpu.memory_space<vmem>>) dst(%dma_wait3A_134 : memref<10240x80xf32, #tpu.memory_space<vmem_shared>>)
    %dma_wait3A_135 = arith.constant 1 : i32
    %dma_wait3A_136 = arith.constant 0 : i32
    %dma_wait3A_137 = arith.constant 0 : i32
    %dma_wait3A_138 = tpu.memref_slice %arg12[%dma_wait3A_135, %dma_wait3A_136, %dma_wait3A_137] : memref<3x80x80xf32, #tpu.memory_space<vmem>> -> memref<1x80x80xf32, #tpu.memory_space<vmem>>
    %dma_wait3A_139 = tpu.memref_squeeze %dma_wait3A_138 : memref<1x80x80xf32, #tpu.memory_space<vmem>> -> memref<80x80xf32, #tpu.memory_space<vmem>>
    %dma_wait3A_140 = arith.constant 0 : i32
    %dma_wait3A_141 = tpu.memref_slice %arg9[%dma_wait3A_140] : memref<10000xi32, #tpu.memory_space<vmem>> -> memref<80xi32, #tpu.memory_space<vmem>>
    %dma_wait3A_142 = arith.constant 0 : i32
    %dma_wait3A_143 = arith.constant 0 : i32
    %dma_wait3A_144 = tpu.memref_slice %arg15[%dma_wait3A_142, %dma_wait3A_143] : memref<10240x80xf32, #tpu.memory_space<vmem_shared>> -> memref<10240x80xf32, #tpu.memory_space<vmem_shared>>
    tpu.wait_indirect_dma semaphore(%arg24 : memref<!tpu.dma_semaphore, #tpu.memory_space<semaphore_mem>>) src(%dma_wait3A_139 : memref<80x80xf32, #tpu.memory_space<vmem>>) dst(%dma_wait3A_144 : memref<10240x80xf32, #tpu.memory_space<vmem_shared>>)
    %dma_wait3A_145 = arith.constant 2 : i32
    %dma_wait3A_146 = arith.constant 0 : i32
    %dma_wait3A_147 = arith.constant 0 : i32
    %dma_wait3A_148 = tpu.memref_slice %arg12[%dma_wait3A_145, %dma_wait3A_146, %dma_wait3A_147] : memref<3x80x80xf32, #tpu.memory_space<vmem>> -> memref<1x80x80xf32, #tpu.memory_space<vmem>>
    %dma_wait3A_149 = tpu.memref_squeeze %dma_wait3A_148 : memref<1x80x80xf32, #tpu.memory_space<vmem>> -> memref<80x80xf32, #tpu.memory_space<vmem>>
    %dma_wait3A_150 = arith.constant 0 : i32
    %dma_wait3A_151 = tpu.memref_slice %arg9[%dma_wait3A_150] : memref<10000xi32, #tpu.memory_space<vmem>> -> memref<80xi32, #tpu.memory_space<vmem>>
    %dma_wait3A_152 = arith.constant 0 : i32
    %dma_wait3A_153 = arith.constant 0 : i32
    %dma_wait3A_154 = tpu.memref_slice %arg15[%dma_wait3A_152, %dma_wait3A_153] : memref<10240x80xf32, #tpu.memory_space<vmem_shared>> -> memref<10240x80xf32, #tpu.memory_space<vmem_shared>>
    tpu.wait_indirect_dma semaphore(%arg25 : memref<!tpu.dma_semaphore, #tpu.memory_space<semaphore_mem>>) src(%dma_wait3A_149 : memref<80x80xf32, #tpu.memory_space<vmem>>) dst(%dma_wait3A_154 : memref<10240x80xf32, #tpu.memory_space<vmem_shared>>)
    %barrier3A_155 = arith.constant 0 : index
    tpu.barrier barrier_id(%barrier3A_155)
    %scan3A_156 = arith.constant 0 : i32
    %scan3A_157 = arith.constant 0 : i32
    %scan3A_158 = arith.constant 10 : i32
    %scan3A_159 = arith.addi %scan3A_157, %scan3A_158 : i32
    %scan3A_160 = arith.constant 1 : i32
    scf.for %scan3A_168 = %scan3A_157 to %scan3A_159 step %scan3A_160  : i32 {
      %mul3A_169 = arith.constant 64 : i32
      %mul3A_170 = arith.muli %scan3A_168, %mul3A_169 : i32
      %add3A_171 = arith.addi %mul3A_2, %mul3A_170 : i32
      %mul3A_172 = arith.constant 64 : i32
      %mul3A_173 = arith.muli %scan3A_168, %mul3A_172 : i32
      %add3A_174 = arith.addi %mul3A_2, %mul3A_173 : i32
      %dma_start3A_175 = arith.constant 0 : i32
      %dma_start3A_176 = tpu.memref_slice %arg7[%arg0, %add3A_174, %dma_start3A_175] : memref<2x10240x80xf32, #tpu.memory_space<hbm>> -> memref<1x64x80xf32, #tpu.memory_space<hbm>>
      %dma_start3A_177 = tpu.memref_squeeze %dma_start3A_176 : memref<1x64x80xf32, #tpu.memory_space<hbm>> -> memref<64x80xf32, #tpu.memory_space<hbm>>
      %dma_start3A_178 = arith.constant 0 : i32
      %dma_start3A_179 = tpu.memref_slice %arg15[%add3A_171, %dma_start3A_178] : memref<10240x80xf32, #tpu.memory_space<vmem_shared>> -> memref<64x80xf32, #tpu.memory_space<vmem_shared>>
      tpu.enqueue_dma source(%dma_start3A_179 : memref<64x80xf32, #tpu.memory_space<vmem_shared>>) target(%dma_start3A_177 : memref<64x80xf32, #tpu.memory_space<hbm>>) target_semaphore(%arg26 : memref<!tpu.dma_semaphore, #tpu.memory_space<semaphore_mem>>)
    }
    %scan3A_161 = arith.constant 10 : i32
    %scan3A_162 = arith.constant 0 : i32
    %scan3A_163 = arith.constant 0 : i32
    %scan3A_164 = arith.constant 10 : i32
    %scan3A_165 = arith.addi %scan3A_163, %scan3A_164 : i32
    %scan3A_166 = arith.constant 1 : i32
    scf.for %scan3A_168 = %scan3A_163 to %scan3A_165 step %scan3A_166  : i32 {
      %mul3A_169 = arith.constant 64 : i32
      %mul3A_170 = arith.muli %scan3A_168, %mul3A_169 : i32
      %add3A_171 = arith.addi %mul3A_2, %mul3A_170 : i32
      %mul3A_172 = arith.constant 64 : i32
      %mul3A_173 = arith.muli %scan3A_168, %mul3A_172 : i32
      %add3A_174 = arith.addi %mul3A_2, %mul3A_173 : i32
      %dma_wait3A_175 = arith.constant 0 : i32
      %dma_wait3A_176 = tpu.memref_slice %arg7[%arg0, %add3A_174, %dma_wait3A_175] : memref<2x10240x80xf32, #tpu.memory_space<hbm>> -> memref<1x64x80xf32, #tpu.memory_space<hbm>>
      %dma_wait3A_177 = tpu.memref_squeeze %dma_wait3A_176 : memref<1x64x80xf32, #tpu.memory_space<hbm>> -> memref<64x80xf32, #tpu.memory_space<hbm>>
      %dma_wait3A_178 = arith.constant 0 : i32
      %dma_wait3A_179 = tpu.memref_slice %arg15[%add3A_171, %dma_wait3A_178] : memref<10240x80xf32, #tpu.memory_space<vmem_shared>> -> memref<64x80xf32, #tpu.memory_space<vmem_shared>>
      tpu.wait_dma2 semaphore(%arg26 : memref<!tpu.dma_semaphore, #tpu.memory_space<semaphore_mem>>) src(%dma_wait3A_179 : memref<64x80xf32, #tpu.memory_space<vmem_shared>>) dst(%dma_wait3A_177 : memref<64x80xf32, #tpu.memory_space<hbm>>)
    }
    %scan3A_167 = arith.constant 10 : i32
    return
  }
}

#map = affine_map<(d0, d1) -> (0, 0)>
#map1 = affine_map<(d0, d1) -> (0)>
#map2 = affine_map<(d0, d1) -> (0, 0, 0)>
module attributes {stable_mosaic.version = 14 : i64} {
  func.func @sc_kernel(%arg0: i32, %arg1: i32, %arg2: memref<10240x80xf32, #tpu.memory_space<hbm>>, %arg3: memref<10240x16xf32, #tpu.memory_space<hbm>>, %arg4: memref<1x16xf32, #tpu.memory_space<hbm>>, %arg5: memref<320000xi32, #tpu.memory_space<hbm>>, %arg6: memref<320000xi32, #tpu.memory_space<hbm>>, %arg7: memref<2x10240x80xf32, #tpu.memory_space<hbm>>, %arg8: memref<10000xi32, #tpu.memory_space<vmem>>, %arg9: memref<10000xi32, #tpu.memory_space<vmem>>, %arg10: memref<3x80x80xf32, #tpu.memory_space<vmem>>, %arg11: memref<3x80x16xf32, #tpu.memory_space<vmem>>, %arg12: memref<3x80x80xf32, #tpu.memory_space<vmem>>, %arg13: memref<1x16xf32, #tpu.memory_space<vmem>>, %arg14: memref<64x80xf32, #tpu.memory_space<vmem>>, %arg15: memref<10240x80xf32, #tpu.memory_space<vmem_shared>>, %arg16: memref<!tpu.dma_semaphore, #tpu.memory_space<semaphore_mem>>, %arg17: memref<!tpu.dma_semaphore, #tpu.memory_space<semaphore_mem>>, %arg18: memref<!tpu.dma_semaphore, #tpu.memory_space<semaphore_mem>>, %arg19: memref<!tpu.dma_semaphore, #tpu.memory_space<semaphore_mem>>, %arg20: memref<!tpu.dma_semaphore, #tpu.memory_space<semaphore_mem>>, %arg21: memref<!tpu.dma_semaphore, #tpu.memory_space<semaphore_mem>>, %arg22: memref<!tpu.dma_semaphore, #tpu.memory_space<semaphore_mem>>, %arg23: memref<!tpu.dma_semaphore, #tpu.memory_space<semaphore_mem>>, %arg24: memref<!tpu.dma_semaphore, #tpu.memory_space<semaphore_mem>>, %arg25: memref<!tpu.dma_semaphore, #tpu.memory_space<semaphore_mem>>, %arg26: memref<!tpu.dma_semaphore, #tpu.memory_space<semaphore_mem>>) attributes {dimension_semantics = [#tpu.dimension_semantics<core_parallel>, #tpu.dimension_semantics<subcore_parallel>], iteration_bounds = array<i64: 2, 16>, scalar_prefetch = 0 : i64, scratch_operands = 19 : i64, tpu.core_type = #tpu.core_type<sc_vector_subcore>, window_params = [{transform_indices = #map}, {transform_indices = #map}, {transform_indices = #map}, {transform_indices = #map1}, {transform_indices = #map1}, {transform_indices = #map2}]} {
    %mul3A = arith.constant 2 : i32
    %mul3A_0 = arith.muli %arg1, %mul3A : i32
    %add3A = arith.addi %mul3A_0, %arg0 : i32
    %mul3A_1 = arith.constant 640 : i32
    %mul3A_2 = arith.muli %arg1, %mul3A_1 : i32
    %mul3A_3 = arith.constant 10000 : i32
    %mul3A_4 = arith.muli %add3A, %mul3A_3 : i32
    %dma_start3A = tpu.memref_slice %arg5[%mul3A_4] : memref<320000xi32, #tpu.memory_space<hbm>> -> memref<10000xi32, #tpu.memory_space<hbm>>
    %dma_start3A_5 = tpu.memref_slice %arg5[%mul3A_4] : memref<320000xi32, #tpu.memory_space<hbm>> -> memref<10000xi32, #tpu.memory_space<hbm>>
    tpu.enqueue_dma source(%dma_start3A_5 : memref<10000xi32, #tpu.memory_space<hbm>>) target(%arg8 : memref<10000xi32, #tpu.memory_space<vmem>>) target_semaphore(%arg16 : memref<!tpu.dma_semaphore, #tpu.memory_space<semaphore_mem>>)
    %mul3A_6 = arith.constant 10000 : i32
    %mul3A_7 = arith.muli %add3A, %mul3A_6 : i32
    %dma_start3A_8 = tpu.memref_slice %arg6[%mul3A_7] : memref<320000xi32, #tpu.memory_space<hbm>> -> memref<10000xi32, #tpu.memory_space<hbm>>
    %dma_start3A_9 = tpu.memref_slice %arg6[%mul3A_7] : memref<320000xi32, #tpu.memory_space<hbm>> -> memref<10000xi32, #tpu.memory_space<hbm>>
    tpu.enqueue_dma source(%dma_start3A_9 : memref<10000xi32, #tpu.memory_space<hbm>>) target(%arg9 : memref<10000xi32, #tpu.memory_space<vmem>>) target_semaphore(%arg16 : memref<!tpu.dma_semaphore, #tpu.memory_space<semaphore_mem>>)
    "tpu.region"() ({
      %run_scoped3A = tpu.sem_alloc : memref<!tpu.dma_semaphore, #tpu.memory_space<semaphore_mem>>
      tpu.enqueue_dma source(%arg4 : memref<1x16xf32, #tpu.memory_space<hbm>>) target(%arg13 : memref<1x16xf32, #tpu.memory_space<vmem>>) target_semaphore(%run_scoped3A : memref<!tpu.dma_semaphore, #tpu.memory_space<semaphore_mem>>)
      tpu.wait_dma2 semaphore(%run_scoped3A : memref<!tpu.dma_semaphore, #tpu.memory_space<semaphore_mem>>) src(%arg4 : memref<1x16xf32, #tpu.memory_space<hbm>>) dst(%arg13 : memref<1x16xf32, #tpu.memory_space<vmem>>)
      tpu.yield
    }) : () -> ()
    %broadcast_in_dim3A = arith.constant 0.000000e+00 : f32
    %broadcast_in_dim3A_10 = vector.broadcast %broadcast_in_dim3A : f32 to vector<16xf32>
    %scan3A = arith.constant 0 : i32
    %scan3A_11 = arith.constant 0 : i32
    %scan3A_12 = arith.constant 64 : i32
    %scan3A_13 = arith.addi %scan3A_11, %scan3A_12 : i32
    %scan3A_14 = arith.constant 1 : i32
    scf.for %scan3A_191 = %scan3A_11 to %scan3A_13 step %scan3A_14  : i32 {
      %swap3A = arith.index_cast %scan3A_191 : i32 to index
      %swap3A_192 = arith.constant 0 : index
      %swap3A_193 = tpu.vector_load %arg14[%swap3A, %swap3A_192] {strides = array<i32>} : memref<64x80xf32, #tpu.memory_space<vmem>>, vector<1x16xf32>,
      %swap3A_194 = vector.shape_cast %swap3A_193 : vector<1x16xf32> to vector<16xf32>
      %swap3A_195 = vector.shape_cast %broadcast_in_dim3A_10 : vector<16xf32> to vector<1x16xf32>
      tpu.vector_store %arg14[%swap3A, %swap3A_192], %swap3A_195 {strides = array<i32>} : memref<64x80xf32, #tpu.memory_space<vmem>>, vector<1x16xf32>,
    }
    %scan3A_15 = arith.constant 64 : i32
    %scan3A_16 = arith.constant 0 : i32
    %scan3A_17 = arith.constant 0 : i32
    %scan3A_18 = arith.constant 64 : i32
    %scan3A_19 = arith.addi %scan3A_17, %scan3A_18 : i32
    %scan3A_20 = arith.constant 1 : i32
    scf.for %scan3A_191 = %scan3A_17 to %scan3A_19 step %scan3A_20  : i32 {
      %swap3A = arith.index_cast %scan3A_191 : i32 to index
      %swap3A_192 = arith.constant 16 : index
      %swap3A_193 = tpu.vector_load %arg14[%swap3A, %swap3A_192] {strides = array<i32>} : memref<64x80xf32, #tpu.memory_space<vmem>>, vector<1x16xf32>,
      %swap3A_194 = vector.shape_cast %swap3A_193 : vector<1x16xf32> to vector<16xf32>
      %swap3A_195 = vector.shape_cast %broadcast_in_dim3A_10 : vector<16xf32> to vector<1x16xf32>
      tpu.vector_store %arg14[%swap3A, %swap3A_192], %swap3A_195 {strides = array<i32>} : memref<64x80xf32, #tpu.memory_space<vmem>>, vector<1x16xf32>,
    }
    %scan3A_21 = arith.constant 64 : i32
    %scan3A_22 = arith.constant 0 : i32
    %scan3A_23 = arith.constant 0 : i32
    %scan3A_24 = arith.constant 64 : i32
    %scan3A_25 = arith.addi %scan3A_23, %scan3A_24 : i32
    %scan3A_26 = arith.constant 1 : i32
    scf.for %scan3A_191 = %scan3A_23 to %scan3A_25 step %scan3A_26  : i32 {
      %swap3A = arith.index_cast %scan3A_191 : i32 to index
      %swap3A_192 = arith.constant 32 : index
      %swap3A_193 = tpu.vector_load %arg14[%swap3A, %swap3A_192] {strides = array<i32>} : memref<64x80xf32, #tpu.memory_space<vmem>>, vector<1x16xf32>,
      %swap3A_194 = vector.shape_cast %swap3A_193 : vector<1x16xf32> to vector<16xf32>
      %swap3A_195 = vector.shape_cast %broadcast_in_dim3A_10 : vector<16xf32> to vector<1x16xf32>
      tpu.vector_store %arg14[%swap3A, %swap3A_192], %swap3A_195 {strides = array<i32>} : memref<64x80xf32, #tpu.memory_space<vmem>>, vector<1x16xf32>,
    }
    %scan3A_27 = arith.constant 64 : i32
    %scan3A_28 = arith.constant 0 : i32
    %scan3A_29 = arith.constant 0 : i32
    %scan3A_30 = arith.constant 64 : i32
    %scan3A_31 = arith.addi %scan3A_29, %scan3A_30 : i32
    %scan3A_32 = arith.constant 1 : i32
    scf.for %scan3A_191 = %scan3A_29 to %scan3A_31 step %scan3A_32  : i32 {
      %swap3A = arith.index_cast %scan3A_191 : i32 to index
      %swap3A_192 = arith.constant 48 : index
      %swap3A_193 = tpu.vector_load %arg14[%swap3A, %swap3A_192] {strides = array<i32>} : memref<64x80xf32, #tpu.memory_space<vmem>>, vector<1x16xf32>,
      %swap3A_194 = vector.shape_cast %swap3A_193 : vector<1x16xf32> to vector<16xf32>
      %swap3A_195 = vector.shape_cast %broadcast_in_dim3A_10 : vector<16xf32> to vector<1x16xf32>
      tpu.vector_store %arg14[%swap3A, %swap3A_192], %swap3A_195 {strides = array<i32>} : memref<64x80xf32, #tpu.memory_space<vmem>>, vector<1x16xf32>,
    }
    %scan3A_33 = arith.constant 64 : i32
    %scan3A_34 = arith.constant 0 : i32
    %scan3A_35 = arith.constant 0 : i32
    %scan3A_36 = arith.constant 64 : i32
    %scan3A_37 = arith.addi %scan3A_35, %scan3A_36 : i32
    %scan3A_38 = arith.constant 1 : i32
    scf.for %scan3A_191 = %scan3A_35 to %scan3A_37 step %scan3A_38  : i32 {
      %swap3A = arith.index_cast %scan3A_191 : i32 to index
      %swap3A_192 = arith.constant 64 : index
      %swap3A_193 = tpu.vector_load %arg14[%swap3A, %swap3A_192] {strides = array<i32>} : memref<64x80xf32, #tpu.memory_space<vmem>>, vector<1x16xf32>,
      %swap3A_194 = vector.shape_cast %swap3A_193 : vector<1x16xf32> to vector<16xf32>
      %swap3A_195 = vector.shape_cast %broadcast_in_dim3A_10 : vector<16xf32> to vector<1x16xf32>
      tpu.vector_store %arg14[%swap3A, %swap3A_192], %swap3A_195 {strides = array<i32>} : memref<64x80xf32, #tpu.memory_space<vmem>>, vector<1x16xf32>,
    }
    %scan3A_39 = arith.constant 64 : i32
    %scan3A_40 = arith.constant 0 : i32
    %scan3A_41 = arith.constant 0 : i32
    %scan3A_42 = arith.constant 10 : i32
    %scan3A_43 = arith.addi %scan3A_41, %scan3A_42 : i32
    %scan3A_44 = arith.constant 1 : i32
    scf.for %scan3A_191 = %scan3A_41 to %scan3A_43 step %scan3A_44  : i32 {
      %mul3A_192 = arith.constant 64 : i32
      %mul3A_193 = arith.muli %scan3A_191, %mul3A_192 : i32
      %add3A_194 = arith.addi %mul3A_2, %mul3A_193 : i32
      "tpu.region"() ({
        %run_scoped3A = tpu.sem_alloc : memref<!tpu.dma_semaphore, #tpu.memory_space<semaphore_mem>>
        %dma_start3A_195 = arith.constant 0 : i32
        %dma_start3A_196 = tpu.memref_slice %arg15[%add3A_194, %dma_start3A_195] : memref<10240x80xf32, #tpu.memory_space<vmem_shared>> -> memref<64x80xf32, #tpu.memory_space<vmem_shared>>
        %dma_start3A_197 = arith.constant 0 : i32
        %dma_start3A_198 = tpu.memref_slice %arg15[%add3A_194, %dma_start3A_197] : memref<10240x80xf32, #tpu.memory_space<vmem_shared>> -> memref<64x80xf32, #tpu.memory_space<vmem_shared>>
        tpu.enqueue_dma source(%arg14 : memref<64x80xf32, #tpu.memory_space<vmem>>) target(%dma_start3A_198 : memref<64x80xf32, #tpu.memory_space<vmem_shared>>) target_semaphore(%run_scoped3A : memref<!tpu.dma_semaphore, #tpu.memory_space<semaphore_mem>>)
        %dma_wait3A_199 = arith.constant 0 : i32
        %dma_wait3A_200 = tpu.memref_slice %arg15[%add3A_194, %dma_wait3A_199] : memref<10240x80xf32, #tpu.memory_space<vmem_shared>> -> memref<64x80xf32, #tpu.memory_space<vmem_shared>>
        %dma_wait3A_201 = arith.constant 0 : i32
        %dma_wait3A_202 = tpu.memref_slice %arg15[%add3A_194, %dma_wait3A_201] : memref<10240x80xf32, #tpu.memory_space<vmem_shared>> -> memref<64x80xf32, #tpu.memory_space<vmem_shared>>
        tpu.wait_dma2 semaphore(%run_scoped3A : memref<!tpu.dma_semaphore, #tpu.memory_space<semaphore_mem>>) src(%arg14 : memref<64x80xf32, #tpu.memory_space<vmem>>) dst(%dma_wait3A_202 : memref<64x80xf32, #tpu.memory_space<vmem_shared>>)
        tpu.yield
      }) : () -> ()
    }
    %scan3A_45 = arith.constant 10 : i32
    %dma_wait3A = tpu.memref_slice %arg5[%mul3A_4] : memref<320000xi32, #tpu.memory_space<hbm>> -> memref<10000xi32, #tpu.memory_space<hbm>>
    %dma_wait3A_46 = tpu.memref_slice %arg5[%mul3A_4] : memref<320000xi32, #tpu.memory_space<hbm>> -> memref<10000xi32, #tpu.memory_space<hbm>>
    tpu.wait_dma2 semaphore(%arg16 : memref<!tpu.dma_semaphore, #tpu.memory_space<semaphore_mem>>) src(%dma_wait3A_46 : memref<10000xi32, #tpu.memory_space<hbm>>) dst(%arg8 : memref<10000xi32, #tpu.memory_space<vmem>>)
    %dma_wait3A_47 = tpu.memref_slice %arg6[%mul3A_7] : memref<320000xi32, #tpu.memory_space<hbm>> -> memref<10000xi32, #tpu.memory_space<hbm>>
    %dma_wait3A_48 = tpu.memref_slice %arg6[%mul3A_7] : memref<320000xi32, #tpu.memory_space<hbm>> -> memref<10000xi32, #tpu.memory_space<hbm>>
    tpu.wait_dma2 semaphore(%arg16 : memref<!tpu.dma_semaphore, #tpu.memory_space<semaphore_mem>>) src(%dma_wait3A_48 : memref<10000xi32, #tpu.memory_space<hbm>>) dst(%arg9 : memref<10000xi32, #tpu.memory_space<vmem>>)
    %barrier3A = arith.constant 0 : index
    tpu.barrier barrier_id(%barrier3A)
    %get3A = arith.constant 0 : i32
    %get3A_49 = arith.index_cast %get3A : i32 to index
    %get3A_50 = arith.constant 0 : index
    %get3A_51 = tpu.vector_load %arg13[%get3A_49, %get3A_50] {strides = array<i32>} : memref<1x16xf32, #tpu.memory_space<vmem>>, vector<1x16xf32>,
    %get3A_52 = vector.shape_cast %get3A_51 : vector<1x16xf32> to vector<16xf32>
    %iota3A = tpu.iota {dimensions = array<i32: 0>} : vector<16xi32>
    %lt3A = arith.constant 8 : i32
    %lt3A_53 = vector.broadcast %lt3A : i32 to vector<16xi32>
    %lt3A_54 = arith.cmpi slt, %iota3A, %lt3A_53 : vector<16xi32>
    %broadcast_in_dim3A_55 = arith.constant 1.000000e+00 : f32
    %broadcast_in_dim3A_56 = vector.broadcast %broadcast_in_dim3A_55 : f32 to vector<16xf32>
    %broadcast_in_dim3A_57 = arith.constant 0 : i32
    %broadcast_in_dim3A_58 = vector.broadcast %broadcast_in_dim3A_57 : i32 to vector<16xi32>
    %select_n3A = arith.select %lt3A_54, %iota3A, %broadcast_in_dim3A_58 : vector<16xi1>, vector<16xi32>
    %add3A_59 = arith.constant 8 : i32
    %add3A_60 = vector.broadcast %add3A_59 : i32 to vector<16xi32>
    %add3A_61 = arith.addi %iota3A, %add3A_60 : vector<16xi32>
    %shift_right_logical3A = arith.constant 3 : i32
    %shift_right_logical3A_62 = vector.broadcast %shift_right_logical3A : i32 to vector<16xi32>
    %shift_right_logical3A_63 = arith.shrui %add3A_61, %shift_right_logical3A_62 : vector<16xi32>
    %add3A_64 = arith.constant 24 : i32
    %add3A_65 = vector.broadcast %add3A_64 : i32 to vector<16xi32>
    %add3A_66 = arith.addi %iota3A, %add3A_65 : vector<16xi32>
    %shift_right_logical3A_67 = arith.constant 3 : i32
    %shift_right_logical3A_68 = vector.broadcast %shift_right_logical3A_67 : i32 to vector<16xi32>
    %shift_right_logical3A_69 = arith.shrui %add3A_66, %shift_right_logical3A_68 : vector<16xi32>
    %add3A_70 = arith.constant 40 : i32
    %add3A_71 = vector.broadcast %add3A_70 : i32 to vector<16xi32>
    %add3A_72 = arith.addi %iota3A, %add3A_71 : vector<16xi32>
    %shift_right_logical3A_73 = arith.constant 3 : i32
    %shift_right_logical3A_74 = vector.broadcast %shift_right_logical3A_73 : i32 to vector<16xi32>
    %shift_right_logical3A_75 = arith.shrui %add3A_72, %shift_right_logical3A_74 : vector<16xi32>
    %add3A_76 = arith.constant 56 : i32
    %add3A_77 = vector.broadcast %add3A_76 : i32 to vector<16xi32>
    %add3A_78 = arith.addi %iota3A, %add3A_77 : vector<16xi32>
    %shift_right_logical3A_79 = arith.constant 3 : i32
    %shift_right_logical3A_80 = vector.broadcast %shift_right_logical3A_79 : i32 to vector<16xi32>
    %shift_right_logical3A_81 = arith.shrui %add3A_78, %shift_right_logical3A_80 : vector<16xi32>
    %dma_start3A_82 = arith.constant 0 : i32
    %dma_start3A_83 = arith.constant 0 : i32
    %dma_start3A_84 = arith.constant 0 : i32
    %dma_start3A_85 = tpu.memref_slice %arg10[%dma_start3A_82, %dma_start3A_83, %dma_start3A_84] : memref<3x80x80xf32, #tpu.memory_space<vmem>> -> memref<1x80x80xf32, #tpu.memory_space<vmem>>
    %dma_start3A_86 = tpu.memref_squeeze %dma_start3A_85 : memref<1x80x80xf32, #tpu.memory_space<vmem>> -> memref<80x80xf32, #tpu.memory_space<vmem>>
    %dma_start3A_87 = arith.constant 0 : i32
    %dma_start3A_88 = tpu.memref_slice %arg8[%dma_start3A_87] : memref<10000xi32, #tpu.memory_space<vmem>> -> memref<80xi32, #tpu.memory_space<vmem>>
    %dma_start3A_89 = arith.constant 0 : i32
    %dma_start3A_90 = arith.constant 0 : i32
    %dma_start3A_91 = tpu.memref_slice %arg2[%dma_start3A_89, %dma_start3A_90] : memref<10240x80xf32, #tpu.memory_space<hbm>> -> memref<10240x80xf32, #tpu.memory_space<hbm>>
    tpu.enqueue_indirect_dma source(%dma_start3A_91 : memref<10240x80xf32, #tpu.memory_space<hbm>>) target(%dma_start3A_86 : memref<80x80xf32, #tpu.memory_space<vmem>>) offsets(%dma_start3A_88 : memref<80xi32, #tpu.memory_space<vmem>>) semaphore(%arg17 : memref<!tpu.dma_semaphore, #tpu.memory_space<semaphore_mem>>)
    %dma_start3A_92 = arith.constant 0 : i32
    %dma_start3A_93 = arith.constant 0 : i32
    %dma_start3A_94 = arith.constant 0 : i32
    %dma_start3A_95 = tpu.memref_slice %arg11[%dma_start3A_92, %dma_start3A_93, %dma_start3A_94] : memref<3x80x16xf32, #tpu.memory_space<vmem>> -> memref<1x80x16xf32, #tpu.memory_space<vmem>>
    %dma_start3A_96 = tpu.memref_squeeze %dma_start3A_95 : memref<1x80x16xf32, #tpu.memory_space<vmem>> -> memref<80x16xf32, #tpu.memory_space<vmem>>
    %dma_start3A_97 = arith.constant 0 : i32
    %dma_start3A_98 = tpu.memref_slice %arg9[%dma_start3A_97] : memref<10000xi32, #tpu.memory_space<vmem>> -> memref<80xi32, #tpu.memory_space<vmem>>
    %dma_start3A_99 = arith.constant 0 : i32
    %dma_start3A_100 = arith.constant 0 : i32
    %dma_start3A_101 = tpu.memref_slice %arg3[%dma_start3A_99, %dma_start3A_100] : memref<10240x16xf32, #tpu.memory_space<hbm>> -> memref<10240x16xf32, #tpu.memory_space<hbm>>
    tpu.enqueue_indirect_dma source(%dma_start3A_101 : memref<10240x16xf32, #tpu.memory_space<hbm>>) target(%dma_start3A_96 : memref<80x16xf32, #tpu.memory_space<vmem>>) offsets(%dma_start3A_98 : memref<80xi32, #tpu.memory_space<vmem>>) semaphore(%arg20 : memref<!tpu.dma_semaphore, #tpu.memory_space<semaphore_mem>>)
    %dma_start3A_102 = arith.constant 1 : i32
    %dma_start3A_103 = arith.constant 0 : i32
    %dma_start3A_104 = arith.constant 0 : i32
    %dma_start3A_105 = tpu.memref_slice %arg10[%dma_start3A_102, %dma_start3A_103, %dma_start3A_104] : memref<3x80x80xf32, #tpu.memory_space<vmem>> -> memref<1x80x80xf32, #tpu.memory_space<vmem>>
    %dma_start3A_106 = tpu.memref_squeeze %dma_start3A_105 : memref<1x80x80xf32, #tpu.memory_space<vmem>> -> memref<80x80xf32, #tpu.memory_space<vmem>>
    %dma_start3A_107 = arith.constant 80 : i32
    %dma_start3A_108 = tpu.memref_slice %arg8[%dma_start3A_107] : memref<10000xi32, #tpu.memory_space<vmem>> -> memref<80xi32, #tpu.memory_space<vmem>>
    %dma_start3A_109 = arith.constant 0 : i32
    %dma_start3A_110 = arith.constant 0 : i32
    %dma_start3A_111 = tpu.memref_slice %arg2[%dma_start3A_109, %dma_start3A_110] : memref<10240x80xf32, #tpu.memory_space<hbm>> -> memref<10240x80xf32, #tpu.memory_space<hbm>>
    tpu.enqueue_indirect_dma source(%dma_start3A_111 : memref<10240x80xf32, #tpu.memory_space<hbm>>) target(%dma_start3A_106 : memref<80x80xf32, #tpu.memory_space<vmem>>) offsets(%dma_start3A_108 : memref<80xi32, #tpu.memory_space<vmem>>) semaphore(%arg18 : memref<!tpu.dma_semaphore, #tpu.memory_space<semaphore_mem>>)
    %dma_start3A_112 = arith.constant 1 : i32
    %dma_start3A_113 = arith.constant 0 : i32
    %dma_start3A_114 = arith.constant 0 : i32
    %dma_start3A_115 = tpu.memref_slice %arg11[%dma_start3A_112, %dma_start3A_113, %dma_start3A_114] : memref<3x80x16xf32, #tpu.memory_space<vmem>> -> memref<1x80x16xf32, #tpu.memory_space<vmem>>
    %dma_start3A_116 = tpu.memref_squeeze %dma_start3A_115 : memref<1x80x16xf32, #tpu.memory_space<vmem>> -> memref<80x16xf32, #tpu.memory_space<vmem>>
    %dma_start3A_117 = arith.constant 80 : i32
    %dma_start3A_118 = tpu.memref_slice %arg9[%dma_start3A_117] : memref<10000xi32, #tpu.memory_space<vmem>> -> memref<80xi32, #tpu.memory_space<vmem>>
    %dma_start3A_119 = arith.constant 0 : i32
    %dma_start3A_120 = arith.constant 0 : i32
    %dma_start3A_121 = tpu.memref_slice %arg3[%dma_start3A_119, %dma_start3A_120] : memref<10240x16xf32, #tpu.memory_space<hbm>> -> memref<10240x16xf32, #tpu.memory_space<hbm>>
    tpu.enqueue_indirect_dma source(%dma_start3A_121 : memref<10240x16xf32, #tpu.memory_space<hbm>>) target(%dma_start3A_116 : memref<80x16xf32, #tpu.memory_space<vmem>>) offsets(%dma_start3A_118 : memref<80xi32, #tpu.memory_space<vmem>>) semaphore(%arg21 : memref<!tpu.dma_semaphore, #tpu.memory_space<semaphore_mem>>)
    %dma_start3A_122 = arith.constant 2 : i32
    %dma_start3A_123 = arith.constant 0 : i32
    %dma_start3A_124 = arith.constant 0 : i32
    %dma_start3A_125 = tpu.memref_slice %arg10[%dma_start3A_122, %dma_start3A_123, %dma_start3A_124] : memref<3x80x80xf32, #tpu.memory_space<vmem>> -> memref<1x80x80xf32, #tpu.memory_space<vmem>>
    %dma_start3A_126 = tpu.memref_squeeze %dma_start3A_125 : memref<1x80x80xf32, #tpu.memory_space<vmem>> -> memref<80x80xf32, #tpu.memory_space<vmem>>
    %dma_start3A_127 = arith.constant 160 : i32
    %dma_start3A_128 = tpu.memref_slice %arg8[%dma_start3A_127] : memref<10000xi32, #tpu.memory_space<vmem>> -> memref<80xi32, #tpu.memory_space<vmem>>
    %dma_start3A_129 = arith.constant 0 : i32
    %dma_start3A_130 = arith.constant 0 : i32
    %dma_start3A_131 = tpu.memref_slice %arg2[%dma_start3A_129, %dma_start3A_130] : memref<10240x80xf32, #tpu.memory_space<hbm>> -> memref<10240x80xf32, #tpu.memory_space<hbm>>
    tpu.enqueue_indirect_dma source(%dma_start3A_131 : memref<10240x80xf32, #tpu.memory_space<hbm>>) target(%dma_start3A_126 : memref<80x80xf32, #tpu.memory_space<vmem>>) offsets(%dma_start3A_128 : memref<80xi32, #tpu.memory_space<vmem>>) semaphore(%arg19 : memref<!tpu.dma_semaphore, #tpu.memory_space<semaphore_mem>>)
    %dma_start3A_132 = arith.constant 2 : i32
    %dma_start3A_133 = arith.constant 0 : i32
    %dma_start3A_134 = arith.constant 0 : i32
    %dma_start3A_135 = tpu.memref_slice %arg11[%dma_start3A_132, %dma_start3A_133, %dma_start3A_134] : memref<3x80x16xf32, #tpu.memory_space<vmem>> -> memref<1x80x16xf32, #tpu.memory_space<vmem>>
    %dma_start3A_136 = tpu.memref_squeeze %dma_start3A_135 : memref<1x80x16xf32, #tpu.memory_space<vmem>> -> memref<80x16xf32, #tpu.memory_space<vmem>>
    %dma_start3A_137 = arith.constant 160 : i32
    %dma_start3A_138 = tpu.memref_slice %arg9[%dma_start3A_137] : memref<10000xi32, #tpu.memory_space<vmem>> -> memref<80xi32, #tpu.memory_space<vmem>>
    %dma_start3A_139 = arith.constant 0 : i32
    %dma_start3A_140 = arith.constant 0 : i32
    %dma_start3A_141 = tpu.memref_slice %arg3[%dma_start3A_139, %dma_start3A_140] : memref<10240x16xf32, #tpu.memory_space<hbm>> -> memref<10240x16xf32, #tpu.memory_space<hbm>>
    tpu.enqueue_indirect_dma source(%dma_start3A_141 : memref<10240x16xf32, #tpu.memory_space<hbm>>) target(%dma_start3A_136 : memref<80x16xf32, #tpu.memory_space<vmem>>) offsets(%dma_start3A_138 : memref<80xi32, #tpu.memory_space<vmem>>) semaphore(%arg22 : memref<!tpu.dma_semaphore, #tpu.memory_space<semaphore_mem>>)
    %scan3A_142 = arith.constant 0 : i32
    %scan3A_143 = arith.constant 0 : i32
    %scan3A_144 = arith.constant 42 : i32
    %scan3A_145 = arith.addi %scan3A_143, %scan3A_144 : i32
    %scan3A_146 = arith.constant 1 : i32
    scf.for %scan3A_191 = %scan3A_143 to %scan3A_145 step %scan3A_146  : i32 {
      %mul3A_192 = arith.constant 3 : i32
      %mul3A_193 = arith.muli %mul3A_192, %scan3A_191 : i32
      %add3A_194 = arith.constant 0 : i32
      %add3A_195 = arith.addi %mul3A_193, %add3A_194 : i32
      %lt3A_196 = arith.constant 125 : i32
      %lt3A_197 = arith.cmpi slt, %add3A_195, %lt3A_196 : i32
      %convert_element_type3A = arith.extui %lt3A_197 : i1 to i32
      %cond3A = arith.constant 0 : i32
      %cond3A_198 = arith.cmpi ne, %convert_element_type3A, %cond3A : i32
      scf.if %cond3A_198 {
        %mul3A_217 = arith.constant 80 : i32
        %mul3A_218 = arith.muli %add3A_195, %mul3A_217 : i32
        %dma_wait3A_219 = arith.constant 0 : i32
        %dma_wait3A_220 = arith.constant 0 : i32
        %dma_wait3A_221 = arith.constant 0 : i32
        %dma_wait3A_222 = tpu.memref_slice %arg10[%dma_wait3A_219, %dma_wait3A_220, %dma_wait3A_221] : memref<3x80x80xf32, #tpu.memory_space<vmem>> -> memref<1x80x80xf32, #tpu.memory_space<vmem>>
        %dma_wait3A_223 = tpu.memref_squeeze %dma_wait3A_222 : memref<1x80x80xf32, #tpu.memory_space<vmem>> -> memref<80x80xf32, #tpu.memory_space<vmem>>
        %dma_wait3A_224 = tpu.memref_slice %arg8[%mul3A_218] : memref<10000xi32, #tpu.memory_space<vmem>> -> memref<80xi32, #tpu.memory_space<vmem>>
        %dma_wait3A_225 = arith.constant 0 : i32
        %dma_wait3A_226 = arith.constant 0 : i32
        %dma_wait3A_227 = tpu.memref_slice %arg2[%dma_wait3A_225, %dma_wait3A_226] : memref<10240x80xf32, #tpu.memory_space<hbm>> -> memref<10240x80xf32, #tpu.memory_space<hbm>>
        tpu.wait_indirect_dma semaphore(%arg17 : memref<!tpu.dma_semaphore, #tpu.memory_space<semaphore_mem>>) src(%dma_wait3A_227 : memref<10240x80xf32, #tpu.memory_space<hbm>>) dst(%dma_wait3A_223 : memref<80x80xf32, #tpu.memory_space<vmem>>)
        %mul3A_228 = arith.constant 80 : i32
        %mul3A_229 = arith.muli %add3A_195, %mul3A_228 : i32
        %dma_wait3A_230 = arith.constant 0 : i32
        %dma_wait3A_231 = arith.constant 0 : i32
        %dma_wait3A_232 = arith.constant 0 : i32
        %dma_wait3A_233 = tpu.memref_slice %arg11[%dma_wait3A_230, %dma_wait3A_231, %dma_wait3A_232] : memref<3x80x16xf32, #tpu.memory_space<vmem>> -> memref<1x80x16xf32, #tpu.memory_space<vmem>>
        %dma_wait3A_234 = tpu.memref_squeeze %dma_wait3A_233 : memref<1x80x16xf32, #tpu.memory_space<vmem>> -> memref<80x16xf32, #tpu.memory_space<vmem>>
        %dma_wait3A_235 = tpu.memref_slice %arg9[%mul3A_229] : memref<10000xi32, #tpu.memory_space<vmem>> -> memref<80xi32, #tpu.memory_space<vmem>>
        %dma_wait3A_236 = arith.constant 0 : i32
        %dma_wait3A_237 = arith.constant 0 : i32
        %dma_wait3A_238 = tpu.memref_slice %arg3[%dma_wait3A_236, %dma_wait3A_237] : memref<10240x16xf32, #tpu.memory_space<hbm>> -> memref<10240x16xf32, #tpu.memory_space<hbm>>
        tpu.wait_indirect_dma semaphore(%arg20 : memref<!tpu.dma_semaphore, #tpu.memory_space<semaphore_mem>>) src(%dma_wait3A_238 : memref<10240x16xf32, #tpu.memory_space<hbm>>) dst(%dma_wait3A_234 : memref<80x16xf32, #tpu.memory_space<vmem>>)
        %gt3A = arith.constant 0 : i32
        %gt3A_239 = arith.cmpi sgt, %scan3A_191, %gt3A : i32
        %convert_element_type3A_240 = arith.extui %gt3A_239 : i1 to i32
        %cond3A_241 = arith.constant 0 : i32
        %cond3A_242 = arith.cmpi ne, %convert_element_type3A_240, %cond3A_241 : i32
        scf.if %cond3A_242 {
          %mul3A_263 = arith.constant 80 : i32
          %mul3A_264 = arith.muli %add3A_195, %mul3A_263 : i32
          %dma_wait3A_265 = arith.constant 0 : i32
          %dma_wait3A_266 = arith.constant 0 : i32
          %dma_wait3A_267 = arith.constant 0 : i32
          %dma_wait3A_268 = tpu.memref_slice %arg12[%dma_wait3A_265, %dma_wait3A_266, %dma_wait3A_267] : memref<3x80x80xf32, #tpu.memory_space<vmem>> -> memref<1x80x80xf32, #tpu.memory_space<vmem>>
          %dma_wait3A_269 = tpu.memref_squeeze %dma_wait3A_268 : memref<1x80x80xf32, #tpu.memory_space<vmem>> -> memref<80x80xf32, #tpu.memory_space<vmem>>
          %dma_wait3A_270 = tpu.memref_slice %arg9[%mul3A_264] : memref<10000xi32, #tpu.memory_space<vmem>> -> memref<80xi32, #tpu.memory_space<vmem>>
          %dma_wait3A_271 = arith.constant 0 : i32
          %dma_wait3A_272 = arith.constant 0 : i32
          %dma_wait3A_273 = tpu.memref_slice %arg15[%dma_wait3A_271, %dma_wait3A_272] : memref<10240x80xf32, #tpu.memory_space<vmem_shared>> -> memref<10240x80xf32, #tpu.memory_space<vmem_shared>>
          tpu.wait_indirect_dma semaphore(%arg23 : memref<!tpu.dma_semaphore, #tpu.memory_space<semaphore_mem>>) src(%dma_wait3A_269 : memref<80x80xf32, #tpu.memory_space<vmem>>) dst(%dma_wait3A_273 : memref<10240x80xf32, #tpu.memory_space<vmem_shared>>)
        } else {
        }
        %parallel_loop3A = arith.constant 0 : i32
        %parallel_loop3A_243 = arith.constant 80 : i32
        %parallel_loop3A_244 = arith.constant 1 : i32
        scf.for %parallel_loop3A_263 = %parallel_loop3A to %parallel_loop3A_243 step %parallel_loop3A_244  : i32 {
          %parallel_loop3A_264 = arith.constant 0 : i32
          %parallel_loop3A_265 = arith.index_cast %parallel_loop3A_264 : i32 to index
          %parallel_loop3A_266 = arith.index_cast %parallel_loop3A_263 : i32 to index
          %parallel_loop3A_267 = arith.constant 0 : index
          %parallel_loop3A_268 = tpu.vector_load %arg10[%parallel_loop3A_265, %parallel_loop3A_266, %parallel_loop3A_267] {strides = array<i32>} : memref<3x80x80xf32, #tpu.memory_space<vmem>>, vector<1x1x16xf32>,
          %parallel_loop3A_269 = vector.shape_cast %parallel_loop3A_268 : vector<1x1x16xf32> to vector<16xf32>
          %parallel_loop3A_270 = arith.constant 0 : i32
          %parallel_loop3A_271 = arith.index_cast %parallel_loop3A_270 : i32 to index
          %parallel_loop3A_272 = arith.index_cast %parallel_loop3A_263 : i32 to index
          %parallel_loop3A_273 = arith.constant 0 : index
          %parallel_loop3A_274 = tpu.vector_load %arg11[%parallel_loop3A_271, %parallel_loop3A_272, %parallel_loop3A_273] {strides = array<i32>} : memref<3x80x16xf32, #tpu.memory_space<vmem>>, vector<1x1x16xf32>,
          %parallel_loop3A_275 = vector.shape_cast %parallel_loop3A_274 : vector<1x1x16xf32> to vector<16xf32>
          %parallel_loop3A_276 = arith.addf %parallel_loop3A_269, %parallel_loop3A_275 : vector<16xf32>
          %parallel_loop3A_277 = arith.constant 2.000000e-01 : f32
          %parallel_loop3A_278 = vector.broadcast %parallel_loop3A_277 : f32 to vector<16xf32>
          %parallel_loop3A_279 = arith.mulf %parallel_loop3A_278, %parallel_loop3A_276 : vector<16xf32>
          %parallel_loop3A_280 = arith.maximumf %parallel_loop3A_276, %parallel_loop3A_279 : vector<16xf32>
          %parallel_loop3A_281 = arith.subf %parallel_loop3A_280, %get3A_52 : vector<16xf32>
          %parallel_loop3A_282 = math.exp %parallel_loop3A_281 : vector<16xf32>
          %parallel_loop3A_283 = vector.shape_cast %select_n3A : vector<16xi32> to vector<16x1xi32>
          %parallel_loop3A_284 = vector.shape_cast %parallel_loop3A_283 : vector<16x1xi32> to vector<16xi32>
          %parallel_loop3A_285 = tpu.dynamic_gather %parallel_loop3A_282[%parallel_loop3A_284] in [0] : vector<16xf32>, vector<16xi32> -> vector<16xf32>
          %parallel_loop3A_286 = arith.select %lt3A_54, %broadcast_in_dim3A_56, %parallel_loop3A_269 : vector<16xi1>, vector<16xf32>
          %parallel_loop3A_287 = arith.mulf %parallel_loop3A_285, %parallel_loop3A_286 : vector<16xf32>
          %parallel_loop3A_288 = arith.constant 0 : i32
          %parallel_loop3A_289 = arith.index_cast %parallel_loop3A_288 : i32 to index
          %parallel_loop3A_290 = arith.index_cast %parallel_loop3A_263 : i32 to index
          %parallel_loop3A_291 = arith.constant 0 : index
          %parallel_loop3A_292 = tpu.vector_load %arg12[%parallel_loop3A_289, %parallel_loop3A_290, %parallel_loop3A_291] {strides = array<i32>} : memref<3x80x80xf32, #tpu.memory_space<vmem>>, vector<1x1x16xf32>,
          %parallel_loop3A_293 = vector.shape_cast %parallel_loop3A_292 : vector<1x1x16xf32> to vector<16xf32>
          %parallel_loop3A_294 = vector.shape_cast %parallel_loop3A_287 : vector<16xf32> to vector<1x1x16xf32>
          tpu.vector_store %arg12[%parallel_loop3A_289, %parallel_loop3A_290, %parallel_loop3A_291], %parallel_loop3A_294 {strides = array<i32>} : memref<3x80x80xf32, #tpu.memory_space<vmem>>, vector<1x1x16xf32>,
          %parallel_loop3A_295 = arith.constant 0 : i32
          %parallel_loop3A_296 = arith.index_cast %parallel_loop3A_295 : i32 to index
          %parallel_loop3A_297 = arith.index_cast %parallel_loop3A_263 : i32 to index
          %parallel_loop3A_298 = arith.constant 16 : index
          %parallel_loop3A_299 = tpu.vector_load %arg10[%parallel_loop3A_296, %parallel_loop3A_297, %parallel_loop3A_298] {strides = array<i32>} : memref<3x80x80xf32, #tpu.memory_space<vmem>>, vector<1x1x16xf32>,
          %parallel_loop3A_300 = vector.shape_cast %parallel_loop3A_299 : vector<1x1x16xf32> to vector<16xf32>
          %parallel_loop3A_301 = vector.shape_cast %shift_right_logical3A_63 : vector<16xi32> to vector<16x1xi32>
          %parallel_loop3A_302 = vector.shape_cast %parallel_loop3A_301 : vector<16x1xi32> to vector<16xi32>
          %parallel_loop3A_303 = tpu.dynamic_gather %parallel_loop3A_282[%parallel_loop3A_302] in [0] : vector<16xf32>, vector<16xi32> -> vector<16xf32>
          %parallel_loop3A_304 = arith.mulf %parallel_loop3A_300, %parallel_loop3A_303 : vector<16xf32>
          %parallel_loop3A_305 = arith.constant 0 : i32
          %parallel_loop3A_306 = arith.index_cast %parallel_loop3A_305 : i32 to index
          %parallel_loop3A_307 = arith.index_cast %parallel_loop3A_263 : i32 to index
          %parallel_loop3A_308 = arith.constant 16 : index
          %parallel_loop3A_309 = tpu.vector_load %arg12[%parallel_loop3A_306, %parallel_loop3A_307, %parallel_loop3A_308] {strides = array<i32>} : memref<3x80x80xf32, #tpu.memory_space<vmem>>, vector<1x1x16xf32>,
          %parallel_loop3A_310 = vector.shape_cast %parallel_loop3A_309 : vector<1x1x16xf32> to vector<16xf32>
          %parallel_loop3A_311 = vector.shape_cast %parallel_loop3A_304 : vector<16xf32> to vector<1x1x16xf32>
          tpu.vector_store %arg12[%parallel_loop3A_306, %parallel_loop3A_307, %parallel_loop3A_308], %parallel_loop3A_311 {strides = array<i32>} : memref<3x80x80xf32, #tpu.memory_space<vmem>>, vector<1x1x16xf32>,
          %parallel_loop3A_312 = arith.constant 0 : i32
          %parallel_loop3A_313 = arith.index_cast %parallel_loop3A_312 : i32 to index
          %parallel_loop3A_314 = arith.index_cast %parallel_loop3A_263 : i32 to index
          %parallel_loop3A_315 = arith.constant 32 : index
          %parallel_loop3A_316 = tpu.vector_load %arg10[%parallel_loop3A_313, %parallel_loop3A_314, %parallel_loop3A_315] {strides = array<i32>} : memref<3x80x80xf32, #tpu.memory_space<vmem>>, vector<1x1x16xf32>,
          %parallel_loop3A_317 = vector.shape_cast %parallel_loop3A_316 : vector<1x1x16xf32> to vector<16xf32>
          %parallel_loop3A_318 = vector.shape_cast %shift_right_logical3A_69 : vector<16xi32> to vector<16x1xi32>
          %parallel_loop3A_319 = vector.shape_cast %parallel_loop3A_318 : vector<16x1xi32> to vector<16xi32>
          %parallel_loop3A_320 = tpu.dynamic_gather %parallel_loop3A_282[%parallel_loop3A_319] in [0] : vector<16xf32>, vector<16xi32> -> vector<16xf32>
          %parallel_loop3A_321 = arith.mulf %parallel_loop3A_317, %parallel_loop3A_320 : vector<16xf32>
          %parallel_loop3A_322 = arith.constant 0 : i32
          %parallel_loop3A_323 = arith.index_cast %parallel_loop3A_322 : i32 to index
          %parallel_loop3A_324 = arith.index_cast %parallel_loop3A_263 : i32 to index
          %parallel_loop3A_325 = arith.constant 32 : index
          %parallel_loop3A_326 = tpu.vector_load %arg12[%parallel_loop3A_323, %parallel_loop3A_324, %parallel_loop3A_325] {strides = array<i32>} : memref<3x80x80xf32, #tpu.memory_space<vmem>>, vector<1x1x16xf32>,
          %parallel_loop3A_327 = vector.shape_cast %parallel_loop3A_326 : vector<1x1x16xf32> to vector<16xf32>
          %parallel_loop3A_328 = vector.shape_cast %parallel_loop3A_321 : vector<16xf32> to vector<1x1x16xf32>
          tpu.vector_store %arg12[%parallel_loop3A_323, %parallel_loop3A_324, %parallel_loop3A_325], %parallel_loop3A_328 {strides = array<i32>} : memref<3x80x80xf32, #tpu.memory_space<vmem>>, vector<1x1x16xf32>,
          %parallel_loop3A_329 = arith.constant 0 : i32
          %parallel_loop3A_330 = arith.index_cast %parallel_loop3A_329 : i32 to index
          %parallel_loop3A_331 = arith.index_cast %parallel_loop3A_263 : i32 to index
          %parallel_loop3A_332 = arith.constant 48 : index
          %parallel_loop3A_333 = tpu.vector_load %arg10[%parallel_loop3A_330, %parallel_loop3A_331, %parallel_loop3A_332] {strides = array<i32>} : memref<3x80x80xf32, #tpu.memory_space<vmem>>, vector<1x1x16xf32>,
          %parallel_loop3A_334 = vector.shape_cast %parallel_loop3A_333 : vector<1x1x16xf32> to vector<16xf32>
          %parallel_loop3A_335 = vector.shape_cast %shift_right_logical3A_75 : vector<16xi32> to vector<16x1xi32>
          %parallel_loop3A_336 = vector.shape_cast %parallel_loop3A_335 : vector<16x1xi32> to vector<16xi32>
          %parallel_loop3A_337 = tpu.dynamic_gather %parallel_loop3A_282[%parallel_loop3A_336] in [0] : vector<16xf32>, vector<16xi32> -> vector<16xf32>
          %parallel_loop3A_338 = arith.mulf %parallel_loop3A_334, %parallel_loop3A_337 : vector<16xf32>
          %parallel_loop3A_339 = arith.constant 0 : i32
          %parallel_loop3A_340 = arith.index_cast %parallel_loop3A_339 : i32 to index
          %parallel_loop3A_341 = arith.index_cast %parallel_loop3A_263 : i32 to index
          %parallel_loop3A_342 = arith.constant 48 : index
          %parallel_loop3A_343 = tpu.vector_load %arg12[%parallel_loop3A_340, %parallel_loop3A_341, %parallel_loop3A_342] {strides = array<i32>} : memref<3x80x80xf32, #tpu.memory_space<vmem>>, vector<1x1x16xf32>,
          %parallel_loop3A_344 = vector.shape_cast %parallel_loop3A_343 : vector<1x1x16xf32> to vector<16xf32>
          %parallel_loop3A_345 = vector.shape_cast %parallel_loop3A_338 : vector<16xf32> to vector<1x1x16xf32>
          tpu.vector_store %arg12[%parallel_loop3A_340, %parallel_loop3A_341, %parallel_loop3A_342], %parallel_loop3A_345 {strides = array<i32>} : memref<3x80x80xf32, #tpu.memory_space<vmem>>, vector<1x1x16xf32>,
          %parallel_loop3A_346 = arith.constant 0 : i32
          %parallel_loop3A_347 = arith.index_cast %parallel_loop3A_346 : i32 to index
          %parallel_loop3A_348 = arith.index_cast %parallel_loop3A_263 : i32 to index
          %parallel_loop3A_349 = arith.constant 64 : index
          %parallel_loop3A_350 = tpu.vector_load %arg10[%parallel_loop3A_347, %parallel_loop3A_348, %parallel_loop3A_349] {strides = array<i32>} : memref<3x80x80xf32, #tpu.memory_space<vmem>>, vector<1x1x16xf32>,
          %parallel_loop3A_351 = vector.shape_cast %parallel_loop3A_350 : vector<1x1x16xf32> to vector<16xf32>
          %parallel_loop3A_352 = vector.shape_cast %shift_right_logical3A_81 : vector<16xi32> to vector<16x1xi32>
          %parallel_loop3A_353 = vector.shape_cast %parallel_loop3A_352 : vector<16x1xi32> to vector<16xi32>
          %parallel_loop3A_354 = tpu.dynamic_gather %parallel_loop3A_282[%parallel_loop3A_353] in [0] : vector<16xf32>, vector<16xi32> -> vector<16xf32>
          %parallel_loop3A_355 = arith.constant 0.000000e+00 : f32
          %parallel_loop3A_356 = vector.broadcast %parallel_loop3A_355 : f32 to vector<16xf32>
          %parallel_loop3A_357 = arith.select %lt3A_54, %parallel_loop3A_351, %parallel_loop3A_356 : vector<16xi1>, vector<16xf32>
          %parallel_loop3A_358 = arith.mulf %parallel_loop3A_354, %parallel_loop3A_357 : vector<16xf32>
          %parallel_loop3A_359 = arith.constant 0 : i32
          %parallel_loop3A_360 = arith.index_cast %parallel_loop3A_359 : i32 to index
          %parallel_loop3A_361 = arith.index_cast %parallel_loop3A_263 : i32 to index
          %parallel_loop3A_362 = arith.constant 64 : index
          %parallel_loop3A_363 = tpu.vector_load %arg12[%parallel_loop3A_360, %parallel_loop3A_361, %parallel_loop3A_362] {strides = array<i32>} : memref<3x80x80xf32, #tpu.memory_space<vmem>>, vector<1x1x16xf32>,
          %parallel_loop3A_364 = vector.shape_cast %parallel_loop3A_363 : vector<1x1x16xf32> to vector<16xf32>
          %parallel_loop3A_365 = vector.shape_cast %parallel_loop3A_358 : vector<16xf32> to vector<1x1x16xf32>
          tpu.vector_store %arg12[%parallel_loop3A_360, %parallel_loop3A_361, %parallel_loop3A_362], %parallel_loop3A_365 {strides = array<i32>} : memref<3x80x80xf32, #tpu.memory_space<vmem>>, vector<1x1x16xf32>,
        } {sc.loop_unroll_factor = 8 : i64, sc.parallel_access}
        %mul3A_245 = arith.constant 80 : i32
        %mul3A_246 = arith.muli %add3A_195, %mul3A_245 : i32
        %dma_start3A_247 = arith.constant 0 : i32
        %dma_start3A_248 = arith.constant 0 : i32
        %dma_start3A_249 = arith.constant 0 : i32
        %dma_start3A_250 = tpu.memref_slice %arg12[%dma_start3A_247, %dma_start3A_248, %dma_start3A_249] : memref<3x80x80xf32, #tpu.memory_space<vmem>> -> memref<1x80x80xf32, #tpu.memory_space<vmem>>
        %dma_start3A_251 = tpu.memref_squeeze %dma_start3A_250 : memref<1x80x80xf32, #tpu.memory_space<vmem>> -> memref<80x80xf32, #tpu.memory_space<vmem>>
        %dma_start3A_252 = tpu.memref_slice %arg9[%mul3A_246] : memref<10000xi32, #tpu.memory_space<vmem>> -> memref<80xi32, #tpu.memory_space<vmem>>
        %dma_start3A_253 = arith.constant 0 : i32
        %dma_start3A_254 = arith.constant 0 : i32
        %dma_start3A_255 = tpu.memref_slice %arg15[%dma_start3A_253, %dma_start3A_254] : memref<10240x80xf32, #tpu.memory_space<vmem_shared>> -> memref<10240x80xf32, #tpu.memory_space<vmem_shared>>
        tpu.enqueue_indirect_dma source(%dma_start3A_251 : memref<80x80xf32, #tpu.memory_space<vmem>>) target(%dma_start3A_255 : memref<10240x80xf32, #tpu.memory_space<vmem_shared>>) offsets(%dma_start3A_252 : memref<80xi32, #tpu.memory_space<vmem>>) semaphore(%arg23 : memref<!tpu.dma_semaphore, #tpu.memory_space<semaphore_mem>>) {add = true}
        %add3A_256 = arith.constant 3 : i32
        %add3A_257 = arith.addi %add3A_195, %add3A_256 : i32
        %lt3A_258 = arith.constant 125 : i32
        %lt3A_259 = arith.cmpi slt, %add3A_257, %lt3A_258 : i32
        %convert_element_type3A_260 = arith.extui %lt3A_259 : i1 to i32
        %cond3A_261 = arith.constant 0 : i32
        %cond3A_262 = arith.cmpi ne, %convert_element_type3A_260, %cond3A_261 : i32
        scf.if %cond3A_262 {
          %add3A_263 = arith.constant 3 : i32
          %add3A_264 = arith.addi %add3A_195, %add3A_263 : i32
          %mul3A_265 = arith.constant 80 : i32
          %mul3A_266 = arith.muli %add3A_264, %mul3A_265 : i32
          %dma_start3A_267 = arith.constant 0 : i32
          %dma_start3A_268 = arith.constant 0 : i32
          %dma_start3A_269 = arith.constant 0 : i32
          %dma_start3A_270 = tpu.memref_slice %arg10[%dma_start3A_267, %dma_start3A_268, %dma_start3A_269] : memref<3x80x80xf32, #tpu.memory_space<vmem>> -> memref<1x80x80xf32, #tpu.memory_space<vmem>>
          %dma_start3A_271 = tpu.memref_squeeze %dma_start3A_270 : memref<1x80x80xf32, #tpu.memory_space<vmem>> -> memref<80x80xf32, #tpu.memory_space<vmem>>
          %dma_start3A_272 = tpu.memref_slice %arg8[%mul3A_266] : memref<10000xi32, #tpu.memory_space<vmem>> -> memref<80xi32, #tpu.memory_space<vmem>>
          %dma_start3A_273 = arith.constant 0 : i32
          %dma_start3A_274 = arith.constant 0 : i32
          %dma_start3A_275 = tpu.memref_slice %arg2[%dma_start3A_273, %dma_start3A_274] : memref<10240x80xf32, #tpu.memory_space<hbm>> -> memref<10240x80xf32, #tpu.memory_space<hbm>>
          tpu.enqueue_indirect_dma source(%dma_start3A_275 : memref<10240x80xf32, #tpu.memory_space<hbm>>) target(%dma_start3A_271 : memref<80x80xf32, #tpu.memory_space<vmem>>) offsets(%dma_start3A_272 : memref<80xi32, #tpu.memory_space<vmem>>) semaphore(%arg17 : memref<!tpu.dma_semaphore, #tpu.memory_space<semaphore_mem>>)
          %mul3A_276 = arith.constant 80 : i32
          %mul3A_277 = arith.muli %add3A_264, %mul3A_276 : i32
          %dma_start3A_278 = arith.constant 0 : i32
          %dma_start3A_279 = arith.constant 0 : i32
          %dma_start3A_280 = arith.constant 0 : i32
          %dma_start3A_281 = tpu.memref_slice %arg11[%dma_start3A_278, %dma_start3A_279, %dma_start3A_280] : memref<3x80x16xf32, #tpu.memory_space<vmem>> -> memref<1x80x16xf32, #tpu.memory_space<vmem>>
          %dma_start3A_282 = tpu.memref_squeeze %dma_start3A_281 : memref<1x80x16xf32, #tpu.memory_space<vmem>> -> memref<80x16xf32, #tpu.memory_space<vmem>>
          %dma_start3A_283 = tpu.memref_slice %arg9[%mul3A_277] : memref<10000xi32, #tpu.memory_space<vmem>> -> memref<80xi32, #tpu.memory_space<vmem>>
          %dma_start3A_284 = arith.constant 0 : i32
          %dma_start3A_285 = arith.constant 0 : i32
          %dma_start3A_286 = tpu.memref_slice %arg3[%dma_start3A_284, %dma_start3A_285] : memref<10240x16xf32, #tpu.memory_space<hbm>> -> memref<10240x16xf32, #tpu.memory_space<hbm>>
          tpu.enqueue_indirect_dma source(%dma_start3A_286 : memref<10240x16xf32, #tpu.memory_space<hbm>>) target(%dma_start3A_282 : memref<80x16xf32, #tpu.memory_space<vmem>>) offsets(%dma_start3A_283 : memref<80xi32, #tpu.memory_space<vmem>>) semaphore(%arg20 : memref<!tpu.dma_semaphore, #tpu.memory_space<semaphore_mem>>)
        } else {
        }
      } else {
      }
      %mul3A_199 = arith.constant 3 : i32
      %mul3A_200 = arith.muli %mul3A_199, %scan3A_191 : i32
      %add3A_201 = arith.constant 1 : i32
      %add3A_202 = arith.addi %mul3A_200, %add3A_201 : i32
      %lt3A_203 = arith.constant 125 : i32
      %lt3A_204 = arith.cmpi slt, %add3A_202, %lt3A_203 : i32
      %convert_element_type3A_205 = arith.extui %lt3A_204 : i1 to i32
      %cond3A_206 = arith.constant 0 : i32
      %cond3A_207 = arith.cmpi ne, %convert_element_type3A_205, %cond3A_206 : i32
      scf.if %cond3A_207 {
        %mul3A_217 = arith.constant 80 : i32
        %mul3A_218 = arith.muli %add3A_202, %mul3A_217 : i32
        %dma_wait3A_219 = arith.constant 1 : i32
        %dma_wait3A_220 = arith.constant 0 : i32
        %dma_wait3A_221 = arith.constant 0 : i32
        %dma_wait3A_222 = tpu.memref_slice %arg10[%dma_wait3A_219, %dma_wait3A_220, %dma_wait3A_221] : memref<3x80x80xf32, #tpu.memory_space<vmem>> -> memref<1x80x80xf32, #tpu.memory_space<vmem>>
        %dma_wait3A_223 = tpu.memref_squeeze %dma_wait3A_222 : memref<1x80x80xf32, #tpu.memory_space<vmem>> -> memref<80x80xf32, #tpu.memory_space<vmem>>
        %dma_wait3A_224 = tpu.memref_slice %arg8[%mul3A_218] : memref<10000xi32, #tpu.memory_space<vmem>> -> memref<80xi32, #tpu.memory_space<vmem>>
        %dma_wait3A_225 = arith.constant 0 : i32
        %dma_wait3A_226 = arith.constant 0 : i32
        %dma_wait3A_227 = tpu.memref_slice %arg2[%dma_wait3A_225, %dma_wait3A_226] : memref<10240x80xf32, #tpu.memory_space<hbm>> -> memref<10240x80xf32, #tpu.memory_space<hbm>>
        tpu.wait_indirect_dma semaphore(%arg18 : memref<!tpu.dma_semaphore, #tpu.memory_space<semaphore_mem>>) src(%dma_wait3A_227 : memref<10240x80xf32, #tpu.memory_space<hbm>>) dst(%dma_wait3A_223 : memref<80x80xf32, #tpu.memory_space<vmem>>)
        %mul3A_228 = arith.constant 80 : i32
        %mul3A_229 = arith.muli %add3A_202, %mul3A_228 : i32
        %dma_wait3A_230 = arith.constant 1 : i32
        %dma_wait3A_231 = arith.constant 0 : i32
        %dma_wait3A_232 = arith.constant 0 : i32
        %dma_wait3A_233 = tpu.memref_slice %arg11[%dma_wait3A_230, %dma_wait3A_231, %dma_wait3A_232] : memref<3x80x16xf32, #tpu.memory_space<vmem>> -> memref<1x80x16xf32, #tpu.memory_space<vmem>>
        %dma_wait3A_234 = tpu.memref_squeeze %dma_wait3A_233 : memref<1x80x16xf32, #tpu.memory_space<vmem>> -> memref<80x16xf32, #tpu.memory_space<vmem>>
        %dma_wait3A_235 = tpu.memref_slice %arg9[%mul3A_229] : memref<10000xi32, #tpu.memory_space<vmem>> -> memref<80xi32, #tpu.memory_space<vmem>>
        %dma_wait3A_236 = arith.constant 0 : i32
        %dma_wait3A_237 = arith.constant 0 : i32
        %dma_wait3A_238 = tpu.memref_slice %arg3[%dma_wait3A_236, %dma_wait3A_237] : memref<10240x16xf32, #tpu.memory_space<hbm>> -> memref<10240x16xf32, #tpu.memory_space<hbm>>
        tpu.wait_indirect_dma semaphore(%arg21 : memref<!tpu.dma_semaphore, #tpu.memory_space<semaphore_mem>>) src(%dma_wait3A_238 : memref<10240x16xf32, #tpu.memory_space<hbm>>) dst(%dma_wait3A_234 : memref<80x16xf32, #tpu.memory_space<vmem>>)
        %gt3A = arith.constant 0 : i32
        %gt3A_239 = arith.cmpi sgt, %scan3A_191, %gt3A : i32
        %convert_element_type3A_240 = arith.extui %gt3A_239 : i1 to i32
        %cond3A_241 = arith.constant 0 : i32
        %cond3A_242 = arith.cmpi ne, %convert_element_type3A_240, %cond3A_241 : i32
        scf.if %cond3A_242 {
          %mul3A_263 = arith.constant 80 : i32
          %mul3A_264 = arith.muli %add3A_202, %mul3A_263 : i32
          %dma_wait3A_265 = arith.constant 1 : i32
          %dma_wait3A_266 = arith.constant 0 : i32
          %dma_wait3A_267 = arith.constant 0 : i32
          %dma_wait3A_268 = tpu.memref_slice %arg12[%dma_wait3A_265, %dma_wait3A_266, %dma_wait3A_267] : memref<3x80x80xf32, #tpu.memory_space<vmem>> -> memref<1x80x80xf32, #tpu.memory_space<vmem>>
          %dma_wait3A_269 = tpu.memref_squeeze %dma_wait3A_268 : memref<1x80x80xf32, #tpu.memory_space<vmem>> -> memref<80x80xf32, #tpu.memory_space<vmem>>
          %dma_wait3A_270 = tpu.memref_slice %arg9[%mul3A_264] : memref<10000xi32, #tpu.memory_space<vmem>> -> memref<80xi32, #tpu.memory_space<vmem>>
          %dma_wait3A_271 = arith.constant 0 : i32
          %dma_wait3A_272 = arith.constant 0 : i32
          %dma_wait3A_273 = tpu.memref_slice %arg15[%dma_wait3A_271, %dma_wait3A_272] : memref<10240x80xf32, #tpu.memory_space<vmem_shared>> -> memref<10240x80xf32, #tpu.memory_space<vmem_shared>>
          tpu.wait_indirect_dma semaphore(%arg24 : memref<!tpu.dma_semaphore, #tpu.memory_space<semaphore_mem>>) src(%dma_wait3A_269 : memref<80x80xf32, #tpu.memory_space<vmem>>) dst(%dma_wait3A_273 : memref<10240x80xf32, #tpu.memory_space<vmem_shared>>)
        } else {
        }
        %parallel_loop3A = arith.constant 0 : i32
        %parallel_loop3A_243 = arith.constant 80 : i32
        %parallel_loop3A_244 = arith.constant 1 : i32
        scf.for %parallel_loop3A_263 = %parallel_loop3A to %parallel_loop3A_243 step %parallel_loop3A_244  : i32 {
          %parallel_loop3A_264 = arith.constant 1 : i32
          %parallel_loop3A_265 = arith.index_cast %parallel_loop3A_264 : i32 to index
          %parallel_loop3A_266 = arith.index_cast %parallel_loop3A_263 : i32 to index
          %parallel_loop3A_267 = arith.constant 0 : index
          %parallel_loop3A_268 = tpu.vector_load %arg10[%parallel_loop3A_265, %parallel_loop3A_266, %parallel_loop3A_267] {strides = array<i32>} : memref<3x80x80xf32, #tpu.memory_space<vmem>>, vector<1x1x16xf32>,
          %parallel_loop3A_269 = vector.shape_cast %parallel_loop3A_268 : vector<1x1x16xf32> to vector<16xf32>
          %parallel_loop3A_270 = arith.constant 1 : i32
          %parallel_loop3A_271 = arith.index_cast %parallel_loop3A_270 : i32 to index
          %parallel_loop3A_272 = arith.index_cast %parallel_loop3A_263 : i32 to index
          %parallel_loop3A_273 = arith.constant 0 : index
          %parallel_loop3A_274 = tpu.vector_load %arg11[%parallel_loop3A_271, %parallel_loop3A_272, %parallel_loop3A_273] {strides = array<i32>} : memref<3x80x16xf32, #tpu.memory_space<vmem>>, vector<1x1x16xf32>,
          %parallel_loop3A_275 = vector.shape_cast %parallel_loop3A_274 : vector<1x1x16xf32> to vector<16xf32>
          %parallel_loop3A_276 = arith.addf %parallel_loop3A_269, %parallel_loop3A_275 : vector<16xf32>
          %parallel_loop3A_277 = arith.constant 2.000000e-01 : f32
          %parallel_loop3A_278 = vector.broadcast %parallel_loop3A_277 : f32 to vector<16xf32>
          %parallel_loop3A_279 = arith.mulf %parallel_loop3A_278, %parallel_loop3A_276 : vector<16xf32>
          %parallel_loop3A_280 = arith.maximumf %parallel_loop3A_276, %parallel_loop3A_279 : vector<16xf32>
          %parallel_loop3A_281 = arith.subf %parallel_loop3A_280, %get3A_52 : vector<16xf32>
          %parallel_loop3A_282 = math.exp %parallel_loop3A_281 : vector<16xf32>
          %parallel_loop3A_283 = vector.shape_cast %select_n3A : vector<16xi32> to vector<16x1xi32>
          %parallel_loop3A_284 = vector.shape_cast %parallel_loop3A_283 : vector<16x1xi32> to vector<16xi32>
          %parallel_loop3A_285 = tpu.dynamic_gather %parallel_loop3A_282[%parallel_loop3A_284] in [0] : vector<16xf32>, vector<16xi32> -> vector<16xf32>
          %parallel_loop3A_286 = arith.select %lt3A_54, %broadcast_in_dim3A_56, %parallel_loop3A_269 : vector<16xi1>, vector<16xf32>
          %parallel_loop3A_287 = arith.mulf %parallel_loop3A_285, %parallel_loop3A_286 : vector<16xf32>
          %parallel_loop3A_288 = arith.constant 1 : i32
          %parallel_loop3A_289 = arith.index_cast %parallel_loop3A_288 : i32 to index
          %parallel_loop3A_290 = arith.index_cast %parallel_loop3A_263 : i32 to index
          %parallel_loop3A_291 = arith.constant 0 : index
          %parallel_loop3A_292 = tpu.vector_load %arg12[%parallel_loop3A_289, %parallel_loop3A_290, %parallel_loop3A_291] {strides = array<i32>} : memref<3x80x80xf32, #tpu.memory_space<vmem>>, vector<1x1x16xf32>,
          %parallel_loop3A_293 = vector.shape_cast %parallel_loop3A_292 : vector<1x1x16xf32> to vector<16xf32>
          %parallel_loop3A_294 = vector.shape_cast %parallel_loop3A_287 : vector<16xf32> to vector<1x1x16xf32>
          tpu.vector_store %arg12[%parallel_loop3A_289, %parallel_loop3A_290, %parallel_loop3A_291], %parallel_loop3A_294 {strides = array<i32>} : memref<3x80x80xf32, #tpu.memory_space<vmem>>, vector<1x1x16xf32>,
          %parallel_loop3A_295 = arith.constant 1 : i32
          %parallel_loop3A_296 = arith.index_cast %parallel_loop3A_295 : i32 to index
          %parallel_loop3A_297 = arith.index_cast %parallel_loop3A_263 : i32 to index
          %parallel_loop3A_298 = arith.constant 16 : index
          %parallel_loop3A_299 = tpu.vector_load %arg10[%parallel_loop3A_296, %parallel_loop3A_297, %parallel_loop3A_298] {strides = array<i32>} : memref<3x80x80xf32, #tpu.memory_space<vmem>>, vector<1x1x16xf32>,
          %parallel_loop3A_300 = vector.shape_cast %parallel_loop3A_299 : vector<1x1x16xf32> to vector<16xf32>
          %parallel_loop3A_301 = vector.shape_cast %shift_right_logical3A_63 : vector<16xi32> to vector<16x1xi32>
          %parallel_loop3A_302 = vector.shape_cast %parallel_loop3A_301 : vector<16x1xi32> to vector<16xi32>
          %parallel_loop3A_303 = tpu.dynamic_gather %parallel_loop3A_282[%parallel_loop3A_302] in [0] : vector<16xf32>, vector<16xi32> -> vector<16xf32>
          %parallel_loop3A_304 = arith.mulf %parallel_loop3A_300, %parallel_loop3A_303 : vector<16xf32>
          %parallel_loop3A_305 = arith.constant 1 : i32
          %parallel_loop3A_306 = arith.index_cast %parallel_loop3A_305 : i32 to index
          %parallel_loop3A_307 = arith.index_cast %parallel_loop3A_263 : i32 to index
          %parallel_loop3A_308 = arith.constant 16 : index
          %parallel_loop3A_309 = tpu.vector_load %arg12[%parallel_loop3A_306, %parallel_loop3A_307, %parallel_loop3A_308] {strides = array<i32>} : memref<3x80x80xf32, #tpu.memory_space<vmem>>, vector<1x1x16xf32>,
          %parallel_loop3A_310 = vector.shape_cast %parallel_loop3A_309 : vector<1x1x16xf32> to vector<16xf32>
          %parallel_loop3A_311 = vector.shape_cast %parallel_loop3A_304 : vector<16xf32> to vector<1x1x16xf32>
          tpu.vector_store %arg12[%parallel_loop3A_306, %parallel_loop3A_307, %parallel_loop3A_308], %parallel_loop3A_311 {strides = array<i32>} : memref<3x80x80xf32, #tpu.memory_space<vmem>>, vector<1x1x16xf32>,
          %parallel_loop3A_312 = arith.constant 1 : i32
          %parallel_loop3A_313 = arith.index_cast %parallel_loop3A_312 : i32 to index
          %parallel_loop3A_314 = arith.index_cast %parallel_loop3A_263 : i32 to index
          %parallel_loop3A_315 = arith.constant 32 : index
          %parallel_loop3A_316 = tpu.vector_load %arg10[%parallel_loop3A_313, %parallel_loop3A_314, %parallel_loop3A_315] {strides = array<i32>} : memref<3x80x80xf32, #tpu.memory_space<vmem>>, vector<1x1x16xf32>,
          %parallel_loop3A_317 = vector.shape_cast %parallel_loop3A_316 : vector<1x1x16xf32> to vector<16xf32>
          %parallel_loop3A_318 = vector.shape_cast %shift_right_logical3A_69 : vector<16xi32> to vector<16x1xi32>
          %parallel_loop3A_319 = vector.shape_cast %parallel_loop3A_318 : vector<16x1xi32> to vector<16xi32>
          %parallel_loop3A_320 = tpu.dynamic_gather %parallel_loop3A_282[%parallel_loop3A_319] in [0] : vector<16xf32>, vector<16xi32> -> vector<16xf32>
          %parallel_loop3A_321 = arith.mulf %parallel_loop3A_317, %parallel_loop3A_320 : vector<16xf32>
          %parallel_loop3A_322 = arith.constant 1 : i32
          %parallel_loop3A_323 = arith.index_cast %parallel_loop3A_322 : i32 to index
          %parallel_loop3A_324 = arith.index_cast %parallel_loop3A_263 : i32 to index
          %parallel_loop3A_325 = arith.constant 32 : index
          %parallel_loop3A_326 = tpu.vector_load %arg12[%parallel_loop3A_323, %parallel_loop3A_324, %parallel_loop3A_325] {strides = array<i32>} : memref<3x80x80xf32, #tpu.memory_space<vmem>>, vector<1x1x16xf32>,
          %parallel_loop3A_327 = vector.shape_cast %parallel_loop3A_326 : vector<1x1x16xf32> to vector<16xf32>
          %parallel_loop3A_328 = vector.shape_cast %parallel_loop3A_321 : vector<16xf32> to vector<1x1x16xf32>
          tpu.vector_store %arg12[%parallel_loop3A_323, %parallel_loop3A_324, %parallel_loop3A_325], %parallel_loop3A_328 {strides = array<i32>} : memref<3x80x80xf32, #tpu.memory_space<vmem>>, vector<1x1x16xf32>,
          %parallel_loop3A_329 = arith.constant 1 : i32
          %parallel_loop3A_330 = arith.index_cast %parallel_loop3A_329 : i32 to index
          %parallel_loop3A_331 = arith.index_cast %parallel_loop3A_263 : i32 to index
          %parallel_loop3A_332 = arith.constant 48 : index
          %parallel_loop3A_333 = tpu.vector_load %arg10[%parallel_loop3A_330, %parallel_loop3A_331, %parallel_loop3A_332] {strides = array<i32>} : memref<3x80x80xf32, #tpu.memory_space<vmem>>, vector<1x1x16xf32>,
          %parallel_loop3A_334 = vector.shape_cast %parallel_loop3A_333 : vector<1x1x16xf32> to vector<16xf32>
          %parallel_loop3A_335 = vector.shape_cast %shift_right_logical3A_75 : vector<16xi32> to vector<16x1xi32>
          %parallel_loop3A_336 = vector.shape_cast %parallel_loop3A_335 : vector<16x1xi32> to vector<16xi32>
          %parallel_loop3A_337 = tpu.dynamic_gather %parallel_loop3A_282[%parallel_loop3A_336] in [0] : vector<16xf32>, vector<16xi32> -> vector<16xf32>
          %parallel_loop3A_338 = arith.mulf %parallel_loop3A_334, %parallel_loop3A_337 : vector<16xf32>
          %parallel_loop3A_339 = arith.constant 1 : i32
          %parallel_loop3A_340 = arith.index_cast %parallel_loop3A_339 : i32 to index
          %parallel_loop3A_341 = arith.index_cast %parallel_loop3A_263 : i32 to index
          %parallel_loop3A_342 = arith.constant 48 : index
          %parallel_loop3A_343 = tpu.vector_load %arg12[%parallel_loop3A_340, %parallel_loop3A_341, %parallel_loop3A_342] {strides = array<i32>} : memref<3x80x80xf32, #tpu.memory_space<vmem>>, vector<1x1x16xf32>,
          %parallel_loop3A_344 = vector.shape_cast %parallel_loop3A_343 : vector<1x1x16xf32> to vector<16xf32>
          %parallel_loop3A_345 = vector.shape_cast %parallel_loop3A_338 : vector<16xf32> to vector<1x1x16xf32>
          tpu.vector_store %arg12[%parallel_loop3A_340, %parallel_loop3A_341, %parallel_loop3A_342], %parallel_loop3A_345 {strides = array<i32>} : memref<3x80x80xf32, #tpu.memory_space<vmem>>, vector<1x1x16xf32>,
          %parallel_loop3A_346 = arith.constant 1 : i32
          %parallel_loop3A_347 = arith.index_cast %parallel_loop3A_346 : i32 to index
          %parallel_loop3A_348 = arith.index_cast %parallel_loop3A_263 : i32 to index
          %parallel_loop3A_349 = arith.constant 64 : index
          %parallel_loop3A_350 = tpu.vector_load %arg10[%parallel_loop3A_347, %parallel_loop3A_348, %parallel_loop3A_349] {strides = array<i32>} : memref<3x80x80xf32, #tpu.memory_space<vmem>>, vector<1x1x16xf32>,
          %parallel_loop3A_351 = vector.shape_cast %parallel_loop3A_350 : vector<1x1x16xf32> to vector<16xf32>
          %parallel_loop3A_352 = vector.shape_cast %shift_right_logical3A_81 : vector<16xi32> to vector<16x1xi32>
          %parallel_loop3A_353 = vector.shape_cast %parallel_loop3A_352 : vector<16x1xi32> to vector<16xi32>
          %parallel_loop3A_354 = tpu.dynamic_gather %parallel_loop3A_282[%parallel_loop3A_353] in [0] : vector<16xf32>, vector<16xi32> -> vector<16xf32>
          %parallel_loop3A_355 = arith.constant 0.000000e+00 : f32
          %parallel_loop3A_356 = vector.broadcast %parallel_loop3A_355 : f32 to vector<16xf32>
          %parallel_loop3A_357 = arith.select %lt3A_54, %parallel_loop3A_351, %parallel_loop3A_356 : vector<16xi1>, vector<16xf32>
          %parallel_loop3A_358 = arith.mulf %parallel_loop3A_354, %parallel_loop3A_357 : vector<16xf32>
          %parallel_loop3A_359 = arith.constant 1 : i32
          %parallel_loop3A_360 = arith.index_cast %parallel_loop3A_359 : i32 to index
          %parallel_loop3A_361 = arith.index_cast %parallel_loop3A_263 : i32 to index
          %parallel_loop3A_362 = arith.constant 64 : index
          %parallel_loop3A_363 = tpu.vector_load %arg12[%parallel_loop3A_360, %parallel_loop3A_361, %parallel_loop3A_362] {strides = array<i32>} : memref<3x80x80xf32, #tpu.memory_space<vmem>>, vector<1x1x16xf32>,
          %parallel_loop3A_364 = vector.shape_cast %parallel_loop3A_363 : vector<1x1x16xf32> to vector<16xf32>
          %parallel_loop3A_365 = vector.shape_cast %parallel_loop3A_358 : vector<16xf32> to vector<1x1x16xf32>
          tpu.vector_store %arg12[%parallel_loop3A_360, %parallel_loop3A_361, %parallel_loop3A_362], %parallel_loop3A_365 {strides = array<i32>} : memref<3x80x80xf32, #tpu.memory_space<vmem>>, vector<1x1x16xf32>,
        } {sc.loop_unroll_factor = 8 : i64, sc.parallel_access}
        %mul3A_245 = arith.constant 80 : i32
        %mul3A_246 = arith.muli %add3A_202, %mul3A_245 : i32
        %dma_start3A_247 = arith.constant 1 : i32
        %dma_start3A_248 = arith.constant 0 : i32
        %dma_start3A_249 = arith.constant 0 : i32
        %dma_start3A_250 = tpu.memref_slice %arg12[%dma_start3A_247, %dma_start3A_248, %dma_start3A_249] : memref<3x80x80xf32, #tpu.memory_space<vmem>> -> memref<1x80x80xf32, #tpu.memory_space<vmem>>
        %dma_start3A_251 = tpu.memref_squeeze %dma_start3A_250 : memref<1x80x80xf32, #tpu.memory_space<vmem>> -> memref<80x80xf32, #tpu.memory_space<vmem>>
        %dma_start3A_252 = tpu.memref_slice %arg9[%mul3A_246] : memref<10000xi32, #tpu.memory_space<vmem>> -> memref<80xi32, #tpu.memory_space<vmem>>
        %dma_start3A_253 = arith.constant 0 : i32
        %dma_start3A_254 = arith.constant 0 : i32
        %dma_start3A_255 = tpu.memref_slice %arg15[%dma_start3A_253, %dma_start3A_254] : memref<10240x80xf32, #tpu.memory_space<vmem_shared>> -> memref<10240x80xf32, #tpu.memory_space<vmem_shared>>
        tpu.enqueue_indirect_dma source(%dma_start3A_251 : memref<80x80xf32, #tpu.memory_space<vmem>>) target(%dma_start3A_255 : memref<10240x80xf32, #tpu.memory_space<vmem_shared>>) offsets(%dma_start3A_252 : memref<80xi32, #tpu.memory_space<vmem>>) semaphore(%arg24 : memref<!tpu.dma_semaphore, #tpu.memory_space<semaphore_mem>>) {add = true}
        %add3A_256 = arith.constant 3 : i32
        %add3A_257 = arith.addi %add3A_202, %add3A_256 : i32
        %lt3A_258 = arith.constant 125 : i32
        %lt3A_259 = arith.cmpi slt, %add3A_257, %lt3A_258 : i32
        %convert_element_type3A_260 = arith.extui %lt3A_259 : i1 to i32
        %cond3A_261 = arith.constant 0 : i32
        %cond3A_262 = arith.cmpi ne, %convert_element_type3A_260, %cond3A_261 : i32
        scf.if %cond3A_262 {
          %add3A_263 = arith.constant 3 : i32
          %add3A_264 = arith.addi %add3A_202, %add3A_263 : i32
          %mul3A_265 = arith.constant 80 : i32
          %mul3A_266 = arith.muli %add3A_264, %mul3A_265 : i32
          %dma_start3A_267 = arith.constant 1 : i32
          %dma_start3A_268 = arith.constant 0 : i32
          %dma_start3A_269 = arith.constant 0 : i32
          %dma_start3A_270 = tpu.memref_slice %arg10[%dma_start3A_267, %dma_start3A_268, %dma_start3A_269] : memref<3x80x80xf32, #tpu.memory_space<vmem>> -> memref<1x80x80xf32, #tpu.memory_space<vmem>>
          %dma_start3A_271 = tpu.memref_squeeze %dma_start3A_270 : memref<1x80x80xf32, #tpu.memory_space<vmem>> -> memref<80x80xf32, #tpu.memory_space<vmem>>
          %dma_start3A_272 = tpu.memref_slice %arg8[%mul3A_266] : memref<10000xi32, #tpu.memory_space<vmem>> -> memref<80xi32, #tpu.memory_space<vmem>>
          %dma_start3A_273 = arith.constant 0 : i32
          %dma_start3A_274 = arith.constant 0 : i32
          %dma_start3A_275 = tpu.memref_slice %arg2[%dma_start3A_273, %dma_start3A_274] : memref<10240x80xf32, #tpu.memory_space<hbm>> -> memref<10240x80xf32, #tpu.memory_space<hbm>>
          tpu.enqueue_indirect_dma source(%dma_start3A_275 : memref<10240x80xf32, #tpu.memory_space<hbm>>) target(%dma_start3A_271 : memref<80x80xf32, #tpu.memory_space<vmem>>) offsets(%dma_start3A_272 : memref<80xi32, #tpu.memory_space<vmem>>) semaphore(%arg18 : memref<!tpu.dma_semaphore, #tpu.memory_space<semaphore_mem>>)
          %mul3A_276 = arith.constant 80 : i32
          %mul3A_277 = arith.muli %add3A_264, %mul3A_276 : i32
          %dma_start3A_278 = arith.constant 1 : i32
          %dma_start3A_279 = arith.constant 0 : i32
          %dma_start3A_280 = arith.constant 0 : i32
          %dma_start3A_281 = tpu.memref_slice %arg11[%dma_start3A_278, %dma_start3A_279, %dma_start3A_280] : memref<3x80x16xf32, #tpu.memory_space<vmem>> -> memref<1x80x16xf32, #tpu.memory_space<vmem>>
          %dma_start3A_282 = tpu.memref_squeeze %dma_start3A_281 : memref<1x80x16xf32, #tpu.memory_space<vmem>> -> memref<80x16xf32, #tpu.memory_space<vmem>>
          %dma_start3A_283 = tpu.memref_slice %arg9[%mul3A_277] : memref<10000xi32, #tpu.memory_space<vmem>> -> memref<80xi32, #tpu.memory_space<vmem>>
          %dma_start3A_284 = arith.constant 0 : i32
          %dma_start3A_285 = arith.constant 0 : i32
          %dma_start3A_286 = tpu.memref_slice %arg3[%dma_start3A_284, %dma_start3A_285] : memref<10240x16xf32, #tpu.memory_space<hbm>> -> memref<10240x16xf32, #tpu.memory_space<hbm>>
          tpu.enqueue_indirect_dma source(%dma_start3A_286 : memref<10240x16xf32, #tpu.memory_space<hbm>>) target(%dma_start3A_282 : memref<80x16xf32, #tpu.memory_space<vmem>>) offsets(%dma_start3A_283 : memref<80xi32, #tpu.memory_space<vmem>>) semaphore(%arg21 : memref<!tpu.dma_semaphore, #tpu.memory_space<semaphore_mem>>)
        } else {
        }
      } else {
      }
      %mul3A_208 = arith.constant 3 : i32
      %mul3A_209 = arith.muli %mul3A_208, %scan3A_191 : i32
      %add3A_210 = arith.constant 2 : i32
      %add3A_211 = arith.addi %mul3A_209, %add3A_210 : i32
      %lt3A_212 = arith.constant 125 : i32
      %lt3A_213 = arith.cmpi slt, %add3A_211, %lt3A_212 : i32
      %convert_element_type3A_214 = arith.extui %lt3A_213 : i1 to i32
      %cond3A_215 = arith.constant 0 : i32
      %cond3A_216 = arith.cmpi ne, %convert_element_type3A_214, %cond3A_215 : i32
      scf.if %cond3A_216 {
        %mul3A_217 = arith.constant 80 : i32
        %mul3A_218 = arith.muli %add3A_211, %mul3A_217 : i32
        %dma_wait3A_219 = arith.constant 2 : i32
        %dma_wait3A_220 = arith.constant 0 : i32
        %dma_wait3A_221 = arith.constant 0 : i32
        %dma_wait3A_222 = tpu.memref_slice %arg10[%dma_wait3A_219, %dma_wait3A_220, %dma_wait3A_221] : memref<3x80x80xf32, #tpu.memory_space<vmem>> -> memref<1x80x80xf32, #tpu.memory_space<vmem>>
        %dma_wait3A_223 = tpu.memref_squeeze %dma_wait3A_222 : memref<1x80x80xf32, #tpu.memory_space<vmem>> -> memref<80x80xf32, #tpu.memory_space<vmem>>
        %dma_wait3A_224 = tpu.memref_slice %arg8[%mul3A_218] : memref<10000xi32, #tpu.memory_space<vmem>> -> memref<80xi32, #tpu.memory_space<vmem>>
        %dma_wait3A_225 = arith.constant 0 : i32
        %dma_wait3A_226 = arith.constant 0 : i32
        %dma_wait3A_227 = tpu.memref_slice %arg2[%dma_wait3A_225, %dma_wait3A_226] : memref<10240x80xf32, #tpu.memory_space<hbm>> -> memref<10240x80xf32, #tpu.memory_space<hbm>>
        tpu.wait_indirect_dma semaphore(%arg19 : memref<!tpu.dma_semaphore, #tpu.memory_space<semaphore_mem>>) src(%dma_wait3A_227 : memref<10240x80xf32, #tpu.memory_space<hbm>>) dst(%dma_wait3A_223 : memref<80x80xf32, #tpu.memory_space<vmem>>)
        %mul3A_228 = arith.constant 80 : i32
        %mul3A_229 = arith.muli %add3A_211, %mul3A_228 : i32
        %dma_wait3A_230 = arith.constant 2 : i32
        %dma_wait3A_231 = arith.constant 0 : i32
        %dma_wait3A_232 = arith.constant 0 : i32
        %dma_wait3A_233 = tpu.memref_slice %arg11[%dma_wait3A_230, %dma_wait3A_231, %dma_wait3A_232] : memref<3x80x16xf32, #tpu.memory_space<vmem>> -> memref<1x80x16xf32, #tpu.memory_space<vmem>>
        %dma_wait3A_234 = tpu.memref_squeeze %dma_wait3A_233 : memref<1x80x16xf32, #tpu.memory_space<vmem>> -> memref<80x16xf32, #tpu.memory_space<vmem>>
        %dma_wait3A_235 = tpu.memref_slice %arg9[%mul3A_229] : memref<10000xi32, #tpu.memory_space<vmem>> -> memref<80xi32, #tpu.memory_space<vmem>>
        %dma_wait3A_236 = arith.constant 0 : i32
        %dma_wait3A_237 = arith.constant 0 : i32
        %dma_wait3A_238 = tpu.memref_slice %arg3[%dma_wait3A_236, %dma_wait3A_237] : memref<10240x16xf32, #tpu.memory_space<hbm>> -> memref<10240x16xf32, #tpu.memory_space<hbm>>
        tpu.wait_indirect_dma semaphore(%arg22 : memref<!tpu.dma_semaphore, #tpu.memory_space<semaphore_mem>>) src(%dma_wait3A_238 : memref<10240x16xf32, #tpu.memory_space<hbm>>) dst(%dma_wait3A_234 : memref<80x16xf32, #tpu.memory_space<vmem>>)
        %gt3A = arith.constant 0 : i32
        %gt3A_239 = arith.cmpi sgt, %scan3A_191, %gt3A : i32
        %convert_element_type3A_240 = arith.extui %gt3A_239 : i1 to i32
        %cond3A_241 = arith.constant 0 : i32
        %cond3A_242 = arith.cmpi ne, %convert_element_type3A_240, %cond3A_241 : i32
        scf.if %cond3A_242 {
          %mul3A_263 = arith.constant 80 : i32
          %mul3A_264 = arith.muli %add3A_211, %mul3A_263 : i32
          %dma_wait3A_265 = arith.constant 2 : i32
          %dma_wait3A_266 = arith.constant 0 : i32
          %dma_wait3A_267 = arith.constant 0 : i32
          %dma_wait3A_268 = tpu.memref_slice %arg12[%dma_wait3A_265, %dma_wait3A_266, %dma_wait3A_267] : memref<3x80x80xf32, #tpu.memory_space<vmem>> -> memref<1x80x80xf32, #tpu.memory_space<vmem>>
          %dma_wait3A_269 = tpu.memref_squeeze %dma_wait3A_268 : memref<1x80x80xf32, #tpu.memory_space<vmem>> -> memref<80x80xf32, #tpu.memory_space<vmem>>
          %dma_wait3A_270 = tpu.memref_slice %arg9[%mul3A_264] : memref<10000xi32, #tpu.memory_space<vmem>> -> memref<80xi32, #tpu.memory_space<vmem>>
          %dma_wait3A_271 = arith.constant 0 : i32
          %dma_wait3A_272 = arith.constant 0 : i32
          %dma_wait3A_273 = tpu.memref_slice %arg15[%dma_wait3A_271, %dma_wait3A_272] : memref<10240x80xf32, #tpu.memory_space<vmem_shared>> -> memref<10240x80xf32, #tpu.memory_space<vmem_shared>>
          tpu.wait_indirect_dma semaphore(%arg25 : memref<!tpu.dma_semaphore, #tpu.memory_space<semaphore_mem>>) src(%dma_wait3A_269 : memref<80x80xf32, #tpu.memory_space<vmem>>) dst(%dma_wait3A_273 : memref<10240x80xf32, #tpu.memory_space<vmem_shared>>)
        } else {
        }
        %parallel_loop3A = arith.constant 0 : i32
        %parallel_loop3A_243 = arith.constant 80 : i32
        %parallel_loop3A_244 = arith.constant 1 : i32
        scf.for %parallel_loop3A_263 = %parallel_loop3A to %parallel_loop3A_243 step %parallel_loop3A_244  : i32 {
          %parallel_loop3A_264 = arith.constant 2 : i32
          %parallel_loop3A_265 = arith.index_cast %parallel_loop3A_264 : i32 to index
          %parallel_loop3A_266 = arith.index_cast %parallel_loop3A_263 : i32 to index
          %parallel_loop3A_267 = arith.constant 0 : index
          %parallel_loop3A_268 = tpu.vector_load %arg10[%parallel_loop3A_265, %parallel_loop3A_266, %parallel_loop3A_267] {strides = array<i32>} : memref<3x80x80xf32, #tpu.memory_space<vmem>>, vector<1x1x16xf32>,
          %parallel_loop3A_269 = vector.shape_cast %parallel_loop3A_268 : vector<1x1x16xf32> to vector<16xf32>
          %parallel_loop3A_270 = arith.constant 2 : i32
          %parallel_loop3A_271 = arith.index_cast %parallel_loop3A_270 : i32 to index
          %parallel_loop3A_272 = arith.index_cast %parallel_loop3A_263 : i32 to index
          %parallel_loop3A_273 = arith.constant 0 : index
          %parallel_loop3A_274 = tpu.vector_load %arg11[%parallel_loop3A_271, %parallel_loop3A_272, %parallel_loop3A_273] {strides = array<i32>} : memref<3x80x16xf32, #tpu.memory_space<vmem>>, vector<1x1x16xf32>,
          %parallel_loop3A_275 = vector.shape_cast %parallel_loop3A_274 : vector<1x1x16xf32> to vector<16xf32>
          %parallel_loop3A_276 = arith.addf %parallel_loop3A_269, %parallel_loop3A_275 : vector<16xf32>
          %parallel_loop3A_277 = arith.constant 2.000000e-01 : f32
          %parallel_loop3A_278 = vector.broadcast %parallel_loop3A_277 : f32 to vector<16xf32>
          %parallel_loop3A_279 = arith.mulf %parallel_loop3A_278, %parallel_loop3A_276 : vector<16xf32>
          %parallel_loop3A_280 = arith.maximumf %parallel_loop3A_276, %parallel_loop3A_279 : vector<16xf32>
          %parallel_loop3A_281 = arith.subf %parallel_loop3A_280, %get3A_52 : vector<16xf32>
          %parallel_loop3A_282 = math.exp %parallel_loop3A_281 : vector<16xf32>
          %parallel_loop3A_283 = vector.shape_cast %select_n3A : vector<16xi32> to vector<16x1xi32>
          %parallel_loop3A_284 = vector.shape_cast %parallel_loop3A_283 : vector<16x1xi32> to vector<16xi32>
          %parallel_loop3A_285 = tpu.dynamic_gather %parallel_loop3A_282[%parallel_loop3A_284] in [0] : vector<16xf32>, vector<16xi32> -> vector<16xf32>
          %parallel_loop3A_286 = arith.select %lt3A_54, %broadcast_in_dim3A_56, %parallel_loop3A_269 : vector<16xi1>, vector<16xf32>
          %parallel_loop3A_287 = arith.mulf %parallel_loop3A_285, %parallel_loop3A_286 : vector<16xf32>
          %parallel_loop3A_288 = arith.constant 2 : i32
          %parallel_loop3A_289 = arith.index_cast %parallel_loop3A_288 : i32 to index
          %parallel_loop3A_290 = arith.index_cast %parallel_loop3A_263 : i32 to index
          %parallel_loop3A_291 = arith.constant 0 : index
          %parallel_loop3A_292 = tpu.vector_load %arg12[%parallel_loop3A_289, %parallel_loop3A_290, %parallel_loop3A_291] {strides = array<i32>} : memref<3x80x80xf32, #tpu.memory_space<vmem>>, vector<1x1x16xf32>,
          %parallel_loop3A_293 = vector.shape_cast %parallel_loop3A_292 : vector<1x1x16xf32> to vector<16xf32>
          %parallel_loop3A_294 = vector.shape_cast %parallel_loop3A_287 : vector<16xf32> to vector<1x1x16xf32>
          tpu.vector_store %arg12[%parallel_loop3A_289, %parallel_loop3A_290, %parallel_loop3A_291], %parallel_loop3A_294 {strides = array<i32>} : memref<3x80x80xf32, #tpu.memory_space<vmem>>, vector<1x1x16xf32>,
          %parallel_loop3A_295 = arith.constant 2 : i32
          %parallel_loop3A_296 = arith.index_cast %parallel_loop3A_295 : i32 to index
          %parallel_loop3A_297 = arith.index_cast %parallel_loop3A_263 : i32 to index
          %parallel_loop3A_298 = arith.constant 16 : index
          %parallel_loop3A_299 = tpu.vector_load %arg10[%parallel_loop3A_296, %parallel_loop3A_297, %parallel_loop3A_298] {strides = array<i32>} : memref<3x80x80xf32, #tpu.memory_space<vmem>>, vector<1x1x16xf32>,
          %parallel_loop3A_300 = vector.shape_cast %parallel_loop3A_299 : vector<1x1x16xf32> to vector<16xf32>
          %parallel_loop3A_301 = vector.shape_cast %shift_right_logical3A_63 : vector<16xi32> to vector<16x1xi32>
          %parallel_loop3A_302 = vector.shape_cast %parallel_loop3A_301 : vector<16x1xi32> to vector<16xi32>
          %parallel_loop3A_303 = tpu.dynamic_gather %parallel_loop3A_282[%parallel_loop3A_302] in [0] : vector<16xf32>, vector<16xi32> -> vector<16xf32>
          %parallel_loop3A_304 = arith.mulf %parallel_loop3A_300, %parallel_loop3A_303 : vector<16xf32>
          %parallel_loop3A_305 = arith.constant 2 : i32
          %parallel_loop3A_306 = arith.index_cast %parallel_loop3A_305 : i32 to index
          %parallel_loop3A_307 = arith.index_cast %parallel_loop3A_263 : i32 to index
          %parallel_loop3A_308 = arith.constant 16 : index
          %parallel_loop3A_309 = tpu.vector_load %arg12[%parallel_loop3A_306, %parallel_loop3A_307, %parallel_loop3A_308] {strides = array<i32>} : memref<3x80x80xf32, #tpu.memory_space<vmem>>, vector<1x1x16xf32>,
          %parallel_loop3A_310 = vector.shape_cast %parallel_loop3A_309 : vector<1x1x16xf32> to vector<16xf32>
          %parallel_loop3A_311 = vector.shape_cast %parallel_loop3A_304 : vector<16xf32> to vector<1x1x16xf32>
          tpu.vector_store %arg12[%parallel_loop3A_306, %parallel_loop3A_307, %parallel_loop3A_308], %parallel_loop3A_311 {strides = array<i32>} : memref<3x80x80xf32, #tpu.memory_space<vmem>>, vector<1x1x16xf32>,
          %parallel_loop3A_312 = arith.constant 2 : i32
          %parallel_loop3A_313 = arith.index_cast %parallel_loop3A_312 : i32 to index
          %parallel_loop3A_314 = arith.index_cast %parallel_loop3A_263 : i32 to index
          %parallel_loop3A_315 = arith.constant 32 : index
          %parallel_loop3A_316 = tpu.vector_load %arg10[%parallel_loop3A_313, %parallel_loop3A_314, %parallel_loop3A_315] {strides = array<i32>} : memref<3x80x80xf32, #tpu.memory_space<vmem>>, vector<1x1x16xf32>,
          %parallel_loop3A_317 = vector.shape_cast %parallel_loop3A_316 : vector<1x1x16xf32> to vector<16xf32>
          %parallel_loop3A_318 = vector.shape_cast %shift_right_logical3A_69 : vector<16xi32> to vector<16x1xi32>
          %parallel_loop3A_319 = vector.shape_cast %parallel_loop3A_318 : vector<16x1xi32> to vector<16xi32>
          %parallel_loop3A_320 = tpu.dynamic_gather %parallel_loop3A_282[%parallel_loop3A_319] in [0] : vector<16xf32>, vector<16xi32> -> vector<16xf32>
          %parallel_loop3A_321 = arith.mulf %parallel_loop3A_317, %parallel_loop3A_320 : vector<16xf32>
          %parallel_loop3A_322 = arith.constant 2 : i32
          %parallel_loop3A_323 = arith.index_cast %parallel_loop3A_322 : i32 to index
          %parallel_loop3A_324 = arith.index_cast %parallel_loop3A_263 : i32 to index
          %parallel_loop3A_325 = arith.constant 32 : index
          %parallel_loop3A_326 = tpu.vector_load %arg12[%parallel_loop3A_323, %parallel_loop3A_324, %parallel_loop3A_325] {strides = array<i32>} : memref<3x80x80xf32, #tpu.memory_space<vmem>>, vector<1x1x16xf32>,
          %parallel_loop3A_327 = vector.shape_cast %parallel_loop3A_326 : vector<1x1x16xf32> to vector<16xf32>
          %parallel_loop3A_328 = vector.shape_cast %parallel_loop3A_321 : vector<16xf32> to vector<1x1x16xf32>
          tpu.vector_store %arg12[%parallel_loop3A_323, %parallel_loop3A_324, %parallel_loop3A_325], %parallel_loop3A_328 {strides = array<i32>} : memref<3x80x80xf32, #tpu.memory_space<vmem>>, vector<1x1x16xf32>,
          %parallel_loop3A_329 = arith.constant 2 : i32
          %parallel_loop3A_330 = arith.index_cast %parallel_loop3A_329 : i32 to index
          %parallel_loop3A_331 = arith.index_cast %parallel_loop3A_263 : i32 to index
          %parallel_loop3A_332 = arith.constant 48 : index
          %parallel_loop3A_333 = tpu.vector_load %arg10[%parallel_loop3A_330, %parallel_loop3A_331, %parallel_loop3A_332] {strides = array<i32>} : memref<3x80x80xf32, #tpu.memory_space<vmem>>, vector<1x1x16xf32>,
          %parallel_loop3A_334 = vector.shape_cast %parallel_loop3A_333 : vector<1x1x16xf32> to vector<16xf32>
          %parallel_loop3A_335 = vector.shape_cast %shift_right_logical3A_75 : vector<16xi32> to vector<16x1xi32>
          %parallel_loop3A_336 = vector.shape_cast %parallel_loop3A_335 : vector<16x1xi32> to vector<16xi32>
          %parallel_loop3A_337 = tpu.dynamic_gather %parallel_loop3A_282[%parallel_loop3A_336] in [0] : vector<16xf32>, vector<16xi32> -> vector<16xf32>
          %parallel_loop3A_338 = arith.mulf %parallel_loop3A_334, %parallel_loop3A_337 : vector<16xf32>
          %parallel_loop3A_339 = arith.constant 2 : i32
          %parallel_loop3A_340 = arith.index_cast %parallel_loop3A_339 : i32 to index
          %parallel_loop3A_341 = arith.index_cast %parallel_loop3A_263 : i32 to index
          %parallel_loop3A_342 = arith.constant 48 : index
          %parallel_loop3A_343 = tpu.vector_load %arg12[%parallel_loop3A_340, %parallel_loop3A_341, %parallel_loop3A_342] {strides = array<i32>} : memref<3x80x80xf32, #tpu.memory_space<vmem>>, vector<1x1x16xf32>,
          %parallel_loop3A_344 = vector.shape_cast %parallel_loop3A_343 : vector<1x1x16xf32> to vector<16xf32>
          %parallel_loop3A_345 = vector.shape_cast %parallel_loop3A_338 : vector<16xf32> to vector<1x1x16xf32>
          tpu.vector_store %arg12[%parallel_loop3A_340, %parallel_loop3A_341, %parallel_loop3A_342], %parallel_loop3A_345 {strides = array<i32>} : memref<3x80x80xf32, #tpu.memory_space<vmem>>, vector<1x1x16xf32>,
          %parallel_loop3A_346 = arith.constant 2 : i32
          %parallel_loop3A_347 = arith.index_cast %parallel_loop3A_346 : i32 to index
          %parallel_loop3A_348 = arith.index_cast %parallel_loop3A_263 : i32 to index
          %parallel_loop3A_349 = arith.constant 64 : index
          %parallel_loop3A_350 = tpu.vector_load %arg10[%parallel_loop3A_347, %parallel_loop3A_348, %parallel_loop3A_349] {strides = array<i32>} : memref<3x80x80xf32, #tpu.memory_space<vmem>>, vector<1x1x16xf32>,
          %parallel_loop3A_351 = vector.shape_cast %parallel_loop3A_350 : vector<1x1x16xf32> to vector<16xf32>
          %parallel_loop3A_352 = vector.shape_cast %shift_right_logical3A_81 : vector<16xi32> to vector<16x1xi32>
          %parallel_loop3A_353 = vector.shape_cast %parallel_loop3A_352 : vector<16x1xi32> to vector<16xi32>
          %parallel_loop3A_354 = tpu.dynamic_gather %parallel_loop3A_282[%parallel_loop3A_353] in [0] : vector<16xf32>, vector<16xi32> -> vector<16xf32>
          %parallel_loop3A_355 = arith.constant 0.000000e+00 : f32
          %parallel_loop3A_356 = vector.broadcast %parallel_loop3A_355 : f32 to vector<16xf32>
          %parallel_loop3A_357 = arith.select %lt3A_54, %parallel_loop3A_351, %parallel_loop3A_356 : vector<16xi1>, vector<16xf32>
          %parallel_loop3A_358 = arith.mulf %parallel_loop3A_354, %parallel_loop3A_357 : vector<16xf32>
          %parallel_loop3A_359 = arith.constant 2 : i32
          %parallel_loop3A_360 = arith.index_cast %parallel_loop3A_359 : i32 to index
          %parallel_loop3A_361 = arith.index_cast %parallel_loop3A_263 : i32 to index
          %parallel_loop3A_362 = arith.constant 64 : index
          %parallel_loop3A_363 = tpu.vector_load %arg12[%parallel_loop3A_360, %parallel_loop3A_361, %parallel_loop3A_362] {strides = array<i32>} : memref<3x80x80xf32, #tpu.memory_space<vmem>>, vector<1x1x16xf32>,
          %parallel_loop3A_364 = vector.shape_cast %parallel_loop3A_363 : vector<1x1x16xf32> to vector<16xf32>
          %parallel_loop3A_365 = vector.shape_cast %parallel_loop3A_358 : vector<16xf32> to vector<1x1x16xf32>
          tpu.vector_store %arg12[%parallel_loop3A_360, %parallel_loop3A_361, %parallel_loop3A_362], %parallel_loop3A_365 {strides = array<i32>} : memref<3x80x80xf32, #tpu.memory_space<vmem>>, vector<1x1x16xf32>,
        } {sc.loop_unroll_factor = 8 : i64, sc.parallel_access}
        %mul3A_245 = arith.constant 80 : i32
        %mul3A_246 = arith.muli %add3A_211, %mul3A_245 : i32
        %dma_start3A_247 = arith.constant 2 : i32
        %dma_start3A_248 = arith.constant 0 : i32
        %dma_start3A_249 = arith.constant 0 : i32
        %dma_start3A_250 = tpu.memref_slice %arg12[%dma_start3A_247, %dma_start3A_248, %dma_start3A_249] : memref<3x80x80xf32, #tpu.memory_space<vmem>> -> memref<1x80x80xf32, #tpu.memory_space<vmem>>
        %dma_start3A_251 = tpu.memref_squeeze %dma_start3A_250 : memref<1x80x80xf32, #tpu.memory_space<vmem>> -> memref<80x80xf32, #tpu.memory_space<vmem>>
        %dma_start3A_252 = tpu.memref_slice %arg9[%mul3A_246] : memref<10000xi32, #tpu.memory_space<vmem>> -> memref<80xi32, #tpu.memory_space<vmem>>
        %dma_start3A_253 = arith.constant 0 : i32
        %dma_start3A_254 = arith.constant 0 : i32
        %dma_start3A_255 = tpu.memref_slice %arg15[%dma_start3A_253, %dma_start3A_254] : memref<10240x80xf32, #tpu.memory_space<vmem_shared>> -> memref<10240x80xf32, #tpu.memory_space<vmem_shared>>
        tpu.enqueue_indirect_dma source(%dma_start3A_251 : memref<80x80xf32, #tpu.memory_space<vmem>>) target(%dma_start3A_255 : memref<10240x80xf32, #tpu.memory_space<vmem_shared>>) offsets(%dma_start3A_252 : memref<80xi32, #tpu.memory_space<vmem>>) semaphore(%arg25 : memref<!tpu.dma_semaphore, #tpu.memory_space<semaphore_mem>>) {add = true}
        %add3A_256 = arith.constant 3 : i32
        %add3A_257 = arith.addi %add3A_211, %add3A_256 : i32
        %lt3A_258 = arith.constant 125 : i32
        %lt3A_259 = arith.cmpi slt, %add3A_257, %lt3A_258 : i32
        %convert_element_type3A_260 = arith.extui %lt3A_259 : i1 to i32
        %cond3A_261 = arith.constant 0 : i32
        %cond3A_262 = arith.cmpi ne, %convert_element_type3A_260, %cond3A_261 : i32
        scf.if %cond3A_262 {
          %add3A_263 = arith.constant 3 : i32
          %add3A_264 = arith.addi %add3A_211, %add3A_263 : i32
          %mul3A_265 = arith.constant 80 : i32
          %mul3A_266 = arith.muli %add3A_264, %mul3A_265 : i32
          %dma_start3A_267 = arith.constant 2 : i32
          %dma_start3A_268 = arith.constant 0 : i32
          %dma_start3A_269 = arith.constant 0 : i32
          %dma_start3A_270 = tpu.memref_slice %arg10[%dma_start3A_267, %dma_start3A_268, %dma_start3A_269] : memref<3x80x80xf32, #tpu.memory_space<vmem>> -> memref<1x80x80xf32, #tpu.memory_space<vmem>>
          %dma_start3A_271 = tpu.memref_squeeze %dma_start3A_270 : memref<1x80x80xf32, #tpu.memory_space<vmem>> -> memref<80x80xf32, #tpu.memory_space<vmem>>
          %dma_start3A_272 = tpu.memref_slice %arg8[%mul3A_266] : memref<10000xi32, #tpu.memory_space<vmem>> -> memref<80xi32, #tpu.memory_space<vmem>>
          %dma_start3A_273 = arith.constant 0 : i32
          %dma_start3A_274 = arith.constant 0 : i32
          %dma_start3A_275 = tpu.memref_slice %arg2[%dma_start3A_273, %dma_start3A_274] : memref<10240x80xf32, #tpu.memory_space<hbm>> -> memref<10240x80xf32, #tpu.memory_space<hbm>>
          tpu.enqueue_indirect_dma source(%dma_start3A_275 : memref<10240x80xf32, #tpu.memory_space<hbm>>) target(%dma_start3A_271 : memref<80x80xf32, #tpu.memory_space<vmem>>) offsets(%dma_start3A_272 : memref<80xi32, #tpu.memory_space<vmem>>) semaphore(%arg19 : memref<!tpu.dma_semaphore, #tpu.memory_space<semaphore_mem>>)
          %mul3A_276 = arith.constant 80 : i32
          %mul3A_277 = arith.muli %add3A_264, %mul3A_276 : i32
          %dma_start3A_278 = arith.constant 2 : i32
          %dma_start3A_279 = arith.constant 0 : i32
          %dma_start3A_280 = arith.constant 0 : i32
          %dma_start3A_281 = tpu.memref_slice %arg11[%dma_start3A_278, %dma_start3A_279, %dma_start3A_280] : memref<3x80x16xf32, #tpu.memory_space<vmem>> -> memref<1x80x16xf32, #tpu.memory_space<vmem>>
          %dma_start3A_282 = tpu.memref_squeeze %dma_start3A_281 : memref<1x80x16xf32, #tpu.memory_space<vmem>> -> memref<80x16xf32, #tpu.memory_space<vmem>>
          %dma_start3A_283 = tpu.memref_slice %arg9[%mul3A_277] : memref<10000xi32, #tpu.memory_space<vmem>> -> memref<80xi32, #tpu.memory_space<vmem>>
          %dma_start3A_284 = arith.constant 0 : i32
          %dma_start3A_285 = arith.constant 0 : i32
          %dma_start3A_286 = tpu.memref_slice %arg3[%dma_start3A_284, %dma_start3A_285] : memref<10240x16xf32, #tpu.memory_space<hbm>> -> memref<10240x16xf32, #tpu.memory_space<hbm>>
          tpu.enqueue_indirect_dma source(%dma_start3A_286 : memref<10240x16xf32, #tpu.memory_space<hbm>>) target(%dma_start3A_282 : memref<80x16xf32, #tpu.memory_space<vmem>>) offsets(%dma_start3A_283 : memref<80xi32, #tpu.memory_space<vmem>>) semaphore(%arg22 : memref<!tpu.dma_semaphore, #tpu.memory_space<semaphore_mem>>)
        } else {
        }
      } else {
      }
    }
    %scan3A_147 = arith.constant 42 : i32
    %dma_wait3A_148 = arith.constant 0 : i32
    %dma_wait3A_149 = arith.constant 0 : i32
    %dma_wait3A_150 = arith.constant 0 : i32
    %dma_wait3A_151 = tpu.memref_slice %arg12[%dma_wait3A_148, %dma_wait3A_149, %dma_wait3A_150] : memref<3x80x80xf32, #tpu.memory_space<vmem>> -> memref<1x80x80xf32, #tpu.memory_space<vmem>>
    %dma_wait3A_152 = tpu.memref_squeeze %dma_wait3A_151 : memref<1x80x80xf32, #tpu.memory_space<vmem>> -> memref<80x80xf32, #tpu.memory_space<vmem>>
    %dma_wait3A_153 = arith.constant 0 : i32
    %dma_wait3A_154 = tpu.memref_slice %arg9[%dma_wait3A_153] : memref<10000xi32, #tpu.memory_space<vmem>> -> memref<80xi32, #tpu.memory_space<vmem>>
    %dma_wait3A_155 = arith.constant 0 : i32
    %dma_wait3A_156 = arith.constant 0 : i32
    %dma_wait3A_157 = tpu.memref_slice %arg15[%dma_wait3A_155, %dma_wait3A_156] : memref<10240x80xf32, #tpu.memory_space<vmem_shared>> -> memref<10240x80xf32, #tpu.memory_space<vmem_shared>>
    tpu.wait_indirect_dma semaphore(%arg23 : memref<!tpu.dma_semaphore, #tpu.memory_space<semaphore_mem>>) src(%dma_wait3A_152 : memref<80x80xf32, #tpu.memory_space<vmem>>) dst(%dma_wait3A_157 : memref<10240x80xf32, #tpu.memory_space<vmem_shared>>)
    %dma_wait3A_158 = arith.constant 1 : i32
    %dma_wait3A_159 = arith.constant 0 : i32
    %dma_wait3A_160 = arith.constant 0 : i32
    %dma_wait3A_161 = tpu.memref_slice %arg12[%dma_wait3A_158, %dma_wait3A_159, %dma_wait3A_160] : memref<3x80x80xf32, #tpu.memory_space<vmem>> -> memref<1x80x80xf32, #tpu.memory_space<vmem>>
    %dma_wait3A_162 = tpu.memref_squeeze %dma_wait3A_161 : memref<1x80x80xf32, #tpu.memory_space<vmem>> -> memref<80x80xf32, #tpu.memory_space<vmem>>
    %dma_wait3A_163 = arith.constant 0 : i32
    %dma_wait3A_164 = tpu.memref_slice %arg9[%dma_wait3A_163] : memref<10000xi32, #tpu.memory_space<vmem>> -> memref<80xi32, #tpu.memory_space<vmem>>
    %dma_wait3A_165 = arith.constant 0 : i32
    %dma_wait3A_166 = arith.constant 0 : i32
    %dma_wait3A_167 = tpu.memref_slice %arg15[%dma_wait3A_165, %dma_wait3A_166] : memref<10240x80xf32, #tpu.memory_space<vmem_shared>> -> memref<10240x80xf32, #tpu.memory_space<vmem_shared>>
    tpu.wait_indirect_dma semaphore(%arg24 : memref<!tpu.dma_semaphore, #tpu.memory_space<semaphore_mem>>) src(%dma_wait3A_162 : memref<80x80xf32, #tpu.memory_space<vmem>>) dst(%dma_wait3A_167 : memref<10240x80xf32, #tpu.memory_space<vmem_shared>>)
    %dma_wait3A_168 = arith.constant 2 : i32
    %dma_wait3A_169 = arith.constant 0 : i32
    %dma_wait3A_170 = arith.constant 0 : i32
    %dma_wait3A_171 = tpu.memref_slice %arg12[%dma_wait3A_168, %dma_wait3A_169, %dma_wait3A_170] : memref<3x80x80xf32, #tpu.memory_space<vmem>> -> memref<1x80x80xf32, #tpu.memory_space<vmem>>
    %dma_wait3A_172 = tpu.memref_squeeze %dma_wait3A_171 : memref<1x80x80xf32, #tpu.memory_space<vmem>> -> memref<80x80xf32, #tpu.memory_space<vmem>>
    %dma_wait3A_173 = arith.constant 0 : i32
    %dma_wait3A_174 = tpu.memref_slice %arg9[%dma_wait3A_173] : memref<10000xi32, #tpu.memory_space<vmem>> -> memref<80xi32, #tpu.memory_space<vmem>>
    %dma_wait3A_175 = arith.constant 0 : i32
    %dma_wait3A_176 = arith.constant 0 : i32
    %dma_wait3A_177 = tpu.memref_slice %arg15[%dma_wait3A_175, %dma_wait3A_176] : memref<10240x80xf32, #tpu.memory_space<vmem_shared>> -> memref<10240x80xf32, #tpu.memory_space<vmem_shared>>
    tpu.wait_indirect_dma semaphore(%arg25 : memref<!tpu.dma_semaphore, #tpu.memory_space<semaphore_mem>>) src(%dma_wait3A_172 : memref<80x80xf32, #tpu.memory_space<vmem>>) dst(%dma_wait3A_177 : memref<10240x80xf32, #tpu.memory_space<vmem_shared>>)
    %barrier3A_178 = arith.constant 0 : index
    tpu.barrier barrier_id(%barrier3A_178)
    %scan3A_179 = arith.constant 0 : i32
    %scan3A_180 = arith.constant 0 : i32
    %scan3A_181 = arith.constant 10 : i32
    %scan3A_182 = arith.addi %scan3A_180, %scan3A_181 : i32
    %scan3A_183 = arith.constant 1 : i32
    scf.for %scan3A_191 = %scan3A_180 to %scan3A_182 step %scan3A_183  : i32 {
      %mul3A_192 = arith.constant 64 : i32
      %mul3A_193 = arith.muli %scan3A_191, %mul3A_192 : i32
      %add3A_194 = arith.addi %mul3A_2, %mul3A_193 : i32
      %mul3A_195 = arith.constant 64 : i32
      %mul3A_196 = arith.muli %scan3A_191, %mul3A_195 : i32
      %add3A_197 = arith.addi %mul3A_2, %mul3A_196 : i32
      %dma_start3A_198 = arith.constant 0 : i32
      %dma_start3A_199 = tpu.memref_slice %arg7[%arg0, %add3A_197, %dma_start3A_198] : memref<2x10240x80xf32, #tpu.memory_space<hbm>> -> memref<1x64x80xf32, #tpu.memory_space<hbm>>
      %dma_start3A_200 = tpu.memref_squeeze %dma_start3A_199 : memref<1x64x80xf32, #tpu.memory_space<hbm>> -> memref<64x80xf32, #tpu.memory_space<hbm>>
      %dma_start3A_201 = arith.constant 0 : i32
      %dma_start3A_202 = tpu.memref_slice %arg15[%add3A_194, %dma_start3A_201] : memref<10240x80xf32, #tpu.memory_space<vmem_shared>> -> memref<64x80xf32, #tpu.memory_space<vmem_shared>>
      tpu.enqueue_dma source(%dma_start3A_202 : memref<64x80xf32, #tpu.memory_space<vmem_shared>>) target(%dma_start3A_200 : memref<64x80xf32, #tpu.memory_space<hbm>>) target_semaphore(%arg26 : memref<!tpu.dma_semaphore, #tpu.memory_space<semaphore_mem>>)
    }
    %scan3A_184 = arith.constant 10 : i32
    %scan3A_185 = arith.constant 0 : i32
    %scan3A_186 = arith.constant 0 : i32
    %scan3A_187 = arith.constant 10 : i32
    %scan3A_188 = arith.addi %scan3A_186, %scan3A_187 : i32
    %scan3A_189 = arith.constant 1 : i32
    scf.for %scan3A_191 = %scan3A_186 to %scan3A_188 step %scan3A_189  : i32 {
      %mul3A_192 = arith.constant 64 : i32
      %mul3A_193 = arith.muli %scan3A_191, %mul3A_192 : i32
      %add3A_194 = arith.addi %mul3A_2, %mul3A_193 : i32
      %mul3A_195 = arith.constant 64 : i32
      %mul3A_196 = arith.muli %scan3A_191, %mul3A_195 : i32
      %add3A_197 = arith.addi %mul3A_2, %mul3A_196 : i32
      %dma_wait3A_198 = arith.constant 0 : i32
      %dma_wait3A_199 = tpu.memref_slice %arg7[%arg0, %add3A_197, %dma_wait3A_198] : memref<2x10240x80xf32, #tpu.memory_space<hbm>> -> memref<1x64x80xf32, #tpu.memory_space<hbm>>
      %dma_wait3A_200 = tpu.memref_squeeze %dma_wait3A_199 : memref<1x64x80xf32, #tpu.memory_space<hbm>> -> memref<64x80xf32, #tpu.memory_space<hbm>>
      %dma_wait3A_201 = arith.constant 0 : i32
      %dma_wait3A_202 = tpu.memref_slice %arg15[%add3A_194, %dma_wait3A_201] : memref<10240x80xf32, #tpu.memory_space<vmem_shared>> -> memref<64x80xf32, #tpu.memory_space<vmem_shared>>
      tpu.wait_dma2 semaphore(%arg26 : memref<!tpu.dma_semaphore, #tpu.memory_space<semaphore_mem>>) src(%dma_wait3A_202 : memref<64x80xf32, #tpu.memory_space<vmem_shared>>) dst(%dma_wait3A_200 : memref<64x80xf32, #tpu.memory_space<hbm>>)
    }
    %scan3A_190 = arith.constant 10 : i32
    return
  }
}

module attributes {stable_mosaic.version = 14 : i64} {
  func.func @_prep1_body(%arg0: memref<10240x128xf32, #tpu.memory_space<vmem>>, %arg1: memref<128x64xf32, #tpu.memory_space<vmem>>, %arg2: memref<64x1xf32, #tpu.memory_space<vmem>>, %arg3: memref<64x1xf32, #tpu.memory_space<vmem>>, %arg4: memref<64x8xf32, #tpu.memory_space<vmem>>, %arg5: memref<10240x80xf32, #tpu.memory_space<vmem>>, %arg6: memref<10240x16xf32, #tpu.memory_space<vmem>>, %arg7: memref<1x16xf32, #tpu.memory_space<vmem>>) attributes {dimension_semantics = [], scalar_prefetch = 0 : i64, scratch_operands = 0 : i64, tpu.core_type = #tpu.core_type<tc>} {
    %get3A = arith.constant 0 : index
    %get3A_0 = arith.constant 0 : index
    %get3A_1 = vector.load %arg0[%get3A, %get3A_0] : memref<10240x128xf32, #tpu.memory_space<vmem>>, vector<10240x128xf32>
    %get3A_2 = arith.constant 0 : index
    %get3A_3 = arith.constant 0 : index
    %get3A_4 = vector.load %arg1[%get3A_2, %get3A_3] : memref<128x64xf32, #tpu.memory_space<vmem>>, vector<128x64xf32>
    %dot_general3A = arith.constant dense<0.000000e+00> : vector<10240x64xf32>
    %dot_general3A_5 = tpu.matmul %get3A_1, %get3A_4, %dot_general3A {dimension_numbers = #tpu.dot_dimension_numbers<[1], [0], [0], [1], [0, 0, 1, 1], [], []>, transpose_lhs_hint = false} : vector<10240x128xf32>, vector<128x64xf32>, vector<10240x64xf32> -> vector<10240x64xf32>
    %get3A_6 = arith.constant 0 : index
    %get3A_7 = arith.constant 0 : index
    %get3A_8 = vector.load %arg4[%get3A_6, %get3A_7] : memref<64x8xf32, #tpu.memory_space<vmem>>, vector<64x8xf32>
    %get3A_9 = arith.constant 0 : index
    %get3A_10 = arith.constant 0 : index
    %get3A_11 = vector.load %arg2[%get3A_9, %get3A_10] : memref<64x1xf32, #tpu.memory_space<vmem>>, vector<64x1xf32>
    %mul3A = vector.broadcast %get3A_11 : vector<64x1xf32> to vector<64x8xf32>
    %mul3A_12 = arith.mulf %mul3A, %get3A_8 : vector<64x8xf32>
    %dot_general3A_13 = arith.constant dense<0.000000e+00> : vector<10240x8xf32>
    %dot_general3A_14 = tpu.matmul %dot_general3A_5, %mul3A_12, %dot_general3A_13 {dimension_numbers = #tpu.dot_dimension_numbers<[1], [0], [0], [1], [0, 0, 1, 1], [], []>, transpose_lhs_hint = false} : vector<10240x64xf32>, vector<64x8xf32>, vector<10240x8xf32> -> vector<10240x8xf32>
    %get3A_15 = arith.constant 0 : index
    %get3A_16 = arith.constant 0 : index
    %get3A_17 = vector.load %arg3[%get3A_15, %get3A_16] : memref<64x1xf32, #tpu.memory_space<vmem>>, vector<64x1xf32>
    %mul3A_18 = vector.broadcast %get3A_17 : vector<64x1xf32> to vector<64x8xf32>
    %mul3A_19 = arith.mulf %mul3A_18, %get3A_8 : vector<64x8xf32>
    %dot_general3A_20 = arith.constant dense<0.000000e+00> : vector<10240x8xf32>
    %dot_general3A_21 = tpu.matmul %dot_general3A_5, %mul3A_19, %dot_general3A_20 {dimension_numbers = #tpu.dot_dimension_numbers<[1], [0], [0], [1], [0, 0, 1, 1], [], []>, transpose_lhs_hint = false} : vector<10240x64xf32>, vector<64x8xf32>, vector<10240x8xf32> -> vector<10240x8xf32>
    %broadcast_in_dim3A = arith.constant 0.000000e+00 : f32
    %broadcast_in_dim3A_22 = vector.broadcast %broadcast_in_dim3A : f32 to vector<10240x8xf32>
    %concatenate3A = tpu.concatenate %dot_general3A_14, %dot_general3A_5, %broadcast_in_dim3A_22 in 1 : vector<10240x8xf32>, vector<10240x64xf32>, vector<10240x8xf32> -> vector<10240x80xf32>
    %swap3A = arith.constant 0 : index
    %swap3A_23 = arith.constant 0 : index
    %swap3A_24 = vector.load %arg5[%swap3A, %swap3A_23] : memref<10240x80xf32, #tpu.memory_space<vmem>>, vector<10240x80xf32>
    tpu.vector_store %arg5[%swap3A, %swap3A_23], %concatenate3A {strides = array<i32>} : memref<10240x80xf32, #tpu.memory_space<vmem>>, vector<10240x80xf32>,
    %broadcast_in_dim3A_25 = arith.constant 0.000000e+00 : f32
    %broadcast_in_dim3A_26 = vector.broadcast %broadcast_in_dim3A_25 : f32 to vector<10240x8xf32>
    %concatenate3A_27 = tpu.concatenate %dot_general3A_21, %broadcast_in_dim3A_26 in 1 : vector<10240x8xf32>, vector<10240x8xf32> -> vector<10240x16xf32>
    %swap3A_28 = arith.constant 0 : index
    %swap3A_29 = arith.constant 0 : index
    %swap3A_30 = vector.load %arg6[%swap3A_28, %swap3A_29] : memref<10240x16xf32, #tpu.memory_space<vmem>>, vector<10240x16xf32>
    tpu.vector_store %arg6[%swap3A_28, %swap3A_29], %concatenate3A_27 {strides = array<i32>} : memref<10240x16xf32, #tpu.memory_space<vmem>>, vector<10240x16xf32>,
    %reduce_max3A = arith.constant dense<0xFF800000> : vector<8xf32>
    %reduce_max3A_31 = vector.multi_reduction <maximumf>, %dot_general3A_14, %reduce_max3A [0] : vector<10240x8xf32> to vector<8xf32>
    %broadcast_in_dim3A_32 = vector.shape_cast %reduce_max3A_31 : vector<8xf32> to vector<1x8xf32>
    %reduce_max3A_33 = arith.constant dense<0xFF800000> : vector<8xf32>
    %reduce_max3A_34 = vector.multi_reduction <maximumf>, %dot_general3A_21, %reduce_max3A_33 [0] : vector<10240x8xf32> to vector<8xf32>
    %broadcast_in_dim3A_35 = vector.shape_cast %reduce_max3A_34 : vector<8xf32> to vector<1x8xf32>
    %add3A = arith.addf %broadcast_in_dim3A_32, %broadcast_in_dim3A_35 : vector<1x8xf32>
    %gt3A = arith.constant 0.000000e+00 : f32
    %gt3A_36 = vector.broadcast %gt3A : f32 to vector<1x8xf32>
    %gt3A_37 = arith.cmpf ogt, %add3A, %gt3A_36 : vector<1x8xf32>
    %mul3A_38 = arith.constant 2.000000e-01 : f32
    %mul3A_39 = vector.broadcast %mul3A_38 : f32 to vector<1x8xf32>
    %mul3A_40 = arith.mulf %mul3A_39, %add3A : vector<1x8xf32>
    %select_n3A = arith.select %gt3A_37, %add3A, %mul3A_40 : vector<1x8xi1>, vector<1x8xf32>
    %concatenate3A_41 = tpu.concatenate %select_n3A, %select_n3A in 1 : vector<1x8xf32>, vector<1x8xf32> -> vector<1x16xf32>
    %swap3A_42 = arith.constant 0 : index
    %swap3A_43 = arith.constant 0 : index
    %swap3A_44 = vector.load %arg7[%swap3A_42, %swap3A_43] : memref<1x16xf32, #tpu.memory_space<vmem>>, vector<1x16xf32>
    tpu.vector_store %arg7[%swap3A_42, %swap3A_43], %concatenate3A_41 {strides = array<i32>} : memref<1x16xf32, #tpu.memory_space<vmem>>, vector<1x16xf32>,
    return
  }
}

module attributes {stable_mosaic.version = 14 : i64} {
  func.func @_prep2_body(%arg0: memref<2x10240x80xf32, #tpu.memory_space<vmem>>, %arg1: memref<10240x80xf32, #tpu.memory_space<vmem>>, %arg2: memref<10240x16xf32, #tpu.memory_space<vmem>>, %arg3: memref<1x16xf32, #tpu.memory_space<vmem>>, %arg4: memref<1x64xf32, #tpu.memory_space<vmem>>, %arg5: memref<64x64xf32, #tpu.memory_space<vmem>>, %arg6: memref<64x1xf32, #tpu.memory_space<vmem>>, %arg7: memref<64x1xf32, #tpu.memory_space<vmem>>, %arg8: memref<8x64xf32, #tpu.memory_space<vmem>>, %arg9: memref<10240x80xf32, #tpu.memory_space<vmem>>, %arg10: memref<10240x16xf32, #tpu.memory_space<vmem>>, %arg11: memref<1x16xf32, #tpu.memory_space<vmem>>) attributes {dimension_semantics = [], scalar_prefetch = 0 : i64, scratch_operands = 0 : i64, tpu.core_type = #tpu.core_type<tc>} {
    %get3A = arith.constant 0 : index
    %get3A_0 = arith.constant 0 : index
    %get3A_1 = vector.load %arg1[%get3A, %get3A_0] : memref<10240x80xf32, #tpu.memory_space<vmem>>, vector<10240x80xf32>
    %slice3A = vector.extract_strided_slice %get3A_1 {offsets = [0, 0], sizes = [10240, 8], strides = [1, 1]} : vector<10240x80xf32> to vector<10240x8xf32>
    %get3A_2 = arith.constant 0 : index
    %get3A_3 = arith.constant 0 : index
    %get3A_4 = vector.load %arg2[%get3A_2, %get3A_3] : memref<10240x16xf32, #tpu.memory_space<vmem>>, vector<10240x16xf32>
    %slice3A_5 = vector.extract_strided_slice %get3A_4 {offsets = [0, 0], sizes = [10240, 8], strides = [1, 1]} : vector<10240x16xf32> to vector<10240x8xf32>
    %add3A = arith.addf %slice3A, %slice3A_5 : vector<10240x8xf32>
    %mul3A = arith.constant 2.000000e-01 : f32
    %mul3A_6 = vector.broadcast %mul3A : f32 to vector<10240x8xf32>
    %mul3A_7 = arith.mulf %mul3A_6, %add3A : vector<10240x8xf32>
    %max3A = arith.maximumf %add3A, %mul3A_7 : vector<10240x8xf32>
    %get3A_8 = arith.constant 0 : index
    %get3A_9 = arith.constant 0 : index
    %get3A_10 = vector.load %arg3[%get3A_8, %get3A_9] : memref<1x16xf32, #tpu.memory_space<vmem>>, vector<1x16xf32>
    %slice3A_11 = vector.extract_strided_slice %get3A_10 {offsets = [0, 0], sizes = [1, 8], strides = [1, 1]} : vector<1x16xf32> to vector<1x8xf32>
    %sub3A = vector.broadcast %slice3A_11 : vector<1x8xf32> to vector<10240x8xf32>
    %sub3A_12 = arith.subf %max3A, %sub3A : vector<10240x8xf32>
    %exp3A = math.exp %sub3A_12 : vector<10240x8xf32>
    %get3A_13 = arith.constant 0 : index
    %get3A_14 = arith.constant 0 : index
    %get3A_15 = arith.constant 0 : index
    %get3A_16 = vector.load %arg0[%get3A_13, %get3A_14, %get3A_15] : memref<2x10240x80xf32, #tpu.memory_space<vmem>>, vector<1x10240x80xf32>
    %get3A_17 = vector.shape_cast %get3A_16 : vector<1x10240x80xf32> to vector<10240x80xf32>
    %get3A_18 = arith.constant 1 : index
    %get3A_19 = arith.constant 0 : index
    %get3A_20 = arith.constant 0 : index
    %get3A_21 = vector.load %arg0[%get3A_18, %get3A_19, %get3A_20] : memref<2x10240x80xf32, #tpu.memory_space<vmem>>, vector<1x10240x80xf32>
    %get3A_22 = vector.shape_cast %get3A_21 : vector<1x10240x80xf32> to vector<10240x80xf32>
    %add3A_23 = arith.addf %get3A_17, %get3A_22 : vector<10240x80xf32>
    %slice3A_24 = vector.extract_strided_slice %add3A_23 {offsets = [0, 0], sizes = [10240, 8], strides = [1, 1]} : vector<10240x80xf32> to vector<10240x8xf32>
    %add3A_25 = arith.addf %slice3A_24, %exp3A : vector<10240x8xf32>
    %get3A_26 = arith.constant 0 : index
    %get3A_27 = arith.constant 0 : index
    %get3A_28 = vector.load %arg8[%get3A_26, %get3A_27] : memref<8x64xf32, #tpu.memory_space<vmem>>, vector<8x64xf32>
    %slice3A_29 = vector.extract_strided_slice %add3A_23 {offsets = [0, 8], sizes = [10240, 64], strides = [1, 1]} : vector<10240x80xf32> to vector<10240x64xf32>
    %dot_general3A = arith.constant dense<0.000000e+00> : vector<10240x64xf32>
    %dot_general3A_30 = tpu.matmul %exp3A, %get3A_28, %dot_general3A {dimension_numbers = #tpu.dot_dimension_numbers<[1], [0], [0], [1], [0, 0, 1, 1], [], []>, transpose_lhs_hint = false} : vector<10240x8xf32>, vector<8x64xf32>, vector<10240x64xf32> -> vector<10240x64xf32>
    %slice3A_31 = vector.extract_strided_slice %get3A_1 {offsets = [0, 8], sizes = [10240, 64], strides = [1, 1]} : vector<10240x80xf32> to vector<10240x64xf32>
    %mul3A_32 = arith.mulf %dot_general3A_30, %slice3A_31 : vector<10240x64xf32>
    %add3A_33 = arith.addf %slice3A_29, %mul3A_32 : vector<10240x64xf32>
    %dot_general3A_34 = arith.constant dense<0.000000e+00> : vector<10240x64xf32>
    %dot_general3A_35 = tpu.matmul %add3A_25, %get3A_28, %dot_general3A_34 {dimension_numbers = #tpu.dot_dimension_numbers<[1], [0], [0], [1], [0, 0, 1, 1], [], []>, transpose_lhs_hint = false} : vector<10240x8xf32>, vector<8x64xf32>, vector<10240x64xf32> -> vector<10240x64xf32>
    %add3A_36 = arith.constant 1.000000e-16 : f32
    %add3A_37 = vector.broadcast %add3A_36 : f32 to vector<10240x64xf32>
    %add3A_38 = arith.addf %dot_general3A_35, %add3A_37 : vector<10240x64xf32>
    %div3A = arith.divf %add3A_33, %add3A_38 : vector<10240x64xf32>
    %get3A_39 = arith.constant 0 : index
    %get3A_40 = arith.constant 0 : index
    %get3A_41 = vector.load %arg4[%get3A_39, %get3A_40] : memref<1x64xf32, #tpu.memory_space<vmem>>, vector<1x64xf32>
    %add3A_42 = vector.broadcast %get3A_41 : vector<1x64xf32> to vector<10240x64xf32>
    %add3A_43 = arith.addf %div3A, %add3A_42 : vector<10240x64xf32>
    %gt3A = arith.constant 0.000000e+00 : f32
    %gt3A_44 = vector.broadcast %gt3A : f32 to vector<10240x64xf32>
    %gt3A_45 = arith.cmpf ogt, %add3A_43, %gt3A_44 : vector<10240x64xf32>
    %exp3A_46 = math.exp %add3A_43 : vector<10240x64xf32>
    %sub3A_47 = arith.constant 1.000000e+00 : f32
    %sub3A_48 = vector.broadcast %sub3A_47 : f32 to vector<10240x64xf32>
    %sub3A_49 = arith.subf %exp3A_46, %sub3A_48 : vector<10240x64xf32>
    %select_n3A = arith.select %gt3A_45, %add3A_43, %sub3A_49 : vector<10240x64xi1>, vector<10240x64xf32>
    %get3A_50 = arith.constant 0 : index
    %get3A_51 = arith.constant 0 : index
    %get3A_52 = vector.load %arg5[%get3A_50, %get3A_51] : memref<64x64xf32, #tpu.memory_space<vmem>>, vector<64x64xf32>
    %dot_general3A_53 = arith.constant dense<0.000000e+00> : vector<10240x64xf32>
    %dot_general3A_54 = tpu.matmul %select_n3A, %get3A_52, %dot_general3A_53 {dimension_numbers = #tpu.dot_dimension_numbers<[1], [0], [0], [1], [0, 0, 1, 1], [], []>, transpose_lhs_hint = false} : vector<10240x64xf32>, vector<64x64xf32>, vector<10240x64xf32> -> vector<10240x64xf32>
    %get3A_55 = arith.constant 0 : index
    %get3A_56 = arith.constant 0 : index
    %get3A_57 = vector.load %arg6[%get3A_55, %get3A_56] : memref<64x1xf32, #tpu.memory_space<vmem>>, vector<64x1xf32>
    %dot_general3A_58 = arith.constant dense<0.000000e+00> : vector<10240x1xf32>
    %dot_general3A_59 = tpu.matmul %dot_general3A_54, %get3A_57, %dot_general3A_58 {dimension_numbers = #tpu.dot_dimension_numbers<[1], [0], [0], [1], [0, 0, 1, 1], [], []>, transpose_lhs_hint = false} : vector<10240x64xf32>, vector<64x1xf32>, vector<10240x1xf32> -> vector<10240x1xf32>
    %get3A_60 = arith.constant 0 : index
    %get3A_61 = arith.constant 0 : index
    %get3A_62 = vector.load %arg7[%get3A_60, %get3A_61] : memref<64x1xf32, #tpu.memory_space<vmem>>, vector<64x1xf32>
    %dot_general3A_63 = arith.constant dense<0.000000e+00> : vector<10240x1xf32>
    %dot_general3A_64 = tpu.matmul %dot_general3A_54, %get3A_62, %dot_general3A_63 {dimension_numbers = #tpu.dot_dimension_numbers<[1], [0], [0], [1], [0, 0, 1, 1], [], []>, transpose_lhs_hint = false} : vector<10240x64xf32>, vector<64x1xf32>, vector<10240x1xf32> -> vector<10240x1xf32>
    %broadcast_in_dim3A = arith.constant 0.000000e+00 : f32
    %broadcast_in_dim3A_65 = vector.broadcast %broadcast_in_dim3A : f32 to vector<10240x15xf32>
    %concatenate3A = tpu.concatenate %dot_general3A_59, %dot_general3A_54, %broadcast_in_dim3A_65 in 1 : vector<10240x1xf32>, vector<10240x64xf32>, vector<10240x15xf32> -> vector<10240x80xf32>
    %swap3A = arith.constant 0 : index
    %swap3A_66 = arith.constant 0 : index
    %swap3A_67 = vector.load %arg9[%swap3A, %swap3A_66] : memref<10240x80xf32, #tpu.memory_space<vmem>>, vector<10240x80xf32>
    tpu.vector_store %arg9[%swap3A, %swap3A_66], %concatenate3A {strides = array<i32>} : memref<10240x80xf32, #tpu.memory_space<vmem>>, vector<10240x80xf32>,
    %broadcast_in_dim3A_68 = arith.constant 0.000000e+00 : f32
    %broadcast_in_dim3A_69 = vector.broadcast %broadcast_in_dim3A_68 : f32 to vector<10240x15xf32>
    %concatenate3A_70 = tpu.concatenate %dot_general3A_64, %broadcast_in_dim3A_69 in 1 : vector<10240x1xf32>, vector<10240x15xf32> -> vector<10240x16xf32>
    %swap3A_71 = arith.constant 0 : index
    %swap3A_72 = arith.constant 0 : index
    %swap3A_73 = vector.load %arg10[%swap3A_71, %swap3A_72] : memref<10240x16xf32, #tpu.memory_space<vmem>>, vector<10240x16xf32>
    tpu.vector_store %arg10[%swap3A_71, %swap3A_72], %concatenate3A_70 {strides = array<i32>} : memref<10240x16xf32, #tpu.memory_space<vmem>>, vector<10240x16xf32>,
    %reduce_max3A = arith.constant dense<0xFF800000> : vector<1xf32>
    %reduce_max3A_74 = vector.multi_reduction <maximumf>, %dot_general3A_59, %reduce_max3A [0] : vector<10240x1xf32> to vector<1xf32>
    %broadcast_in_dim3A_75 = vector.shape_cast %reduce_max3A_74 : vector<1xf32> to vector<1x1xf32>
    %reduce_max3A_76 = arith.constant dense<0xFF800000> : vector<1xf32>
    %reduce_max3A_77 = vector.multi_reduction <maximumf>, %dot_general3A_64, %reduce_max3A_76 [0] : vector<10240x1xf32> to vector<1xf32>
    %broadcast_in_dim3A_78 = vector.shape_cast %reduce_max3A_77 : vector<1xf32> to vector<1x1xf32>
    %add3A_79 = arith.addf %broadcast_in_dim3A_75, %broadcast_in_dim3A_78 : vector<1x1xf32>
    %gt3A_80 = arith.constant 0.000000e+00 : f32
    %gt3A_81 = vector.broadcast %gt3A_80 : f32 to vector<1x1xf32>
    %gt3A_82 = arith.cmpf ogt, %add3A_79, %gt3A_81 : vector<1x1xf32>
    %mul3A_83 = arith.constant 2.000000e-01 : f32
    %mul3A_84 = vector.broadcast %mul3A_83 : f32 to vector<1x1xf32>
    %mul3A_85 = arith.mulf %mul3A_84, %add3A_79 : vector<1x1xf32>
    %select_n3A_86 = arith.select %gt3A_82, %add3A_79, %mul3A_85 : vector<1x1xi1>, vector<1x1xf32>
    %broadcast_in_dim3A_87 = vector.shape_cast %select_n3A_86 : vector<1x1xf32> to vector<1x1xf32>
    %broadcast_in_dim3A_88 = vector.broadcast %broadcast_in_dim3A_87 : vector<1x1xf32> to vector<1x16xf32>
    %swap3A_89 = arith.constant 0 : index
    %swap3A_90 = arith.constant 0 : index
    %swap3A_91 = vector.load %arg11[%swap3A_89, %swap3A_90] : memref<1x16xf32, #tpu.memory_space<vmem>>, vector<1x16xf32>
    tpu.vector_store %arg11[%swap3A_89, %swap3A_90], %broadcast_in_dim3A_88 {strides = array<i32>} : memref<1x16xf32, #tpu.memory_space<vmem>>, vector<1x16xf32>,
    return
  }
}

module attributes {stable_mosaic.version = 14 : i64} {
  func.func @_final_body(%arg0: memref<2x10240x80xf32, #tpu.memory_space<vmem>>, %arg1: memref<10240x80xf32, #tpu.memory_space<vmem>>, %arg2: memref<10240x16xf32, #tpu.memory_space<vmem>>, %arg3: memref<1x16xf32, #tpu.memory_space<vmem>>, %arg4: memref<1x64xf32, #tpu.memory_space<vmem>>, %arg5: memref<10000x64xf32, #tpu.memory_space<vmem>>) attributes {dimension_semantics = [], scalar_prefetch = 0 : i64, scratch_operands = 0 : i64, tpu.core_type = #tpu.core_type<tc>} {
    %get3A = arith.constant 0 : index
    %get3A_0 = arith.constant 0 : index
    %get3A_1 = vector.load %arg1[%get3A, %get3A_0] : memref<10240x80xf32, #tpu.memory_space<vmem>>, vector<10240x80xf32>
    %slice3A = vector.extract_strided_slice %get3A_1 {offsets = [0, 0], sizes = [10000, 1], strides = [1, 1]} : vector<10240x80xf32> to vector<10000x1xf32>
    %get3A_2 = arith.constant 0 : index
    %get3A_3 = arith.constant 0 : index
    %get3A_4 = vector.load %arg2[%get3A_2, %get3A_3] : memref<10240x16xf32, #tpu.memory_space<vmem>>, vector<10240x16xf32>
    %slice3A_5 = vector.extract_strided_slice %get3A_4 {offsets = [0, 0], sizes = [10000, 1], strides = [1, 1]} : vector<10240x16xf32> to vector<10000x1xf32>
    %add3A = arith.addf %slice3A, %slice3A_5 : vector<10000x1xf32>
    %mul3A = arith.constant 2.000000e-01 : f32
    %mul3A_6 = vector.broadcast %mul3A : f32 to vector<10000x1xf32>
    %mul3A_7 = arith.mulf %mul3A_6, %add3A : vector<10000x1xf32>
    %max3A = arith.maximumf %add3A, %mul3A_7 : vector<10000x1xf32>
    %get3A_8 = arith.constant 0 : index
    %get3A_9 = arith.constant 0 : index
    %get3A_10 = vector.load %arg3[%get3A_8, %get3A_9] : memref<1x16xf32, #tpu.memory_space<vmem>>, vector<1x16xf32>
    %slice3A_11 = vector.extract_strided_slice %get3A_10 {offsets = [0, 0], sizes = [1, 1], strides = [1, 1]} : vector<1x16xf32> to vector<1x1xf32>
    %sub3A = vector.broadcast %slice3A_11 : vector<1x1xf32> to vector<10000x1xf32>
    %sub3A_12 = arith.subf %max3A, %sub3A : vector<10000x1xf32>
    %exp3A = math.exp %sub3A_12 : vector<10000x1xf32>
    %get3A_13 = arith.constant 0 : index
    %get3A_14 = arith.constant 0 : index
    %get3A_15 = arith.constant 0 : index
    %get3A_16 = vector.load %arg0[%get3A_13, %get3A_14, %get3A_15] : memref<2x10240x80xf32, #tpu.memory_space<vmem>>, vector<1x10240x80xf32>
    %get3A_17 = vector.shape_cast %get3A_16 : vector<1x10240x80xf32> to vector<10240x80xf32>
    %get3A_18 = arith.constant 1 : index
    %get3A_19 = arith.constant 0 : index
    %get3A_20 = arith.constant 0 : index
    %get3A_21 = vector.load %arg0[%get3A_18, %get3A_19, %get3A_20] : memref<2x10240x80xf32, #tpu.memory_space<vmem>>, vector<1x10240x80xf32>
    %get3A_22 = vector.shape_cast %get3A_21 : vector<1x10240x80xf32> to vector<10240x80xf32>
    %add3A_23 = arith.addf %get3A_17, %get3A_22 : vector<10240x80xf32>
    %slice3A_24 = vector.extract_strided_slice %add3A_23 {offsets = [0, 0], sizes = [10000, 1], strides = [1, 1]} : vector<10240x80xf32> to vector<10000x1xf32>
    %add3A_25 = arith.addf %slice3A_24, %exp3A : vector<10000x1xf32>
    %add3A_26 = arith.constant 1.000000e-16 : f32
    %add3A_27 = vector.broadcast %add3A_26 : f32 to vector<10000x1xf32>
    %add3A_28 = arith.addf %add3A_25, %add3A_27 : vector<10000x1xf32>
    %slice3A_29 = vector.extract_strided_slice %add3A_23 {offsets = [0, 1], sizes = [10000, 64], strides = [1, 1]} : vector<10240x80xf32> to vector<10000x64xf32>
    %slice3A_30 = vector.extract_strided_slice %get3A_1 {offsets = [0, 1], sizes = [10000, 64], strides = [1, 1]} : vector<10240x80xf32> to vector<10000x64xf32>
    %mul3A_31 = vector.broadcast %exp3A : vector<10000x1xf32> to vector<10000x64xf32>
    %mul3A_32 = arith.mulf %mul3A_31, %slice3A_30 : vector<10000x64xf32>
    %add3A_33 = arith.addf %slice3A_29, %mul3A_32 : vector<10000x64xf32>
    %div3A = vector.broadcast %add3A_28 : vector<10000x1xf32> to vector<10000x64xf32>
    %div3A_34 = arith.divf %add3A_33, %div3A : vector<10000x64xf32>
    %get3A_35 = arith.constant 0 : index
    %get3A_36 = arith.constant 0 : index
    %get3A_37 = vector.load %arg4[%get3A_35, %get3A_36] : memref<1x64xf32, #tpu.memory_space<vmem>>, vector<1x64xf32>
    %add3A_38 = vector.broadcast %get3A_37 : vector<1x64xf32> to vector<10000x64xf32>
    %add3A_39 = arith.addf %div3A_34, %add3A_38 : vector<10000x64xf32>
    %swap3A = arith.constant 0 : index
    %swap3A_40 = arith.constant 0 : index
    %swap3A_41 = vector.load %arg5[%swap3A, %swap3A_40] : memref<10000x64xf32, #tpu.memory_space<vmem>>, vector<10000x64xf32>
    tpu.vector_store %arg5[%swap3A, %swap3A_40], %add3A_39 {strides = array<i32>} : memref<10000x64xf32, #tpu.memory_space<vmem>>, vector<10000x64xf32>,
    return
  }
}

</mosaic_0001>

<sc_bundles>
// kernel: kernel.10.cloned.1.call-start
scs
__scs_entry_jumppad:
0x0: {  	(pc) =	sbr.rel $0x88, $3  }
0x1: {  	(tag) =	ssettag $0x0;
	lr =	simm.s32 $0x1  }
0x2: {  	[smem:$0x3F97] =	sst lr;
	_ =	strace $0xD0000000  }
0x3: {  	_ = 	snop  }
0x4: {  	_ = 	snop  }
0x5: {  	_ = 	snop  }
0x6: {  	_ = 	snop  }
0x7: {  	_ = 	snop  }
__scs_overlays_trampoline_lowered:
0x8: {  	[smem:$0x3FA6] =	sst s0  }
0x9: {  	[smem:$0x3FA7] =	sst s1  }
0xa: {  	[smem:$0x3FA8] =	sst s2  }
0xb: {  	[smem:$0x3FA9] =	sst s3  }
0xc: {  	[smem:$0x3FAA] =	sst s4  }
0xd: {  	[smem:$0x3FAB] =	sst s5  }
0xe: {  	[smem:$0x3FAC] =	sst s6  }
0xf: {  	[smem:$0x3FAD] =	sst s7  }
0x10: {  	[smem:$0x3FAE] =	sst s8  }
0x11: {  	[smem:$0x3FAF] =	sst s9;
	s0 =	simm.s32 @!p0 $0x0  }
0x12: {  	s1 =	sld [smem:$0x3F95];
	s0 =	simm.s32 @p0 $0x1  }
0x13: {  	[smem:$0x3FB0] =	sst s0;
	s0 =	simm.s32 @!p1 $0x0  }
0x14: {  	s2 =	sld [smem:$0x3F94];
	s0 =	simm.s32 @p1 $0x1  }
0x15: {  	[smem:$0x3FB1] =	sst s0;
	s0 =	simm.s32 @!p2 $0x0  }
0x16: {  	s3 =	sld [smem:$0x3FDB];
	s0 =	simm.s32 @p2 $0x1  }
0x17: {  	s4 =	simm.s32 $0x1BF5;
	[smem:$0x3FB3] =	sst s0  }
0x18: {  	s0 =	sld [smem:$0x3F96];
	_ =	swait.ge [sflag:s4], $0x0  }
0x19: {  	s7 =	sld [smem:$0x3F97]  }
0x1a: {  	s8 =	sadd.s32 $0xFFFFE003, lr  }
0x1b: {  	s9 =	sadd.s32 $0xFFFFFEF7, lr;
	s5 =	simm.s32 $0xFFFFFFFF;
	p2 =	slt.u32 s8, $0xFFFFF086  }
0x1c: {  	p1 =	slt.u32 s9, $0xF7A;
	s5 =	simm.s32 @!p2 $0x0  }
0x1d: {  	s5 =	simm.s32 @p1 $0x1;
	p0 =	seq.s32 s7, s2  }
0x1e: {  	s7 =	smul.u32 @!p0 $0xF7A, s2;
	p2 =	seq.s32 @!p0 s5, $0x0  }
0x1f: {  	s9 =	smul.u32 $0xF7A, s1;
	s8 =	simm.s32 @!p0 $0x1BF5;
	p2 =	por !p2, p0  }
0x20: {  	[sflag:s8] =	ssyncset.s32 @!p0 $0xFFFFF086;
	s6 =	sadd.s32 @!p0 s3, s7;
	s7 =	simm.s32 @!p0 $0x108  }
0x21: {  	s3 =	sadd.s32 s3, s9;
	s6 =	sadd.s32 @!p0 $0x88, s6;
	s7 =	simm.s32 @p2 $0x1082  }
0x22: {  	[simem:s7], [sflag:s8] =	dma.local @!p0 [hbm:s6], $0xF7A  }
0x23: {  	s9 =	sor.u32 $0xD0000000, s2;
	s6 =	simm.s32 $0x108;
	_ =	swait.ge @!p0 [sflag:s8], $0x0  }
0x24: {  	s3 =	sadd.s32 $0x88, s3;
	s6 =	simm.s32 @!p1 $0x1082;
	[sflag:s4] =	ssyncset.s32 $0xFFFFF086  }
0x25: {  	[simem:s6], [sflag:s4] =	dma.local [hbm:s3], $0xF7A  }
0x26: {  	[smem:$0x3F97] =	sst s1;
	(tag) =	ssettag s2;
	_ =	strace s9  }
0x27: {  	s1 =	sld [smem:$0x3FA7]  }
0x28: {  	s2 =	sld [smem:$0x3FA8]  }
0x29: {  	s4 =	sld [smem:$0x3FAA]  }
0x2a: {  	p0 =	seq.s32 s5, $0x0;
	s5 =	sld [smem:$0x3FAB]  }
0x2b: {  	s6 =	sld [smem:$0x3FAC]  }
0x2c: {  	s7 =	sld [smem:$0x3FAD]  }
0x2d: {  	s3 =	simm.s32 $0x108;
	s8 =	sld [smem:$0x3FAE]  }
0x2e: {  	s3 =	simm.s32 @!p0 $0x1082;
	s9 =	sld [smem:$0x3FAF]  }
0x2f: {  	lr =	sadd.s32 s0, s3;
	s0 =	sld [smem:$0x3FA6]  }
0x30: {  	s3 =	sld [smem:$0x3FA9]  }
0x31: {  	[smem:$0x3FB2] =	sst s10  }
0x32: {  	s10 =	sld [smem:$0x3FB0];
	_ =	sdelay $0x3  }
0x33: {  	p0 =	seq.s32 s10, $0x1;
	s10 =	sld [smem:$0x3FB2];
	_ =	sdelay $0x3  }
0x34: {  	[smem:$0x3FB2] =	sst s10  }
0x35: {  	s10 =	sld [smem:$0x3FB1];
	_ =	sdelay $0x3  }
0x36: {  	p1 =	seq.s32 s10, $0x1;
	s10 =	sld [smem:$0x3FB2];
	_ =	sdelay $0x3  }
0x37: {  	[smem:$0x3FB2] =	sst s10  }
0x38: {  	s10 =	sld [smem:$0x3FB3]  }
0x39: {  	_ = 	snop;
	(pc) =	sbr.ind lr, $3  }
0x3a: {  	_ = 	snop  }
0x3b: {  	_ = 	snop  }
0x3c: {  	p2 =	seq.s32 s10, $0x1;
	s10 =	sld [smem:$0x3FB2]  }
0x3d: {  	_ =	shalt  }
0x3e: {  	_ =	shalt  }
0x3f: {  	_ =	shalt  }
0x40: {  	_ =	shalt  }
0x41: {  	_ =	shalt  }
0x42: {  	_ =	shalt  }
0x43: {  	_ =	shalt  }
0x44: {  	_ =	shalt  }
0x45: {  	_ =	shalt  }
0x46: {  	_ =	shalt  }
0x47: {  	_ =	shalt  }
0x48: {  	_ =	shalt  }
0x49: {  	_ =	shalt  }
0x4a: {  	_ =	shalt  }
0x4b: {  	_ =	shalt  }
0x4c: {  	_ =	shalt  }
0x4d: {  	_ =	shalt  }
0x4e: {  	_ =	shalt  }
0x4f: {  	_ =	shalt  }
0x50: {  	_ =	shalt  }
0x51: {  	_ =	shalt  }
0x52: {  	_ =	shalt  }
0x53: {  	_ =	shalt  }
0x54: {  	_ =	shalt  }
0x55: {  	_ =	shalt  }
0x56: {  	_ =	shalt  }
0x57: {  	_ =	shalt  }
0x58: {  	_ =	shalt  }
0x59: {  	_ =	shalt  }
0x5a: {  	_ =	shalt  }
0x5b: {  	_ =	shalt  }
0x5c: {  	_ =	shalt  }
0x5d: {  	_ =	shalt  }
0x5e: {  	_ =	shalt  }
0x5f: {  	_ =	shalt  }
0x60: {  	_ =	shalt  }
0x61: {  	_ =	shalt  }
0x62: {  	_ =	shalt  }
0x63: {  	_ =	shalt  }
0x64: {  	_ =	shalt  }
0x65: {  	_ =	shalt  }
0x66: {  	_ =	shalt  }
0x67: {  	_ =	shalt  }
0x68: {  	_ =	shalt  }
0x69: {  	_ =	shalt  }
0x6a: {  	_ =	shalt  }
0x6b: {  	_ =	shalt  }
0x6c: {  	_ =	shalt  }
0x6d: {  	_ =	shalt  }
0x6e: {  	_ =	shalt  }
0x6f: {  	_ =	shalt  }
0x70: {  	_ =	shalt  }
0x71: {  	_ =	shalt  }
0x72: {  	_ =	shalt  }
0x73: {  	_ =	shalt  }
0x74: {  	_ =	shalt  }
0x75: {  	_ =	shalt  }
0x76: {  	_ =	shalt  }
0x77: {  	_ =	shalt  }
0x78: {  	_ =	shalt  }
0x79: {  	_ =	shalt  }
0x7a: {  	_ =	shalt  }
0x7b: {  	_ =	shalt  }
0x7c: {  	_ =	shalt  }
0x7d: {  	_ =	shalt  }
0x7e: {  	_ =	shalt  }
0x7f: {  	_ =	shalt  }
0x80: {  	_ =	shalt  }
0x81: {  	_ =	shalt  }
0x82: {  	_ =	shalt  }
0x83: {  	_ =	shalt  }
0x84: {  	_ =	shalt  }
0x85: {  	_ =	shalt  }
0x86: {  	_ =	shalt  }
0x87: {  	_ =	shalt  }
.Lfunc_end0:
.L_simem_size_0:
called_computation.1_lowered:
.L_overlay_start_0:
0x88: {  	s2 =	sld [smem:$0x3FD9]  }
0x89: {  	s3 =	sld [smem:$0x3FFE];
	_ =	sdelay $0x1  }
0x8a: {  	s1 =	srdreg.scid  }
0x8b: {  	s0 =	sand.u32 $0x1, s1  }
0x8c: {  	s17 =	sshll.u32 s0, $0xA;
	s2 =	sadd.s32 s3, s2  }
0x8d: {  	s2 =	sadd.s32 s2, s17  }
0x8e: {  	[smem:$0x3FBE] =	sst s2  }
0x8f: {  	_ = 	snop  }
0x90: {  	s2 =	sld [smem:$0x3FD0];
	(tm) =	ssettm $0x1  }
0x91: {  	s18 =	sld [smem:$0x3FFB];
	_ =	sdelay $0x3  }
0x92: {  	_ =	strace s18  }
0x93: {  	s3 =	sld [smem:$0x3FFC];
	_ =	sdelay $0x3  }
0x94: {  	_ =	strace s3  }
0x95: {  	s3 =	sld [smem:$0x3FFD];
	_ =	sdelay $0x3  }
0x96: {  	_ =	strace s3  }
0x97: {  	_ =	strace $0x8FFFFFFF  }
0x98: {  	s19 =	sld [smem:$0x3FDB];
	_ =	sdelay $0x1  }
0x99: {  	s4 =	simm.s32 $_scs_section_size  }
0x9a: {  	s5 =	simm.s32 $_size__tile_overlayer_lowered;
	s6 =	simm.s32 $_tile_overlayer_lowered  }
0x9b: {  	s22 =	simm.s32 $0x1BFF;
	s21 =	sshll.u32 s6, $0x1;
	s3 =	sadd.s32 s4, s19  }
0x9c: {  	s7 =	simm.s32 $0x0;
	s20 =	sshll.u32 s5, $0x1;
	s5 =	sadd.s32 s21, s3  }
0x9d: {  	[timem:s7], [sflag:s22] =	dma.local [hbm:s5], s20  }
0x9e: {  	_ =	swait.ge [sflag:s22], s20  }
0x9f: {  	s4 =	ssub.s32 $0x0, s20;
	[sflag:s22] =	ssyncset.done $0x0  }
0xa0: {  	[sflag:s22] =	ssyncadd.s32 s4;
	_ =	sdelay $0x1  }
0xa1: {  	s23 =	simm.s32 $0x1B8B  }
0xa2: {  	_ =	swait.ge [sflag:s23], $0x1  }
0xa3: {  	[sflag:s23] =	ssyncset.done $0x0  }
0xa4: {  	s25 =	simm.s32 $0x1B8E;
	s24 =	sld [smem:$0x3FFE];
	[sflag:s23] =	ssyncadd.s32 $0xFFFFFFFF  }
0xa5: {  	s26 =	simm.s32 $execute0_lowered;
	[smem:$0x3FD2] =	sst s25  }
0xa6: {  	s5 =	sshll.u32 s26, $0x1;
	_ =	strace $0x80000049;
	[dreg:$0x1] =	wrdreg $0xFFFFFFFF  }
0xa7: {  	s28 =	simm.s32 $_size_execute0_lowered;
	s3 =	sadd.s32 s3, s5;
	[dreg:$0x0] =	wrdreg $0x0  }
0xa8: {  	s5 =	sshll.u32 s28, $0x1;
	[dreg:$0x2] =	wrdreg s3  }
0xa9: {  	[dreg:$0x3] =	wrdreg s5  }
0xaa: {  	[dreg:$0x4] =	wrdreg $0xC0  }
0xab: {  	_ =	task [dreg:s7], $0x5FFFF  }
0xac: {  	[dreg:$0x1] =	wrdreg $0xFFFFFFFF  }
0xad: {  	[dreg:$0x0] =	wrdreg $0x60  }
0xae: {  	[dreg:$0x2] =	wrdreg s24  }
0xaf: {  	[dreg:$0x3] =	wrdreg s2  }
0xb0: {  	[dreg:$0x4] =	wrdreg $0x107300  }
0xb1: {  	[dreg:$0x5] =	wrdreg $0x9  }
0xb2: {  	_ =	task.clear_ibuf [dreg:s7], $0x6FFFF;
	_ =	strace $0x90000049  }
0xb3: {  	s29 =	simm.s32 $0x9;
	_ =	strace $0x8000004B  }
0xb4: {  	_ =	swait.ge [sflag:s29], $0x1  }
0xb5: {  	[sflag:s29] =	ssyncadd.s32 $0xFFFFFFFF  }
0xb6: {  	_ =	strace $0x9000004B  }
0xb7: {  	_ =	sfence  }
0xb8: {  	s30 =	sld [smem:$0x0];
	_ =	sdelay $0x2  }
0xb9: {  	s31 =	sshll.u32 s1, $0xD;
	s1 =	sshrl.u32 s1, $0x2  }
0xba: {  	s3 =	sand.u32 $0x4000, s31;
	s1 =	sadd.s32 s1, s30  }
0xbb: {  	s0 =	sor.u32 s3, s0;
	s1 =	sshll.u32 s1, $0x11  }
0xbc: {  	s0 =	sor.u32 s1, s0  }
0xbd: {  	s0 =	sadd.s32 $0x8F2B, s0  }
0xbe: {  	[sflag:s0] =	ssyncadd.remote.s32 $0x1  }
0xbf: {  	_ =	sfence.sel $0xFFFF  }
0xc0: {  	[dreg:$0x0] =	wrdreg $0xFFFFFFFF;
	(pc) =	sbr.abs _section_cstart, $3  }
0xc1: {  	[dreg:$0x1] =	wrdreg $0xFFFFFFFF  }
0xc2: {  	_ =	task.clear_ibuf [dreg:s7], $0x2FFFF;
	_ =	strace $0x9FFFFFFF  }
0xc3: {  	(tm) =	ssettm $0x7FFFFFFF  }
tec
execute0_lowered:
.L_overlay_start_1:
0x0: {  	(tag) =	ssettag $0x1  }
0x1: {  	s5 =	rddreg [dreg:$0x0]  }
0x2: {  	s0 =	srdreg.scid;
	s20 =	stileid.u32  }
0x3: {  	s3 =	simm.s32 $0x0;
	s25 =	rddreg [dreg:$0x1];
	s29 =	simm.s32 $0xB  }
0x4: {  	s30 =	simm.s32 $0x4;
	s31 =	simm.s32 $0x7;
	s2 =	smul.u32 $0x280, s20  }
0x5: {  	s1 =	sand.u32 $0x1, s0;
	s8 =	sshll.u32 s20, $0x1;
	s0 =	smul.u32 $0xC800, s20  }
0x6: {  	[smem:$0x7FF] =	sst s3;
	s9 =	smul.u32 $0xC8000, s1;
	s3 =	sor.u32 s1, s8  }
0x7: {  	s13 =	sadd.s32 $0x29C00, s5;
	s10 =	sor.u32 $0x40, s2;
	s12 =	smul.u32 $0x4E2, s3  }
0x8: {  	s4 =	ssub.s32 $0x2, s1;
	s17 =	sadd.s32 $0x80, s2;
	s1 =	smul.u32 $0x50, s10  }
0x9: {  	s6 =	sshrl.u32 s4, $0x1;
	s11 =	sadd.s32 s9, s0;
	s2 =	smul.u32 $0x50, s17  }
0xa: {  	s14 =	ssub.s32 s4, s6;
	s16 =	sshrl.u32 s11, $0x3;
	s28 =	sadd.s32 s25, s12  }
0xb: {  	s15 =	sadd.s32 s9, s1;
	s4 =	sadd.s32 s13, s16;
	s18 =	sadd.s32 s9, s2  }
0xc: {  	s3 =	sshrl.u32 s15, $0x3;
	[dreg:$0x4] =	wrdreg s4;
	s4 =	sadd.s32 $0x5000, s0  }
0xd: {  	s6 =	sshrl.u32 s18, $0x3;
	s18 =	sadd.s32 $0xA000, s0;
	s3 =	sadd.s32 s13, s3  }
0xe: {  	s8 =	sadd.s32 s9, s4;
	s6 =	sadd.s32 s13, s6;
	[dreg:$0x5] =	wrdreg s3  }
0xf: {  	s24 =	sadd.s32 s9, s18;
	s3 =	sadd.s32 $0x3C00, s0;
	[dreg:$0x6] =	wrdreg s6  }
0x10: {  	s21 =	sshrl.u32 s8, $0x3;
	s8 =	sadd.s32 $0x8C00, s0;
	s26 =	sshrl.u32 s24, $0x3  }
0x11: {  	s7 =	sadd.s32 s9, s3;
	s6 =	sadd.s32 s13, s21;
	s16 =	sadd.s32 s9, s8  }
0x12: {  	s21 =	smul.u32 $0x140, s10;
	s7 =	sshrl.u32 s7, $0x3;
	[dreg:$0x8] =	wrdreg s6  }
0x13: {  	s6 =	sadd.s32 $0x6400, s0;
	s23 =	sshrl.u32 s16, $0x3;
	s16 =	sadd.s32 s13, s26  }
0x14: {  	s19 =	sadd.s32 s13, s7;
	s7 =	sadd.s32 $0x7800, s0;
	s11 =	sadd.s32 s9, s6  }
0x15: {  	[dreg:$0xc] =	wrdreg s16;
	s15 =	sadd.s32 s9, s7;
	s11 =	sshrl.u32 s11, $0x3  }
0x16: {  	[dreg:$0x7] =	wrdreg s19;
	s15 =	sshrl.u32 s15, $0x3;
	s11 =	sadd.s32 s13, s11  }
0x17: {  	s19 =	sadd.s32 $0xB400, s0;
	[dreg:$0x9] =	wrdreg s11;
	s22 =	sadd.s32 s13, s15  }
0x18: {  	s9 =	sadd.s32 s9, s19;
	s11 =	sadd.s32 s13, s23;
	[dreg:$0xa] =	wrdreg s22  }
0x19: {  	s16 =	sadd.s32 $0xBC00, s5;
	s9 =	sshrl.u32 s9, $0x3;
	[dreg:$0xb] =	wrdreg s11  }
0x1a: {  	s15 =	sadd.s32 $0x10C00, s5;
	s23 =	smul.u32 $0x140, s17;
	s11 =	rddreg [dreg:$0x2]  }
0x1b: {  	s9 =	sadd.s32 s13, s9;
	s13 =	sadd.s32 s12, s5;
	s12 =	smul.u32 $0x32000, s20  }
0x1c: {  	s5 =	sadd.s32 $0xBA00, s5;
	s22 =	smax.u32 s14, $0x1;
	[dreg:$0xd] =	wrdreg s9  }
0x1d: {  	s20 =	sadd.s32 $0x1C00, s13;
	s26 =	sshrl.u32 s23, $0x2;
	s0 =	sadd.s32 s0, s11  }
0x1e: {  	s1 =	sadd.s32 s1, s11;
	_ =	strace $0x8000004A;
	[dreg:$0xe] =	wrdreg s28  }
0x1f: {  	s2 =	sadd.s32 s2, s11;
	s3 =	sadd.s32 s3, s11;
	[dreg:$0xf] =	wrdreg s5  }
0x20: {  	s4 =	sadd.s32 s4, s11;
	s9 =	simm.s32 $0x50;
	[dreg:$0x10] =	wrdreg s20  }
0x21: {  	[dreg:$0x11] =	wrdreg s22;
	s24 =	sshrl.u32 s12, $0x2;
	s5 =	sshrl.u32 s21, $0x2  }
0x22: {  	s25 =	sadd.s32 $0xF000, s12;
	s13 =	sadd.s32 $0x14000, s12;
	s14 =	sadd.s32 $0x19000, s12  }
0x23: {  	s17 =	sadd.s32 $0x1E000, s12;
	s23 =	sadd.s32 $0x23000, s12;
	s0 =	sshrl.u32 s0, $0x3  }
0x24: {  	s10 =	sadd.s32 s24, s11;
	s5 =	sadd.s32 s5, s11;
	s28 =	sshrl.u32 s25, $0x2  }
0x25: {  	s20 =	sshrl.u32 s14, $0x2;
	s21 =	sshrl.u32 s17, $0x2;
	s24 =	sadd.s32 $0x28000, s12  }
0x26: {  	s25 =	sadd.s32 $0x2D000, s12;
	s12 =	sadd.s32 s6, s11;
	[dreg:$0x1c] =	wrdreg s0  }
0x27: {  	s14 =	sadd.s32 s8, s11;
	s17 =	sadd.s32 s18, s11;
	[dreg:$0x12] =	wrdreg s10  }
0x28: {  	s18 =	sadd.s32 s19, s11;
	s19 =	sshrl.u32 s1, $0x3;
	[dreg:$0x13] =	wrdreg s5  }
0x29: {  	s0 =	simm.s32 $0x0;
	s5 =	sadd.s32 s26, s11;
	[dreg:$0x1d] =	wrdreg s19  }
0x2a: {  	s10 =	sadd.s32 s28, s11;
	s22 =	sadd.s32 s21, s11;
	[dreg:$0x14] =	wrdreg s5  }
0x2b: {  	s26 =	sshrl.u32 s24, $0x2;
	s28 =	sshrl.u32 s25, $0x2;
	[dreg:$0x15] =	wrdreg s10  }
0x2c: {  	s21 =	sshrl.u32 s3, $0x3;
	s25 =	sshrl.u32 s14, $0x3;
	[dreg:$0x18] =	wrdreg s22  }
0x2d: {  	s3 =	simm.s32 $0x2710;
	s19 =	simm.s32 $0x2;
	[dreg:$0x1f] =	wrdreg s21  }
0x2e: {  	s5 =	sshrl.u32 s13, $0x2;
	s10 =	sadd.s32 s28, s11;
	[smem:$0x7FB] =	sst s25  }
0x2f: {  	s13 =	sadd.s32 s7, s11;
	s22 =	sshrl.u32 s4, $0x3;
	[dreg:$0x1b] =	wrdreg s10  }
0x30: {  	s28 =	sshrl.u32 s18, $0x3;
	s18 =	simm.s32 $0x9E20;
	[smem:$0x7F8] =	sst s22  }
0x31: {  	s21 =	simm.s32 $0xA820;
	s5 =	sadd.s32 s5, s11;
	[smem:$0x7FD] =	sst s28  }
0x32: {  	s24 =	sshrl.u32 s13, $0x3;
	s22 =	simm.s32 $0x3;
	[dreg:$0x16] =	wrdreg s5  }
0x33: {  	s10 =	simm.s32 $0xDA20;
	s5 =	sadd.s32 s20, s11;
	[smem:$0x7FA] =	sst s24  }
0x34: {  	s20 =	sshrl.u32 s2, $0x3;
	[dreg:$0x17] =	wrdreg s5;
	s5 =	sshrl.u32 s23, $0x2  }
.Ltmp0:
0x35: {  	[dreg:$0x1e] =	wrdreg s20;
	s23 =	sshrl.u32 s12, $0x3;
	(pc) =	sbr.rel .LBB2_1-.Ltmp0, $4  }
0x36: {  	s24 =	simm.s32 $0xC120;
	s5 =	sadd.s32 s5, s11;
	[smem:$0x7F9] =	sst s23  }
0x37: {  	s12 =	simm.s32 $0xC;
	[dreg:$0x19] =	wrdreg s5;
	s5 =	sadd.s32 s26, s11  }
0x38: {  	v0 =	vimm.f32 $0.0e+00;
	s20 =	simm.s32 $0x5;
	s26 =	sshrl.u32 s17, $0x3;
	[dreg:$0x1a] =	wrdreg s5  }
0x39: {  	v1 =	vimm.s32 $0x0;
	v2 =	vlaneseq.u32;
	vm0 =	vmmov $0x1;
	s23 =	simm.s32 $0x6;
	s17 =	simm.s32 $0x6720;
	[smem:$0x7FC] =	sst s26  }
.LBB2_20:
0x3a: {  	s1 =	simm.s32 $0x8  }
0x3b: {  	_ =	swait.ge [sflag:s1], $0x1900  }
0x3c: {  	[sflag:s1] =	ssyncset.done $0x0  }
0x3d: {  	s14 =	simm.s32 $0x9;
	[sflag:s1] =	ssyncadd.s32 $0xFFFFE700  }
0x3e: {  	_ =	swait.ge [sflag:s14], $0x1900  }
0x3f: {  	[sflag:s14] =	ssyncset.done $0x0  }
0x40: {  	s25 =	simm.s32 $0xA;
	[sflag:s14] =	ssyncadd.s32 $0xFFFFE700  }
0x41: {  	_ =	swait.ge [sflag:s25], $0x1900  }
0x42: {  	[sflag:s25] =	ssyncset.done $0x0  }
0x43: {  	[sflag:s25] =	ssyncadd.s32 $0xFFFFE700  }
0x44: {  	s26 =	stileid.u32;
	[bflag:$0x0] =	sbarrier.arrive $0xFFFF  }
0x45: {  	s1 =	sshll.u32 s26, $0x6;
	s2 =	rddreg [dreg:$0x4]  }
0x46: {  	s1 =	sor.u32 $0x1C0B, s1;
	s3 =	rddreg [dreg:$0x1c]  }
0x47: {  	[hbm:s2], [sflag:s1] =	dma.local [spmem:s3], $0x280  }
0x48: {  	s2 =	rddreg [dreg:$0x5]  }
0x49: {  	s3 =	rddreg [dreg:$0x1d]  }
0x4a: {  	[hbm:s2], [sflag:s1] =	dma.local [spmem:s3], $0x280  }
0x4b: {  	s2 =	rddreg [dreg:$0x6]  }
0x4c: {  	s3 =	rddreg [dreg:$0x1e]  }
0x4d: {  	[hbm:s2], [sflag:s1] =	dma.local [spmem:s3], $0x280  }
0x4e: {  	s2 =	rddreg [dreg:$0x7]  }
0x4f: {  	s3 =	rddreg [dreg:$0x1f]  }
0x50: {  	[hbm:s2], [sflag:s1] =	dma.local [spmem:s3], $0x280  }
0x51: {  	s3 =	sld [smem:$0x7F8];
	_ =	sdelay $0x1  }
0x52: {  	s2 =	rddreg [dreg:$0x8]  }
0x53: {  	[hbm:s2], [sflag:s1] =	dma.local [spmem:s3], $0x280  }
0x54: {  	s3 =	sld [smem:$0x7F9];
	_ =	sdelay $0x1  }
0x55: {  	s2 =	rddreg [dreg:$0x9]  }
0x56: {  	[hbm:s2], [sflag:s1] =	dma.local [spmem:s3], $0x280  }
0x57: {  	s3 =	sld [smem:$0x7FA];
	_ =	sdelay $0x1  }
0x58: {  	s2 =	rddreg [dreg:$0xa]  }
0x59: {  	[hbm:s2], [sflag:s1] =	dma.local [spmem:s3], $0x280  }
0x5a: {  	s3 =	sld [smem:$0x7FB];
	_ =	sdelay $0x1  }
0x5b: {  	s2 =	rddreg [dreg:$0xb]  }
0x5c: {  	[hbm:s2], [sflag:s1] =	dma.local [spmem:s3], $0x280  }
0x5d: {  	s3 =	sld [smem:$0x7FC];
	_ =	sdelay $0x1  }
0x5e: {  	s2 =	rddreg [dreg:$0xc]  }
0x5f: {  	[hbm:s2], [sflag:s1] =	dma.local [spmem:s3], $0x280  }
0x60: {  	s3 =	sld [smem:$0x7FD];
	_ =	sdelay $0x1  }
0x61: {  	s2 =	rddreg [dreg:$0xd]  }
0x62: {  	[hbm:s2], [sflag:s1] =	dma.local [spmem:s3], $0x280  }
0x63: {  	_ =	swait.ge [sflag:s29], $0x280  }
0x64: {  	[sflag:s29] =	ssyncset.done $0x0  }
0x65: {  	[sflag:s29] =	ssyncadd.s32 $0xFFFFFD80  }
0x66: {  	_ =	swait.ge [sflag:s29], $0x280  }
0x67: {  	[sflag:s29] =	ssyncset.done $0x0  }
0x68: {  	[sflag:s29] =	ssyncadd.s32 $0xFFFFFD80  }
0x69: {  	_ =	swait.ge [sflag:s29], $0x280  }
0x6a: {  	[sflag:s29] =	ssyncset.done $0x0  }
0x6b: {  	[sflag:s29] =	ssyncadd.s32 $0xFFFFFD80  }
0x6c: {  	_ =	swait.ge [sflag:s29], $0x280  }
0x6d: {  	[sflag:s29] =	ssyncset.done $0x0  }
0x6e: {  	[sflag:s29] =	ssyncadd.s32 $0xFFFFFD80  }
0x6f: {  	_ =	swait.ge [sflag:s29], $0x280  }
0x70: {  	[sflag:s29] =	ssyncset.done $0x0  }
0x71: {  	[sflag:s29] =	ssyncadd.s32 $0xFFFFFD80  }
0x72: {  	_ =	swait.ge [sflag:s29], $0x280  }
0x73: {  	[sflag:s29] =	ssyncset.done $0x0  }
0x74: {  	[sflag:s29] =	ssyncadd.s32 $0xFFFFFD80  }
0x75: {  	_ =	swait.ge [sflag:s29], $0x280  }
0x76: {  	[sflag:s29] =	ssyncset.done $0x0  }
0x77: {  	[sflag:s29] =	ssyncadd.s32 $0xFFFFFD80  }
0x78: {  	_ =	swait.ge [sflag:s29], $0x280  }
0x79: {  	[sflag:s29] =	ssyncset.done $0x0  }
0x7a: {  	[sflag:s29] =	ssyncadd.s32 $0xFFFFFD80  }
0x7b: {  	_ =	swait.ge [sflag:s29], $0x280  }
0x7c: {  	[sflag:s29] =	ssyncset.done $0x0  }
0x7d: {  	[sflag:s29] =	ssyncadd.s32 $0xFFFFFD80  }
0x7e: {  	_ =	swait.ge [sflag:s29], $0x280  }
0x7f: {  	s0 =	sadd.s32 $0x1, s0;
	s28 =	rddreg [dreg:$0x11]  }
0x80: {  	p0 =	sne.s32 s0, s28  }
.Ltmp1:
0x81: {  	_ = 	snop;
	(pc) =	sbr.rel @!p0 .LBB2_21-.Ltmp1, $3  }
0x82: {  	_ =	sdelay $0x1  }
0x83: {  	[sflag:s29] =	ssyncset.done $0x0  }
0x84: {  	s3 =	simm.s32 $0x2710;
	[sflag:s29] =	ssyncadd.s32 $0xFFFFFD80  }
.LBB2_1:
0x85: {  	s1 =	simm.s32 $0x0;
	s2 =	rddreg [dreg:$0x10]  }
0x86: {  	[tilespmem:s1], [sflag:$0x1] =	stream.linear.gather [hbm4b:s2+s1], $0x2710, $0x38;
	[tilespmem:$0x1CF30] =	vst v63  }
0x87: {  	s26 =	rddreg [dreg:$0xe]  }
0x88: {  	[tilespmem:s3], [sflag:$0x1] =	stream.linear.gather [hbm4b:s26+s1], $0x2710, $0x38;
	[tilespmem:$0x1CF30] =	vst v63  }
0x89: {  	s28 =	rddreg [dreg:$0xf];
	s4 =	simm.s32 $0xF320  }
0x8a: {  	[tilespmem:s4], [sflag:$0xC] =	stream.linear.gather [hbm4b:s28+s1], $0x10, $0x38;
	[tilespmem:$0x1CF30] =	vst v63  }
0x8b: {  	_ =	swait.ge [sflag:s12], $0x10  }
0x8c: {  	[sflag:s12] =	ssyncset.done $0x0  }
0x8d: {  	s1 =	simm.s32 $0x0;
	[sflag:s12] =	ssyncadd.s32 $0xFFFFFFF0  }
.LBB2_2:
0x8e: {  	p0 =	sne.s32 s1, $0x4EC0  }
.Ltmp2:
0x8f: {  	_ = 	snop;
	(pc) =	sbr.rel @p0 .LBB2_2-.Ltmp2, $3  }
0x90: {  	_ =	sdelay $0x1  }
0x91: {  	s2 =	sshra.s32 s1, $0x2  }
0x92: {  	s1 =	sadd.s32 $0x140, s1;
	[tilespmem:s2+$0xF330] =	vst v0  }
0x93: {  	s1 =	simm.s32 $0x40  }
.LBB2_4:
0x94: {  	p0 =	sne.s32 s1, $0x4F00  }
.Ltmp3:
0x95: {  	_ = 	snop;
	(pc) =	sbr.rel @p0 .LBB2_4-.Ltmp3, $3  }
0x96: {  	_ =	sdelay $0x1  }
0x97: {  	s2 =	sshra.s32 s1, $0x2  }
0x98: {  	s1 =	sadd.s32 $0x140, s1;
	[tilespmem:s2+$0xF330] =	vst v0  }
0x99: {  	s1 =	simm.s32 $0x80  }
.LBB2_6:
0x9a: {  	p0 =	sne.s32 s1, $0x4F40  }
.Ltmp4:
0x9b: {  	_ = 	snop;
	(pc) =	sbr.rel @p0 .LBB2_6-.Ltmp4, $3  }
0x9c: {  	_ =	sdelay $0x1  }
0x9d: {  	s2 =	sshra.s32 s1, $0x2  }
0x9e: {  	s1 =	sadd.s32 $0x140, s1;
	[tilespmem:s2+$0xF330] =	vst v0  }
0x9f: {  	s1 =	simm.s32 $0xC0  }
.LBB2_8:
0xa0: {  	p0 =	sne.s32 s1, $0x4F80  }
.Ltmp5:
0xa1: {  	_ = 	snop;
	(pc) =	sbr.rel @p0 .LBB2_8-.Ltmp5, $3  }
0xa2: {  	_ =	sdelay $0x1  }
0xa3: {  	s2 =	sshra.s32 s1, $0x2  }
0xa4: {  	s1 =	sadd.s32 $0x140, s1;
	[tilespmem:s2+$0xF330] =	vst v0  }
0xa5: {  	s1 =	simm.s32 $0x240;
	s2 =	simm.s32 $0x40  }
.LBB2_10:
0xa6: {  	p0 =	sne.s32 s1, $0x4FC0;
	[tilespmem:s2+$0xF330] =	vst v0;
	s2 =	smov.u32 s1;
	s1 =	sadd.s32 $0x140, s1  }
.Ltmp6:
0xa7: {  	(pc) =	sbr.rel @p0 .LBB2_10-.Ltmp6, $2  }
0xa8: {  	_ =	sdelay $0x2  }
0xa9: {  	s2 =	sshra.s32 s2, $0x2  }
0xaa: {  	[tilespmem:s2+$0xF330] =	vst v0;
	s1 =	rddreg [dreg:$0x12];
	s6 =	simm.s32 $0xF330  }
0xab: {  	[spmem:s1] =	stream.linear.scatter [tilespmem:s6], [sflag:$0xC], $0x1400, $0x38;
	[tilespmem:$0x1CF30] =	vst v63  }
0xac: {  	_ =	swait.ge [sflag:s12], $0x1400  }
0xad: {  	[sflag:s12] =	ssyncset.done $0x0  }
0xae: {  	s7 =	rddreg [dreg:$0x13];
	[sflag:s12] =	ssyncadd.s32 $0xFFFFEC00  }
0xaf: {  	[spmem:s7] =	stream.linear.scatter [tilespmem:s6], [sflag:$0xC], $0x1400, $0x38;
	[tilespmem:$0x1CF30] =	vst v63  }
0xb0: {  	_ =	swait.ge [sflag:s12], $0x1400  }
0xb1: {  	[sflag:s12] =	ssyncset.done $0x0  }
0xb2: {  	s8 =	rddreg [dreg:$0x14];
	[sflag:s12] =	ssyncadd.s32 $0xFFFFEC00  }
0xb3: {  	[spmem:s8] =	stream.linear.scatter [tilespmem:s6], [sflag:$0xC], $0x1400, $0x38;
	[tilespmem:$0x1CF30] =	vst v63  }
0xb4: {  	_ =	swait.ge [sflag:s12], $0x1400  }
0xb5: {  	[sflag:s12] =	ssyncset.done $0x0  }
0xb6: {  	s13 =	rddreg [dreg:$0x15];
	[sflag:s12] =	ssyncadd.s32 $0xFFFFEC00  }
0xb7: {  	[spmem:s13] =	stream.linear.scatter [tilespmem:s6], [sflag:$0xC], $0x1400, $0x38;
	[tilespmem:$0x1CF30] =	vst v63  }
0xb8: {  	_ =	swait.ge [sflag:s12], $0x1400  }
0xb9: {  	[sflag:s12] =	ssyncset.done $0x0  }
0xba: {  	s14 =	rddreg [dreg:$0x16];
	[sflag:s12] =	ssyncadd.s32 $0xFFFFEC00  }
0xbb: {  	[spmem:s14] =	stream.linear.scatter [tilespmem:s6], [sflag:$0xC], $0x1400, $0x38;
	[tilespmem:$0x1CF30] =	vst v63  }
0xbc: {  	_ =	swait.ge [sflag:s12], $0x1400  }
0xbd: {  	[sflag:s12] =	ssyncset.done $0x0  }
0xbe: {  	s25 =	rddreg [dreg:$0x17];
	[sflag:s12] =	ssyncadd.s32 $0xFFFFEC00  }
0xbf: {  	[spmem:s25] =	stream.linear.scatter [tilespmem:s6], [sflag:$0xC], $0x1400, $0x38;
	[tilespmem:$0x1CF30] =	vst v63  }
0xc0: {  	_ =	swait.ge [sflag:s12], $0x1400  }
0xc1: {  	[sflag:s12] =	ssyncset.done $0x0  }
0xc2: {  	s26 =	rddreg [dreg:$0x18];
	[sflag:s12] =	ssyncadd.s32 $0xFFFFEC00  }
0xc3: {  	[spmem:s26] =	stream.linear.scatter [tilespmem:s6], [sflag:$0xC], $0x1400, $0x38;
	[tilespmem:$0x1CF30] =	vst v63  }
0xc4: {  	_ =	swait.ge [sflag:s12], $0x1400  }
0xc5: {  	[sflag:s12] =	ssyncset.done $0x0  }
0xc6: {  	s28 =	rddreg [dreg:$0x19];
	[sflag:s12] =	ssyncadd.s32 $0xFFFFEC00  }
0xc7: {  	[spmem:s28] =	stream.linear.scatter [tilespmem:s6], [sflag:$0xC], $0x1400, $0x38;
	[tilespmem:$0x1CF30] =	vst v63  }
0xc8: {  	_ =	swait.ge [sflag:s12], $0x1400  }
0xc9: {  	[sflag:s12] =	ssyncset.done $0x0  }
0xca: {  	s4 =	rddreg [dreg:$0x1a];
	[sflag:s12] =	ssyncadd.s32 $0xFFFFEC00  }
0xcb: {  	[spmem:s4] =	stream.linear.scatter [tilespmem:s6], [sflag:$0xC], $0x1400, $0x38;
	[tilespmem:$0x1CF30] =	vst v63  }
0xcc: {  	_ =	swait.ge [sflag:s12], $0x1400  }
0xcd: {  	[sflag:s12] =	ssyncset.done $0x0  }
0xce: {  	s5 =	rddreg [dreg:$0x1b];
	[sflag:s12] =	ssyncadd.s32 $0xFFFFEC00  }
0xcf: {  	[spmem:s5] =	stream.linear.scatter [tilespmem:s6], [sflag:$0xC], $0x1400, $0x38;
	[tilespmem:$0x1CF30] =	vst v63  }
0xd0: {  	_ =	swait.ge [sflag:s12], $0x1400  }
0xd1: {  	[sflag:s12] =	ssyncset.done $0x0  }
0xd2: {  	s6 =	simm.s32 $0x1;
	[sflag:s12] =	ssyncadd.s32 $0xFFFFEC00  }
0xd3: {  	_ =	swait.ge [sflag:s6], $0x2710  }
0xd4: {  	[sflag:s6] =	ssyncset.done $0x0  }
0xd5: {  	[sflag:s6] =	ssyncadd.s32 $0xFFFFD8F0  }
0xd6: {  	_ =	swait.ge [sflag:s6], $0x2710  }
0xd7: {  	[sflag:s6] =	ssyncset.done $0x0  }
0xd8: {  	[sflag:s6] =	ssyncadd.s32 $0xFFFFD8F0  }
0xd9: {  	s2 =	simm.s32 $0x0;
	s7 =	simm.s32 $0x4E20;
	[bflag:$0x0] =	sbarrier.arrive $0xFFFF  }
0xda: {  	v3 =	vld [tilespmem:$0xF320];
	[tilespmem:s7], [sflag:$0x2] =	stream.indirect.gather [hbm4b:s15+s9], $0x50, s2, s9, $0xb8  }
0xdb: {  	s8 =	simm.s32 $0x9920  }
0xdc: {  	[tilespmem:s8], [sflag:$0x5] =	stream.indirect.gather [hbm4b:s16+s9], $0x10, s3, s9, $0xb8;
	[tilespmem:$0x1CF30] =	vst v63  }
0xdd: {  	_ = 	snop  }
0xde: {  	[tilespmem:s17], [sflag:$0x3] =	stream.indirect.gather [hbm4b:s15+s9], $0x50, s9, s9, $0xb8;
	[tilespmem:$0x1CF30] =	vst v63  }
0xdf: {  	s13 =	simm.s32 $0x2760  }
0xe0: {  	[tilespmem:s18], [sflag:$0x6] =	stream.indirect.gather [hbm4b:s16+s9], $0x10, s13, s9, $0xb8;
	[tilespmem:$0x1CF30] =	vst v63  }
0xe1: {  	s14 =	simm.s32 $0xA0;
	s25 =	simm.s32 $0x8020  }
0xe2: {  	[tilespmem:s25], [sflag:$0x4] =	stream.indirect.gather [hbm4b:s15+s9], $0x50, s14, s9, $0xb8;
	[tilespmem:$0x1CF30] =	vst v63  }
0xe3: {  	s26 =	simm.s32 $0x27B0;
	s28 =	simm.s32 $0xA320  }
0xe4: {  	[tilespmem:s28], [sflag:$0x7] =	stream.indirect.gather [hbm4b:s16+s9], $0x10, s26, s9, $0xb8;
	[tilespmem:$0x1CF30] =	vst v63  }
.LBB2_12:
0xe5: {  	_ =	swait.ge [sflag:s19], $0x1900  }
0xe6: {  	[sflag:s19] =	ssyncset.done $0x0  }
0xe7: {  	[sflag:s19] =	ssyncadd.s32 $0xFFFFE700  }
0xe8: {  	_ =	swait.ge [sflag:s20], $0x500  }
0xe9: {  	p0 =	seq.s32 s2, $0x0;
	[sflag:s20] =	ssyncset.done $0x0  }
0xea: {  	s1 =	simm.s32 @!p0 $0x8;
	[sflag:s20] =	ssyncadd.s32 $0xFFFFFB00  }
0xeb: {  	_ =	swait.ge @!p0 [sflag:s1], $0x1900  }
0xec: {  	[sflag:s1] =	ssyncset.done @!p0 $0x0  }
0xed: {  	s8 =	simm.s32 $0x4F60;
	[sflag:s1] =	ssyncadd.s32 @!p0 $0xFFFFE700  }
0xee: {  	s25 =	simm.s32 $0x9960;
	v4 =	vld [tilespmem:s8+$0xF0]  }
0xef: {  	v5 =	vld [tilespmem:s25+$0x30]  }
0xf0: {  	v6 =	vld [tilespmem:s8+$0xFFFFFF10]  }
0xf1: {  	v7 =	vld [tilespmem:s25+$0xFFFFFFD0]  }
0xf2: {  	v8 =	vld [tilespmem:s8+$0xFFFFFF60]  }
0xf3: {  	v9 =	vld [tilespmem:s25+$0xFFFFFFE0]  }
0xf4: {  	v11 =	vld [tilespmem:s8+$0xFFFFFFB0];
	v5 =	vadd.f32 v5, v4  }
0xf5: {  	v12 =	vld [tilespmem:s25+$0xFFFFFFF0]  }
0xf6: {  	v13 =	vld [tilespmem:s25+$0x0];
	v10 =	vmul.f32 $2.000000030e-01, v5  }
0xf7: {  	v14 =	vld [tilespmem:s8+$0x50]  }
0xf8: {  	v7 =	vadd.f32 v7, v6;
	v5 =	vmax.f32 v5, v10;
	v10 =	vld [tilespmem:s8+$0x0]  }
0xf9: {  	v15 =	vld [tilespmem:s25+$0x10];
	v5 =	vsub.f32 v5, v3  }
0xfa: {  	v12 =	vadd.f32 v12, v11;
	v17 =	vmul.f32 $2.000000030e-01, v7  }
0xfb: {  	v9 =	vadd.f32 v9, v8;
	v5 =	vmul.f32 $1.442695020e+00, v5  }
0xfc: {  	v16 =	vld [tilespmem:s25+$0xFFFFFFC0];
	v7 =	vmax.f32 v7, v17;
	v17 =	vmul.f32 $2.000000030e-01, v12  }
0xfd: {  	v18 =	vld [tilespmem:s8+$0xFFFFFEC0];
	(erf) = vpow2.f32 v5;
	v5 =	vmul.f32 $2.000000030e-01, v9;
	v13 =	vadd.f32 v13, v10  }
0xfe: {  	v15 =	vadd.f32 v15, v14;
	v7 =	vsub.f32 v7, v3  }
0xff: {  	v5 =	vmax.f32 v9, v5;
	v9 =	vmax.f32 v12, v17;
	v12 =	vmul.f32 $2.000000030e-01, v13  }
0x100: {  	v7 =	vmul.f32 $1.442695020e+00, v7  }
0x101: {  	v5 =	vsub.f32 v5, v3;
	v12 =	vmax.f32 v13, v12;
	v13 =	vmul.f32 $2.000000030e-01, v15  }
0x102: {  	v16 =	vadd.f32 v16, v18;
	(erf) = vpow2.f32 v7;
	v9 =	vsub.f32 v9, v3  }
0x103: {  	v5 =	vmul.f32 $1.442695020e+00, v5;
	v7 =	vsub.f32 v12, v3;
	v12 =	vmax.f32 v15, v13  }
0x104: {  	v9 =	vmul.f32 $1.442695020e+00, v9  }
0x105: {  	v13 =	vmul.f32 $2.000000030e-01, v16;
	(erf) = vpow2.f32 v5  }
0x106: {  	vm1 =	veq.s32 v2, $0x0;
	v5 =	vmul.f32 $1.442695020e+00, v7;
	v7 =	vsub.f32 v12, v3;
	v12 =	vpop (erf)  }
0x107: {  	(erf) = vpow2.f32 v9;
	v9 =	vmax.f32 v16, v13;
	v24 =	vperm.xlane v12, v1  }
0x108: {  	v4 =	vsel vm1, $0x3F800000, v4;
	v13 =	vld [tilespmem:s25+$0x20];
	v9 =	vsub.f32 v9, v3  }
0x109: {  	v7 =	vmul.f32 $1.442695020e+00, v7;
	v12 =	vld [tilespmem:s8+$0xA0];
	v4 =	vmul.f32 v24, v4  }
0x10a: {  	s3 =	simm.s32 $0xA960;
	(erf) = vpow2.f32 v5;
	v5 =	vmul.f32 $1.442695020e+00, v9  }
0x10b: {  	(erf) = vpow2.f32 v7;
	[tilespmem:s3+$0xF0] =	vst v4  }
0x10c: {  	(erf) = vpow2.f32 v5;
	v4 =	vld [tilespmem:s8+$0x100]  }
0x10d: {  	v7 =	vpop (erf)  }
0x10e: {  	v23 =	vperm.xlane v7, v1;
	v5 =	vadd.f32 v13, v12;
	v7 =	vpop (erf)  }
0x10f: {  	v21 =	vperm.xlane v7, v1  }
0x110: {  	v8 =	vsel vm1, $0x3F800000, v8;
	v9 =	vmul.f32 $2.000000030e-01, v5  }
0x111: {  	v6 =	vsel vm1, $0x3F800000, v6;
	v8 =	vmul.f32 v21, v8;
	v4 =	vmul.f32 v4, v24  }
0x112: {  	v6 =	vmul.f32 v23, v6;
	v7 =	vpop (erf)  }
0x113: {  	v22 =	vperm.xlane v7, v1;
	v7 =	vpop (erf);
	[tilespmem:s3+$0x100] =	vst v4  }
0x114: {  	v11 =	vsel vm1, $0x3F800000, v11;
	[tilespmem:s3+$0xFFFFFF10] =	vst v6;
	v19 =	vperm.xlane v7, v1;
	v4 =	vmax.f32 v5, v9;
	v9 =	vpop (erf);
	v7 =	vld [tilespmem:s8+$0x110]  }
0x115: {  	v6 =	vmul.f32 v22, v11;
	[tilespmem:s3+$0xFFFFFF60] =	vst v8;
	v5 =	vsel vm1, $0x3F800000, v10;
	v4 =	vsub.f32 v4, v3;
	v8 =	vpop (erf)  }
0x116: {  	v5 =	vmul.f32 v19, v5;
	v25 =	vperm.xlane v8, v1  }
0x117: {  	s4 =	simm.s32 $0x51E0;
	[tilespmem:s3+$0xFFFFFFB0] =	vst v6;
	v6 =	vsel vm1, $0x3F800000, v18;
	v4 =	vmul.f32 $1.442695020e+00, v4  }
0x118: {  	v28 =	vld [tilespmem:s4+$0xFFFFFF60];
	[tilespmem:s3+$0x0] =	vst v5;
	v5 =	vmul.f32 v25, v6  }
0x119: {  	s26 =	simm.s32 $0x99E0;
	(erf) = vpow2.f32 v4;
	v4 =	vmul.f32 v7, v24;
	v7 =	vld [tilespmem:s4+$0xF0]  }
0x11a: {  	[tilespmem:s3+$0xFFFFFEC0] =	vst v5;
	v5 =	vld [tilespmem:s26+$0x30]  }
0x11b: {  	v26 =	vld [tilespmem:s26+$0xFFFFFFE0]  }
0x11c: {  	v29 =	vld [tilespmem:s4+$0xFFFFFFB0]  }
0x11d: {  	v30 =	vld [tilespmem:s4+$0x0]  }
0x11e: {  	v31 =	vld [tilespmem:s4+$0x50]  }
0x11f: {  	v17 =	vld [tilespmem:s4+$0xFFFFFF10];
	v20 =	vadd.f32 v5, v7  }
0x120: {  	v18 =	vld [tilespmem:s26+$0xFFFFFFD0]  }
0x121: {  	v33 =	vld [tilespmem:s26+$0x10];
	v26 =	vadd.f32 v26, v28;
	v27 =	vmul.f32 $2.000000030e-01, v20  }
0x122: {  	v10 =	vld [tilespmem:s8+$0xFFFFFF20]  }
0x123: {  	v34 =	vmul.f32 $2.000000030e-01, v26;
	v11 =	vld [tilespmem:s8+$0xFFFFFF70];
	v20 =	vmax.f32 v20, v27  }
0x124: {  	v5 =	vperm.xlane v9, v1;
	v9 =	vsel vm1, $0x3F800000, v14;
	v14 =	vld [tilespmem:s26+$0xFFFFFFF0];
	v20 =	vsub.f32 v20, v3  }
0x125: {  	v26 =	vmax.f32 v26, v34;
	v8 =	vld [tilespmem:s8+$0xFFFFFFC0];
	v18 =	vadd.f32 v18, v17  }
0x126: {  	v26 =	vsub.f32 v26, v3;
	v6 =	vld [tilespmem:s8+$0x10];
	v20 =	vmul.f32 $1.442695020e+00, v20  }
0x127: {  	v32 =	vmul.f32 $2.000000030e-01, v18;
	v27 =	vld [tilespmem:s26+$0x0]  }
0x128: {  	v48 =	vld [tilespmem:s4+$0xFFFFFEC0];
	v33 =	vadd.f32 v33, v31;
	v26 =	vmul.f32 $1.442695020e+00, v26;
	(erf) = vpow2.f32 v20  }
0x129: {  	v16 =	vld [tilespmem:s26+$0xFFFFFFC0];
	v10 =	vmul.f32 v10, v23;
	v18 =	vmax.f32 v18, v32;
	v14 =	vadd.f32 v14, v29  }
0x12a: {  	v11 =	vmul.f32 v11, v21;
	v13 =	vld [tilespmem:s8+$0xFFFFFED0];
	v8 =	vmul.f32 v8, v22;
	[tilespmem:s3+$0x110] =	vst v4;
	v18 =	vsub.f32 v18, v3;
	v4 =	vpop (erf)  }
0x12b: {  	v12 =	vsel vm1, $0x3F800000, v12;
	v4 =	vperm.xlane v4, v1;
	v49 =	vmul.f32 $2.000000030e-01, v14  }
0x12c: {  	v35 =	vld [tilespmem:s4+$0xA0];
	v6 =	vmul.f32 v6, v19;
	v18 =	vmul.f32 $1.442695020e+00, v18;
	v27 =	vadd.f32 v27, v30  }
0x12d: {  	v9 =	vmul.f32 v5, v9;
	v12 =	vmul.f32 v4, v12;
	v20 =	vld [tilespmem:s26+$0x20];
	v14 =	vmax.f32 v14, v49  }
0x12e: {  	v14 =	vsub.f32 v14, v3;
	(erf) = vpow2.f32 v18;
	v50 =	vmul.f32 $2.000000030e-01, v27  }
0x12f: {  	v16 =	vadd.f32 v16, v48;
	v13 =	vmul.f32 v13, v25;
	[tilespmem:s3+$0x50] =	vst v9;
	v18 =	vmul.f32 $2.000000030e-01, v33  }
0x130: {  	v51 =	vld [tilespmem:s8+$0x60];
	[tilespmem:s3+$0xA0] =	vst v12;
	(erf) = vpow2.f32 v26;
	v14 =	vmul.f32 $1.442695020e+00, v14;
	v27 =	vmax.f32 v27, v50  }
0x131: {  	v52 =	vld [tilespmem:s8+$0xB0];
	v18 =	vmax.f32 v33, v18;
	v9 =	vsub.f32 v27, v3;
	v27 =	vmul.f32 $2.000000030e-01, v16;
	v26 =	vpop (erf)  }
0x132: {  	v20 =	vadd.f32 v20, v35;
	(erf) = vpow2.f32 v14;
	v26 =	vperm.xlane v26, v1  }
0x133: {  	v7 =	vsel vm1, $0x3F800000, v7;
	[tilespmem:s3+$0xFFFFFED0] =	vst v13;
	v18 =	vsub.f32 v18, v3;
	v9 =	vmul.f32 $1.442695020e+00, v9  }
0x134: {  	[tilespmem:s3+$0xFFFFFF20] =	vst v10;
	v10 =	vld [tilespmem:s8+$0xFFFFFEE0];
	v12 =	vmul.f32 $2.000000030e-01, v20;
	v14 =	vmax.f32 v16, v27;
	v7 =	vmul.f32 v26, v7  }
0x135: {  	s5 =	simm.s32 $0xABE0;
	s6 =	simm.s32 $0x5460;
	[tilespmem:s3+$0xFFFFFF70] =	vst v11;
	v11 =	vld [tilespmem:s8+$0xFFFFFF30];
	v13 =	vsub.f32 v14, v3;
	v14 =	vmul.f32 $1.442695020e+00, v18;
	(erf) = vpow2.f32 v9  }
0x136: {  	v36 =	vld [tilespmem:s6+$0xF0];
	v9 =	vmul.f32 v51, v5;
	[tilespmem:s5+$0xF0] =	vst v7;
	v7 =	vmul.f32 v52, v4  }
0x137: {  	[tilespmem:s3+$0xFFFFFFC0] =	vst v8;
	v12 =	vmax.f32 v20, v12;
	v13 =	vmul.f32 $1.442695020e+00, v13;
	(erf) = vpow2.f32 v14;
	v8 =	vpop (erf);
	v14 =	vld [tilespmem:s4+$0x100]  }
0x138: {  	s28 =	simm.s32 $0x9A60;
	v15 =	vld [tilespmem:s8+$0x120];
	[tilespmem:s3+$0x10] =	vst v6;
	v12 =	vsub.f32 v12, v3;
	v8 =	vperm.xlane v8, v1  }
0x139: {  	v38 =	vld [tilespmem:s28+$0xFFFFFFC0];
	[tilespmem:s3+$0x60] =	vst v9;
	v9 =	vmul.f32 v10, v25;
	v10 =	vsel vm1, $0x3F800000, v17;
	(erf) = vpow2.f32 v13  }
0x13a: {  	v39 =	vld [tilespmem:s6+$0xFFFFFF10];
	v11 =	vmul.f32 v11, v23;
	v10 =	vmul.f32 v8, v10;
	[tilespmem:s3+$0xB0] =	vst v7;
	v7 =	vpop (erf)  }
0x13b: {  	v40 =	vld [tilespmem:s28+$0xFFFFFFD0];
	v12 =	vmul.f32 $1.442695020e+00, v12;
	[tilespmem:s3+$0xFFFFFEE0] =	vst v9;
	v9 =	vperm.xlane v7, v1;
	v7 =	vpop (erf)  }
0x13c: {  	v6 =	vld [tilespmem:s8+$0xFFFFFFD0];
	v18 =	vsel vm1, $0x3F800000, v28;
	[tilespmem:s5+$0xFFFFFF10] =	vst v10;
	v10 =	vperm.xlane v7, v1;
	v7 =	vmul.f32 v14, v26  }
0x13d: {  	v42 =	vld [tilespmem:s6+$0xFFFFFF60];
	v15 =	vmul.f32 v15, v24;
	v14 =	vsel vm1, $0x3F800000, v29;
	v18 =	vmul.f32 v9, v18  }
0x13e: {  	v43 =	vld [tilespmem:s28+$0xFFFFFFE0];
	[tilespmem:s3+$0xFFFFFF30] =	vst v11;
	(erf) = vpow2.f32 v12;
	v14 =	vmul.f32 v10, v14  }
0x13f: {  	[tilespmem:s3+$0x120] =	vst v15;
	v15 =	vld [tilespmem:s8+$0xFFFFFF80]  }
0x140: {  	v44 =	vld [tilespmem:s6+$0xFFFFFFB0];
	[tilespmem:s5+$0x100] =	vst v7;
	v7 =	vpop (erf)  }
0x141: {  	v58 =	vld [tilespmem:s28+$0x0];
	v53 =	vmul.f32 v6, v22;
	[tilespmem:s5+$0xFFFFFF60] =	vst v18;
	v11 =	vperm.xlane v7, v1;
	v18 =	vpop (erf)  }
0x142: {  	v59 =	vld [tilespmem:s28+$0x20];
	v30 =	vsel vm1, $0x3F800000, v30;
	[tilespmem:s5+$0xFFFFFFB0] =	vst v14;
	v14 =	vpop (erf)  }
0x143: {  	[tilespmem:s3+$0xFFFFFFD0] =	vst v53;
	v7 =	vld [tilespmem:s4+$0x110];
	v20 =	vperm.xlane v14, v1;
	v14 =	vmul.f32 v11, v30  }
0x144: {  	v55 =	vld [tilespmem:s8+$0xFFFFFFE0];
	v15 =	vmul.f32 v15, v21;
	v6 =	vperm.xlane v18, v1  }
0x145: {  	v27 =	vld [tilespmem:s8+$0x130];
	v18 =	vsel vm1, $0x3F800000, v31  }
0x146: {  	[tilespmem:s3+$0xFFFFFF80] =	vst v15;
	v15 =	vsel vm1, $0x3F800000, v48;
	v13 =	vld [tilespmem:s8+$0x20];
	v18 =	vmul.f32 v6, v18  }
0x147: {  	v28 =	vld [tilespmem:s4+$0xFFFFFF20];
	v15 =	vmul.f32 v20, v15;
	[tilespmem:s5+$0x0] =	vst v14;
	v14 =	vpop (erf)  }
0x148: {  	v16 =	vld [tilespmem:s8+$0x70];
	[tilespmem:s5+$0x50] =	vst v18;
	v18 =	vmul.f32 v7, v26;
	v7 =	vperm.xlane v14, v1  }
0x149: {  	v17 =	vld [tilespmem:s8+$0xFFFFFEF0];
	[tilespmem:s5+$0xFFFFFEC0] =	vst v15;
	v15 =	vsel vm1, $0x3F800000, v35  }
0x14a: {  	v52 =	vld [tilespmem:s6+$0xFFFFFEC0];
	v15 =	vmul.f32 v7, v15  }
0x14b: {  	v29 =	vld [tilespmem:s8+$0xFFFFFF40]  }
0x14c: {  	v28 =	vmul.f32 v28, v8;
	[tilespmem:s5+$0xA0] =	vst v15;
	v15 =	vld [tilespmem:s28+$0x30]  }
0x14d: {  	v12 =	vld [tilespmem:s8+$0xC0]  }
0x14e: {  	[tilespmem:s5+$0xFFFFFF20] =	vst v28;
	v54 =	vld [tilespmem:s4+$0xFFFFFF70]  }
0x14f: {  	v62 =	vld [tilespmem:s4+$0xFFFFFF30]  }
0x150: {  	v43 =	vadd.f32 v43, v42;
	v47 =	vmul.f32 v29, v23;
	v29 =	vld [tilespmem:s28+$0xFFFFFFF0]  }
0x151: {  	v32 =	vmul.f32 v55, v22;
	v27 =	vnsel vm0, $0x0, v27;
	v31 =	vld [tilespmem:s4+$0xFFFFFFC0];
	[tilespmem:s5+$0x110] =	vst v18;
	v15 =	vadd.f32 v15, v36  }
0x152: {  	v51 =	vmul.f32 $2.000000030e-01, v43;
	v27 =	vmul.f32 v27, v24;
	v18 =	vld [tilespmem:s4+$0x120]  }
0x153: {  	v41 =	vmul.f32 v12, v4;
	v12 =	vld [tilespmem:s6+$0x0];
	v45 =	vmul.f32 $2.000000030e-01, v15  }
0x154: {  	v13 =	vmul.f32 v13, v19;
	v16 =	vmul.f32 v16, v5;
	v30 =	vld [tilespmem:s8+$0xFFFFFF90]  }
0x155: {  	v50 =	vld [tilespmem:s28+$0x10];
	v17 =	vmul.f32 v17, v25;
	v34 =	vmul.f32 v54, v9;
	v15 =	vmax.f32 v15, v45  }
0x156: {  	v56 =	vld [tilespmem:s4+$0x10];
	v46 =	vmul.f32 v31, v10;
	v31 =	vadd.f32 v40, v39;
	v15 =	vsub.f32 v15, v3  }
0x157: {  	v29 =	vadd.f32 v29, v44;
	[tilespmem:s5+$0xFFFFFF70] =	vst v34;
	v34 =	vmul.f32 v62, v8;
	v14 =	vld [tilespmem:s4+$0x60];
	v18 =	vmul.f32 v18, v26  }
0x158: {  	v40 =	vadd.f32 v58, v12;
	v57 =	vld [tilespmem:s4+$0xFFFFFED0];
	v49 =	vmul.f32 $2.000000030e-01, v31;
	v15 =	vmul.f32 $1.442695020e+00, v15  }
0x159: {  	s1 =	simm.s32 $0x56E0;
	v38 =	vadd.f32 v38, v52;
	v48 =	vmul.f32 v30, v21;
	[tilespmem:s5+$0x120] =	vst v18;
	v18 =	vmul.f32 $2.000000030e-01, v29;
	v45 =	vld [tilespmem:s6+$0x50]  }
0x15a: {  	[tilespmem:s3+$0x130] =	vst v27;
	v27 =	vld [tilespmem:s1+$0xFFFFFFB0];
	v61 =	vmul.f32 $2.000000030e-01, v40;
	v31 =	vmax.f32 v31, v49;
	(erf) = vpow2.f32 v15  }
0x15b: {  	[tilespmem:s3+$0x20] =	vst v13;
	v30 =	vld [tilespmem:s6+$0xA0];
	v33 =	vmul.f32 v56, v11;
	v13 =	vsub.f32 v31, v3;
	v18 =	vmax.f32 v29, v18  }
0x15c: {  	[tilespmem:s3+$0xFFFFFFE0] =	vst v32;
	v63 =	vld [tilespmem:s4+$0xFFFFFF80];
	v56 =	vmul.f32 $2.000000030e-01, v38;
	v18 =	vsub.f32 v18, v3;
	v15 =	vmax.f32 v43, v51  }
0x15d: {  	[tilespmem:s3+$0x70] =	vst v16;
	v37 =	vld [tilespmem:s4+$0xB0];
	v35 =	vmul.f32 v57, v20;
	v13 =	vmul.f32 $1.442695020e+00, v13;
	v15 =	vsub.f32 v15, v3  }
0x15e: {  	v60 =	vld [tilespmem:s8+$0x30];
	[tilespmem:s5+$0xFFFFFFC0] =	vst v46;
	v14 =	vmul.f32 v14, v6;
	v18 =	vmul.f32 $1.442695020e+00, v18;
	v29 =	vadd.f32 v50, v45  }
0x15f: {  	v55 =	vld [tilespmem:s4+$0xFFFFFFD0];
	[tilespmem:s5+$0xFFFFFED0] =	vst v35;
	(erf) = vpow2.f32 v13;
	v15 =	vmul.f32 $1.442695020e+00, v15  }
0x160: {  	[tilespmem:s5+$0xFFFFFF30] =	vst v34;
	v54 =	vadd.f32 v59, v30;
	v28 =	vld [tilespmem:s4+$0xFFFFFEE0];
	v13 =	vmax.f32 v40, v61;
	v53 =	vmul.f32 $2.000000030e-01, v29  }
0x161: {  	[tilespmem:s3+$0xFFFFFF90] =	vst v48;
	v34 =	vld [tilespmem:s4+$0xFFFFFF40];
	v35 =	vmul.f32 v63, v9;
	v13 =	vsub.f32 v13, v3;
	(erf) = vpow2.f32 v15  }
0x162: {  	v32 =	vld [tilespmem:s8+$0xFFFFFFA0];
	[tilespmem:s5+$0x10] =	vst v33;
	v37 =	vmul.f32 v37, v7;
	v15 =	vmax.f32 v29, v53;
	v29 =	vmul.f32 $2.000000030e-01, v54  }
0x163: {  	v38 =	vmax.f32 v38, v56;
	[tilespmem:s5+$0x60] =	vst v14;
	v31 =	vld [tilespmem:s4+$0x130];
	v13 =	vmul.f32 $1.442695020e+00, v13;
	(erf) = vpow2.f32 v18;
	v18 =	vpop (erf)  }
0x164: {  	v14 =	vld [tilespmem:s4+$0x20];
	[tilespmem:s5+$0xFFFFFF80] =	vst v35;
	v15 =	vsub.f32 v15, v3;
	v16 =	vmax.f32 v54, v29;
	v29 =	vperm.xlane v18, v1  }
0x165: {  	[tilespmem:s3+$0xFFFFFEF0] =	vst v17;
	v36 =	vsel vm1, $0x3F800000, v36;
	v63 =	vld [tilespmem:s4+$0xFFFFFF90];
	v18 =	vmul.f32 v28, v20;
	v28 =	vsub.f32 v38, v3  }
0x166: {  	[tilespmem:s5+$0xB0] =	vst v37;
	v37 =	vld [tilespmem:s4+$0x70];
	v16 =	vsub.f32 v16, v3;
	v15 =	vmul.f32 $1.442695020e+00, v15;
	v17 =	vmul.f32 v29, v36  }
0x167: {  	s7 =	simm.s32 $0xAE60;
	v49 =	vld [tilespmem:s4+$0xC0];
	(erf) = vpow2.f32 v13;
	[tilespmem:s5+$0xFFFFFEE0] =	vst v18;
	v18 =	vmul.f32 $1.442695020e+00, v28  }
0x168: {  	v24 =	vnsel vm0, $0x0, v31;
	v31 =	vld [tilespmem:s1+$0xF0];
	v16 =	vmul.f32 $1.442695020e+00, v16;
	v13 =	vpop (erf);
	(erf) = vpow2.f32 v15;
	[tilespmem:s7+$0xF0] =	vst v17  }
0x169: {  	v13 =	vperm.xlane v13, v1;
	(erf) = vpow2.f32 v18;
	v17 =	vld [tilespmem:s6+$0x100]  }
0x16a: {  	s26 =	simm.s32 $0x9AE0;
	[tilespmem:s3+$0xC0] =	vst v41;
	v40 =	vld [tilespmem:s8+$0x80];
	v15 =	vsel vm1, $0x3F800000, v39;
	v18 =	vmul.f32 v60, v19;
	v28 =	vpop (erf);
	(erf) = vpow2.f32 v16  }
0x16b: {  	[tilespmem:s3+$0xFFFFFF40] =	vst v47;
	v53 =	vld [tilespmem:s26+$0x30];
	v16 =	vmul.f32 v13, v15;
	v15 =	vperm.xlane v28, v1  }
0x16c: {  	v54 =	vld [tilespmem:s26+$0xFFFFFFC0];
	v57 =	vpop (erf);
	[tilespmem:s3+$0x30] =	vst v18;
	v18 =	vsel vm1, $0x3F800000, v42  }
0x16d: {  	v38 =	vld [tilespmem:s8+$0xD0];
	[tilespmem:s7+$0xFFFFFF10] =	vst v16;
	v18 =	vmul.f32 v15, v18;
	v16 =	vperm.xlane v57, v1  }
0x16e: {  	v58 =	vsel vm1, $0x3F800000, v44;
	v39 =	vld [tilespmem:s8+$0xFFFFFF50];
	v17 =	vmul.f32 v17, v29  }
0x16f: {  	v36 =	vld [tilespmem:s8+$0xFFFFFF00];
	[tilespmem:s7+$0xFFFFFF60] =	vst v18;
	v18 =	vmul.f32 v16, v58  }
0x170: {  	v33 =	vmul.f32 v55, v10;
	v41 =	vld [tilespmem:s4+$0xFFFFFEF0]  }
0x171: {  	v42 =	vld [tilespmem:s8+$0xFFFFFFF0];
	[tilespmem:s7+$0x100] =	vst v17  }
0x172: {  	[tilespmem:s5+$0xFFFFFFD0] =	vst v33;
	v59 =	vld [tilespmem:s6+$0x110];
	v17 =	vpop (erf)  }
0x173: {  	v14 =	vmul.f32 v14, v11;
	v28 =	vld [tilespmem:s8+$0x40];
	[tilespmem:s7+$0xFFFFFFB0] =	vst v18;
	v18 =	vpop (erf)  }
0x174: {  	v60 =	vsel vm1, $0x3F800000, v12;
	v57 =	vld [tilespmem:s4+$0xFFFFFFE0];
	v12 =	vperm.xlane v18, v1;
	v18 =	vpop (erf)  }
0x175: {  	[tilespmem:s5+$0x20] =	vst v14;
	v44 =	vld [tilespmem:s6+$0xFFFFFF20];
	v56 =	vpop (erf)  }
0x176: {  	v58 =	vld [tilespmem:s4+$0x30];
	v14 =	vperm.xlane v56, v1  }
0x177: {  	v30 =	vsel vm1, $0x3F800000, v30;
	v43 =	vld [tilespmem:s6+$0xFFFFFF70];
	v17 =	vperm.xlane v17, v1;
	v59 =	vmul.f32 v59, v29  }
0x178: {  	v48 =	vld [tilespmem:s6+$0xFFFFFFC0];
	v30 =	vmul.f32 v14, v30  }
0x179: {  	v34 =	vmul.f32 v34, v8;
	v62 =	vmul.f32 v17, v60;
	v56 =	vld [tilespmem:s26+$0xFFFFFFE0];
	[tilespmem:s7+$0x110] =	vst v59  }
0x17a: {  	v55 =	vsel vm1, $0x3F800000, v52;
	v37 =	vmul.f32 v37, v6;
	v18 =	vperm.xlane v18, v1;
	[tilespmem:s7+$0xA0] =	vst v30;
	v30 =	vld [tilespmem:s6+$0x120]  }
0x17b: {  	v49 =	vmul.f32 v49, v7;
	v61 =	vsel vm1, $0x3F800000, v45;
	[tilespmem:s7+$0x0] =	vst v62;
	v62 =	vmul.f32 v24, v26;
	v26 =	vld [tilespmem:s1+$0xFFFFFF10]  }
0x17c: {  	v35 =	vmul.f32 v12, v61;
	v33 =	vmul.f32 v18, v55;
	v55 =	vld [tilespmem:s26+$0xFFFFFFD0]  }
0x17d: {  	[tilespmem:s5+$0xFFFFFF40] =	vst v34;
	v40 =	vmul.f32 v40, v5;
	v39 =	vnsel vm0, $0x0, v39;
	v38 =	vmul.f32 v38, v4;
	v24 =	vld [tilespmem:s1+$0xFFFFFF60]  }
0x17e: {  	v23 =	vmul.f32 v39, v23;
	v36 =	vnsel vm0, $0x0, v36;
	v41 =	vmul.f32 v41, v20;
	[tilespmem:s7+$0x50] =	vst v35;
	v59 =	vld [tilespmem:s26+$0xFFFFFFF0]  }
0x17f: {  	v32 =	vnsel vm0, $0x0, v32;
	v36 =	vmul.f32 v36, v25;
	[tilespmem:s7+$0xFFFFFEC0] =	vst v33;
	v60 =	vld [tilespmem:s6+$0x60];
	v30 =	vmul.f32 v30, v29  }
0x180: {  	[tilespmem:s5+$0x70] =	vst v37;
	v42 =	vnsel vm0, $0x0, v42;
	v47 =	vmul.f32 v57, v10;
	v43 =	vmul.f32 v43, v15;
	v61 =	vld [tilespmem:s6+$0xFFFFFED0]  }
0x181: {  	v42 =	vmul.f32 v42, v22;
	v35 =	vld [tilespmem:s6+$0xB0];
	[tilespmem:s7+$0x120] =	vst v30;
	v30 =	vmul.f32 v63, v9;
	v63 =	vadd.f32 v53, v31  }
0x182: {  	v28 =	vnsel vm0, $0x0, v28;
	v44 =	vmul.f32 v44, v13;
	[tilespmem:s7+$0xFFFFFF70] =	vst v43;
	v43 =	vmul.f32 v32, v21;
	v32 =	vld [tilespmem:s1+$0x50]  }
0x183: {  	[tilespmem:s5+$0xFFFFFEF0] =	vst v41;
	v19 =	vmul.f32 v28, v19;
	v41 =	vld [tilespmem:s6+$0xFFFFFF80];
	v25 =	vmul.f32 $2.000000030e-01, v63  }
0x184: {  	[tilespmem:s5+$0x130] =	vst v62;
	v62 =	vadd.f32 v56, v24;
	v33 =	vmul.f32 v60, v12;
	v60 =	vadd.f32 v55, v26;
	v53 =	vld [tilespmem:s6+$0x130]  }
0x185: {  	[tilespmem:s5+$0xC0] =	vst v49;
	v39 =	vadd.f32 v59, v27;
	v21 =	vmul.f32 v61, v18;
	v61 =	vld [tilespmem:s26+$0x0];
	v51 =	vmax.f32 v63, v25  }
0x186: {  	[tilespmem:s3+$0x80] =	vst v40;
	v22 =	vmul.f32 $2.000000030e-01, v60;
	v35 =	vmul.f32 v35, v14;
	v25 =	vld [tilespmem:s1+$0x0];
	v51 =	vsub.f32 v51, v3  }
0x187: {  	v45 =	vmul.f32 v58, v11;
	v50 =	vld [tilespmem:s6+$0x10];
	v55 =	vmul.f32 $2.000000030e-01, v62;
	[tilespmem:s7+$0x60] =	vst v33  }
0x188: {  	v57 =	vmul.f32 $2.000000030e-01, v39;
	v22 =	vmax.f32 v60, v22;
	[tilespmem:s7+$0xB0] =	vst v35;
	v35 =	vld [tilespmem:s1+$0xFFFFFEC0];
	v51 =	vmul.f32 $1.442695020e+00, v51  }
0x189: {  	v33 =	vmax.f32 v62, v55;
	[tilespmem:s7+$0xFFFFFED0] =	vst v21;
	v22 =	vsub.f32 v22, v3;
	v63 =	vld [tilespmem:s26+$0x10];
	v21 =	vnsel vm0, $0x0, v53  }
0x18a: {  	[tilespmem:s7+$0xFFFFFF20] =	vst v44;
	v44 =	vld [tilespmem:s1+$0xA0];
	v21 =	vmul.f32 v21, v29;
	v29 =	vsub.f32 v33, v3;
	(erf) = vpow2.f32 v51  }
0x18b: {  	[tilespmem:s3+$0xD0] =	vst v38;
	v48 =	vmul.f32 v48, v16;
	v56 =	vld [tilespmem:s26+$0x20];
	v22 =	vmul.f32 $1.442695020e+00, v22;
	v46 =	vadd.f32 v61, v25  }
0x18c: {  	[tilespmem:s5+$0xFFFFFFE0] =	vst v47;
	v41 =	vmul.f32 v41, v15;
	v59 =	vmax.f32 v39, v57;
	v58 =	vld [tilespmem:s6+$0xFFFFFEE0];
	v29 =	vmul.f32 $1.442695020e+00, v29  }
0x18d: {  	[tilespmem:s7+$0xFFFFFFC0] =	vst v48;
	v37 =	vsub.f32 v59, v3;
	(erf) = vpow2.f32 v22;
	v60 =	vmul.f32 $2.000000030e-01, v46  }
0x18e: {  	v34 =	vld [tilespmem:s4+$0xD0];
	v50 =	vmul.f32 v50, v17;
	[tilespmem:s5+$0xFFFFFF90] =	vst v30;
	v30 =	vadd.f32 v54, v35;
	v61 =	vadd.f32 v63, v32  }
0x18f: {  	[tilespmem:s3+$0xFFFFFFF0] =	vst v42;
	v55 =	vld [tilespmem:s6+$0xFFFFFFD0];
	v37 =	vmul.f32 $1.442695020e+00, v37;
	(erf) = vpow2.f32 v29;
	v22 =	vmax.f32 v46, v60  }
0x190: {  	v47 =	vld [tilespmem:s8+$0xE0];
	[tilespmem:s5+$0x30] =	vst v45;
	v62 =	vmul.f32 $2.000000030e-01, v61;
	v60 =	vmul.f32 $2.000000030e-01, v30;
	v22 =	vsub.f32 v22, v3  }
0x191: {  	v49 =	vld [tilespmem:s6+$0xFFFFFF30];
	[tilespmem:s3+$0xFFFFFFA0] =	vst v43;
	v33 =	vmul.f32 v58, v18;
	v63 =	vadd.f32 v56, v44;
	(erf) = vpow2.f32 v37  }
0x192: {  	v42 =	vld [tilespmem:s4+$0x40];
	[tilespmem:s7+$0x130] =	vst v21;
	v21 =	vmax.f32 v61, v62;
	v30 =	vmax.f32 v30, v60;
	v22 =	vmul.f32 $1.442695020e+00, v22  }
0x193: {  	v43 =	vld [tilespmem:s8+$0x90];
	[tilespmem:s7+$0x10] =	vst v50;
	v59 =	vmul.f32 $2.000000030e-01, v63;
	v62 =	vsub.f32 v21, v3;
	v30 =	vsub.f32 v30, v3;
	v61 =	vpop (erf)  }
0x194: {  	v50 =	vld [tilespmem:s6+$0x20];
	v31 =	vsel vm1, $0x3F800000, v31;
	v46 =	vmul.f32 v55, v16;
	v21 =	vperm.xlane v61, v1  }
0x195: {  	v51 =	vld [tilespmem:s6+$0xC0];
	[tilespmem:s7+$0xFFFFFEE0] =	vst v33;
	v39 =	vmax.f32 v63, v59;
	v57 =	vmul.f32 $1.442695020e+00, v62;
	v30 =	vmul.f32 $1.442695020e+00, v30  }
0x196: {  	[tilespmem:s3+$0xFFFFFF50] =	vst v23;
	v58 =	vld [tilespmem:s6+$0xFFFFFEF0];
	v56 =	vsub.f32 v39, v3;
	(erf) = vpow2.f32 v22;
	v22 =	vpop (erf);
	v31 =	vmul.f32 v21, v31  }
0x197: {  	s25 =	simm.s32 $0xB0E0;
	[tilespmem:s3+$0xFFFFFF00] =	vst v36;
	v29 =	vld [tilespmem:s6+$0x70];
	(erf) = vpow2.f32 v57;
	v22 =	vperm.xlane v22, v1  }
0x198: {  	v23 =	vsel vm1, $0x3F800000, v26;
	v37 =	vld [tilespmem:s4+$0x80];
	v38 =	vmul.f32 $1.442695020e+00, v56;
	(erf) = vpow2.f32 v30;
	v26 =	vpop (erf);
	[tilespmem:s25+$0xF0] =	vst v31  }
0x199: {  	[tilespmem:s3+$0x40] =	vst v19;
	v28 =	vmul.f32 v22, v23;
	v23 =	vperm.xlane v26, v1;
	v31 =	vld [tilespmem:s1+$0x100]  }
0x19a: {  	v19 =	vsel vm1, $0x3F800000, v24;
	[tilespmem:s7+$0xFFFFFF80] =	vst v41;
	v63 =	vld [tilespmem:s4+$0xFFFFFF00];
	v61 =	vmul.f32 v50, v17;
	(erf) = vpow2.f32 v38;
	v24 =	vpop (erf)  }
0x19b: {  	v39 =	vld [tilespmem:s4+$0xFFFFFFA0];
	[tilespmem:s7+$0xFFFFFFD0] =	vst v46;
	v24 =	vperm.xlane v24, v1;
	v19 =	vmul.f32 v23, v19  }
0x19c: {  	v27 =	vsel vm1, $0x3F800000, v27;
	v59 =	vld [tilespmem:s4+$0xFFFFFF50];
	[tilespmem:s7+$0x20] =	vst v61;
	v26 =	vmul.f32 v49, v13  }
0x19d: {  	v54 =	vld [tilespmem:s6+$0xFFFFFFE0];
	v30 =	vmul.f32 v29, v12;
	[tilespmem:s25+$0xFFFFFF60] =	vst v19;
	v19 =	vmul.f32 v24, v27  }
0x19e: {  	v29 =	vmul.f32 v51, v14;
	v51 =	vld [tilespmem:s6+$0xFFFFFF90];
	[tilespmem:s25+$0xFFFFFF10] =	vst v28;
	v28 =	vmul.f32 v31, v21  }
0x19f: {  	v38 =	vld [tilespmem:s4+$0xFFFFFFF0];
	[tilespmem:s7+$0xFFFFFF30] =	vst v26  }
0x1a0: {  	v36 =	vmul.f32 v34, v7;
	v53 =	vnsel vm0, $0x0, v63;
	v33 =	vnsel vm0, $0x0, v39;
	v61 =	vld [tilespmem:s6+$0x30];
	v26 =	vpop (erf);
	[tilespmem:s25+$0x100] =	vst v28  }
0x1a1: {  	v39 =	vmul.f32 v53, v20;
	v27 =	vsel vm1, $0x3F800000, v25;
	v26 =	vperm.xlane v26, v1;
	[tilespmem:s25+$0xFFFFFFB0] =	vst v19;
	v19 =	vpop (erf);
	v50 =	vld [tilespmem:s1+$0x110]  }
0x1a2: {  	v41 =	vmul.f32 v54, v16;
	v49 =	vld [tilespmem:s1+$0xFFFFFF70];
	v25 =	vperm.xlane v19, v1;
	v19 =	vpop (erf)  }
0x1a3: {  	v32 =	vsel vm1, $0x3F800000, v32;
	v60 =	vld [tilespmem:s1+$0xFFFFFF20];
	v62 =	vmul.f32 v26, v27;
	v19 =	vperm.xlane v19, v1  }
0x1a4: {  	v35 =	vsel vm1, $0x3F800000, v35;
	v52 =	vld [tilespmem:s6+$0xFFFFFF40];
	v31 =	vmul.f32 v58, v18;
	v27 =	vpop (erf);
	v63 =	vmul.f32 v25, v32  }
0x1a5: {  	v40 =	vld [tilespmem:s1+$0xFFFFFFC0];
	[tilespmem:s25+$0x0] =	vst v62;
	v27 =	vperm.xlane v27, v1;
	v48 =	vmul.f32 v19, v35  }
0x1a6: {  	v28 =	vmul.f32 v37, v6;
	v37 =	vsel vm1, $0x3F800000, v44;
	v44 =	vld [tilespmem:s1+$0x10];
	[tilespmem:s25+$0x50] =	vst v63;
	v63 =	vmul.f32 v50, v21  }
0x1a7: {  	v34 =	vnsel vm0, $0x0, v47;
	v62 =	vmul.f32 v27, v37;
	[tilespmem:s25+$0xFFFFFEC0] =	vst v48;
	v50 =	vmul.f32 v49, v23;
	v49 =	vld [tilespmem:s1+$0x60]  }
0x1a8: {  	v60 =	vmul.f32 v60, v22;
	v35 =	vnsel vm0, $0x0, v38;
	v38 =	vnsel vm0, $0x0, v43;
	v45 =	vld [tilespmem:s1+$0xFFFFFED0];
	[tilespmem:s25+$0x110] =	vst v63  }
0x1a9: {  	v43 =	vmul.f32 v61, v17;
	v37 =	vnsel vm0, $0x0, v42;
	v42 =	vmul.f32 v52, v13;
	[tilespmem:s25+$0xA0] =	vst v62;
	v46 =	vld [tilespmem:s1+$0x120]  }
0x1aa: {  	s14 =	simm.s32 $0x5960;
	s8 =	simm.s32 $0x18;
	[tilespmem:s25+$0xFFFFFF20] =	vst v60;
	v32 =	vnsel vm0, $0x0, v59;
	v48 =	vmul.f32 v40, v24;
	v40 =	vmul.f32 v51, v15;
	v47 =	vld [tilespmem:s1+$0xB0]  }
.LBB2_13:
0x1ab: {  	v20 =	vld [tilespmem:s14+$0xF0];
	[tilespmem:s25+$0xFFFFFF70] =	vst v50;
	v44 =	vmul.f32 v44, v26;
	s26 =	sadd.s32 $0x80, s26;
	v32 =	vmul.f32 v32, v8;
	v8 =	vmovc v13;
	v13 =	vmov v22  }
0x1ac: {  	s8 =	sadd.s32 $0x8, s8;
	v33 =	vmul.f32 v33, v9;
	v9 =	vmovc v15;
	v15 =	vmov v23;
	v50 =	vld [tilespmem:s26+$0x30];
	[tilespmem:s25+$0xFFFFFFC0] =	vst v48;
	v48 =	vmul.f32 v49, v25  }
0x1ad: {  	v35 =	vmul.f32 v35, v10;
	v10 =	vmovc v16;
	v16 =	vmov v24;
	p1 =	slt.u32 s8, $0x48;
	v49 =	vld [tilespmem:s26+$0xFFFFFFC0];
	v23 =	vmul.f32 v45, v19;
	[tilespmem:s25+$0x10] =	vst v44  }
0x1ae: {  	v37 =	vmul.f32 v37, v11;
	v11 =	vmovc v17;
	v17 =	vmov v26;
	v22 =	vld [tilespmem:s14+$0xFFFFFF10];
	[tilespmem:s25+$0x60] =	vst v48;
	v24 =	vmul.f32 v46, v21  }
0x1af: {  	v38 =	vmul.f32 v38, v5;
	v5 =	vmovc v6;
	v6 =	vmov v12;
	v26 =	vld [tilespmem:s26+$0xFFFFFFD0];
	[tilespmem:s25+$0xFFFFFED0] =	vst v23;
	v44 =	vmul.f32 v47, v27  }
0x1b0: {  	v12 =	vmovc v25;
	v23 =	vld [tilespmem:s14+$0xFFFFFF60];
	[tilespmem:s25+$0x120] =	vst v24;
	v24 =	vmul.f32 v34, v4;
	v4 =	vmovc v7;
	v7 =	vmov v14;
	v14 =	vmov v27  }
0x1b1: {  	v25 =	vadd.f32 v50, v20;
	[tilespmem:s25+$0xB0] =	vst v44;
	v27 =	vld [tilespmem:s1+$0x130]  }
0x1b2: {  	v34 =	vld [tilespmem:s26+$0xFFFFFFE0];
	[tilespmem:s7+$0x70] =	vst v30  }
0x1b3: {  	v30 =	vld [tilespmem:s14+$0xFFFFFFB0];
	v44 =	vmul.f32 $2.000000030e-01, v25;
	[tilespmem:s7+$0xC0] =	vst v29  }
0x1b4: {  	v26 =	vadd.f32 v26, v22;
	v29 =	vld [tilespmem:s26+$0xFFFFFFF0];
	[tilespmem:s7+$0xFFFFFEF0] =	vst v31  }
0x1b5: {  	v31 =	vld [tilespmem:s14+$0x0];
	v25 =	vmax.f32 v25, v44;
	[tilespmem:s7+$0xFFFFFF40] =	vst v42  }
0x1b6: {  	v42 =	vmul.f32 $2.000000030e-01, v26;
	v44 =	vld [tilespmem:s26+$0x0];
	v25 =	vsub.f32 v25, v3;
	v27 =	vnsel vm0, $0x0, v27;
	[tilespmem:s7+$0xFFFFFF90] =	vst v40  }
0x1b7: {  	v34 =	vadd.f32 v34, v23;
	v40 =	vld [tilespmem:s14+$0x50];
	v21 =	vmul.f32 v27, v21;
	[tilespmem:s7+$0xFFFFFFE0] =	vst v41  }
0x1b8: {  	v26 =	vmax.f32 v26, v42;
	v27 =	vld [tilespmem:s26+$0x10];
	v25 =	vmul.f32 $1.442695020e+00, v25;
	[tilespmem:s7+$0x30] =	vst v43  }
0x1b9: {  	v26 =	vsub.f32 v26, v3;
	v41 =	vmul.f32 $2.000000030e-01, v34;
	v29 =	vadd.f32 v29, v30;
	v42 =	vld [tilespmem:s14+$0xA0];
	[tilespmem:s25+$0x130] =	vst v21  }
0x1ba: {  	v21 =	vld [tilespmem:s26+$0x20];
	(erf) = vpow2.f32 v25;
	[tilespmem:s5+$0x80] =	vst v28  }
0x1bb: {  	v25 =	vld [tilespmem:s14+$0xFFFFFEC0];
	v28 =	vmax.f32 v34, v41;
	v34 =	vmul.f32 $2.000000030e-01, v29;
	v41 =	vadd.f32 v44, v31;
	[tilespmem:s5+$0xD0] =	vst v36  }
0x1bc: {  	v26 =	vmul.f32 $1.442695020e+00, v26;
	v28 =	vsub.f32 v28, v3;
	v36 =	vld [tilespmem:s1+$0xFFFFFEE0];
	[tilespmem:s5+$0xFFFFFF00] =	vst v39  }
0x1bd: {  	v29 =	vmax.f32 v29, v34;
	v34 =	vmul.f32 $2.000000030e-01, v41;
	v27 =	vadd.f32 v27, v40;
	v39 =	vld [tilespmem:s1+$0xFFFFFF30];
	[tilespmem:s5+$0xFFFFFF50] =	vst v32  }
0x1be: {  	v28 =	vmul.f32 $1.442695020e+00, v28;
	v29 =	vsub.f32 v29, v3;
	(erf) = vpow2.f32 v26;
	v26 =	vld [tilespmem:s1+$0xFFFFFF80];
	[tilespmem:s5+$0xFFFFFFA0] =	vst v33  }
0x1bf: {  	v32 =	vmax.f32 v41, v34;
	v33 =	vmul.f32 $2.000000030e-01, v27;
	v21 =	vadd.f32 v21, v42;
	v34 =	vld [tilespmem:s1+$0xFFFFFFD0];
	[tilespmem:s5+$0xFFFFFFF0] =	vst v35  }
0x1c0: {  	v35 =	vadd.f32 v49, v25;
	v29 =	vmul.f32 $1.442695020e+00, v29;
	v32 =	vsub.f32 v32, v3;
	v41 =	vld [tilespmem:s1+$0x20];
	[tilespmem:s5+$0x40] =	vst v37  }
0x1c1: {  	v27 =	vmax.f32 v27, v33;
	v33 =	vmul.f32 $2.000000030e-01, v21;
	(erf) = vpow2.f32 v28;
	v28 =	vld [tilespmem:s1+$0x70];
	[tilespmem:s3+$0x90] =	vst v38  }
0x1c2: {  	v37 =	vmul.f32 $2.000000030e-01, v35;
	v32 =	vmul.f32 $1.442695020e+00, v32;
	v27 =	vsub.f32 v27, v3;
	v38 =	vld [tilespmem:s1+$0xC0];
	[tilespmem:s3+$0xE0] =	vst v24;
	s3 =	smov.u32 s5;
	s5 =	smov.u32 s7;
	s7 =	smov.u32 s25  }
0x1c3: {  	v21 =	vmax.f32 v21, v33;
	(erf) = vpow2.f32 v29;
	v24 =	vpop (erf);
	v29 =	vmul.f32 v36, v19;
	v36 =	vld [tilespmem:s6+$0x80]  }
0x1c4: {  	v33 =	vmax.f32 v35, v37;
	v35 =	vsub.f32 v21, v3;
	v21 =	vperm.xlane v24, v1;
	v43 =	vld [tilespmem:s6+$0xD0]  }
0x1c5: {  	v20 =	vsel vm1, $0x3F800000, v20;
	v27 =	vmul.f32 $1.442695020e+00, v27;
	v24 =	vsub.f32 v33, v3;
	[tilespmem:s25+$0xFFFFFEE0] =	vst v29;
	v29 =	vld [tilespmem:s6+$0xFFFFFF00]  }
0x1c6: {  	v44 =	vsel vm1, $0x3F800000, v25;
	v25 =	vmul.f32 $1.442695020e+00, v35;
	v20 =	vmul.f32 v21, v20;
	v45 =	vld [tilespmem:s1+$0xFFFFFEF0]  }
0x1c7: {  	v33 =	vsel vm1, $0x3F800000, v22;
	s25 =	sadd.s32 $0x280, s25;
	v24 =	vmul.f32 $1.442695020e+00, v24;
	v22 =	vpop (erf);
	(erf) = vpow2.f32 v32;
	v32 =	vld [tilespmem:s6+$0xFFFFFF50]  }
0x1c8: {  	v35 =	vsel vm1, $0x3F800000, v23;
	v22 =	vperm.xlane v22, v1;
	[tilespmem:s25+$0xF0] =	vst v20;
	(erf) = vpow2.f32 v27;
	v20 =	vld [tilespmem:s6+$0xFFFFFFA0]  }
0x1c9: {  	v46 =	vsel vm1, $0x3F800000, v31;
	v27 =	vsel vm1, $0x3F800000, v30;
	v30 =	vld [tilespmem:s14+$0x100];
	(erf) = vpow2.f32 v24  }
0x1ca: {  	v40 =	vsel vm1, $0x3F800000, v40;
	v42 =	vsel vm1, $0x3F800000, v42;
	v23 =	vpop (erf);
	(erf) = vpow2.f32 v25;
	v25 =	vld [tilespmem:s6+$0xFFFFFFF0]  }
0x1cb: {  	v24 =	vmul.f32 v22, v33;
	v51 =	vnsel vm0, $0x0, v29;
	v23 =	vperm.xlane v23, v1;
	v31 =	vld [tilespmem:s6+$0x40]  }
0x1cc: {  	v37 =	vmul.f32 v39, v13;
	v39 =	vmul.f32 v26, v15;
	v29 =	vpop (erf);
	v32 =	vnsel vm0, $0x0, v32;
	v47 =	vld [tilespmem:s4+$0x90]  }
0x1cd: {  	[tilespmem:s25+$0xFFFFFF10] =	vst v24;
	v26 =	vmul.f32 v23, v35;
	v24 =	vperm.xlane v29, v1;
	v33 =	vnsel vm0, $0x0, v20;
	v20 =	vld [tilespmem:s4+$0xE0];
	s4 =	smov.u32 s6;
	s6 =	smov.u32 s1;
	s1 =	smov.u32 s14  }
0x1ce: {  	v49 =	vmul.f32 v34, v16;
	v48 =	vld [tilespmem:s14+$0xFFFFFF20];
	v29 =	vmul.f32 v30, v21;
	[tilespmem:s7+$0xFFFFFF30] =	vst v37  }
0x1cf: {  	v41 =	vmul.f32 v41, v17;
	[tilespmem:s25+$0xFFFFFF60] =	vst v26;
	v26 =	vmul.f32 v24, v27;
	v52 =	vld [tilespmem:s6+$0xFFFFFF40];
	v35 =	vnsel vm0, $0x0, v25  }
0x1d0: {  	v30 =	vmul.f32 v28, v12;
	v50 =	vld [tilespmem:s14+$0xFFFFFF70];
	[tilespmem:s25+$0x100] =	vst v29;
	v25 =	vpop (erf);
	v29 =	vmul.f32 v38, v14;
	v37 =	vnsel vm0, $0x0, v31  }
0x1d1: {  	v31 =	vmul.f32 v45, v19;
	[tilespmem:s25+$0xFFFFFFB0] =	vst v26;
	v26 =	vperm.xlane v25, v1;
	v53 =	vld [tilespmem:s14+$0x110];
	v25 =	vpop (erf);
	v38 =	vnsel vm0, $0x0, v47  }
0x1d2: {  	v28 =	vmul.f32 v36, v6;
	v45 =	vld [tilespmem:s14+$0xFFFFFFC0];
	v25 =	vperm.xlane v25, v1;
	v27 =	vpop (erf);
	[tilespmem:s7+$0xFFFFFF80] =	vst v39;
	v34 =	vnsel vm0, $0x0, v20  }
0x1d3: {  	v20 =	vperm.xlane v27, v1;
	v36 =	vmul.f32 v26, v46;
	v27 =	vpop (erf);
	v39 =	vld [tilespmem:s6+$0xFFFFFF90];
	[tilespmem:s7+$0xFFFFFFD0] =	vst v49  }
0x1d4: {  	v40 =	vmul.f32 v25, v40;
	v27 =	vperm.xlane v27, v1;
	v47 =	vld [tilespmem:s6+$0xFFFFFFE0];
	[tilespmem:s7+$0x20] =	vst v41  }
0x1d5: {  	v54 =	vmul.f32 v48, v22;
	v41 =	vmul.f32 v20, v44;
	[tilespmem:s25+$0x0] =	vst v36;
	v55 =	vld [tilespmem:s6+$0x30]  }
.Ltmp7:
0x1d6: {  	v44 =	vld [tilespmem:s14+$0x10];
	[tilespmem:s25+$0x50] =	vst v40;
	v36 =	vmul.f32 v27, v42;
	v40 =	vmul.f32 v53, v21;
	(pc) =	sbr.rel @p1 .LBB2_13-.Ltmp7, $4  }
0x1d7: {  	v50 =	vmul.f32 v50, v23;
	[tilespmem:s25+$0xFFFFFEC0] =	vst v41;
	v48 =	vmul.f32 v45, v24;
	v49 =	vld [tilespmem:s14+$0x60]  }
0x1d8: {  	v42 =	vmul.f32 v52, v13;
	v45 =	vld [tilespmem:s14+$0xFFFFFED0];
	[tilespmem:s25+$0x110] =	vst v40;
	v40 =	vmul.f32 v39, v15  }
0x1d9: {  	[tilespmem:s25+$0xA0] =	vst v36;
	v46 =	vld [tilespmem:s14+$0x120];
	v41 =	vmul.f32 v47, v16;
	v36 =	vmul.f32 v43, v7  }
0x1da: {  	v39 =	vmul.f32 v51, v18;
	v18 =	vmovc v19;
	v19 =	vmov v20;
	s14 =	sadd.s32 $0x280, s14;
	[tilespmem:s25+$0xFFFFFF20] =	vst v54;
	v47 =	vld [tilespmem:s1+$0xB0];
	v43 =	vmul.f32 v55, v17  }
0x1db: {  	[tilespmem:s25+$0xFFFFFF70] =	vst v50  }
0x1dc: {  	[tilespmem:s25+$0xFFFFFFC0] =	vst v48  }
0x1dd: {  	[tilespmem:s7+$0x70] =	vst v30  }
0x1de: {  	[tilespmem:s7+$0xC0] =	vst v29  }
0x1df: {  	[tilespmem:s7+$0xFFFFFEF0] =	vst v31  }
0x1e0: {  	[tilespmem:s7+$0xFFFFFF40] =	vst v42  }
0x1e1: {  	[tilespmem:s7+$0xFFFFFF90] =	vst v40  }
0x1e2: {  	[tilespmem:s7+$0xFFFFFFE0] =	vst v41  }
0x1e3: {  	[tilespmem:s5+$0x80] =	vst v28  }
0x1e4: {  	[tilespmem:s5+$0xD0] =	vst v36  }
0x1e5: {  	v20 =	vmul.f32 v44, v26;
	[tilespmem:s7+$0x30] =	vst v43  }
0x1e6: {  	v8 =	vmul.f32 v32, v8;
	[tilespmem:s5+$0xFFFFFF00] =	vst v39  }
0x1e7: {  	[tilespmem:s25+$0x10] =	vst v20;
	v20 =	vmul.f32 v46, v21  }
0x1e8: {  	v9 =	vmul.f32 v33, v9;
	[tilespmem:s5+$0xFFFFFF50] =	vst v8  }
0x1e9: {  	v10 =	vmul.f32 v35, v10;
	v8 =	vld [tilespmem:s1+$0xFFFFFF80];
	[tilespmem:s25+$0x120] =	vst v20  }
0x1ea: {  	v11 =	vmul.f32 v37, v11;
	[tilespmem:s5+$0xFFFFFFA0] =	vst v9;
	v20 =	vld [tilespmem:s1+$0x130]  }
0x1eb: {  	v5 =	vmul.f32 v38, v5;
	[tilespmem:s5+$0xFFFFFFF0] =	vst v10  }
0x1ec: {  	v62 =	vmul.f32 v49, v25;
	v9 =	vld [tilespmem:s1+$0xFFFFFFD0];
	[tilespmem:s5+$0x40] =	vst v11  }
0x1ed: {  	v28 =	vld [tilespmem:s6+$0x80];
	[tilespmem:s3+$0x90] =	vst v5;
	v63 =	vmul.f32 v47, v27  }
0x1ee: {  	v45 =	vmul.f32 v45, v19;
	[tilespmem:s25+$0x60] =	vst v62;
	v10 =	vld [tilespmem:s1+$0x20]  }
0x1ef: {  	v11 =	vld [tilespmem:s1+$0x70];
	[tilespmem:s25+$0xB0] =	vst v63;
	v8 =	vmul.f32 v8, v23;
	v20 =	vnsel vm0, $0x0, v20  }
0x1f0: {  	[tilespmem:s25+$0xFFFFFED0] =	vst v45;
	v5 =	vld [tilespmem:s1+$0xC0];
	v20 =	vmul.f32 v20, v21  }
0x1f1: {  	v9 =	vmul.f32 v9, v24;
	[tilespmem:s25+$0xFFFFFF80] =	vst v8;
	v21 =	vld [tilespmem:s1+$0xFFFFFF30]  }
0x1f2: {  	v4 =	vmul.f32 v34, v4;
	[tilespmem:s25+$0x130] =	vst v20;
	v20 =	vld [tilespmem:s1+$0xFFFFFEE0]  }
0x1f3: {  	v10 =	vmul.f32 v10, v26;
	[tilespmem:s25+$0xFFFFFFD0] =	vst v9;
	v8 =	vld [tilespmem:s1+$0xFFFFFF90]  }
0x1f4: {  	[tilespmem:s3+$0xE0] =	vst v4;
	v9 =	vmul.f32 v11, v25;
	v11 =	vld [tilespmem:s1+$0xFFFFFFE0]  }
0x1f5: {  	[tilespmem:s25+$0x20] =	vst v10;
	v10 =	vld [tilespmem:s6+$0xD0];
	v4 =	vmul.f32 v5, v27  }
0x1f6: {  	[tilespmem:s25+$0x70] =	vst v9;
	v5 =	vld [tilespmem:s1+$0x30];
	v21 =	vmul.f32 v21, v22  }
0x1f7: {  	v9 =	vld [tilespmem:s6+$0xFFFFFF00];
	[tilespmem:s25+$0xC0] =	vst v4;
	v20 =	vmul.f32 v20, v19  }
0x1f8: {  	v28 =	vmul.f32 v28, v12;
	v4 =	vld [tilespmem:s6+$0xFFFFFF50];
	[tilespmem:s25+$0xFFFFFF30] =	vst v21  }
0x1f9: {  	v8 =	vmul.f32 v8, v23;
	v21 =	vld [tilespmem:s1+$0xFFFFFF40];
	[tilespmem:s25+$0xFFFFFEE0] =	vst v20  }
0x1fa: {  	[tilespmem:s7+$0x80] =	vst v28;
	v11 =	vmul.f32 v11, v24;
	v20 =	vld [tilespmem:s1+$0xFFFFFEF0]  }
0x1fb: {  	v5 =	vmul.f32 v5, v26;
	[tilespmem:s25+$0xFFFFFF90] =	vst v8;
	v8 =	vld [tilespmem:s6+$0x40]  }
0x1fc: {  	v10 =	vmul.f32 v10, v14;
	v9 =	vnsel vm0, $0x0, v9;
	[tilespmem:s25+$0xFFFFFFE0] =	vst v11;
	v11 =	vld [tilespmem:s4+$0x90]  }
0x1fd: {  	v9 =	vmul.f32 v9, v18;
	[tilespmem:s25+$0x30] =	vst v5;
	v5 =	vld [tilespmem:s4+$0xE0]  }
0x1fe: {  	[tilespmem:s7+$0xD0] =	vst v10;
	v10 =	vld [tilespmem:s1+$0x80];
	v21 =	vmul.f32 v21, v22  }
0x1ff: {  	v4 =	vnsel vm0, $0x0, v4;
	[tilespmem:s7+$0xFFFFFF00] =	vst v9;
	v9 =	vld [tilespmem:s1+$0xD0];
	v20 =	vmul.f32 v20, v19  }
0x200: {  	v4 =	vmul.f32 v4, v13;
	v8 =	vnsel vm0, $0x0, v8;
	[tilespmem:s25+$0xFFFFFF40] =	vst v21;
	v21 =	vld [tilespmem:s6+$0xFFFFFFF0]  }
0x201: {  	v11 =	vnsel vm0, $0x0, v11;
	v8 =	vmul.f32 v8, v17;
	[tilespmem:s25+$0xFFFFFEF0] =	vst v20;
	v20 =	vld [tilespmem:s6+$0xFFFFFFA0]  }
0x202: {  	[tilespmem:s7+$0xFFFFFF50] =	vst v4;
	v6 =	vmul.f32 v11, v6;
	v5 =	vnsel vm0, $0x0, v5;
	v4 =	vld [tilespmem:s1+$0xFFFFFF00]  }
0x203: {  	v11 =	vld [tilespmem:s1+$0xFFFFFFA0];
	v5 =	vmul.f32 v5, v7;
	[tilespmem:s7+$0x40] =	vst v8  }
0x204: {  	[tilespmem:s5+$0x90] =	vst v6;
	v6 =	vld [tilespmem:s1+$0x40];
	v8 =	vmul.f32 v10, v25  }
0x205: {  	v9 =	vmul.f32 v9, v27;
	[tilespmem:s5+$0xE0] =	vst v5;
	v5 =	vld [tilespmem:s6+$0x90];
	v13 =	vnsel vm0, $0x0, v21  }
0x206: {  	v7 =	vld [tilespmem:s1+$0xFFFFFFF0];
	[tilespmem:s25+$0x80] =	vst v8;
	v13 =	vmul.f32 v13, v16;
	v18 =	vnsel vm0, $0x0, v20  }
0x207: {  	[tilespmem:s25+$0xD0] =	vst v9;
	v9 =	vld [tilespmem:s1+$0x90];
	v15 =	vmul.f32 v18, v15;
	v4 =	vnsel vm0, $0x0, v4  }
0x208: {  	v8 =	vnsel vm0, $0x0, v11;
	[tilespmem:s7+$0xFFFFFFF0] =	vst v13;
	v13 =	vld [tilespmem:s6+$0xE0];
	v4 =	vmul.f32 v4, v19  }
0x209: {  	v8 =	vmul.f32 v8, v23;
	v6 =	vnsel vm0, $0x0, v6;
	[tilespmem:s7+$0xFFFFFFA0] =	vst v15;
	v15 =	vld [tilespmem:s1+$0xFFFFFF50]  }
0x20a: {  	v6 =	vmul.f32 v6, v26;
	v5 =	vnsel vm0, $0x0, v5;
	[tilespmem:s25+$0xFFFFFF00] =	vst v4;
	v4 =	vld [tilespmem:s1+$0xE0]  }
0x20b: {  	v7 =	vnsel vm0, $0x0, v7;
	[tilespmem:s25+$0xFFFFFFA0] =	vst v8;
	v5 =	vmul.f32 v5, v12  }
0x20c: {  	v7 =	vmul.f32 v7, v24;
	[tilespmem:s25+$0x40] =	vst v6;
	v6 =	vnsel vm0, $0x0, v9  }
0x20d: {  	[tilespmem:s7+$0x90] =	vst v5;
	v5 =	vmul.f32 v6, v25;
	v8 =	vnsel vm0, $0x0, v13  }
0x20e: {  	[tilespmem:s25+$0xFFFFFFF0] =	vst v7;
	v7 =	vmul.f32 v8, v14;
	v10 =	vnsel vm0, $0x0, v15  }
0x20f: {  	s8 =	smul.u32 $0x3C0, s2;
	[tilespmem:s25+$0x90] =	vst v5;
	v10 =	vmul.f32 v10, v22;
	v4 =	vnsel vm0, $0x0, v4  }
0x210: {  	[tilespmem:s7+$0xE0] =	vst v7;
	v4 =	vmul.f32 v4, v27  }
0x211: {  	p1 =	seq.s32 s2, $0x29;
	s3 =	sshra.s32 s8, $0x2;
	[tilespmem:s25+$0xFFFFFF50] =	vst v10  }
0x212: {  	s4 =	smul.u32 @!p1 $0xF0, s2;
	s1 =	sadd.s32 $0x2710, s3;
	[tilespmem:s25+$0xE0] =	vst v4  }
0x213: {  	[spmem:s11] =	stream.indirect.scatter.add.f32 [tilespmem:s21], [sflag:$0x8], $0x50, s1, s9, $0xb8;
	[tilespmem:$0x1CF30] =	vst v63  }
0x214: {  	s5 =	simm.s32 @!p1 $0x50;
	s6 =	simm.s32 @!p1 $0x4E20;
	s1 =	sadd.s32 @!p1 $0xF0, s4  }
0x215: {  	[tilespmem:s6], [sflag:$0x2] =	stream.indirect.gather @!p1 [hbm4b:s15+s5], $0x50, s1, s5, $0xb8;
	[tilespmem:$0x1CF30] =	vst v63  }
0x216: {  	s1 =	sadd.s32 @!p1 $0x2800, s4;
	s4 =	simm.s32 @!p1 $0x9920  }
0x217: {  	[tilespmem:s4], [sflag:$0x5] =	stream.indirect.gather @!p1 [hbm4b:s16+s5], $0x10, s1, s5, $0xb8;
	[tilespmem:$0x1CF30] =	vst v63  }
0x218: {  	_ =	swait.ge [sflag:s22], $0x1900  }
0x219: {  	[sflag:s22] =	ssyncset.done $0x0  }
0x21a: {  	[sflag:s22] =	ssyncadd.s32 $0xFFFFE700  }
0x21b: {  	_ =	swait.ge [sflag:s23], $0x500  }
0x21c: {  	[sflag:s23] =	ssyncset.done $0x0  }
0x21d: {  	s1 =	simm.s32 @!p0 $0x9;
	[sflag:s23] =	ssyncadd.s32 $0xFFFFFB00  }
0x21e: {  	_ =	swait.ge @!p0 [sflag:s1], $0x1900  }
0x21f: {  	[sflag:s1] =	ssyncset.done @!p0 $0x0  }
0x220: {  	s25 =	simm.s32 $0x6990;
	[sflag:s1] =	ssyncadd.s32 @!p0 $0xFFFFE700  }
0x221: {  	s13 =	simm.s32 $0x9E90;
	v4 =	vld [tilespmem:s25+$0xFFFFFFC0]  }
0x222: {  	v5 =	vld [tilespmem:s13+$0x0]  }
0x223: {  	v6 =	vld [tilespmem:s25+$0xFFFFFDE0]  }
0x224: {  	v7 =	vld [tilespmem:s13+$0xFFFFFFA0]  }
0x225: {  	v8 =	vld [tilespmem:s25+$0xFFFFFE30]  }
0x226: {  	v9 =	vld [tilespmem:s13+$0xFFFFFFB0]  }
0x227: {  	v11 =	vld [tilespmem:s25+$0xFFFFFE80];
	v5 =	vadd.f32 v5, v4  }
0x228: {  	v12 =	vld [tilespmem:s13+$0xFFFFFFC0]  }
0x229: {  	v13 =	vld [tilespmem:s13+$0xFFFFFFD0];
	v10 =	vmul.f32 $2.000000030e-01, v5  }
0x22a: {  	v14 =	vld [tilespmem:s25+$0xFFFFFF20]  }
0x22b: {  	v7 =	vadd.f32 v7, v6;
	v5 =	vmax.f32 v5, v10;
	v10 =	vld [tilespmem:s25+$0xFFFFFED0]  }
0x22c: {  	v15 =	vld [tilespmem:s13+$0xFFFFFFE0];
	v5 =	vsub.f32 v5, v3  }
0x22d: {  	v12 =	vadd.f32 v12, v11;
	v17 =	vmul.f32 $2.000000030e-01, v7  }
0x22e: {  	v9 =	vadd.f32 v9, v8;
	v5 =	vmul.f32 $1.442695020e+00, v5  }
0x22f: {  	v16 =	vld [tilespmem:s13+$0xFFFFFF90];
	v7 =	vmax.f32 v7, v17;
	v17 =	vmul.f32 $2.000000030e-01, v12  }
0x230: {  	v18 =	vld [tilespmem:s25+$0xFFFFFD90];
	(erf) = vpow2.f32 v5;
	v5 =	vmul.f32 $2.000000030e-01, v9;
	v13 =	vadd.f32 v13, v10  }
0x231: {  	v15 =	vadd.f32 v15, v14;
	v7 =	vsub.f32 v7, v3  }
0x232: {  	v5 =	vmax.f32 v9, v5;
	v9 =	vmax.f32 v12, v17;
	v12 =	vmul.f32 $2.000000030e-01, v13  }
0x233: {  	v7 =	vmul.f32 $1.442695020e+00, v7  }
0x234: {  	v5 =	vsub.f32 v5, v3;
	v12 =	vmax.f32 v13, v12;
	v13 =	vmul.f32 $2.000000030e-01, v15  }
0x235: {  	v16 =	vadd.f32 v16, v18;
	(erf) = vpow2.f32 v7;
	v9 =	vsub.f32 v9, v3  }
0x236: {  	v5 =	vmul.f32 $1.442695020e+00, v5;
	v7 =	vsub.f32 v12, v3;
	v12 =	vmax.f32 v15, v13  }
0x237: {  	v9 =	vmul.f32 $1.442695020e+00, v9  }
0x238: {  	v13 =	vmul.f32 $2.000000030e-01, v16;
	(erf) = vpow2.f32 v5  }
0x239: {  	vm1 =	veq.s32 v2, $0x0;
	v5 =	vmul.f32 $1.442695020e+00, v7;
	v7 =	vsub.f32 v12, v3;
	v12 =	vpop (erf)  }
0x23a: {  	(erf) = vpow2.f32 v9;
	v9 =	vmax.f32 v16, v13;
	v24 =	vperm.xlane v12, v1  }
0x23b: {  	v4 =	vsel vm1, $0x3F800000, v4;
	v13 =	vld [tilespmem:s13+$0xFFFFFFF0];
	v9 =	vsub.f32 v9, v3  }
0x23c: {  	v7 =	vmul.f32 $1.442695020e+00, v7;
	v12 =	vld [tilespmem:s25+$0xFFFFFF70];
	v4 =	vmul.f32 v24, v4  }
0x23d: {  	s4 =	simm.s32 $0xC390;
	(erf) = vpow2.f32 v5;
	v5 =	vmul.f32 $1.442695020e+00, v9  }
0x23e: {  	(erf) = vpow2.f32 v7;
	[tilespmem:s4+$0xFFFFFFC0] =	vst v4  }
0x23f: {  	(erf) = vpow2.f32 v5;
	v4 =	vld [tilespmem:s25+$0xFFFFFFD0]  }
0x240: {  	v7 =	vpop (erf)  }
0x241: {  	v23 =	vperm.xlane v7, v1;
	v5 =	vadd.f32 v13, v12;
	v7 =	vpop (erf)  }
0x242: {  	v21 =	vperm.xlane v7, v1  }
0x243: {  	v8 =	vsel vm1, $0x3F800000, v8;
	v9 =	vmul.f32 $2.000000030e-01, v5  }
0x244: {  	v6 =	vsel vm1, $0x3F800000, v6;
	v8 =	vmul.f32 v21, v8;
	v4 =	vmul.f32 v4, v24  }
0x245: {  	v6 =	vmul.f32 v23, v6;
	v7 =	vpop (erf)  }
0x246: {  	v22 =	vperm.xlane v7, v1;
	v7 =	vpop (erf);
	[tilespmem:s4+$0xFFFFFFD0] =	vst v4  }
0x247: {  	v11 =	vsel vm1, $0x3F800000, v11;
	[tilespmem:s4+$0xFFFFFDE0] =	vst v6;
	v19 =	vperm.xlane v7, v1;
	v4 =	vmax.f32 v5, v9;
	v9 =	vpop (erf);
	v7 =	vld [tilespmem:s25+$0xFFFFFFE0]  }
0x248: {  	v6 =	vmul.f32 v22, v11;
	[tilespmem:s4+$0xFFFFFE30] =	vst v8;
	v5 =	vsel vm1, $0x3F800000, v10;
	v4 =	vsub.f32 v4, v3;
	v8 =	vpop (erf)  }
0x249: {  	v5 =	vmul.f32 v19, v5;
	v25 =	vperm.xlane v8, v1  }
0x24a: {  	s5 =	simm.s32 $0x6C10;
	[tilespmem:s4+$0xFFFFFE80] =	vst v6;
	v6 =	vsel vm1, $0x3F800000, v18;
	v4 =	vmul.f32 $1.442695020e+00, v4  }
0x24b: {  	v28 =	vld [tilespmem:s5+$0xFFFFFE30];
	[tilespmem:s4+$0xFFFFFED0] =	vst v5;
	v5 =	vmul.f32 v25, v6  }
0x24c: {  	s14 =	simm.s32 $0x9F10;
	(erf) = vpow2.f32 v4;
	v4 =	vmul.f32 v7, v24;
	v7 =	vld [tilespmem:s5+$0xFFFFFFC0]  }
0x24d: {  	[tilespmem:s4+$0xFFFFFD90] =	vst v5;
	v5 =	vld [tilespmem:s14+$0x0]  }
0x24e: {  	v26 =	vld [tilespmem:s14+$0xFFFFFFB0]  }
0x24f: {  	v29 =	vld [tilespmem:s5+$0xFFFFFE80]  }
0x250: {  	v30 =	vld [tilespmem:s5+$0xFFFFFED0]  }
0x251: {  	v31 =	vld [tilespmem:s5+$0xFFFFFF20]  }
0x252: {  	v17 =	vld [tilespmem:s5+$0xFFFFFDE0];
	v20 =	vadd.f32 v5, v7  }
0x253: {  	v18 =	vld [tilespmem:s14+$0xFFFFFFA0]  }
0x254: {  	v47 =	vld [tilespmem:s14+$0xFFFFFFE0];
	v26 =	vadd.f32 v26, v28;
	v27 =	vmul.f32 $2.000000030e-01, v20  }
0x255: {  	v10 =	vld [tilespmem:s25+$0xFFFFFDF0]  }
0x256: {  	v48 =	vmul.f32 $2.000000030e-01, v26;
	v11 =	vld [tilespmem:s25+$0xFFFFFE40];
	v20 =	vmax.f32 v20, v27  }
0x257: {  	v5 =	vperm.xlane v9, v1;
	v9 =	vsel vm1, $0x3F800000, v14;
	v14 =	vld [tilespmem:s14+$0xFFFFFFC0];
	v20 =	vsub.f32 v20, v3  }
0x258: {  	v26 =	vmax.f32 v26, v48;
	v8 =	vld [tilespmem:s25+$0xFFFFFE90];
	v18 =	vadd.f32 v18, v17  }
0x259: {  	v26 =	vsub.f32 v26, v3;
	v6 =	vld [tilespmem:s25+$0xFFFFFEE0];
	v20 =	vmul.f32 $1.442695020e+00, v20  }
0x25a: {  	v46 =	vmul.f32 $2.000000030e-01, v18;
	v27 =	vld [tilespmem:s14+$0xFFFFFFD0]  }
0x25b: {  	v50 =	vld [tilespmem:s5+$0xFFFFFD90];
	v33 =	vadd.f32 v47, v31;
	v26 =	vmul.f32 $1.442695020e+00, v26;
	(erf) = vpow2.f32 v20  }
0x25c: {  	v16 =	vld [tilespmem:s14+$0xFFFFFF90];
	v10 =	vmul.f32 v10, v23;
	v18 =	vmax.f32 v18, v46;
	v14 =	vadd.f32 v14, v29  }
0x25d: {  	v11 =	vmul.f32 v11, v21;
	v13 =	vld [tilespmem:s25+$0xFFFFFDA0];
	v8 =	vmul.f32 v8, v22;
	[tilespmem:s4+$0xFFFFFFE0] =	vst v4;
	v18 =	vsub.f32 v18, v3;
	v4 =	vpop (erf)  }
0x25e: {  	v12 =	vsel vm1, $0x3F800000, v12;
	v4 =	vperm.xlane v4, v1;
	v51 =	vmul.f32 $2.000000030e-01, v14  }
0x25f: {  	v49 =	vld [tilespmem:s5+$0xFFFFFF70];
	v6 =	vmul.f32 v6, v19;
	v18 =	vmul.f32 $1.442695020e+00, v18;
	v27 =	vadd.f32 v27, v30  }
0x260: {  	v9 =	vmul.f32 v5, v9;
	v12 =	vmul.f32 v4, v12;
	v20 =	vld [tilespmem:s14+$0xFFFFFFF0];
	v14 =	vmax.f32 v14, v51  }
0x261: {  	v14 =	vsub.f32 v14, v3;
	(erf) = vpow2.f32 v18;
	v52 =	vmul.f32 $2.000000030e-01, v27  }
0x262: {  	v16 =	vadd.f32 v16, v50;
	v13 =	vmul.f32 v13, v25;
	[tilespmem:s4+$0xFFFFFF20] =	vst v9;
	v18 =	vmul.f32 $2.000000030e-01, v33  }
0x263: {  	v53 =	vld [tilespmem:s25+$0xFFFFFF30];
	[tilespmem:s4+$0xFFFFFF70] =	vst v12;
	(erf) = vpow2.f32 v26;
	v14 =	vmul.f32 $1.442695020e+00, v14;
	v27 =	vmax.f32 v27, v52  }
0x264: {  	v54 =	vld [tilespmem:s25+$0xFFFFFF80];
	v18 =	vmax.f32 v33, v18;
	v9 =	vsub.f32 v27, v3;
	v27 =	vmul.f32 $2.000000030e-01, v16;
	v26 =	vpop (erf)  }
0x265: {  	v20 =	vadd.f32 v20, v49;
	(erf) = vpow2.f32 v14;
	v26 =	vperm.xlane v26, v1  }
0x266: {  	v7 =	vsel vm1, $0x3F800000, v7;
	[tilespmem:s4+$0xFFFFFDA0] =	vst v13;
	v18 =	vsub.f32 v18, v3;
	v9 =	vmul.f32 $1.442695020e+00, v9  }
0x267: {  	[tilespmem:s4+$0xFFFFFDF0] =	vst v10;
	v10 =	vld [tilespmem:s25+$0xFFFFFDB0];
	v12 =	vmul.f32 $2.000000030e-01, v20;
	v14 =	vmax.f32 v16, v27;
	v7 =	vmul.f32 v26, v7  }
0x268: {  	s7 =	simm.s32 $0x6E90;
	s6 =	simm.s32 $0xC610;
	[tilespmem:s4+$0xFFFFFE40] =	vst v11;
	v15 =	vld [tilespmem:s25+$0xFFFFFFF0];
	v13 =	vsub.f32 v14, v3;
	v14 =	vmul.f32 $1.442695020e+00, v18;
	(erf) = vpow2.f32 v9  }
0x269: {  	v36 =	vld [tilespmem:s7+$0xFFFFFFC0];
	v9 =	vmul.f32 v53, v5;
	[tilespmem:s6+$0xFFFFFFC0] =	vst v7;
	v7 =	vmul.f32 v54, v4  }
0x26a: {  	[tilespmem:s4+$0xFFFFFE90] =	vst v8;
	v12 =	vmax.f32 v20, v12;
	v13 =	vmul.f32 $1.442695020e+00, v13;
	(erf) = vpow2.f32 v14;
	v8 =	vpop (erf);
	v14 =	vld [tilespmem:s5+$0xFFFFFFD0]  }
0x26b: {  	s26 =	simm.s32 $0x9F90;
	v11 =	vld [tilespmem:s25+$0xFFFFFE00];
	[tilespmem:s4+$0xFFFFFEE0] =	vst v6;
	v12 =	vsub.f32 v12, v3;
	v8 =	vperm.xlane v8, v1  }
0x26c: {  	v38 =	vld [tilespmem:s26+$0xFFFFFF90];
	[tilespmem:s4+$0xFFFFFF30] =	vst v9;
	v9 =	vmul.f32 v10, v25;
	v10 =	vsel vm1, $0x3F800000, v17;
	(erf) = vpow2.f32 v13  }
0x26d: {  	v39 =	vld [tilespmem:s7+$0xFFFFFDE0];
	v15 =	vmul.f32 v15, v24;
	v10 =	vmul.f32 v8, v10;
	[tilespmem:s4+$0xFFFFFF80] =	vst v7;
	v7 =	vpop (erf)  }
0x26e: {  	v60 =	vld [tilespmem:s26+$0xFFFFFFA0];
	v12 =	vmul.f32 $1.442695020e+00, v12;
	[tilespmem:s4+$0xFFFFFDB0] =	vst v9;
	v9 =	vperm.xlane v7, v1;
	v7 =	vpop (erf)  }
0x26f: {  	v6 =	vld [tilespmem:s25+$0xFFFFFEA0];
	v18 =	vsel vm1, $0x3F800000, v28;
	[tilespmem:s6+$0xFFFFFDE0] =	vst v10;
	v10 =	vperm.xlane v7, v1;
	v7 =	vmul.f32 v14, v26  }
0x270: {  	v11 =	vmul.f32 v11, v23;
	[tilespmem:s4+$0xFFFFFFF0] =	vst v15;
	v15 =	vld [tilespmem:s25+$0xFFFFFE50];
	v14 =	vsel vm1, $0x3F800000, v29;
	v18 =	vmul.f32 v9, v18  }
0x271: {  	v27 =	vld [tilespmem:s25+$0x0];
	(erf) = vpow2.f32 v12;
	v14 =	vmul.f32 v10, v14  }
0x272: {  	v42 =	vld [tilespmem:s7+$0xFFFFFE30];
	[tilespmem:s4+$0xFFFFFE00] =	vst v11  }
0x273: {  	v61 =	vld [tilespmem:s26+$0xFFFFFFB0];
	[tilespmem:s6+$0xFFFFFFD0] =	vst v7;
	v7 =	vpop (erf)  }
0x274: {  	v44 =	vld [tilespmem:s7+$0xFFFFFE80];
	v55 =	vmul.f32 v6, v22;
	[tilespmem:s6+$0xFFFFFE30] =	vst v18;
	v11 =	vperm.xlane v7, v1;
	v18 =	vpop (erf)  }
0x275: {  	v45 =	vld [tilespmem:s7+$0xFFFFFF20];
	v30 =	vsel vm1, $0x3F800000, v30;
	v15 =	vmul.f32 v15, v21;
	[tilespmem:s6+$0xFFFFFE80] =	vst v14;
	v14 =	vpop (erf)  }
0x276: {  	[tilespmem:s4+$0xFFFFFEA0] =	vst v55;
	v27 =	vnsel vm0, $0x0, v27;
	v7 =	vld [tilespmem:s5+$0xFFFFFFE0];
	v20 =	vperm.xlane v14, v1;
	v14 =	vmul.f32 v11, v30  }
0x277: {  	v57 =	vld [tilespmem:s25+$0xFFFFFEB0];
	v27 =	vmul.f32 v27, v24;
	v6 =	vperm.xlane v18, v1  }
0x278: {  	[tilespmem:s4+$0xFFFFFE50] =	vst v15;
	v52 =	vld [tilespmem:s7+$0xFFFFFD90];
	v18 =	vsel vm1, $0x3F800000, v31  }
0x279: {  	v15 =	vsel vm1, $0x3F800000, v50;
	v13 =	vld [tilespmem:s25+$0xFFFFFEF0];
	[tilespmem:s4+$0x0] =	vst v27;
	v18 =	vmul.f32 v6, v18  }
0x27a: {  	v16 =	vld [tilespmem:s25+$0xFFFFFF40];
	v15 =	vmul.f32 v20, v15;
	[tilespmem:s6+$0xFFFFFED0] =	vst v14;
	v14 =	vpop (erf)  }
0x27b: {  	s1 =	simm.s32 $0x7110;
	v17 =	vld [tilespmem:s25+$0xFFFFFDC0];
	[tilespmem:s6+$0xFFFFFF20] =	vst v18;
	v18 =	vmul.f32 v7, v26;
	v7 =	vperm.xlane v14, v1  }
0x27c: {  	v27 =	vld [tilespmem:s1+$0xFFFFFE80];
	[tilespmem:s6+$0xFFFFFD90] =	vst v15;
	v15 =	vsel vm1, $0x3F800000, v49  }
0x27d: {  	v29 =	vld [tilespmem:s25+$0xFFFFFE10];
	v15 =	vmul.f32 v7, v15  }
0x27e: {  	v28 =	vld [tilespmem:s5+$0xFFFFFDF0]  }
0x27f: {  	[tilespmem:s6+$0xFFFFFF70] =	vst v15;
	v15 =	vld [tilespmem:s26+$0x0]  }
0x280: {  	v12 =	vld [tilespmem:s25+$0xFFFFFF90]  }
0x281: {  	v56 =	vld [tilespmem:s5+$0xFFFFFE40]  }
0x282: {  	v43 =	vadd.f32 v61, v42;
	v47 =	vmul.f32 v29, v23;
	v29 =	vld [tilespmem:s26+$0xFFFFFFC0]  }
0x283: {  	v31 =	vld [tilespmem:s5+$0xFFFFFE90]  }
0x284: {  	v51 =	vmul.f32 $2.000000030e-01, v43;
	v30 =	vld [tilespmem:s25+$0xFFFFFE60];
	[tilespmem:s6+$0xFFFFFFE0] =	vst v18;
	v15 =	vadd.f32 v15, v36  }
0x285: {  	v32 =	vmul.f32 v57, v22;
	v13 =	vmul.f32 v13, v19;
	v18 =	vld [tilespmem:s5+$0xFFFFFFF0]  }
0x286: {  	v41 =	vmul.f32 v12, v4;
	v12 =	vld [tilespmem:s7+$0xFFFFFED0];
	v62 =	vmul.f32 $2.000000030e-01, v15  }
0x287: {  	v16 =	vmul.f32 v16, v5;
	v17 =	vmul.f32 v17, v25;
	v58 =	vld [tilespmem:s5+$0xFFFFFEE0]  }
0x288: {  	v28 =	vmul.f32 v28, v8;
	v34 =	vmul.f32 v56, v9;
	v56 =	vld [tilespmem:s26+$0xFFFFFFD0];
	v15 =	vmax.f32 v15, v62  }
0x289: {  	[tilespmem:s4+$0xFFFFFEF0] =	vst v13;
	v63 =	vmul.f32 v31, v10;
	v31 =	vadd.f32 v60, v39;
	v59 =	vld [tilespmem:s5+$0xFFFFFDA0];
	v15 =	vsub.f32 v15, v3  }
0x28a: {  	v29 =	vadd.f32 v29, v44;
	v60 =	vld [tilespmem:s25+$0xFFFFFF00];
	v48 =	vmul.f32 v30, v21;
	v18 =	vmul.f32 v18, v26  }
0x28b: {  	v14 =	vld [tilespmem:s5+$0xFFFFFF30];
	v57 =	vmul.f32 $2.000000030e-01, v31;
	v15 =	vmul.f32 $1.442695020e+00, v15  }
0x28c: {  	v38 =	vadd.f32 v38, v52;
	v33 =	vmul.f32 v58, v11;
	v58 =	vld [tilespmem:s26+$0xFFFFFFE0];
	[tilespmem:s6+$0xFFFFFFF0] =	vst v18;
	v18 =	vmul.f32 $2.000000030e-01, v29  }
0x28d: {  	v30 =	vld [tilespmem:s7+$0xFFFFFF70];
	v40 =	vadd.f32 v56, v12;
	v31 =	vmax.f32 v31, v57;
	(erf) = vpow2.f32 v15  }
0x28e: {  	[tilespmem:s6+$0xFFFFFE40] =	vst v34;
	v13 =	vsub.f32 v31, v3;
	v35 =	vmul.f32 v59, v20;
	v59 =	vld [tilespmem:s26+$0xFFFFFFF0];
	v18 =	vmax.f32 v29, v18  }
0x28f: {  	[tilespmem:s6+$0xFFFFFE90] =	vst v63;
	v63 =	vld [tilespmem:s5+$0xFFFFFE50];
	v56 =	vmul.f32 $2.000000030e-01, v38;
	v18 =	vsub.f32 v18, v3;
	v15 =	vmax.f32 v43, v51  }
0x290: {  	[tilespmem:s4+$0xFFFFFEB0] =	vst v32;
	v61 =	vmul.f32 $2.000000030e-01, v40;
	v37 =	vld [tilespmem:s5+$0xFFFFFF80];
	v13 =	vmul.f32 $1.442695020e+00, v13;
	v15 =	vsub.f32 v15, v3  }
0x291: {  	v55 =	vld [tilespmem:s5+$0xFFFFFEA0];
	v14 =	vmul.f32 v14, v6;
	[tilespmem:s6+$0xFFFFFDA0] =	vst v35;
	v29 =	vadd.f32 v58, v45;
	v18 =	vmul.f32 $1.442695020e+00, v18  }
0x292: {  	[tilespmem:s6+$0xFFFFFDF0] =	vst v28;
	v38 =	vmax.f32 v38, v56;
	v28 =	vld [tilespmem:s5+$0xFFFFFDB0];
	(erf) = vpow2.f32 v13;
	v15 =	vmul.f32 $1.442695020e+00, v15  }
0x293: {  	[tilespmem:s4+$0xFFFFFE60] =	vst v48;
	v54 =	vadd.f32 v59, v30;
	v53 =	vmul.f32 $2.000000030e-01, v29;
	v62 =	vld [tilespmem:s5+$0xFFFFFE00];
	v13 =	vmax.f32 v40, v61  }
0x294: {  	v32 =	vld [tilespmem:s25+$0xFFFFFE70];
	[tilespmem:s6+$0xFFFFFEE0] =	vst v33;
	v35 =	vmul.f32 v63, v9;
	v13 =	vsub.f32 v13, v3;
	(erf) = vpow2.f32 v15  }
0x295: {  	[tilespmem:s6+$0xFFFFFF30] =	vst v14;
	v31 =	vld [tilespmem:s5+$0x0];
	v37 =	vmul.f32 v37, v7;
	v15 =	vmax.f32 v29, v53;
	v29 =	vmul.f32 $2.000000030e-01, v54  }
0x296: {  	v14 =	vld [tilespmem:s5+$0xFFFFFEF0];
	v36 =	vsel vm1, $0x3F800000, v36;
	[tilespmem:s6+$0xFFFFFE50] =	vst v35;
	v13 =	vmul.f32 $1.442695020e+00, v13;
	(erf) = vpow2.f32 v18;
	v18 =	vpop (erf)  }
0x297: {  	[tilespmem:s4+$0xFFFFFF40] =	vst v16;
	v63 =	vld [tilespmem:s5+$0xFFFFFE60];
	v15 =	vsub.f32 v15, v3;
	v16 =	vmax.f32 v54, v29;
	v29 =	vperm.xlane v18, v1  }
0x298: {  	[tilespmem:s6+$0xFFFFFF80] =	vst v37;
	v37 =	vld [tilespmem:s5+$0xFFFFFF40];
	v34 =	vmul.f32 v62, v8;
	v18 =	vmul.f32 v28, v20;
	v28 =	vsub.f32 v38, v3  }
0x299: {  	[tilespmem:s4+$0xFFFFFDC0] =	vst v17;
	v49 =	vld [tilespmem:s5+$0xFFFFFF90];
	v16 =	vsub.f32 v16, v3;
	v15 =	vmul.f32 $1.442695020e+00, v15;
	v17 =	vmul.f32 v29, v36  }
0x29a: {  	s8 =	simm.s32 $0xC890;
	v24 =	vnsel vm0, $0x0, v31;
	v31 =	vld [tilespmem:s1+$0xFFFFFFC0];
	(erf) = vpow2.f32 v13;
	[tilespmem:s6+$0xFFFFFDB0] =	vst v18;
	v18 =	vmul.f32 $1.442695020e+00, v28  }
0x29b: {  	v40 =	vld [tilespmem:s25+$0xFFFFFF50];
	v16 =	vmul.f32 $1.442695020e+00, v16;
	v13 =	vpop (erf);
	(erf) = vpow2.f32 v15;
	[tilespmem:s8+$0xFFFFFFC0] =	vst v17  }
0x29c: {  	[tilespmem:s6+$0xFFFFFE00] =	vst v34;
	v13 =	vperm.xlane v13, v1;
	(erf) = vpow2.f32 v18;
	v17 =	vld [tilespmem:s7+$0xFFFFFFD0]  }
0x29d: {  	s28 =	simm.s32 $0xA010;
	[tilespmem:s4+$0xFFFFFF90] =	vst v41;
	v34 =	vld [tilespmem:s5+$0xFFFFFE10];
	v15 =	vsel vm1, $0x3F800000, v39;
	v18 =	vmul.f32 v60, v19;
	v28 =	vpop (erf);
	(erf) = vpow2.f32 v16  }
0x29e: {  	[tilespmem:s4+$0xFFFFFE10] =	vst v47;
	v53 =	vld [tilespmem:s28+$0x0];
	v16 =	vmul.f32 v13, v15;
	v15 =	vperm.xlane v28, v1  }
0x29f: {  	v54 =	vld [tilespmem:s28+$0xFFFFFF90];
	v57 =	vpop (erf);
	[tilespmem:s4+$0xFFFFFF00] =	vst v18;
	v18 =	vsel vm1, $0x3F800000, v42  }
0x2a0: {  	v38 =	vld [tilespmem:s25+$0xFFFFFFA0];
	[tilespmem:s8+$0xFFFFFDE0] =	vst v16;
	v18 =	vmul.f32 v15, v18;
	v16 =	vperm.xlane v57, v1  }
0x2a1: {  	v58 =	vsel vm1, $0x3F800000, v44;
	v39 =	vld [tilespmem:s25+$0xFFFFFE20];
	v17 =	vmul.f32 v17, v29  }
0x2a2: {  	v36 =	vld [tilespmem:s25+$0xFFFFFDD0];
	[tilespmem:s8+$0xFFFFFE30] =	vst v18;
	v18 =	vmul.f32 v16, v58  }
0x2a3: {  	v33 =	vmul.f32 v55, v10;
	v41 =	vld [tilespmem:s5+$0xFFFFFDC0]  }
0x2a4: {  	v42 =	vld [tilespmem:s25+$0xFFFFFEC0];
	[tilespmem:s8+$0xFFFFFFD0] =	vst v17  }
0x2a5: {  	[tilespmem:s6+$0xFFFFFEA0] =	vst v33;
	v59 =	vld [tilespmem:s7+$0xFFFFFFE0];
	v17 =	vpop (erf)  }
0x2a6: {  	v14 =	vmul.f32 v14, v11;
	v28 =	vld [tilespmem:s25+$0xFFFFFF10];
	[tilespmem:s8+$0xFFFFFE80] =	vst v18;
	v18 =	vpop (erf)  }
0x2a7: {  	v60 =	vsel vm1, $0x3F800000, v12;
	v57 =	vld [tilespmem:s5+$0xFFFFFEB0];
	v12 =	vperm.xlane v18, v1;
	v18 =	vpop (erf)  }
0x2a8: {  	[tilespmem:s6+$0xFFFFFEF0] =	vst v14;
	v44 =	vld [tilespmem:s7+$0xFFFFFDF0];
	v56 =	vpop (erf)  }
0x2a9: {  	v58 =	vld [tilespmem:s5+$0xFFFFFF00];
	v14 =	vperm.xlane v56, v1  }
0x2aa: {  	v30 =	vsel vm1, $0x3F800000, v30;
	v43 =	vld [tilespmem:s7+$0xFFFFFE40];
	v17 =	vperm.xlane v17, v1;
	v59 =	vmul.f32 v59, v29  }
0x2ab: {  	v48 =	vld [tilespmem:s7+$0xFFFFFE90];
	v30 =	vmul.f32 v14, v30  }
0x2ac: {  	v37 =	vmul.f32 v37, v6;
	v62 =	vmul.f32 v17, v60;
	v56 =	vld [tilespmem:s28+$0xFFFFFFB0];
	[tilespmem:s8+$0xFFFFFFE0] =	vst v59  }
0x2ad: {  	v55 =	vsel vm1, $0x3F800000, v52;
	v49 =	vmul.f32 v49, v7;
	v18 =	vperm.xlane v18, v1;
	[tilespmem:s8+$0xFFFFFF70] =	vst v30;
	v30 =	vld [tilespmem:s7+$0xFFFFFFF0]  }
0x2ae: {  	v61 =	vsel vm1, $0x3F800000, v45;
	v40 =	vmul.f32 v40, v5;
	[tilespmem:s8+$0xFFFFFED0] =	vst v62;
	v62 =	vmul.f32 v24, v26;
	v26 =	vld [tilespmem:s1+$0xFFFFFDE0]  }
0x2af: {  	v35 =	vmul.f32 v12, v61;
	v33 =	vmul.f32 v18, v55;
	v55 =	vld [tilespmem:s28+$0xFFFFFFA0]  }
0x2b0: {  	[tilespmem:s6+$0xFFFFFF40] =	vst v37;
	v34 =	vmul.f32 v34, v8;
	v39 =	vnsel vm0, $0x0, v39;
	v38 =	vmul.f32 v38, v4;
	v24 =	vld [tilespmem:s1+$0xFFFFFE30]  }
0x2b1: {  	v23 =	vmul.f32 v39, v23;
	v36 =	vnsel vm0, $0x0, v36;
	v41 =	vmul.f32 v41, v20;
	[tilespmem:s8+$0xFFFFFF20] =	vst v35;
	v59 =	vld [tilespmem:s28+$0xFFFFFFC0]  }
0x2b2: {  	v32 =	vnsel vm0, $0x0, v32;
	v36 =	vmul.f32 v36, v25;
	[tilespmem:s8+$0xFFFFFD90] =	vst v33;
	v60 =	vld [tilespmem:s7+$0xFFFFFF30];
	v30 =	vmul.f32 v30, v29  }
0x2b3: {  	[tilespmem:s6+$0xFFFFFF90] =	vst v49;
	v42 =	vnsel vm0, $0x0, v42;
	v47 =	vmul.f32 v57, v10;
	v43 =	vmul.f32 v43, v15;
	v61 =	vld [tilespmem:s7+$0xFFFFFDA0]  }
0x2b4: {  	v42 =	vmul.f32 v42, v22;
	v35 =	vld [tilespmem:s7+$0xFFFFFF80];
	[tilespmem:s8+$0xFFFFFFF0] =	vst v30;
	v30 =	vmul.f32 v63, v9;
	v63 =	vadd.f32 v53, v31  }
0x2b5: {  	v28 =	vnsel vm0, $0x0, v28;
	v44 =	vmul.f32 v44, v13;
	[tilespmem:s8+$0xFFFFFE40] =	vst v43;
	v43 =	vmul.f32 v32, v21;
	v32 =	vld [tilespmem:s1+$0xFFFFFF20]  }
0x2b6: {  	[tilespmem:s6+$0xFFFFFDC0] =	vst v41;
	v19 =	vmul.f32 v28, v19;
	v41 =	vld [tilespmem:s7+$0xFFFFFE50];
	v25 =	vmul.f32 $2.000000030e-01, v63  }
0x2b7: {  	[tilespmem:s6+$0x0] =	vst v62;
	v62 =	vadd.f32 v56, v24;
	v33 =	vmul.f32 v60, v12;
	v60 =	vadd.f32 v55, v26;
	v53 =	vld [tilespmem:s7+$0x0]  }
0x2b8: {  	[tilespmem:s4+$0xFFFFFF50] =	vst v40;
	v39 =	vadd.f32 v59, v27;
	v21 =	vmul.f32 v61, v18;
	v61 =	vld [tilespmem:s28+$0xFFFFFFD0];
	v51 =	vmax.f32 v63, v25  }
0x2b9: {  	[tilespmem:s6+$0xFFFFFE10] =	vst v34;
	v22 =	vmul.f32 $2.000000030e-01, v60;
	v35 =	vmul.f32 v35, v14;
	v25 =	vld [tilespmem:s1+$0xFFFFFED0];
	v51 =	vsub.f32 v51, v3  }
0x2ba: {  	v45 =	vmul.f32 v58, v11;
	v50 =	vld [tilespmem:s7+$0xFFFFFEE0];
	v55 =	vmul.f32 $2.000000030e-01, v62;
	[tilespmem:s8+$0xFFFFFF30] =	vst v33  }
0x2bb: {  	v57 =	vmul.f32 $2.000000030e-01, v39;
	v22 =	vmax.f32 v60, v22;
	[tilespmem:s8+$0xFFFFFF80] =	vst v35;
	v35 =	vld [tilespmem:s1+$0xFFFFFD90];
	v51 =	vmul.f32 $1.442695020e+00, v51  }
0x2bc: {  	v33 =	vmax.f32 v62, v55;
	[tilespmem:s8+$0xFFFFFDA0] =	vst v21;
	v22 =	vsub.f32 v22, v3;
	v63 =	vld [tilespmem:s28+$0xFFFFFFE0];
	v21 =	vnsel vm0, $0x0, v53  }
0x2bd: {  	[tilespmem:s8+$0xFFFFFDF0] =	vst v44;
	v44 =	vld [tilespmem:s1+$0xFFFFFF70];
	v21 =	vmul.f32 v21, v29;
	v29 =	vsub.f32 v33, v3;
	(erf) = vpow2.f32 v51  }
0x2be: {  	[tilespmem:s4+$0xFFFFFFA0] =	vst v38;
	v48 =	vmul.f32 v48, v16;
	v56 =	vld [tilespmem:s28+$0xFFFFFFF0];
	v22 =	vmul.f32 $1.442695020e+00, v22;
	v46 =	vadd.f32 v61, v25  }
0x2bf: {  	[tilespmem:s6+$0xFFFFFEB0] =	vst v47;
	v41 =	vmul.f32 v41, v15;
	v59 =	vmax.f32 v39, v57;
	v58 =	vld [tilespmem:s7+$0xFFFFFDB0];
	v29 =	vmul.f32 $1.442695020e+00, v29  }
0x2c0: {  	[tilespmem:s8+$0xFFFFFE90] =	vst v48;
	v37 =	vsub.f32 v59, v3;
	(erf) = vpow2.f32 v22;
	v60 =	vmul.f32 $2.000000030e-01, v46  }
0x2c1: {  	v34 =	vld [tilespmem:s5+$0xFFFFFFA0];
	v50 =	vmul.f32 v50, v17;
	[tilespmem:s6+$0xFFFFFE60] =	vst v30;
	v30 =	vadd.f32 v54, v35;
	v61 =	vadd.f32 v63, v32  }
0x2c2: {  	[tilespmem:s4+$0xFFFFFEC0] =	vst v42;
	v55 =	vld [tilespmem:s7+$0xFFFFFEA0];
	v37 =	vmul.f32 $1.442695020e+00, v37;
	(erf) = vpow2.f32 v29;
	v22 =	vmax.f32 v46, v60  }
0x2c3: {  	v47 =	vld [tilespmem:s25+$0xFFFFFFB0];
	[tilespmem:s6+$0xFFFFFF00] =	vst v45;
	v62 =	vmul.f32 $2.000000030e-01, v61;
	v60 =	vmul.f32 $2.000000030e-01, v30;
	v22 =	vsub.f32 v22, v3  }
0x2c4: {  	v49 =	vld [tilespmem:s7+$0xFFFFFE00];
	[tilespmem:s4+$0xFFFFFE70] =	vst v43;
	v33 =	vmul.f32 v58, v18;
	v63 =	vadd.f32 v56, v44;
	(erf) = vpow2.f32 v37  }
0x2c5: {  	v42 =	vld [tilespmem:s5+$0xFFFFFF10];
	[tilespmem:s8+$0x0] =	vst v21;
	v21 =	vmax.f32 v61, v62;
	v30 =	vmax.f32 v30, v60;
	v22 =	vmul.f32 $1.442695020e+00, v22  }
0x2c6: {  	v43 =	vld [tilespmem:s25+$0xFFFFFF60];
	[tilespmem:s8+$0xFFFFFEE0] =	vst v50;
	v59 =	vmul.f32 $2.000000030e-01, v63;
	v62 =	vsub.f32 v21, v3;
	v30 =	vsub.f32 v30, v3;
	v61 =	vpop (erf)  }
0x2c7: {  	v50 =	vld [tilespmem:s7+$0xFFFFFEF0];
	v31 =	vsel vm1, $0x3F800000, v31;
	v46 =	vmul.f32 v55, v16;
	v21 =	vperm.xlane v61, v1  }
0x2c8: {  	v51 =	vld [tilespmem:s7+$0xFFFFFF90];
	[tilespmem:s8+$0xFFFFFDB0] =	vst v33;
	v39 =	vmax.f32 v63, v59;
	v57 =	vmul.f32 $1.442695020e+00, v62;
	v30 =	vmul.f32 $1.442695020e+00, v30  }
0x2c9: {  	[tilespmem:s4+$0xFFFFFE20] =	vst v23;
	v58 =	vld [tilespmem:s7+$0xFFFFFDC0];
	v56 =	vsub.f32 v39, v3;
	(erf) = vpow2.f32 v22;
	v22 =	vpop (erf);
	v31 =	vmul.f32 v21, v31  }
0x2ca: {  	s26 =	simm.s32 $0xCB10;
	[tilespmem:s4+$0xFFFFFDD0] =	vst v36;
	v29 =	vld [tilespmem:s7+$0xFFFFFF40];
	(erf) = vpow2.f32 v57;
	v22 =	vperm.xlane v22, v1  }
0x2cb: {  	v23 =	vsel vm1, $0x3F800000, v26;
	v37 =	vld [tilespmem:s5+$0xFFFFFF50];
	v38 =	vmul.f32 $1.442695020e+00, v56;
	(erf) = vpow2.f32 v30;
	v26 =	vpop (erf);
	[tilespmem:s26+$0xFFFFFFC0] =	vst v31  }
0x2cc: {  	[tilespmem:s4+$0xFFFFFF10] =	vst v19;
	v28 =	vmul.f32 v22, v23;
	v23 =	vperm.xlane v26, v1;
	v31 =	vld [tilespmem:s1+$0xFFFFFFD0]  }
0x2cd: {  	v19 =	vsel vm1, $0x3F800000, v24;
	[tilespmem:s8+$0xFFFFFE50] =	vst v41;
	v63 =	vld [tilespmem:s5+$0xFFFFFDD0];
	v61 =	vmul.f32 v50, v17;
	(erf) = vpow2.f32 v38;
	v24 =	vpop (erf)  }
0x2ce: {  	v39 =	vld [tilespmem:s5+$0xFFFFFE70];
	[tilespmem:s8+$0xFFFFFEA0] =	vst v46;
	v24 =	vperm.xlane v24, v1;
	v19 =	vmul.f32 v23, v19  }
0x2cf: {  	v27 =	vsel vm1, $0x3F800000, v27;
	v59 =	vld [tilespmem:s5+$0xFFFFFE20];
	[tilespmem:s8+$0xFFFFFEF0] =	vst v61;
	v26 =	vmul.f32 v49, v13  }
0x2d0: {  	v54 =	vld [tilespmem:s7+$0xFFFFFEB0];
	v30 =	vmul.f32 v29, v12;
	[tilespmem:s26+$0xFFFFFE30] =	vst v19;
	v19 =	vmul.f32 v24, v27  }
0x2d1: {  	v29 =	vmul.f32 v51, v14;
	v51 =	vld [tilespmem:s7+$0xFFFFFE60];
	[tilespmem:s26+$0xFFFFFDE0] =	vst v28;
	v28 =	vmul.f32 v31, v21  }
0x2d2: {  	v38 =	vld [tilespmem:s5+$0xFFFFFEC0];
	[tilespmem:s8+$0xFFFFFE00] =	vst v26  }
0x2d3: {  	v36 =	vmul.f32 v34, v7;
	v53 =	vnsel vm0, $0x0, v63;
	v33 =	vnsel vm0, $0x0, v39;
	v61 =	vld [tilespmem:s7+$0xFFFFFF00];
	v26 =	vpop (erf);
	[tilespmem:s26+$0xFFFFFFD0] =	vst v28  }
0x2d4: {  	v39 =	vmul.f32 v53, v20;
	v27 =	vsel vm1, $0x3F800000, v25;
	v26 =	vperm.xlane v26, v1;
	[tilespmem:s26+$0xFFFFFE80] =	vst v19;
	v19 =	vpop (erf);
	v50 =	vld [tilespmem:s1+$0xFFFFFFE0]  }
0x2d5: {  	v41 =	vmul.f32 v54, v16;
	v49 =	vld [tilespmem:s1+$0xFFFFFE40];
	v25 =	vperm.xlane v19, v1;
	v19 =	vpop (erf)  }
0x2d6: {  	v32 =	vsel vm1, $0x3F800000, v32;
	v60 =	vld [tilespmem:s1+$0xFFFFFDF0];
	v62 =	vmul.f32 v26, v27;
	v19 =	vperm.xlane v19, v1  }
0x2d7: {  	v35 =	vsel vm1, $0x3F800000, v35;
	v52 =	vld [tilespmem:s7+$0xFFFFFE10];
	v31 =	vmul.f32 v58, v18;
	v27 =	vpop (erf);
	v63 =	vmul.f32 v25, v32  }
0x2d8: {  	v40 =	vld [tilespmem:s1+$0xFFFFFE90];
	[tilespmem:s26+$0xFFFFFED0] =	vst v62;
	v27 =	vperm.xlane v27, v1;
	v48 =	vmul.f32 v19, v35  }
0x2d9: {  	v28 =	vmul.f32 v37, v6;
	v37 =	vsel vm1, $0x3F800000, v44;
	v44 =	vld [tilespmem:s1+$0xFFFFFEE0];
	[tilespmem:s26+$0xFFFFFF20] =	vst v63;
	v63 =	vmul.f32 v50, v21  }
0x2da: {  	v34 =	vnsel vm0, $0x0, v47;
	v62 =	vmul.f32 v27, v37;
	[tilespmem:s26+$0xFFFFFD90] =	vst v48;
	v50 =	vmul.f32 v49, v23;
	v49 =	vld [tilespmem:s1+$0xFFFFFF30]  }
0x2db: {  	v60 =	vmul.f32 v60, v22;
	v35 =	vnsel vm0, $0x0, v38;
	v38 =	vnsel vm0, $0x0, v43;
	v45 =	vld [tilespmem:s1+$0xFFFFFDA0];
	[tilespmem:s26+$0xFFFFFFE0] =	vst v63  }
0x2dc: {  	v43 =	vmul.f32 v61, v17;
	v37 =	vnsel vm0, $0x0, v42;
	v42 =	vmul.f32 v52, v13;
	[tilespmem:s26+$0xFFFFFF70] =	vst v62;
	v46 =	vld [tilespmem:s1+$0xFFFFFFF0]  }
0x2dd: {  	s14 =	simm.s32 $0x18;
	s25 =	simm.s32 $0x7390;
	[tilespmem:s26+$0xFFFFFDF0] =	vst v60;
	v32 =	vnsel vm0, $0x0, v59;
	v48 =	vmul.f32 v40, v24;
	v40 =	vmul.f32 v51, v15;
	v47 =	vld [tilespmem:s1+$0xFFFFFF80]  }
.LBB2_15:
0x2de: {  	v20 =	vld [tilespmem:s25+$0xFFFFFFC0];
	[tilespmem:s26+$0xFFFFFE40] =	vst v50;
	v44 =	vmul.f32 v44, v26;
	s28 =	sadd.s32 $0x80, s28;
	v32 =	vmul.f32 v32, v8;
	v8 =	vmovc v13;
	v13 =	vmov v22  }
0x2df: {  	s14 =	sadd.s32 $0x8, s14;
	v33 =	vmul.f32 v33, v9;
	v9 =	vmovc v15;
	v15 =	vmov v23;
	v50 =	vld [tilespmem:s28+$0x0];
	[tilespmem:s26+$0xFFFFFE90] =	vst v48;
	v48 =	vmul.f32 v49, v25  }
0x2e0: {  	v35 =	vmul.f32 v35, v10;
	v10 =	vmovc v16;
	v16 =	vmov v24;
	p2 =	slt.u32 s14, $0x48;
	v49 =	vld [tilespmem:s28+$0xFFFFFF90];
	v23 =	vmul.f32 v45, v19;
	[tilespmem:s26+$0xFFFFFEE0] =	vst v44  }
0x2e1: {  	v37 =	vmul.f32 v37, v11;
	v11 =	vmovc v17;
	v17 =	vmov v26;
	v22 =	vld [tilespmem:s25+$0xFFFFFDE0];
	[tilespmem:s26+$0xFFFFFF30] =	vst v48;
	v24 =	vmul.f32 v46, v21  }
0x2e2: {  	v38 =	vmul.f32 v38, v5;
	v5 =	vmovc v6;
	v6 =	vmov v12;
	v26 =	vld [tilespmem:s28+$0xFFFFFFA0];
	[tilespmem:s26+$0xFFFFFDA0] =	vst v23;
	v44 =	vmul.f32 v47, v27  }
0x2e3: {  	v12 =	vmovc v25;
	v23 =	vld [tilespmem:s25+$0xFFFFFE30];
	[tilespmem:s26+$0xFFFFFFF0] =	vst v24;
	v24 =	vmul.f32 v34, v4;
	v4 =	vmovc v7;
	v7 =	vmov v14;
	v14 =	vmov v27  }
0x2e4: {  	v25 =	vadd.f32 v50, v20;
	[tilespmem:s26+$0xFFFFFF80] =	vst v44;
	v27 =	vld [tilespmem:s1+$0x0]  }
0x2e5: {  	v34 =	vld [tilespmem:s28+$0xFFFFFFB0];
	[tilespmem:s8+$0xFFFFFF40] =	vst v30  }
0x2e6: {  	v30 =	vld [tilespmem:s25+$0xFFFFFE80];
	v44 =	vmul.f32 $2.000000030e-01, v25;
	[tilespmem:s8+$0xFFFFFF90] =	vst v29  }
0x2e7: {  	v26 =	vadd.f32 v26, v22;
	v29 =	vld [tilespmem:s28+$0xFFFFFFC0];
	[tilespmem:s8+$0xFFFFFDC0] =	vst v31  }
0x2e8: {  	v31 =	vld [tilespmem:s25+$0xFFFFFED0];
	v25 =	vmax.f32 v25, v44;
	[tilespmem:s8+$0xFFFFFE10] =	vst v42  }
0x2e9: {  	v42 =	vmul.f32 $2.000000030e-01, v26;
	v44 =	vld [tilespmem:s28+$0xFFFFFFD0];
	v25 =	vsub.f32 v25, v3;
	v27 =	vnsel vm0, $0x0, v27;
	[tilespmem:s8+$0xFFFFFE60] =	vst v40  }
0x2ea: {  	v34 =	vadd.f32 v34, v23;
	v40 =	vld [tilespmem:s25+$0xFFFFFF20];
	v21 =	vmul.f32 v27, v21;
	[tilespmem:s8+$0xFFFFFEB0] =	vst v41  }
0x2eb: {  	v26 =	vmax.f32 v26, v42;
	v27 =	vld [tilespmem:s28+$0xFFFFFFE0];
	v25 =	vmul.f32 $1.442695020e+00, v25;
	[tilespmem:s8+$0xFFFFFF00] =	vst v43  }
0x2ec: {  	v26 =	vsub.f32 v26, v3;
	v41 =	vmul.f32 $2.000000030e-01, v34;
	v29 =	vadd.f32 v29, v30;
	v42 =	vld [tilespmem:s25+$0xFFFFFF70];
	[tilespmem:s26+$0x0] =	vst v21  }
0x2ed: {  	v21 =	vld [tilespmem:s28+$0xFFFFFFF0];
	(erf) = vpow2.f32 v25;
	[tilespmem:s6+$0xFFFFFF50] =	vst v28  }
0x2ee: {  	v25 =	vld [tilespmem:s25+$0xFFFFFD90];
	v28 =	vmax.f32 v34, v41;
	v34 =	vmul.f32 $2.000000030e-01, v29;
	v41 =	vadd.f32 v44, v31;
	[tilespmem:s6+$0xFFFFFFA0] =	vst v36  }
0x2ef: {  	v26 =	vmul.f32 $1.442695020e+00, v26;
	v28 =	vsub.f32 v28, v3;
	v36 =	vld [tilespmem:s1+$0xFFFFFDB0];
	[tilespmem:s6+$0xFFFFFDD0] =	vst v39  }
0x2f0: {  	v29 =	vmax.f32 v29, v34;
	v34 =	vmul.f32 $2.000000030e-01, v41;
	v27 =	vadd.f32 v27, v40;
	v39 =	vld [tilespmem:s1+$0xFFFFFE00];
	[tilespmem:s6+$0xFFFFFE20] =	vst v32  }
0x2f1: {  	v28 =	vmul.f32 $1.442695020e+00, v28;
	v29 =	vsub.f32 v29, v3;
	(erf) = vpow2.f32 v26;
	v26 =	vld [tilespmem:s1+$0xFFFFFE50];
	[tilespmem:s6+$0xFFFFFE70] =	vst v33  }
0x2f2: {  	v32 =	vmax.f32 v41, v34;
	v33 =	vmul.f32 $2.000000030e-01, v27;
	v21 =	vadd.f32 v21, v42;
	v34 =	vld [tilespmem:s1+$0xFFFFFEA0];
	[tilespmem:s6+$0xFFFFFEC0] =	vst v35  }
0x2f3: {  	v35 =	vadd.f32 v49, v25;
	v29 =	vmul.f32 $1.442695020e+00, v29;
	v32 =	vsub.f32 v32, v3;
	v41 =	vld [tilespmem:s1+$0xFFFFFEF0];
	[tilespmem:s6+$0xFFFFFF10] =	vst v37  }
0x2f4: {  	v27 =	vmax.f32 v27, v33;
	v33 =	vmul.f32 $2.000000030e-01, v21;
	(erf) = vpow2.f32 v28;
	v28 =	vld [tilespmem:s1+$0xFFFFFF40];
	[tilespmem:s4+$0xFFFFFF60] =	vst v38  }
0x2f5: {  	v37 =	vmul.f32 $2.000000030e-01, v35;
	v32 =	vmul.f32 $1.442695020e+00, v32;
	v27 =	vsub.f32 v27, v3;
	v38 =	vld [tilespmem:s1+$0xFFFFFF90];
	[tilespmem:s4+$0xFFFFFFB0] =	vst v24;
	s4 =	smov.u32 s6;
	s6 =	smov.u32 s8;
	s8 =	smov.u32 s26  }
0x2f6: {  	v21 =	vmax.f32 v21, v33;
	(erf) = vpow2.f32 v29;
	v24 =	vpop (erf);
	v29 =	vmul.f32 v36, v19;
	v36 =	vld [tilespmem:s7+$0xFFFFFF50]  }
0x2f7: {  	v33 =	vmax.f32 v35, v37;
	v35 =	vsub.f32 v21, v3;
	v21 =	vperm.xlane v24, v1;
	v43 =	vld [tilespmem:s7+$0xFFFFFFA0]  }
0x2f8: {  	v20 =	vsel vm1, $0x3F800000, v20;
	v27 =	vmul.f32 $1.442695020e+00, v27;
	v24 =	vsub.f32 v33, v3;
	[tilespmem:s26+$0xFFFFFDB0] =	vst v29;
	v29 =	vld [tilespmem:s7+$0xFFFFFDD0]  }
0x2f9: {  	v44 =	vsel vm1, $0x3F800000, v25;
	v25 =	vmul.f32 $1.442695020e+00, v35;
	v20 =	vmul.f32 v21, v20;
	v45 =	vld [tilespmem:s1+$0xFFFFFDC0]  }
0x2fa: {  	v33 =	vsel vm1, $0x3F800000, v22;
	s26 =	sadd.s32 $0x280, s26;
	v24 =	vmul.f32 $1.442695020e+00, v24;
	v22 =	vpop (erf);
	(erf) = vpow2.f32 v32;
	v32 =	vld [tilespmem:s7+$0xFFFFFE20]  }
0x2fb: {  	v35 =	vsel vm1, $0x3F800000, v23;
	v22 =	vperm.xlane v22, v1;
	[tilespmem:s26+$0xFFFFFFC0] =	vst v20;
	(erf) = vpow2.f32 v27;
	v20 =	vld [tilespmem:s7+$0xFFFFFE70]  }
0x2fc: {  	v46 =	vsel vm1, $0x3F800000, v31;
	v27 =	vsel vm1, $0x3F800000, v30;
	v30 =	vld [tilespmem:s25+$0xFFFFFFD0];
	(erf) = vpow2.f32 v24  }
0x2fd: {  	v40 =	vsel vm1, $0x3F800000, v40;
	v42 =	vsel vm1, $0x3F800000, v42;
	v23 =	vpop (erf);
	(erf) = vpow2.f32 v25;
	v25 =	vld [tilespmem:s7+$0xFFFFFEC0]  }
0x2fe: {  	v24 =	vmul.f32 v22, v33;
	v51 =	vnsel vm0, $0x0, v29;
	v23 =	vperm.xlane v23, v1;
	v31 =	vld [tilespmem:s7+$0xFFFFFF10]  }
0x2ff: {  	v37 =	vmul.f32 v39, v13;
	v39 =	vmul.f32 v26, v15;
	v29 =	vpop (erf);
	v32 =	vnsel vm0, $0x0, v32;
	v47 =	vld [tilespmem:s5+$0xFFFFFF60]  }
0x300: {  	[tilespmem:s26+$0xFFFFFDE0] =	vst v24;
	v26 =	vmul.f32 v23, v35;
	v24 =	vperm.xlane v29, v1;
	v33 =	vnsel vm0, $0x0, v20;
	v20 =	vld [tilespmem:s5+$0xFFFFFFB0];
	s5 =	smov.u32 s7;
	s7 =	smov.u32 s1;
	s1 =	smov.u32 s25  }
0x301: {  	v49 =	vmul.f32 v34, v16;
	v48 =	vld [tilespmem:s25+$0xFFFFFDF0];
	v29 =	vmul.f32 v30, v21;
	[tilespmem:s8+$0xFFFFFE00] =	vst v37  }
0x302: {  	v41 =	vmul.f32 v41, v17;
	[tilespmem:s26+$0xFFFFFE30] =	vst v26;
	v26 =	vmul.f32 v24, v27;
	v52 =	vld [tilespmem:s7+$0xFFFFFE10];
	v35 =	vnsel vm0, $0x0, v25  }
0x303: {  	v30 =	vmul.f32 v28, v12;
	v50 =	vld [tilespmem:s25+$0xFFFFFE40];
	[tilespmem:s26+$0xFFFFFFD0] =	vst v29;
	v25 =	vpop (erf);
	v29 =	vmul.f32 v38, v14;
	v37 =	vnsel vm0, $0x0, v31  }
0x304: {  	v31 =	vmul.f32 v45, v19;
	[tilespmem:s26+$0xFFFFFE80] =	vst v26;
	v26 =	vperm.xlane v25, v1;
	v53 =	vld [tilespmem:s25+$0xFFFFFFE0];
	v25 =	vpop (erf);
	v38 =	vnsel vm0, $0x0, v47  }
0x305: {  	v28 =	vmul.f32 v36, v6;
	v45 =	vld [tilespmem:s25+$0xFFFFFE90];
	v25 =	vperm.xlane v25, v1;
	v27 =	vpop (erf);
	[tilespmem:s8+$0xFFFFFE50] =	vst v39;
	v34 =	vnsel vm0, $0x0, v20  }
0x306: {  	v20 =	vperm.xlane v27, v1;
	v36 =	vmul.f32 v26, v46;
	v27 =	vpop (erf);
	v39 =	vld [tilespmem:s7+$0xFFFFFE60];
	[tilespmem:s8+$0xFFFFFEA0] =	vst v49  }
0x307: {  	v40 =	vmul.f32 v25, v40;
	v27 =	vperm.xlane v27, v1;
	v47 =	vld [tilespmem:s7+$0xFFFFFEB0];
	[tilespmem:s8+$0xFFFFFEF0] =	vst v41  }
0x308: {  	v54 =	vmul.f32 v48, v22;
	v41 =	vmul.f32 v20, v44;
	[tilespmem:s26+$0xFFFFFED0] =	vst v36;
	v55 =	vld [tilespmem:s7+$0xFFFFFF00]  }
.Ltmp8:
0x309: {  	v44 =	vld [tilespmem:s25+$0xFFFFFEE0];
	[tilespmem:s26+$0xFFFFFF20] =	vst v40;
	v36 =	vmul.f32 v27, v42;
	v40 =	vmul.f32 v53, v21;
	(pc) =	sbr.rel @p2 .LBB2_15-.Ltmp8, $4  }
0x30a: {  	v50 =	vmul.f32 v50, v23;
	[tilespmem:s26+$0xFFFFFD90] =	vst v41;
	v48 =	vmul.f32 v45, v24;
	v49 =	vld [tilespmem:s25+$0xFFFFFF30]  }
0x30b: {  	v42 =	vmul.f32 v52, v13;
	v45 =	vld [tilespmem:s25+$0xFFFFFDA0];
	[tilespmem:s26+$0xFFFFFFE0] =	vst v40;
	v40 =	vmul.f32 v39, v15  }
0x30c: {  	[tilespmem:s26+$0xFFFFFF70] =	vst v36;
	v46 =	vld [tilespmem:s25+$0xFFFFFFF0];
	v41 =	vmul.f32 v47, v16;
	v36 =	vmul.f32 v43, v7  }
0x30d: {  	v39 =	vmul.f32 v51, v18;
	v18 =	vmovc v19;
	v19 =	vmov v20;
	s25 =	sadd.s32 $0x280, s25;
	[tilespmem:s26+$0xFFFFFDF0] =	vst v54;
	v47 =	vld [tilespmem:s1+$0xFFFFFF80];
	v43 =	vmul.f32 v55, v17  }
0x30e: {  	[tilespmem:s26+$0xFFFFFE40] =	vst v50  }
0x30f: {  	[tilespmem:s26+$0xFFFFFE90] =	vst v48  }
0x310: {  	[tilespmem:s8+$0xFFFFFF40] =	vst v30  }
0x311: {  	[tilespmem:s8+$0xFFFFFF90] =	vst v29  }
0x312: {  	[tilespmem:s8+$0xFFFFFDC0] =	vst v31  }
0x313: {  	[tilespmem:s8+$0xFFFFFE10] =	vst v42  }
0x314: {  	[tilespmem:s8+$0xFFFFFE60] =	vst v40  }
0x315: {  	[tilespmem:s8+$0xFFFFFEB0] =	vst v41  }
0x316: {  	[tilespmem:s6+$0xFFFFFF50] =	vst v28  }
0x317: {  	[tilespmem:s6+$0xFFFFFFA0] =	vst v36  }
0x318: {  	v20 =	vmul.f32 v44, v26;
	[tilespmem:s8+$0xFFFFFF00] =	vst v43  }
0x319: {  	v8 =	vmul.f32 v32, v8;
	[tilespmem:s6+$0xFFFFFDD0] =	vst v39  }
0x31a: {  	v9 =	vmul.f32 v33, v9;
	[tilespmem:s26+$0xFFFFFEE0] =	vst v20  }
0x31b: {  	v10 =	vmul.f32 v35, v10;
	[tilespmem:s6+$0xFFFFFE20] =	vst v8  }
0x31c: {  	v11 =	vmul.f32 v37, v11;
	[tilespmem:s6+$0xFFFFFE70] =	vst v9  }
0x31d: {  	v5 =	vmul.f32 v38, v5;
	v35 =	vld [tilespmem:s1+$0xFFFFFE50];
	[tilespmem:s6+$0xFFFFFEC0] =	vst v10  }
0x31e: {  	v4 =	vmul.f32 v34, v4;
	v36 =	vld [tilespmem:s1+$0xFFFFFEA0];
	[tilespmem:s6+$0xFFFFFF10] =	vst v11  }
0x31f: {  	v39 =	vld [tilespmem:s7+$0xFFFFFF50];
	[tilespmem:s4+$0xFFFFFF60] =	vst v5;
	v62 =	vmul.f32 v46, v21  }
0x320: {  	v61 =	vmul.f32 v49, v25;
	v44 =	vld [tilespmem:s7+$0xFFFFFE70];
	[tilespmem:s4+$0xFFFFFFB0] =	vst v4  }
0x321: {  	v37 =	vld [tilespmem:s1+$0xFFFFFEF0];
	v63 =	vmul.f32 v47, v27;
	[tilespmem:s26+$0xFFFFFFF0] =	vst v62  }
0x322: {  	v45 =	vmul.f32 v45, v19;
	[tilespmem:s26+$0xFFFFFF30] =	vst v61;
	v20 =	vld [tilespmem:s1+$0x0]  }
0x323: {  	v43 =	vld [tilespmem:s7+$0xFFFFFDD0];
	[tilespmem:s26+$0xFFFFFF80] =	vst v63;
	v8 =	vmul.f32 v35, v23  }
0x324: {  	[tilespmem:s26+$0xFFFFFDA0] =	vst v45;
	v9 =	vmul.f32 v36, v24;
	v5 =	vld [tilespmem:s1+$0xFFFFFF90]  }
0x325: {  	v32 =	vld [tilespmem:s1+$0xFFFFFDB0];
	v28 =	vmul.f32 v39, v12;
	v48 =	vnsel vm0, $0x0, v44;
	[tilespmem:s26+$0xFFFFFE50] =	vst v8  }
0x326: {  	v38 =	vld [tilespmem:s1+$0xFFFFFF40];
	v15 =	vmul.f32 v48, v15;
	[tilespmem:s26+$0xFFFFFEA0] =	vst v9  }
0x327: {  	v33 =	vld [tilespmem:s1+$0xFFFFFE00];
	v10 =	vmul.f32 v37, v26;
	[tilespmem:s8+$0xFFFFFF50] =	vst v28;
	v20 =	vnsel vm0, $0x0, v20  }
0x328: {  	v42 =	vld [tilespmem:s7+$0xFFFFFFA0];
	[tilespmem:s8+$0xFFFFFE70] =	vst v15;
	v20 =	vmul.f32 v20, v21  }
0x329: {  	v8 =	vld [tilespmem:s1+$0xFFFFFE60];
	[tilespmem:s26+$0xFFFFFEF0] =	vst v10;
	v4 =	vmul.f32 v5, v27  }
0x32a: {  	v41 =	vld [tilespmem:s1+$0xFFFFFEB0];
	[tilespmem:s26+$0x0] =	vst v20;
	v20 =	vmul.f32 v32, v19  }
0x32b: {  	v9 =	vnsel vm0, $0x0, v43;
	v40 =	vmul.f32 v38, v25;
	v5 =	vld [tilespmem:s1+$0xFFFFFF00];
	[tilespmem:s26+$0xFFFFFF90] =	vst v4  }
0x32c: {  	v9 =	vmul.f32 v9, v18;
	v4 =	vld [tilespmem:s7+$0xFFFFFE20];
	[tilespmem:s26+$0xFFFFFDB0] =	vst v20  }
0x32d: {  	v10 =	vmul.f32 v42, v14;
	[tilespmem:s26+$0xFFFFFF40] =	vst v40;
	v20 =	vld [tilespmem:s1+$0xFFFFFDC0]  }
0x32e: {  	v46 =	vld [tilespmem:s7+$0xFFFFFF10];
	[tilespmem:s8+$0xFFFFFDD0] =	vst v9;
	v21 =	vmul.f32 v33, v22  }
0x32f: {  	v47 =	vld [tilespmem:s5+$0xFFFFFF60];
	[tilespmem:s8+$0xFFFFFFA0] =	vst v10;
	v8 =	vmul.f32 v8, v23  }
0x330: {  	v49 =	vld [tilespmem:s1+$0xFFFFFF50];
	[tilespmem:s26+$0xFFFFFE00] =	vst v21;
	v5 =	vmul.f32 v5, v26  }
0x331: {  	v11 =	vmul.f32 v41, v24;
	v21 =	vld [tilespmem:s1+$0xFFFFFE10];
	[tilespmem:s26+$0xFFFFFE60] =	vst v8  }
0x332: {  	[tilespmem:s26+$0xFFFFFF00] =	vst v5;
	v4 =	vnsel vm0, $0x0, v4;
	v5 =	vld [tilespmem:s5+$0xFFFFFFB0];
	v20 =	vmul.f32 v20, v19  }
0x333: {  	v58 =	vld [tilespmem:s7+$0xFFFFFFB0];
	[tilespmem:s26+$0xFFFFFEB0] =	vst v11;
	v8 =	vnsel vm0, $0x0, v46;
	v4 =	vmul.f32 v4, v13  }
0x334: {  	v51 =	vld [tilespmem:s1+$0xFFFFFFA0];
	v11 =	vnsel vm0, $0x0, v47;
	v8 =	vmul.f32 v8, v17;
	[tilespmem:s26+$0xFFFFFDC0] =	vst v20  }
0x335: {  	v6 =	vmul.f32 v11, v6;
	[tilespmem:s8+$0xFFFFFE20] =	vst v4;
	v4 =	vld [tilespmem:s1+$0xFFFFFDD0]  }
0x336: {  	v45 =	vld [tilespmem:s7+$0xFFFFFEC0];
	v56 =	vmul.f32 v49, v25;
	[tilespmem:s8+$0xFFFFFF10] =	vst v8  }
0x337: {  	v53 =	vld [tilespmem:s1+$0xFFFFFE70];
	[tilespmem:s6+$0xFFFFFF60] =	vst v6;
	v21 =	vmul.f32 v21, v22;
	v5 =	vnsel vm0, $0x0, v5  }
0x338: {  	v54 =	vld [tilespmem:s1+$0xFFFFFEC0];
	v61 =	vnsel vm0, $0x0, v58;
	[tilespmem:s26+$0xFFFFFF50] =	vst v56;
	v5 =	vmul.f32 v5, v7  }
0x339: {  	v62 =	vmul.f32 v61, v14;
	v55 =	vld [tilespmem:s1+$0xFFFFFF10];
	[tilespmem:s26+$0xFFFFFE10] =	vst v21  }
0x33a: {  	v9 =	vmul.f32 v51, v27;
	[tilespmem:s6+$0xFFFFFFB0] =	vst v5;
	v5 =	vld [tilespmem:s7+$0xFFFFFF60];
	v4 =	vnsel vm0, $0x0, v4  }
0x33b: {  	v50 =	vnsel vm0, $0x0, v45;
	[tilespmem:s8+$0xFFFFFFB0] =	vst v62;
	v52 =	vld [tilespmem:s1+$0xFFFFFE20];
	v4 =	vmul.f32 v4, v19  }
0x33c: {  	v13 =	vmul.f32 v50, v16;
	v60 =	vld [tilespmem:s1+$0xFFFFFF60];
	v59 =	vnsel vm0, $0x0, v53;
	[tilespmem:s26+$0xFFFFFFA0] =	vst v9  }
0x33d: {  	v8 =	vmul.f32 v59, v23;
	v7 =	vnsel vm0, $0x0, v54;
	[tilespmem:s26+$0xFFFFFDD0] =	vst v4;
	v4 =	vld [tilespmem:s1+$0xFFFFFFB0]  }
0x33e: {  	[tilespmem:s8+$0xFFFFFEC0] =	vst v13;
	v6 =	vnsel vm0, $0x0, v55;
	v7 =	vmul.f32 v7, v24  }
0x33f: {  	[tilespmem:s26+$0xFFFFFE70] =	vst v8;
	v6 =	vmul.f32 v6, v26;
	v5 =	vnsel vm0, $0x0, v5  }
0x340: {  	v57 =	vnsel vm0, $0x0, v52;
	[tilespmem:s26+$0xFFFFFEC0] =	vst v7;
	v5 =	vmul.f32 v5, v12  }
0x341: {  	v63 =	vnsel vm0, $0x0, v60;
	[tilespmem:s26+$0xFFFFFF10] =	vst v6;
	v10 =	vmul.f32 v57, v22  }
.Ltmp9:
0x342: {  	[tilespmem:s8+$0xFFFFFF60] =	vst v5;
	v5 =	vmul.f32 v63, v25;
	v4 =	vnsel vm0, $0x0, v4;
	(pc) =	sbr.rel @p1 .LBB2_20-.Ltmp9, $4  }
0x343: {  	[tilespmem:s26+$0xFFFFFE20] =	vst v10;
	v4 =	vmul.f32 v4, v27  }
0x344: {  	[tilespmem:s26+$0xFFFFFF60] =	vst v5  }
0x345: {  	s28 =	sadd.s32 $0x2760, s3;
	[tilespmem:s26+$0xFFFFFFB0] =	vst v4  }
0x346: {  	[spmem:s11] =	stream.indirect.scatter.add.f32 [tilespmem:s24], [sflag:$0x9], $0x50, s28, s9, $0xb8;
	[tilespmem:$0x1CF30] =	vst v63  }
0x347: {  	s4 =	smul.u32 $0xF0, s2;
	_ =	sdelay $0x1  }
0x348: {  	s1 =	sadd.s32 $0x140, s4  }
0x349: {  	[tilespmem:s17], [sflag:$0x3] =	stream.indirect.gather [hbm4b:s15+s9], $0x50, s1, s9, $0xb8;
	[tilespmem:$0x1CF30] =	vst v63  }
0x34a: {  	s8 =	sadd.s32 $0x2850, s4  }
0x34b: {  	[tilespmem:s18], [sflag:$0x6] =	stream.indirect.gather [hbm4b:s16+s9], $0x10, s8, s9, $0xb8;
	[tilespmem:$0x1CF30] =	vst v63  }
0x34c: {  	_ =	swait.ge [sflag:s30], $0x1900  }
0x34d: {  	[sflag:s30] =	ssyncset.done $0x0  }
0x34e: {  	[sflag:s30] =	ssyncadd.s32 $0xFFFFE700  }
0x34f: {  	_ =	swait.ge [sflag:s31], $0x500  }
0x350: {  	[sflag:s31] =	ssyncset.done $0x0  }
0x351: {  	s1 =	simm.s32 @!p0 $0xA;
	[sflag:s31] =	ssyncadd.s32 $0xFFFFFB00  }
0x352: {  	_ =	swait.ge @!p0 [sflag:s1], $0x1900  }
0x353: {  	[sflag:s1] =	ssyncset.done @!p0 $0x0  }
0x354: {  	s26 =	simm.s32 $0x8290;
	[sflag:s1] =	ssyncadd.s32 @!p0 $0xFFFFE700  }
0x355: {  	s13 =	simm.s32 $0xA390;
	v4 =	vld [tilespmem:s26+$0xFFFFFFC0]  }
0x356: {  	v5 =	vld [tilespmem:s13+$0x0]  }
0x357: {  	v6 =	vld [tilespmem:s26+$0xFFFFFDE0]  }
0x358: {  	v7 =	vld [tilespmem:s13+$0xFFFFFFA0]  }
0x359: {  	v8 =	vld [tilespmem:s26+$0xFFFFFE30]  }
0x35a: {  	v9 =	vld [tilespmem:s13+$0xFFFFFFB0]  }
0x35b: {  	v11 =	vld [tilespmem:s26+$0xFFFFFE80];
	v5 =	vadd.f32 v5, v4  }
0x35c: {  	v12 =	vld [tilespmem:s13+$0xFFFFFFC0]  }
0x35d: {  	v13 =	vld [tilespmem:s13+$0xFFFFFFD0];
	v10 =	vmul.f32 $2.000000030e-01, v5  }
0x35e: {  	v14 =	vld [tilespmem:s26+$0xFFFFFF20]  }
0x35f: {  	v7 =	vadd.f32 v7, v6;
	v5 =	vmax.f32 v5, v10;
	v10 =	vld [tilespmem:s26+$0xFFFFFED0]  }
0x360: {  	v15 =	vld [tilespmem:s13+$0xFFFFFFE0];
	v5 =	vsub.f32 v5, v3  }
0x361: {  	v12 =	vadd.f32 v12, v11;
	v17 =	vmul.f32 $2.000000030e-01, v7  }
0x362: {  	v9 =	vadd.f32 v9, v8;
	v5 =	vmul.f32 $1.442695020e+00, v5  }
0x363: {  	v16 =	vld [tilespmem:s13+$0xFFFFFF90];
	v7 =	vmax.f32 v7, v17;
	v17 =	vmul.f32 $2.000000030e-01, v12  }
0x364: {  	v18 =	vld [tilespmem:s26+$0xFFFFFD90];
	(erf) = vpow2.f32 v5;
	v5 =	vmul.f32 $2.000000030e-01, v9;
	v13 =	vadd.f32 v13, v10  }
0x365: {  	v15 =	vadd.f32 v15, v14;
	v7 =	vsub.f32 v7, v3  }
0x366: {  	v5 =	vmax.f32 v9, v5;
	v9 =	vmax.f32 v12, v17;
	v12 =	vmul.f32 $2.000000030e-01, v13  }
0x367: {  	v7 =	vmul.f32 $1.442695020e+00, v7  }
0x368: {  	v5 =	vsub.f32 v5, v3;
	v12 =	vmax.f32 v13, v12;
	v13 =	vmul.f32 $2.000000030e-01, v15  }
0x369: {  	v16 =	vadd.f32 v16, v18;
	(erf) = vpow2.f32 v7;
	v9 =	vsub.f32 v9, v3  }
0x36a: {  	v5 =	vmul.f32 $1.442695020e+00, v5;
	v7 =	vsub.f32 v12, v3;
	v12 =	vmax.f32 v15, v13  }
0x36b: {  	v9 =	vmul.f32 $1.442695020e+00, v9  }
0x36c: {  	v13 =	vmul.f32 $2.000000030e-01, v16;
	(erf) = vpow2.f32 v5  }
0x36d: {  	vm1 =	veq.s32 v2, $0x0;
	v5 =	vmul.f32 $1.442695020e+00, v7;
	v7 =	vsub.f32 v12, v3;
	v12 =	vpop (erf)  }
0x36e: {  	(erf) = vpow2.f32 v9;
	v9 =	vmax.f32 v16, v13;
	v24 =	vperm.xlane v12, v1  }
0x36f: {  	v4 =	vsel vm1, $0x3F800000, v4;
	v13 =	vld [tilespmem:s13+$0xFFFFFFF0];
	v9 =	vsub.f32 v9, v3  }
0x370: {  	v7 =	vmul.f32 $1.442695020e+00, v7;
	v12 =	vld [tilespmem:s26+$0xFFFFFF70];
	v4 =	vmul.f32 v24, v4  }
0x371: {  	s5 =	simm.s32 $0xDC90;
	(erf) = vpow2.f32 v5;
	v5 =	vmul.f32 $1.442695020e+00, v9  }
0x372: {  	(erf) = vpow2.f32 v7;
	[tilespmem:s5+$0xFFFFFFC0] =	vst v4  }
0x373: {  	(erf) = vpow2.f32 v5;
	v4 =	vld [tilespmem:s26+$0xFFFFFFD0]  }
0x374: {  	v7 =	vpop (erf)  }
0x375: {  	v23 =	vperm.xlane v7, v1;
	v5 =	vadd.f32 v13, v12;
	v7 =	vpop (erf)  }
0x376: {  	v21 =	vperm.xlane v7, v1  }
0x377: {  	v8 =	vsel vm1, $0x3F800000, v8;
	v9 =	vmul.f32 $2.000000030e-01, v5  }
0x378: {  	v6 =	vsel vm1, $0x3F800000, v6;
	v8 =	vmul.f32 v21, v8;
	v4 =	vmul.f32 v4, v24  }
0x379: {  	v6 =	vmul.f32 v23, v6;
	v7 =	vpop (erf)  }
0x37a: {  	v22 =	vperm.xlane v7, v1;
	v7 =	vpop (erf);
	[tilespmem:s5+$0xFFFFFFD0] =	vst v4  }
0x37b: {  	v11 =	vsel vm1, $0x3F800000, v11;
	[tilespmem:s5+$0xFFFFFDE0] =	vst v6;
	v19 =	vperm.xlane v7, v1;
	v4 =	vmax.f32 v5, v9;
	v9 =	vpop (erf);
	v7 =	vld [tilespmem:s26+$0xFFFFFFE0]  }
0x37c: {  	v6 =	vmul.f32 v22, v11;
	[tilespmem:s5+$0xFFFFFE30] =	vst v8;
	v5 =	vsel vm1, $0x3F800000, v10;
	v4 =	vsub.f32 v4, v3;
	v8 =	vpop (erf)  }
0x37d: {  	v5 =	vmul.f32 v19, v5;
	v25 =	vperm.xlane v8, v1  }
0x37e: {  	s6 =	simm.s32 $0x8510;
	[tilespmem:s5+$0xFFFFFE80] =	vst v6;
	v6 =	vsel vm1, $0x3F800000, v18;
	v4 =	vmul.f32 $1.442695020e+00, v4  }
0x37f: {  	v28 =	vld [tilespmem:s6+$0xFFFFFE30];
	[tilespmem:s5+$0xFFFFFED0] =	vst v5;
	v5 =	vmul.f32 v25, v6  }
0x380: {  	s14 =	simm.s32 $0xA410;
	(erf) = vpow2.f32 v4;
	v4 =	vmul.f32 v7, v24;
	v7 =	vld [tilespmem:s6+$0xFFFFFFC0]  }
0x381: {  	[tilespmem:s5+$0xFFFFFD90] =	vst v5;
	v5 =	vld [tilespmem:s14+$0x0]  }
0x382: {  	v26 =	vld [tilespmem:s14+$0xFFFFFFB0]  }
0x383: {  	v29 =	vld [tilespmem:s6+$0xFFFFFE80]  }
0x384: {  	v30 =	vld [tilespmem:s6+$0xFFFFFED0]  }
0x385: {  	v31 =	vld [tilespmem:s6+$0xFFFFFF20]  }
0x386: {  	v17 =	vld [tilespmem:s6+$0xFFFFFDE0];
	v20 =	vadd.f32 v5, v7  }
0x387: {  	v18 =	vld [tilespmem:s14+$0xFFFFFFA0]  }
0x388: {  	v33 =	vld [tilespmem:s14+$0xFFFFFFE0];
	v26 =	vadd.f32 v26, v28;
	v27 =	vmul.f32 $2.000000030e-01, v20  }
0x389: {  	v10 =	vld [tilespmem:s26+$0xFFFFFDF0]  }
0x38a: {  	v34 =	vmul.f32 $2.000000030e-01, v26;
	v11 =	vld [tilespmem:s26+$0xFFFFFE40];
	v20 =	vmax.f32 v20, v27  }
0x38b: {  	v5 =	vperm.xlane v9, v1;
	v9 =	vsel vm1, $0x3F800000, v14;
	v14 =	vld [tilespmem:s14+$0xFFFFFFC0];
	v20 =	vsub.f32 v20, v3  }
0x38c: {  	v26 =	vmax.f32 v26, v34;
	v8 =	vld [tilespmem:s26+$0xFFFFFE90];
	v18 =	vadd.f32 v18, v17  }
0x38d: {  	v26 =	vsub.f32 v26, v3;
	v6 =	vld [tilespmem:s26+$0xFFFFFEE0];
	v20 =	vmul.f32 $1.442695020e+00, v20  }
0x38e: {  	v32 =	vmul.f32 $2.000000030e-01, v18;
	v27 =	vld [tilespmem:s14+$0xFFFFFFD0]  }
0x38f: {  	v48 =	vld [tilespmem:s6+$0xFFFFFD90];
	v33 =	vadd.f32 v33, v31;
	v26 =	vmul.f32 $1.442695020e+00, v26;
	(erf) = vpow2.f32 v20  }
0x390: {  	v16 =	vld [tilespmem:s14+$0xFFFFFF90];
	v10 =	vmul.f32 v10, v23;
	v18 =	vmax.f32 v18, v32;
	v14 =	vadd.f32 v14, v29  }
0x391: {  	v11 =	vmul.f32 v11, v21;
	v13 =	vld [tilespmem:s26+$0xFFFFFDA0];
	v8 =	vmul.f32 v8, v22;
	[tilespmem:s5+$0xFFFFFFE0] =	vst v4;
	v18 =	vsub.f32 v18, v3;
	v4 =	vpop (erf)  }
0x392: {  	v12 =	vsel vm1, $0x3F800000, v12;
	v4 =	vperm.xlane v4, v1;
	v49 =	vmul.f32 $2.000000030e-01, v14  }
0x393: {  	v35 =	vld [tilespmem:s6+$0xFFFFFF70];
	v6 =	vmul.f32 v6, v19;
	v18 =	vmul.f32 $1.442695020e+00, v18;
	v27 =	vadd.f32 v27, v30  }
0x394: {  	v9 =	vmul.f32 v5, v9;
	v12 =	vmul.f32 v4, v12;
	v20 =	vld [tilespmem:s14+$0xFFFFFFF0];
	v14 =	vmax.f32 v14, v49  }
0x395: {  	v14 =	vsub.f32 v14, v3;
	(erf) = vpow2.f32 v18;
	v50 =	vmul.f32 $2.000000030e-01, v27  }
0x396: {  	v16 =	vadd.f32 v16, v48;
	v13 =	vmul.f32 v13, v25;
	[tilespmem:s5+$0xFFFFFF20] =	vst v9;
	v18 =	vmul.f32 $2.000000030e-01, v33  }
0x397: {  	v51 =	vld [tilespmem:s26+$0xFFFFFF30];
	[tilespmem:s5+$0xFFFFFF70] =	vst v12;
	(erf) = vpow2.f32 v26;
	v14 =	vmul.f32 $1.442695020e+00, v14;
	v27 =	vmax.f32 v27, v50  }
0x398: {  	v52 =	vld [tilespmem:s26+$0xFFFFFF80];
	v18 =	vmax.f32 v33, v18;
	v9 =	vsub.f32 v27, v3;
	v27 =	vmul.f32 $2.000000030e-01, v16;
	v26 =	vpop (erf)  }
0x399: {  	v20 =	vadd.f32 v20, v35;
	(erf) = vpow2.f32 v14;
	v26 =	vperm.xlane v26, v1  }
0x39a: {  	v7 =	vsel vm1, $0x3F800000, v7;
	[tilespmem:s5+$0xFFFFFDA0] =	vst v13;
	v18 =	vsub.f32 v18, v3;
	v9 =	vmul.f32 $1.442695020e+00, v9  }
0x39b: {  	[tilespmem:s5+$0xFFFFFDF0] =	vst v10;
	v10 =	vld [tilespmem:s26+$0xFFFFFDB0];
	v12 =	vmul.f32 $2.000000030e-01, v20;
	v14 =	vmax.f32 v16, v27;
	v7 =	vmul.f32 v26, v7  }
0x39c: {  	s7 =	simm.s32 $0xDF10;
	s8 =	simm.s32 $0x8790;
	[tilespmem:s5+$0xFFFFFE40] =	vst v11;
	v11 =	vld [tilespmem:s26+$0xFFFFFE00];
	v13 =	vsub.f32 v14, v3;
	v14 =	vmul.f32 $1.442695020e+00, v18;
	(erf) = vpow2.f32 v9  }
0x39d: {  	v36 =	vld [tilespmem:s8+$0xFFFFFFC0];
	v9 =	vmul.f32 v51, v5;
	[tilespmem:s7+$0xFFFFFFC0] =	vst v7;
	v7 =	vmul.f32 v52, v4  }
0x39e: {  	[tilespmem:s5+$0xFFFFFE90] =	vst v8;
	v12 =	vmax.f32 v20, v12;
	v13 =	vmul.f32 $1.442695020e+00, v13;
	(erf) = vpow2.f32 v14;
	v8 =	vpop (erf);
	v14 =	vld [tilespmem:s6+$0xFFFFFFD0]  }
0x39f: {  	s25 =	simm.s32 $0xA490;
	v15 =	vld [tilespmem:s26+$0xFFFFFFF0];
	[tilespmem:s5+$0xFFFFFEE0] =	vst v6;
	v12 =	vsub.f32 v12, v3;
	v8 =	vperm.xlane v8, v1  }
0x3a0: {  	v38 =	vld [tilespmem:s25+$0xFFFFFF90];
	[tilespmem:s5+$0xFFFFFF30] =	vst v9;
	v9 =	vmul.f32 v10, v25;
	v10 =	vsel vm1, $0x3F800000, v17;
	(erf) = vpow2.f32 v13  }
0x3a1: {  	v39 =	vld [tilespmem:s8+$0xFFFFFDE0];
	v11 =	vmul.f32 v11, v23;
	v10 =	vmul.f32 v8, v10;
	[tilespmem:s5+$0xFFFFFF80] =	vst v7;
	v7 =	vpop (erf)  }
0x3a2: {  	v40 =	vld [tilespmem:s25+$0xFFFFFFA0];
	v12 =	vmul.f32 $1.442695020e+00, v12;
	[tilespmem:s5+$0xFFFFFDB0] =	vst v9;
	v9 =	vperm.xlane v7, v1;
	v7 =	vpop (erf)  }
0x3a3: {  	v6 =	vld [tilespmem:s26+$0xFFFFFEA0];
	v18 =	vsel vm1, $0x3F800000, v28;
	[tilespmem:s7+$0xFFFFFDE0] =	vst v10;
	v10 =	vperm.xlane v7, v1;
	v7 =	vmul.f32 v14, v26  }
0x3a4: {  	v42 =	vld [tilespmem:s8+$0xFFFFFE30];
	v15 =	vmul.f32 v15, v24;
	v14 =	vsel vm1, $0x3F800000, v29;
	v18 =	vmul.f32 v9, v18  }
0x3a5: {  	v43 =	vld [tilespmem:s25+$0xFFFFFFB0];
	[tilespmem:s5+$0xFFFFFE00] =	vst v11;
	(erf) = vpow2.f32 v12;
	v14 =	vmul.f32 v10, v14  }
0x3a6: {  	[tilespmem:s5+$0xFFFFFFF0] =	vst v15;
	v15 =	vld [tilespmem:s26+$0xFFFFFE50]  }
0x3a7: {  	v44 =	vld [tilespmem:s8+$0xFFFFFE80];
	[tilespmem:s7+$0xFFFFFFD0] =	vst v7;
	v7 =	vpop (erf)  }
0x3a8: {  	v58 =	vld [tilespmem:s25+$0xFFFFFFD0];
	v53 =	vmul.f32 v6, v22;
	[tilespmem:s7+$0xFFFFFE30] =	vst v18;
	v11 =	vperm.xlane v7, v1;
	v18 =	vpop (erf)  }
0x3a9: {  	v59 =	vld [tilespmem:s25+$0xFFFFFFF0];
	v30 =	vsel vm1, $0x3F800000, v30;
	[tilespmem:s7+$0xFFFFFE80] =	vst v14;
	v14 =	vpop (erf)  }
0x3aa: {  	[tilespmem:s5+$0xFFFFFEA0] =	vst v53;
	v7 =	vld [tilespmem:s6+$0xFFFFFFE0];
	v20 =	vperm.xlane v14, v1;
	v14 =	vmul.f32 v11, v30  }
0x3ab: {  	v55 =	vld [tilespmem:s26+$0xFFFFFEB0];
	v15 =	vmul.f32 v15, v21;
	v6 =	vperm.xlane v18, v1  }
0x3ac: {  	v27 =	vld [tilespmem:s26+$0x0];
	v18 =	vsel vm1, $0x3F800000, v31  }
0x3ad: {  	[tilespmem:s5+$0xFFFFFE50] =	vst v15;
	v15 =	vsel vm1, $0x3F800000, v48;
	v13 =	vld [tilespmem:s26+$0xFFFFFEF0];
	v18 =	vmul.f32 v6, v18  }
0x3ae: {  	v28 =	vld [tilespmem:s6+$0xFFFFFDF0];
	v15 =	vmul.f32 v20, v15;
	[tilespmem:s7+$0xFFFFFED0] =	vst v14;
	v14 =	vpop (erf)  }
0x3af: {  	v16 =	vld [tilespmem:s26+$0xFFFFFF40];
	[tilespmem:s7+$0xFFFFFF20] =	vst v18;
	v18 =	vmul.f32 v7, v26;
	v7 =	vperm.xlane v14, v1  }
0x3b0: {  	v17 =	vld [tilespmem:s26+$0xFFFFFDC0];
	[tilespmem:s7+$0xFFFFFD90] =	vst v15;
	v15 =	vsel vm1, $0x3F800000, v35  }
0x3b1: {  	v52 =	vld [tilespmem:s8+$0xFFFFFD90];
	v15 =	vmul.f32 v7, v15  }
0x3b2: {  	v29 =	vld [tilespmem:s26+$0xFFFFFE10]  }
0x3b3: {  	v28 =	vmul.f32 v28, v8;
	[tilespmem:s7+$0xFFFFFF70] =	vst v15;
	v15 =	vld [tilespmem:s25+$0x0]  }
0x3b4: {  	v12 =	vld [tilespmem:s26+$0xFFFFFF90]  }
0x3b5: {  	[tilespmem:s7+$0xFFFFFDF0] =	vst v28;
	v54 =	vld [tilespmem:s6+$0xFFFFFE40]  }
0x3b6: {  	v62 =	vld [tilespmem:s6+$0xFFFFFE00]  }
0x3b7: {  	v43 =	vadd.f32 v43, v42;
	v47 =	vmul.f32 v29, v23;
	v29 =	vld [tilespmem:s25+$0xFFFFFFC0]  }
0x3b8: {  	v32 =	vmul.f32 v55, v22;
	v27 =	vnsel vm0, $0x0, v27;
	v31 =	vld [tilespmem:s6+$0xFFFFFE90];
	[tilespmem:s7+$0xFFFFFFE0] =	vst v18;
	v15 =	vadd.f32 v15, v36  }
0x3b9: {  	v51 =	vmul.f32 $2.000000030e-01, v43;
	v27 =	vmul.f32 v27, v24;
	v18 =	vld [tilespmem:s6+$0xFFFFFFF0]  }
0x3ba: {  	v41 =	vmul.f32 v12, v4;
	v12 =	vld [tilespmem:s8+$0xFFFFFED0];
	v45 =	vmul.f32 $2.000000030e-01, v15  }
0x3bb: {  	v13 =	vmul.f32 v13, v19;
	v16 =	vmul.f32 v16, v5;
	v30 =	vld [tilespmem:s26+$0xFFFFFE60]  }
0x3bc: {  	v50 =	vld [tilespmem:s25+$0xFFFFFFE0];
	v17 =	vmul.f32 v17, v25;
	v34 =	vmul.f32 v54, v9;
	v15 =	vmax.f32 v15, v45  }
0x3bd: {  	v56 =	vld [tilespmem:s6+$0xFFFFFEE0];
	v46 =	vmul.f32 v31, v10;
	v31 =	vadd.f32 v40, v39;
	v15 =	vsub.f32 v15, v3  }
0x3be: {  	v29 =	vadd.f32 v29, v44;
	[tilespmem:s7+$0xFFFFFE40] =	vst v34;
	v34 =	vmul.f32 v62, v8;
	v14 =	vld [tilespmem:s6+$0xFFFFFF30];
	v18 =	vmul.f32 v18, v26  }
0x3bf: {  	[tilespmem:s5+$0xFFFFFEF0] =	vst v13;
	v40 =	vadd.f32 v58, v12;
	v57 =	vld [tilespmem:s6+$0xFFFFFDA0];
	v49 =	vmul.f32 $2.000000030e-01, v31;
	v15 =	vmul.f32 $1.442695020e+00, v15  }
0x3c0: {  	v38 =	vadd.f32 v38, v52;
	v48 =	vmul.f32 v30, v21;
	[tilespmem:s7+$0xFFFFFFF0] =	vst v18;
	v18 =	vmul.f32 $2.000000030e-01, v29;
	v45 =	vld [tilespmem:s8+$0xFFFFFF20]  }
0x3c1: {  	v60 =	vld [tilespmem:s26+$0xFFFFFF00];
	v61 =	vmul.f32 $2.000000030e-01, v40;
	v31 =	vmax.f32 v31, v49;
	(erf) = vpow2.f32 v15  }
0x3c2: {  	[tilespmem:s5+$0xFFFFFEB0] =	vst v32;
	v30 =	vld [tilespmem:s8+$0xFFFFFF70];
	v33 =	vmul.f32 v56, v11;
	v13 =	vsub.f32 v31, v3;
	v18 =	vmax.f32 v29, v18  }
0x3c3: {  	[tilespmem:s5+$0x0] =	vst v27;
	v63 =	vld [tilespmem:s6+$0xFFFFFE50];
	v56 =	vmul.f32 $2.000000030e-01, v38;
	v18 =	vsub.f32 v18, v3;
	v15 =	vmax.f32 v43, v51  }
0x3c4: {  	[tilespmem:s7+$0xFFFFFE90] =	vst v46;
	v37 =	vld [tilespmem:s6+$0xFFFFFF80];
	v35 =	vmul.f32 v57, v20;
	v13 =	vmul.f32 $1.442695020e+00, v13;
	v15 =	vsub.f32 v15, v3  }
0x3c5: {  	[tilespmem:s7+$0xFFFFFE00] =	vst v34;
	v55 =	vld [tilespmem:s6+$0xFFFFFEA0];
	v14 =	vmul.f32 v14, v6;
	v18 =	vmul.f32 $1.442695020e+00, v18;
	v29 =	vadd.f32 v50, v45  }
0x3c6: {  	v34 =	vld [tilespmem:s6+$0xFFFFFE10];
	[tilespmem:s7+$0xFFFFFDA0] =	vst v35;
	(erf) = vpow2.f32 v13;
	v15 =	vmul.f32 $1.442695020e+00, v15  }
0x3c7: {  	[tilespmem:s5+$0xFFFFFE60] =	vst v48;
	v54 =	vadd.f32 v59, v30;
	v28 =	vld [tilespmem:s6+$0xFFFFFDB0];
	v13 =	vmax.f32 v40, v61;
	v53 =	vmul.f32 $2.000000030e-01, v29  }
0x3c8: {  	[tilespmem:s5+$0xFFFFFF40] =	vst v16;
	v32 =	vld [tilespmem:s26+$0xFFFFFE70];
	s25 =	simm.s32 $0x8A10;
	v35 =	vmul.f32 v63, v9;
	v13 =	vsub.f32 v13, v3;
	(erf) = vpow2.f32 v15  }
0x3c9: {  	[tilespmem:s7+$0xFFFFFEE0] =	vst v33;
	v27 =	vld [tilespmem:s25+$0xFFFFFE80];
	v37 =	vmul.f32 v37, v7;
	v15 =	vmax.f32 v29, v53;
	v29 =	vmul.f32 $2.000000030e-01, v54  }
0x3ca: {  	v38 =	vmax.f32 v38, v56;
	[tilespmem:s7+$0xFFFFFF30] =	vst v14;
	v31 =	vld [tilespmem:s6+$0x0];
	v13 =	vmul.f32 $1.442695020e+00, v13;
	(erf) = vpow2.f32 v18;
	v18 =	vpop (erf)  }
0x3cb: {  	v14 =	vld [tilespmem:s6+$0xFFFFFEF0];
	[tilespmem:s7+$0xFFFFFE50] =	vst v35;
	v15 =	vsub.f32 v15, v3;
	v16 =	vmax.f32 v54, v29;
	v29 =	vperm.xlane v18, v1  }
0x3cc: {  	[tilespmem:s5+$0xFFFFFDC0] =	vst v17;
	v36 =	vsel vm1, $0x3F800000, v36;
	v63 =	vld [tilespmem:s6+$0xFFFFFE60];
	v18 =	vmul.f32 v28, v20;
	v28 =	vsub.f32 v38, v3  }
0x3cd: {  	[tilespmem:s7+$0xFFFFFF80] =	vst v37;
	v37 =	vld [tilespmem:s6+$0xFFFFFF40];
	v16 =	vsub.f32 v16, v3;
	v15 =	vmul.f32 $1.442695020e+00, v15;
	v17 =	vmul.f32 v29, v36  }
0x3ce: {  	s1 =	simm.s32 $0xE190;
	v49 =	vld [tilespmem:s6+$0xFFFFFF90];
	(erf) = vpow2.f32 v13;
	[tilespmem:s7+$0xFFFFFDB0] =	vst v18;
	v18 =	vmul.f32 $1.442695020e+00, v28  }
0x3cf: {  	v24 =	vnsel vm0, $0x0, v31;
	v31 =	vld [tilespmem:s25+$0xFFFFFFC0];
	v16 =	vmul.f32 $1.442695020e+00, v16;
	v13 =	vpop (erf);
	(erf) = vpow2.f32 v15;
	[tilespmem:s1+$0xFFFFFFC0] =	vst v17  }
0x3d0: {  	v13 =	vperm.xlane v13, v1;
	(erf) = vpow2.f32 v18;
	v17 =	vld [tilespmem:s8+$0xFFFFFFD0]  }
0x3d1: {  	s14 =	simm.s32 $0xA510;
	[tilespmem:s5+$0xFFFFFF90] =	vst v41;
	v40 =	vld [tilespmem:s26+$0xFFFFFF50];
	v15 =	vsel vm1, $0x3F800000, v39;
	v18 =	vmul.f32 v60, v19;
	v28 =	vpop (erf);
	(erf) = vpow2.f32 v16  }
0x3d2: {  	[tilespmem:s5+$0xFFFFFE10] =	vst v47;
	v53 =	vld [tilespmem:s14+$0x0];
	v16 =	vmul.f32 v13, v15;
	v15 =	vperm.xlane v28, v1  }
0x3d3: {  	v54 =	vld [tilespmem:s14+$0xFFFFFF90];
	v57 =	vpop (erf);
	[tilespmem:s5+$0xFFFFFF00] =	vst v18;
	v18 =	vsel vm1, $0x3F800000, v42  }
0x3d4: {  	v38 =	vld [tilespmem:s26+$0xFFFFFFA0];
	[tilespmem:s1+$0xFFFFFDE0] =	vst v16;
	v18 =	vmul.f32 v15, v18;
	v16 =	vperm.xlane v57, v1  }
0x3d5: {  	v58 =	vsel vm1, $0x3F800000, v44;
	v39 =	vld [tilespmem:s26+$0xFFFFFE20];
	v17 =	vmul.f32 v17, v29  }
0x3d6: {  	v36 =	vld [tilespmem:s26+$0xFFFFFDD0];
	[tilespmem:s1+$0xFFFFFE30] =	vst v18;
	v18 =	vmul.f32 v16, v58  }
0x3d7: {  	v33 =	vmul.f32 v55, v10;
	v41 =	vld [tilespmem:s6+$0xFFFFFDC0]  }
0x3d8: {  	v42 =	vld [tilespmem:s26+$0xFFFFFEC0];
	[tilespmem:s1+$0xFFFFFFD0] =	vst v17  }
0x3d9: {  	[tilespmem:s7+$0xFFFFFEA0] =	vst v33;
	v59 =	vld [tilespmem:s8+$0xFFFFFFE0];
	v17 =	vpop (erf)  }
0x3da: {  	v14 =	vmul.f32 v14, v11;
	v28 =	vld [tilespmem:s26+$0xFFFFFF10];
	[tilespmem:s1+$0xFFFFFE80] =	vst v18;
	v18 =	vpop (erf)  }
0x3db: {  	v60 =	vsel vm1, $0x3F800000, v12;
	v57 =	vld [tilespmem:s6+$0xFFFFFEB0];
	v12 =	vperm.xlane v18, v1;
	v18 =	vpop (erf)  }
0x3dc: {  	[tilespmem:s7+$0xFFFFFEF0] =	vst v14;
	v44 =	vld [tilespmem:s8+$0xFFFFFDF0];
	v56 =	vpop (erf)  }
0x3dd: {  	v58 =	vld [tilespmem:s6+$0xFFFFFF00];
	v14 =	vperm.xlane v56, v1  }
0x3de: {  	v30 =	vsel vm1, $0x3F800000, v30;
	v43 =	vld [tilespmem:s8+$0xFFFFFE40];
	v17 =	vperm.xlane v17, v1;
	v59 =	vmul.f32 v59, v29  }
0x3df: {  	v48 =	vld [tilespmem:s8+$0xFFFFFE90];
	v30 =	vmul.f32 v14, v30  }
0x3e0: {  	v34 =	vmul.f32 v34, v8;
	v62 =	vmul.f32 v17, v60;
	v56 =	vld [tilespmem:s14+$0xFFFFFFB0];
	[tilespmem:s1+$0xFFFFFFE0] =	vst v59  }
0x3e1: {  	v55 =	vsel vm1, $0x3F800000, v52;
	v37 =	vmul.f32 v37, v6;
	v18 =	vperm.xlane v18, v1;
	[tilespmem:s1+$0xFFFFFF70] =	vst v30;
	v30 =	vld [tilespmem:s8+$0xFFFFFFF0]  }
0x3e2: {  	v49 =	vmul.f32 v49, v7;
	v61 =	vsel vm1, $0x3F800000, v45;
	[tilespmem:s1+$0xFFFFFED0] =	vst v62;
	v62 =	vmul.f32 v24, v26;
	v26 =	vld [tilespmem:s25+$0xFFFFFDE0]  }
0x3e3: {  	v35 =	vmul.f32 v12, v61;
	v33 =	vmul.f32 v18, v55;
	v55 =	vld [tilespmem:s14+$0xFFFFFFA0]  }
0x3e4: {  	[tilespmem:s7+$0xFFFFFE10] =	vst v34;
	v40 =	vmul.f32 v40, v5;
	v39 =	vnsel vm0, $0x0, v39;
	v38 =	vmul.f32 v38, v4;
	v24 =	vld [tilespmem:s25+$0xFFFFFE30]  }
0x3e5: {  	v23 =	vmul.f32 v39, v23;
	v36 =	vnsel vm0, $0x0, v36;
	v41 =	vmul.f32 v41, v20;
	[tilespmem:s1+$0xFFFFFF20] =	vst v35;
	v59 =	vld [tilespmem:s14+$0xFFFFFFC0]  }
0x3e6: {  	v32 =	vnsel vm0, $0x0, v32;
	v36 =	vmul.f32 v36, v25;
	[tilespmem:s1+$0xFFFFFD90] =	vst v33;
	v60 =	vld [tilespmem:s8+$0xFFFFFF30];
	v30 =	vmul.f32 v30, v29  }
0x3e7: {  	[tilespmem:s7+$0xFFFFFF40] =	vst v37;
	v42 =	vnsel vm0, $0x0, v42;
	v47 =	vmul.f32 v57, v10;
	v43 =	vmul.f32 v43, v15;
	v61 =	vld [tilespmem:s8+$0xFFFFFDA0]  }
0x3e8: {  	v42 =	vmul.f32 v42, v22;
	v35 =	vld [tilespmem:s8+$0xFFFFFF80];
	[tilespmem:s1+$0xFFFFFFF0] =	vst v30;
	v30 =	vmul.f32 v63, v9;
	v63 =	vadd.f32 v53, v31  }
0x3e9: {  	v28 =	vnsel vm0, $0x0, v28;
	v44 =	vmul.f32 v44, v13;
	[tilespmem:s1+$0xFFFFFE40] =	vst v43;
	v43 =	vmul.f32 v32, v21;
	v32 =	vld [tilespmem:s25+$0xFFFFFF20]  }
0x3ea: {  	[tilespmem:s7+$0xFFFFFDC0] =	vst v41;
	v19 =	vmul.f32 v28, v19;
	v41 =	vld [tilespmem:s8+$0xFFFFFE50];
	v25 =	vmul.f32 $2.000000030e-01, v63  }
0x3eb: {  	[tilespmem:s7+$0x0] =	vst v62;
	v62 =	vadd.f32 v56, v24;
	v33 =	vmul.f32 v60, v12;
	v60 =	vadd.f32 v55, v26;
	v53 =	vld [tilespmem:s8+$0x0]  }
0x3ec: {  	[tilespmem:s7+$0xFFFFFF90] =	vst v49;
	v39 =	vadd.f32 v59, v27;
	v21 =	vmul.f32 v61, v18;
	v61 =	vld [tilespmem:s14+$0xFFFFFFD0];
	v51 =	vmax.f32 v63, v25  }
0x3ed: {  	[tilespmem:s5+$0xFFFFFF50] =	vst v40;
	v22 =	vmul.f32 $2.000000030e-01, v60;
	v35 =	vmul.f32 v35, v14;
	v25 =	vld [tilespmem:s25+$0xFFFFFED0];
	v51 =	vsub.f32 v51, v3  }
0x3ee: {  	v45 =	vmul.f32 v58, v11;
	v50 =	vld [tilespmem:s8+$0xFFFFFEE0];
	v55 =	vmul.f32 $2.000000030e-01, v62;
	[tilespmem:s1+$0xFFFFFF30] =	vst v33  }
0x3ef: {  	v57 =	vmul.f32 $2.000000030e-01, v39;
	v22 =	vmax.f32 v60, v22;
	[tilespmem:s1+$0xFFFFFF80] =	vst v35;
	v35 =	vld [tilespmem:s25+$0xFFFFFD90];
	v51 =	vmul.f32 $1.442695020e+00, v51  }
0x3f0: {  	v33 =	vmax.f32 v62, v55;
	[tilespmem:s1+$0xFFFFFDA0] =	vst v21;
	v22 =	vsub.f32 v22, v3;
	v63 =	vld [tilespmem:s14+$0xFFFFFFE0];
	v21 =	vnsel vm0, $0x0, v53  }
0x3f1: {  	[tilespmem:s1+$0xFFFFFDF0] =	vst v44;
	v44 =	vld [tilespmem:s25+$0xFFFFFF70];
	v21 =	vmul.f32 v21, v29;
	v29 =	vsub.f32 v33, v3;
	(erf) = vpow2.f32 v51  }
0x3f2: {  	[tilespmem:s5+$0xFFFFFFA0] =	vst v38;
	v48 =	vmul.f32 v48, v16;
	v56 =	vld [tilespmem:s14+$0xFFFFFFF0];
	v22 =	vmul.f32 $1.442695020e+00, v22;
	v46 =	vadd.f32 v61, v25  }
0x3f3: {  	[tilespmem:s7+$0xFFFFFEB0] =	vst v47;
	v41 =	vmul.f32 v41, v15;
	v59 =	vmax.f32 v39, v57;
	v58 =	vld [tilespmem:s8+$0xFFFFFDB0];
	v29 =	vmul.f32 $1.442695020e+00, v29  }
0x3f4: {  	[tilespmem:s1+$0xFFFFFE90] =	vst v48;
	v37 =	vsub.f32 v59, v3;
	(erf) = vpow2.f32 v22;
	v60 =	vmul.f32 $2.000000030e-01, v46  }
0x3f5: {  	v34 =	vld [tilespmem:s6+$0xFFFFFFA0];
	v50 =	vmul.f32 v50, v17;
	[tilespmem:s7+$0xFFFFFE60] =	vst v30;
	v30 =	vadd.f32 v54, v35;
	v61 =	vadd.f32 v63, v32  }
0x3f6: {  	[tilespmem:s5+$0xFFFFFEC0] =	vst v42;
	v55 =	vld [tilespmem:s8+$0xFFFFFEA0];
	v37 =	vmul.f32 $1.442695020e+00, v37;
	(erf) = vpow2.f32 v29;
	v22 =	vmax.f32 v46, v60  }
0x3f7: {  	v47 =	vld [tilespmem:s26+$0xFFFFFFB0];
	[tilespmem:s7+$0xFFFFFF00] =	vst v45;
	v62 =	vmul.f32 $2.000000030e-01, v61;
	v60 =	vmul.f32 $2.000000030e-01, v30;
	v22 =	vsub.f32 v22, v3  }
0x3f8: {  	v49 =	vld [tilespmem:s8+$0xFFFFFE00];
	[tilespmem:s5+$0xFFFFFE70] =	vst v43;
	v33 =	vmul.f32 v58, v18;
	v63 =	vadd.f32 v56, v44;
	(erf) = vpow2.f32 v37  }
0x3f9: {  	v42 =	vld [tilespmem:s6+$0xFFFFFF10];
	[tilespmem:s1+$0x0] =	vst v21;
	v21 =	vmax.f32 v61, v62;
	v30 =	vmax.f32 v30, v60;
	v22 =	vmul.f32 $1.442695020e+00, v22  }
0x3fa: {  	v43 =	vld [tilespmem:s26+$0xFFFFFF60];
	[tilespmem:s1+$0xFFFFFEE0] =	vst v50;
	v59 =	vmul.f32 $2.000000030e-01, v63;
	v62 =	vsub.f32 v21, v3;
	v30 =	vsub.f32 v30, v3;
	v61 =	vpop (erf)  }
0x3fb: {  	v50 =	vld [tilespmem:s8+$0xFFFFFEF0];
	v31 =	vsel vm1, $0x3F800000, v31;
	v46 =	vmul.f32 v55, v16;
	v21 =	vperm.xlane v61, v1  }
0x3fc: {  	v51 =	vld [tilespmem:s8+$0xFFFFFF90];
	[tilespmem:s1+$0xFFFFFDB0] =	vst v33;
	v39 =	vmax.f32 v63, v59;
	v57 =	vmul.f32 $1.442695020e+00, v62;
	v30 =	vmul.f32 $1.442695020e+00, v30  }
0x3fd: {  	[tilespmem:s5+$0xFFFFFE20] =	vst v23;
	v58 =	vld [tilespmem:s8+$0xFFFFFDC0];
	v56 =	vsub.f32 v39, v3;
	(erf) = vpow2.f32 v22;
	v22 =	vpop (erf);
	v31 =	vmul.f32 v21, v31  }
0x3fe: {  	s28 =	simm.s32 $0xE410;
	[tilespmem:s5+$0xFFFFFDD0] =	vst v36;
	v29 =	vld [tilespmem:s8+$0xFFFFFF40];
	(erf) = vpow2.f32 v57;
	v22 =	vperm.xlane v22, v1  }
0x3ff: {  	v23 =	vsel vm1, $0x3F800000, v26;
	v37 =	vld [tilespmem:s6+$0xFFFFFF50];
	v38 =	vmul.f32 $1.442695020e+00, v56;
	(erf) = vpow2.f32 v30;
	v26 =	vpop (erf);
	[tilespmem:s28+$0xFFFFFFC0] =	vst v31  }
0x400: {  	[tilespmem:s5+$0xFFFFFF10] =	vst v19;
	v28 =	vmul.f32 v22, v23;
	v23 =	vperm.xlane v26, v1;
	v31 =	vld [tilespmem:s25+$0xFFFFFFD0]  }
0x401: {  	v19 =	vsel vm1, $0x3F800000, v24;
	[tilespmem:s1+$0xFFFFFE50] =	vst v41;
	v63 =	vld [tilespmem:s6+$0xFFFFFDD0];
	v61 =	vmul.f32 v50, v17;
	(erf) = vpow2.f32 v38;
	v24 =	vpop (erf)  }
0x402: {  	v39 =	vld [tilespmem:s6+$0xFFFFFE70];
	[tilespmem:s1+$0xFFFFFEA0] =	vst v46;
	v24 =	vperm.xlane v24, v1;
	v19 =	vmul.f32 v23, v19  }
0x403: {  	v27 =	vsel vm1, $0x3F800000, v27;
	v59 =	vld [tilespmem:s6+$0xFFFFFE20];
	[tilespmem:s1+$0xFFFFFEF0] =	vst v61;
	v26 =	vmul.f32 v49, v13  }
0x404: {  	v54 =	vld [tilespmem:s8+$0xFFFFFEB0];
	v30 =	vmul.f32 v29, v12;
	[tilespmem:s28+$0xFFFFFE30] =	vst v19;
	v19 =	vmul.f32 v24, v27  }
0x405: {  	v29 =	vmul.f32 v51, v14;
	v51 =	vld [tilespmem:s8+$0xFFFFFE60];
	[tilespmem:s28+$0xFFFFFDE0] =	vst v28;
	v28 =	vmul.f32 v31, v21  }
0x406: {  	v38 =	vld [tilespmem:s6+$0xFFFFFEC0];
	[tilespmem:s1+$0xFFFFFE00] =	vst v26  }
0x407: {  	v36 =	vmul.f32 v34, v7;
	v53 =	vnsel vm0, $0x0, v63;
	v33 =	vnsel vm0, $0x0, v39;
	v61 =	vld [tilespmem:s8+$0xFFFFFF00];
	v26 =	vpop (erf);
	[tilespmem:s28+$0xFFFFFFD0] =	vst v28  }
0x408: {  	v39 =	vmul.f32 v53, v20;
	v27 =	vsel vm1, $0x3F800000, v25;
	v26 =	vperm.xlane v26, v1;
	[tilespmem:s28+$0xFFFFFE80] =	vst v19;
	v19 =	vpop (erf);
	v50 =	vld [tilespmem:s25+$0xFFFFFFE0]  }
0x409: {  	v41 =	vmul.f32 v54, v16;
	v49 =	vld [tilespmem:s25+$0xFFFFFE40];
	v25 =	vperm.xlane v19, v1;
	v19 =	vpop (erf)  }
0x40a: {  	v32 =	vsel vm1, $0x3F800000, v32;
	v60 =	vld [tilespmem:s25+$0xFFFFFDF0];
	v62 =	vmul.f32 v26, v27;
	v19 =	vperm.xlane v19, v1  }
0x40b: {  	v35 =	vsel vm1, $0x3F800000, v35;
	v52 =	vld [tilespmem:s8+$0xFFFFFE10];
	v31 =	vmul.f32 v58, v18;
	v27 =	vpop (erf);
	v63 =	vmul.f32 v25, v32  }
0x40c: {  	v40 =	vld [tilespmem:s25+$0xFFFFFE90];
	[tilespmem:s28+$0xFFFFFED0] =	vst v62;
	v27 =	vperm.xlane v27, v1;
	v48 =	vmul.f32 v19, v35  }
0x40d: {  	v28 =	vmul.f32 v37, v6;
	v37 =	vsel vm1, $0x3F800000, v44;
	v44 =	vld [tilespmem:s25+$0xFFFFFEE0];
	[tilespmem:s28+$0xFFFFFF20] =	vst v63;
	v63 =	vmul.f32 v50, v21  }
0x40e: {  	v34 =	vnsel vm0, $0x0, v47;
	v62 =	vmul.f32 v27, v37;
	[tilespmem:s28+$0xFFFFFD90] =	vst v48;
	v50 =	vmul.f32 v49, v23;
	v49 =	vld [tilespmem:s25+$0xFFFFFF30]  }
0x40f: {  	v60 =	vmul.f32 v60, v22;
	v35 =	vnsel vm0, $0x0, v38;
	v38 =	vnsel vm0, $0x0, v43;
	v45 =	vld [tilespmem:s25+$0xFFFFFDA0];
	[tilespmem:s28+$0xFFFFFFE0] =	vst v63  }
0x410: {  	v43 =	vmul.f32 v61, v17;
	v37 =	vnsel vm0, $0x0, v42;
	v42 =	vmul.f32 v52, v13;
	[tilespmem:s28+$0xFFFFFF70] =	vst v62;
	v46 =	vld [tilespmem:s25+$0xFFFFFFF0]  }
0x411: {  	s13 =	simm.s32 $0x8C90;
	s26 =	simm.s32 $0x18;
	[tilespmem:s28+$0xFFFFFDF0] =	vst v60;
	v32 =	vnsel vm0, $0x0, v59;
	v48 =	vmul.f32 v40, v24;
	v40 =	vmul.f32 v51, v15;
	v47 =	vld [tilespmem:s25+$0xFFFFFF80]  }
.LBB2_18:
0x412: {  	v20 =	vld [tilespmem:s13+$0xFFFFFFC0];
	[tilespmem:s28+$0xFFFFFE40] =	vst v50;
	v44 =	vmul.f32 v44, v26;
	s14 =	sadd.s32 $0x80, s14;
	v32 =	vmul.f32 v32, v8;
	v8 =	vmovc v13;
	v13 =	vmov v22  }
0x413: {  	s26 =	sadd.s32 $0x8, s26;
	v33 =	vmul.f32 v33, v9;
	v9 =	vmovc v15;
	v15 =	vmov v23;
	v50 =	vld [tilespmem:s14+$0x0];
	[tilespmem:s28+$0xFFFFFE90] =	vst v48;
	v48 =	vmul.f32 v49, v25  }
0x414: {  	v35 =	vmul.f32 v35, v10;
	v10 =	vmovc v16;
	v16 =	vmov v24;
	p0 =	slt.u32 s26, $0x48;
	v49 =	vld [tilespmem:s14+$0xFFFFFF90];
	v23 =	vmul.f32 v45, v19;
	[tilespmem:s28+$0xFFFFFEE0] =	vst v44  }
0x415: {  	v37 =	vmul.f32 v37, v11;
	v11 =	vmovc v17;
	v17 =	vmov v26;
	v22 =	vld [tilespmem:s13+$0xFFFFFDE0];
	[tilespmem:s28+$0xFFFFFF30] =	vst v48;
	v24 =	vmul.f32 v46, v21  }
0x416: {  	v38 =	vmul.f32 v38, v5;
	v5 =	vmovc v6;
	v6 =	vmov v12;
	v26 =	vld [tilespmem:s14+$0xFFFFFFA0];
	[tilespmem:s28+$0xFFFFFDA0] =	vst v23;
	v44 =	vmul.f32 v47, v27  }
0x417: {  	v12 =	vmovc v25;
	v23 =	vld [tilespmem:s13+$0xFFFFFE30];
	[tilespmem:s28+$0xFFFFFFF0] =	vst v24;
	v24 =	vmul.f32 v34, v4;
	v4 =	vmovc v7;
	v7 =	vmov v14;
	v14 =	vmov v27  }
0x418: {  	v25 =	vadd.f32 v50, v20;
	[tilespmem:s28+$0xFFFFFF80] =	vst v44;
	v27 =	vld [tilespmem:s25+$0x0]  }
0x419: {  	v34 =	vld [tilespmem:s14+$0xFFFFFFB0];
	[tilespmem:s1+$0xFFFFFF40] =	vst v30  }
0x41a: {  	v30 =	vld [tilespmem:s13+$0xFFFFFE80];
	v44 =	vmul.f32 $2.000000030e-01, v25;
	[tilespmem:s1+$0xFFFFFF90] =	vst v29  }
0x41b: {  	v26 =	vadd.f32 v26, v22;
	v29 =	vld [tilespmem:s14+$0xFFFFFFC0];
	[tilespmem:s1+$0xFFFFFDC0] =	vst v31  }
0x41c: {  	v31 =	vld [tilespmem:s13+$0xFFFFFED0];
	v25 =	vmax.f32 v25, v44;
	[tilespmem:s1+$0xFFFFFE10] =	vst v42  }
0x41d: {  	v42 =	vmul.f32 $2.000000030e-01, v26;
	v44 =	vld [tilespmem:s14+$0xFFFFFFD0];
	v25 =	vsub.f32 v25, v3;
	v27 =	vnsel vm0, $0x0, v27;
	[tilespmem:s1+$0xFFFFFE60] =	vst v40  }
0x41e: {  	v34 =	vadd.f32 v34, v23;
	v40 =	vld [tilespmem:s13+$0xFFFFFF20];
	v21 =	vmul.f32 v27, v21;
	[tilespmem:s1+$0xFFFFFEB0] =	vst v41  }
0x41f: {  	v26 =	vmax.f32 v26, v42;
	v27 =	vld [tilespmem:s14+$0xFFFFFFE0];
	v25 =	vmul.f32 $1.442695020e+00, v25;
	[tilespmem:s1+$0xFFFFFF00] =	vst v43  }
0x420: {  	v26 =	vsub.f32 v26, v3;
	v41 =	vmul.f32 $2.000000030e-01, v34;
	v29 =	vadd.f32 v29, v30;
	v42 =	vld [tilespmem:s13+$0xFFFFFF70];
	[tilespmem:s28+$0x0] =	vst v21  }
0x421: {  	v21 =	vld [tilespmem:s14+$0xFFFFFFF0];
	(erf) = vpow2.f32 v25;
	[tilespmem:s7+$0xFFFFFF50] =	vst v28  }
0x422: {  	v25 =	vld [tilespmem:s13+$0xFFFFFD90];
	v28 =	vmax.f32 v34, v41;
	v34 =	vmul.f32 $2.000000030e-01, v29;
	v41 =	vadd.f32 v44, v31;
	[tilespmem:s7+$0xFFFFFFA0] =	vst v36  }
0x423: {  	v26 =	vmul.f32 $1.442695020e+00, v26;
	v28 =	vsub.f32 v28, v3;
	v36 =	vld [tilespmem:s25+$0xFFFFFDB0];
	[tilespmem:s7+$0xFFFFFDD0] =	vst v39  }
0x424: {  	v29 =	vmax.f32 v29, v34;
	v34 =	vmul.f32 $2.000000030e-01, v41;
	v27 =	vadd.f32 v27, v40;
	v39 =	vld [tilespmem:s25+$0xFFFFFE00];
	[tilespmem:s7+$0xFFFFFE20] =	vst v32  }
0x425: {  	v28 =	vmul.f32 $1.442695020e+00, v28;
	v29 =	vsub.f32 v29, v3;
	(erf) = vpow2.f32 v26;
	v26 =	vld [tilespmem:s25+$0xFFFFFE50];
	[tilespmem:s7+$0xFFFFFE70] =	vst v33  }
0x426: {  	v32 =	vmax.f32 v41, v34;
	v33 =	vmul.f32 $2.000000030e-01, v27;
	v21 =	vadd.f32 v21, v42;
	v34 =	vld [tilespmem:s25+$0xFFFFFEA0];
	[tilespmem:s7+$0xFFFFFEC0] =	vst v35  }
0x427: {  	v35 =	vadd.f32 v49, v25;
	v29 =	vmul.f32 $1.442695020e+00, v29;
	v32 =	vsub.f32 v32, v3;
	v41 =	vld [tilespmem:s25+$0xFFFFFEF0];
	[tilespmem:s7+$0xFFFFFF10] =	vst v37  }
0x428: {  	v27 =	vmax.f32 v27, v33;
	v33 =	vmul.f32 $2.000000030e-01, v21;
	(erf) = vpow2.f32 v28;
	v28 =	vld [tilespmem:s25+$0xFFFFFF40];
	[tilespmem:s5+$0xFFFFFF60] =	vst v38  }
0x429: {  	v37 =	vmul.f32 $2.000000030e-01, v35;
	v32 =	vmul.f32 $1.442695020e+00, v32;
	v27 =	vsub.f32 v27, v3;
	v38 =	vld [tilespmem:s25+$0xFFFFFF90];
	[tilespmem:s5+$0xFFFFFFB0] =	vst v24;
	s5 =	smov.u32 s7;
	s7 =	smov.u32 s1;
	s1 =	smov.u32 s28  }
0x42a: {  	v21 =	vmax.f32 v21, v33;
	(erf) = vpow2.f32 v29;
	v24 =	vpop (erf);
	v29 =	vmul.f32 v36, v19;
	v36 =	vld [tilespmem:s8+$0xFFFFFF50]  }
0x42b: {  	v33 =	vmax.f32 v35, v37;
	v35 =	vsub.f32 v21, v3;
	v21 =	vperm.xlane v24, v1;
	v43 =	vld [tilespmem:s8+$0xFFFFFFA0]  }
0x42c: {  	v20 =	vsel vm1, $0x3F800000, v20;
	v27 =	vmul.f32 $1.442695020e+00, v27;
	v24 =	vsub.f32 v33, v3;
	[tilespmem:s28+$0xFFFFFDB0] =	vst v29;
	v29 =	vld [tilespmem:s8+$0xFFFFFDD0]  }
0x42d: {  	v44 =	vsel vm1, $0x3F800000, v25;
	v25 =	vmul.f32 $1.442695020e+00, v35;
	v20 =	vmul.f32 v21, v20;
	v45 =	vld [tilespmem:s25+$0xFFFFFDC0]  }
0x42e: {  	v33 =	vsel vm1, $0x3F800000, v22;
	s28 =	sadd.s32 $0x280, s28;
	v24 =	vmul.f32 $1.442695020e+00, v24;
	v22 =	vpop (erf);
	(erf) = vpow2.f32 v32;
	v32 =	vld [tilespmem:s8+$0xFFFFFE20]  }
0x42f: {  	v35 =	vsel vm1, $0x3F800000, v23;
	v22 =	vperm.xlane v22, v1;
	[tilespmem:s28+$0xFFFFFFC0] =	vst v20;
	(erf) = vpow2.f32 v27;
	v20 =	vld [tilespmem:s8+$0xFFFFFE70]  }
0x430: {  	v46 =	vsel vm1, $0x3F800000, v31;
	v27 =	vsel vm1, $0x3F800000, v30;
	v30 =	vld [tilespmem:s13+$0xFFFFFFD0];
	(erf) = vpow2.f32 v24  }
0x431: {  	v40 =	vsel vm1, $0x3F800000, v40;
	v42 =	vsel vm1, $0x3F800000, v42;
	v23 =	vpop (erf);
	(erf) = vpow2.f32 v25;
	v25 =	vld [tilespmem:s8+$0xFFFFFEC0]  }
0x432: {  	v24 =	vmul.f32 v22, v33;
	v51 =	vnsel vm0, $0x0, v29;
	v23 =	vperm.xlane v23, v1;
	v31 =	vld [tilespmem:s8+$0xFFFFFF10]  }
0x433: {  	v37 =	vmul.f32 v39, v13;
	v39 =	vmul.f32 v26, v15;
	v29 =	vpop (erf);
	v32 =	vnsel vm0, $0x0, v32;
	v47 =	vld [tilespmem:s6+$0xFFFFFF60]  }
0x434: {  	[tilespmem:s28+$0xFFFFFDE0] =	vst v24;
	v26 =	vmul.f32 v23, v35;
	v24 =	vperm.xlane v29, v1;
	v33 =	vnsel vm0, $0x0, v20;
	v20 =	vld [tilespmem:s6+$0xFFFFFFB0];
	s6 =	smov.u32 s8;
	s8 =	smov.u32 s25;
	s25 =	smov.u32 s13  }
0x435: {  	v49 =	vmul.f32 v34, v16;
	v48 =	vld [tilespmem:s13+$0xFFFFFDF0];
	v29 =	vmul.f32 v30, v21;
	[tilespmem:s1+$0xFFFFFE00] =	vst v37  }
0x436: {  	v41 =	vmul.f32 v41, v17;
	[tilespmem:s28+$0xFFFFFE30] =	vst v26;
	v26 =	vmul.f32 v24, v27;
	v52 =	vld [tilespmem:s8+$0xFFFFFE10];
	v35 =	vnsel vm0, $0x0, v25  }
0x437: {  	v30 =	vmul.f32 v28, v12;
	v50 =	vld [tilespmem:s13+$0xFFFFFE40];
	[tilespmem:s28+$0xFFFFFFD0] =	vst v29;
	v25 =	vpop (erf);
	v29 =	vmul.f32 v38, v14;
	v37 =	vnsel vm0, $0x0, v31  }
0x438: {  	v31 =	vmul.f32 v45, v19;
	[tilespmem:s28+$0xFFFFFE80] =	vst v26;
	v26 =	vperm.xlane v25, v1;
	v53 =	vld [tilespmem:s13+$0xFFFFFFE0];
	v25 =	vpop (erf);
	v38 =	vnsel vm0, $0x0, v47  }
0x439: {  	v28 =	vmul.f32 v36, v6;
	v45 =	vld [tilespmem:s13+$0xFFFFFE90];
	v25 =	vperm.xlane v25, v1;
	v27 =	vpop (erf);
	[tilespmem:s1+$0xFFFFFE50] =	vst v39;
	v34 =	vnsel vm0, $0x0, v20  }
0x43a: {  	v20 =	vperm.xlane v27, v1;
	v36 =	vmul.f32 v26, v46;
	v27 =	vpop (erf);
	v39 =	vld [tilespmem:s8+$0xFFFFFE60];
	[tilespmem:s1+$0xFFFFFEA0] =	vst v49  }
0x43b: {  	v40 =	vmul.f32 v25, v40;
	v27 =	vperm.xlane v27, v1;
	v47 =	vld [tilespmem:s8+$0xFFFFFEB0];
	[tilespmem:s1+$0xFFFFFEF0] =	vst v41  }
0x43c: {  	v54 =	vmul.f32 v48, v22;
	v41 =	vmul.f32 v20, v44;
	[tilespmem:s28+$0xFFFFFED0] =	vst v36;
	v55 =	vld [tilespmem:s8+$0xFFFFFF00]  }
.Ltmp10:
0x43d: {  	v44 =	vld [tilespmem:s13+$0xFFFFFEE0];
	[tilespmem:s28+$0xFFFFFF20] =	vst v40;
	v36 =	vmul.f32 v27, v42;
	v40 =	vmul.f32 v53, v21;
	(pc) =	sbr.rel @p0 .LBB2_18-.Ltmp10, $4  }
0x43e: {  	v50 =	vmul.f32 v50, v23;
	[tilespmem:s28+$0xFFFFFD90] =	vst v41;
	v48 =	vmul.f32 v45, v24;
	v49 =	vld [tilespmem:s13+$0xFFFFFF30]  }
0x43f: {  	v42 =	vmul.f32 v52, v13;
	v45 =	vld [tilespmem:s13+$0xFFFFFDA0];
	[tilespmem:s28+$0xFFFFFFE0] =	vst v40;
	v40 =	vmul.f32 v39, v15  }
0x440: {  	[tilespmem:s28+$0xFFFFFF70] =	vst v36;
	v46 =	vld [tilespmem:s13+$0xFFFFFFF0];
	v41 =	vmul.f32 v47, v16;
	v36 =	vmul.f32 v43, v7  }
0x441: {  	v39 =	vmul.f32 v51, v18;
	v18 =	vmovc v19;
	v19 =	vmov v20;
	s13 =	sadd.s32 $0x280, s13;
	[tilespmem:s28+$0xFFFFFDF0] =	vst v54;
	v47 =	vld [tilespmem:s25+$0xFFFFFF80];
	v43 =	vmul.f32 v55, v17  }
0x442: {  	[tilespmem:s28+$0xFFFFFE40] =	vst v50  }
0x443: {  	[tilespmem:s28+$0xFFFFFE90] =	vst v48  }
0x444: {  	[tilespmem:s1+$0xFFFFFF40] =	vst v30  }
0x445: {  	[tilespmem:s1+$0xFFFFFF90] =	vst v29  }
0x446: {  	[tilespmem:s1+$0xFFFFFDC0] =	vst v31  }
0x447: {  	[tilespmem:s1+$0xFFFFFE10] =	vst v42  }
0x448: {  	[tilespmem:s1+$0xFFFFFE60] =	vst v40  }
0x449: {  	[tilespmem:s1+$0xFFFFFEB0] =	vst v41  }
0x44a: {  	[tilespmem:s7+$0xFFFFFF50] =	vst v28  }
0x44b: {  	[tilespmem:s7+$0xFFFFFFA0] =	vst v36  }
0x44c: {  	v20 =	vmul.f32 v44, v26;
	[tilespmem:s1+$0xFFFFFF00] =	vst v43  }
0x44d: {  	v8 =	vmul.f32 v32, v8;
	[tilespmem:s7+$0xFFFFFDD0] =	vst v39  }
0x44e: {  	v9 =	vmul.f32 v33, v9;
	[tilespmem:s28+$0xFFFFFEE0] =	vst v20  }
0x44f: {  	v10 =	vmul.f32 v35, v10;
	[tilespmem:s7+$0xFFFFFE20] =	vst v8  }
0x450: {  	v11 =	vmul.f32 v37, v11;
	[tilespmem:s7+$0xFFFFFE70] =	vst v9  }
0x451: {  	v5 =	vmul.f32 v38, v5;
	v35 =	vld [tilespmem:s25+$0xFFFFFE50];
	[tilespmem:s7+$0xFFFFFEC0] =	vst v10  }
0x452: {  	v4 =	vmul.f32 v34, v4;
	v36 =	vld [tilespmem:s25+$0xFFFFFEA0];
	[tilespmem:s7+$0xFFFFFF10] =	vst v11  }
0x453: {  	v39 =	vld [tilespmem:s8+$0xFFFFFF50];
	[tilespmem:s5+$0xFFFFFF60] =	vst v5;
	v62 =	vmul.f32 v46, v21  }
0x454: {  	v61 =	vmul.f32 v49, v25;
	v44 =	vld [tilespmem:s8+$0xFFFFFE70];
	[tilespmem:s5+$0xFFFFFFB0] =	vst v4  }
0x455: {  	v37 =	vld [tilespmem:s25+$0xFFFFFEF0];
	v63 =	vmul.f32 v47, v27;
	[tilespmem:s28+$0xFFFFFFF0] =	vst v62  }
0x456: {  	v45 =	vmul.f32 v45, v19;
	[tilespmem:s28+$0xFFFFFF30] =	vst v61;
	v20 =	vld [tilespmem:s25+$0x0]  }
0x457: {  	v43 =	vld [tilespmem:s8+$0xFFFFFDD0];
	[tilespmem:s28+$0xFFFFFF80] =	vst v63;
	v8 =	vmul.f32 v35, v23  }
0x458: {  	[tilespmem:s28+$0xFFFFFDA0] =	vst v45;
	v9 =	vmul.f32 v36, v24;
	v5 =	vld [tilespmem:s25+$0xFFFFFF90]  }
0x459: {  	v32 =	vld [tilespmem:s25+$0xFFFFFDB0];
	v28 =	vmul.f32 v39, v12;
	v48 =	vnsel vm0, $0x0, v44;
	[tilespmem:s28+$0xFFFFFE50] =	vst v8  }
0x45a: {  	v38 =	vld [tilespmem:s25+$0xFFFFFF40];
	v15 =	vmul.f32 v48, v15;
	[tilespmem:s28+$0xFFFFFEA0] =	vst v9  }
0x45b: {  	v33 =	vld [tilespmem:s25+$0xFFFFFE00];
	v10 =	vmul.f32 v37, v26;
	[tilespmem:s1+$0xFFFFFF50] =	vst v28;
	v20 =	vnsel vm0, $0x0, v20  }
0x45c: {  	v42 =	vld [tilespmem:s8+$0xFFFFFFA0];
	[tilespmem:s1+$0xFFFFFE70] =	vst v15;
	v20 =	vmul.f32 v20, v21  }
0x45d: {  	v8 =	vld [tilespmem:s25+$0xFFFFFE60];
	[tilespmem:s28+$0xFFFFFEF0] =	vst v10;
	v4 =	vmul.f32 v5, v27  }
0x45e: {  	v41 =	vld [tilespmem:s25+$0xFFFFFEB0];
	[tilespmem:s28+$0x0] =	vst v20;
	v20 =	vmul.f32 v32, v19  }
0x45f: {  	v9 =	vnsel vm0, $0x0, v43;
	v40 =	vmul.f32 v38, v25;
	v5 =	vld [tilespmem:s25+$0xFFFFFF00];
	[tilespmem:s28+$0xFFFFFF90] =	vst v4  }
0x460: {  	v9 =	vmul.f32 v9, v18;
	v4 =	vld [tilespmem:s8+$0xFFFFFE20];
	[tilespmem:s28+$0xFFFFFDB0] =	vst v20  }
0x461: {  	v10 =	vmul.f32 v42, v14;
	[tilespmem:s28+$0xFFFFFF40] =	vst v40;
	v20 =	vld [tilespmem:s25+$0xFFFFFDC0]  }
0x462: {  	v46 =	vld [tilespmem:s8+$0xFFFFFF10];
	[tilespmem:s1+$0xFFFFFDD0] =	vst v9;
	v21 =	vmul.f32 v33, v22  }
0x463: {  	v47 =	vld [tilespmem:s6+$0xFFFFFF60];
	[tilespmem:s1+$0xFFFFFFA0] =	vst v10;
	v8 =	vmul.f32 v8, v23  }
0x464: {  	v49 =	vld [tilespmem:s25+$0xFFFFFF50];
	[tilespmem:s28+$0xFFFFFE00] =	vst v21;
	v5 =	vmul.f32 v5, v26  }
0x465: {  	v11 =	vmul.f32 v41, v24;
	v21 =	vld [tilespmem:s25+$0xFFFFFE10];
	[tilespmem:s28+$0xFFFFFE60] =	vst v8  }
0x466: {  	[tilespmem:s28+$0xFFFFFF00] =	vst v5;
	v4 =	vnsel vm0, $0x0, v4;
	v5 =	vld [tilespmem:s6+$0xFFFFFFB0];
	v20 =	vmul.f32 v20, v19  }
0x467: {  	v58 =	vld [tilespmem:s8+$0xFFFFFFB0];
	[tilespmem:s28+$0xFFFFFEB0] =	vst v11;
	v8 =	vnsel vm0, $0x0, v46;
	v4 =	vmul.f32 v4, v13  }
0x468: {  	v51 =	vld [tilespmem:s25+$0xFFFFFFA0];
	v11 =	vnsel vm0, $0x0, v47;
	v8 =	vmul.f32 v8, v17;
	[tilespmem:s28+$0xFFFFFDC0] =	vst v20  }
0x469: {  	v6 =	vmul.f32 v11, v6;
	[tilespmem:s1+$0xFFFFFE20] =	vst v4;
	v4 =	vld [tilespmem:s25+$0xFFFFFDD0]  }
0x46a: {  	v45 =	vld [tilespmem:s8+$0xFFFFFEC0];
	v56 =	vmul.f32 v49, v25;
	[tilespmem:s1+$0xFFFFFF10] =	vst v8  }
0x46b: {  	v53 =	vld [tilespmem:s25+$0xFFFFFE70];
	[tilespmem:s7+$0xFFFFFF60] =	vst v6;
	v21 =	vmul.f32 v21, v22;
	v5 =	vnsel vm0, $0x0, v5  }
0x46c: {  	v54 =	vld [tilespmem:s25+$0xFFFFFEC0];
	v61 =	vnsel vm0, $0x0, v58;
	[tilespmem:s28+$0xFFFFFF50] =	vst v56;
	v5 =	vmul.f32 v5, v7  }
0x46d: {  	v62 =	vmul.f32 v61, v14;
	v55 =	vld [tilespmem:s25+$0xFFFFFF10];
	[tilespmem:s28+$0xFFFFFE10] =	vst v21  }
0x46e: {  	v9 =	vmul.f32 v51, v27;
	[tilespmem:s7+$0xFFFFFFB0] =	vst v5;
	v5 =	vld [tilespmem:s8+$0xFFFFFF60];
	v4 =	vnsel vm0, $0x0, v4  }
0x46f: {  	v50 =	vnsel vm0, $0x0, v45;
	[tilespmem:s1+$0xFFFFFFB0] =	vst v62;
	v52 =	vld [tilespmem:s25+$0xFFFFFE20];
	v4 =	vmul.f32 v4, v19  }
0x470: {  	v13 =	vmul.f32 v50, v16;
	v60 =	vld [tilespmem:s25+$0xFFFFFF60];
	v59 =	vnsel vm0, $0x0, v53;
	[tilespmem:s28+$0xFFFFFFA0] =	vst v9  }
0x471: {  	v8 =	vmul.f32 v59, v23;
	v7 =	vnsel vm0, $0x0, v54;
	[tilespmem:s28+$0xFFFFFDD0] =	vst v4;
	v4 =	vld [tilespmem:s25+$0xFFFFFFB0]  }
0x472: {  	[tilespmem:s1+$0xFFFFFEC0] =	vst v13;
	v6 =	vnsel vm0, $0x0, v55;
	v7 =	vmul.f32 v7, v24  }
0x473: {  	[tilespmem:s28+$0xFFFFFE70] =	vst v8;
	v6 =	vmul.f32 v6, v26;
	v5 =	vnsel vm0, $0x0, v5  }
0x474: {  	v57 =	vnsel vm0, $0x0, v52;
	[tilespmem:s28+$0xFFFFFEC0] =	vst v7;
	v5 =	vmul.f32 v5, v12  }
0x475: {  	v63 =	vnsel vm0, $0x0, v60;
	[tilespmem:s28+$0xFFFFFF10] =	vst v6;
	v10 =	vmul.f32 v57, v22  }
0x476: {  	[tilespmem:s1+$0xFFFFFF60] =	vst v5;
	v5 =	vmul.f32 v63, v25;
	v4 =	vnsel vm0, $0x0, v4  }
0x477: {  	[tilespmem:s28+$0xFFFFFE20] =	vst v10;
	v4 =	vmul.f32 v4, v27  }
0x478: {  	[tilespmem:s28+$0xFFFFFF60] =	vst v5  }
0x479: {  	p0 =	sgt.u32 s2, $0x27;
	[tilespmem:s28+$0xFFFFFFB0] =	vst v4;
	s28 =	sadd.s32 $0x27B0, s3  }
0x47a: {  	[spmem:s11] =	stream.indirect.scatter.add.f32 [tilespmem:s10], [sflag:$0xA], $0x50, s28, s9, $0xb8;
	[tilespmem:$0x1CF30] =	vst v63  }
0x47b: {  	s5 =	simm.s32 @!p0 $0x8020;
	s1 =	sadd.s32 @!p0 $0x190, s4;
	s3 =	simm.s32 @!p0 $0x50  }
0x47c: {  	[tilespmem:s5], [sflag:$0x4] =	stream.indirect.gather @!p0 [hbm4b:s15+s3], $0x50, s1, s3, $0xb8;
	[tilespmem:$0x1CF30] =	vst v63  }
0x47d: {  	s2 =	sadd.s32 $0x1, s2;
	s1 =	sadd.s32 @!p0 $0x28A0, s4;
	s4 =	simm.s32 @!p0 $0xA320  }
0x47e: {  	[tilespmem:s4], [sflag:$0x7] =	stream.indirect.gather @!p0 [hbm4b:s16+s3], $0x10, s1, s3, $0xb8;
	[tilespmem:$0x1CF30] =	vst v63  }
0x47f: {  	p0 =	sne.s32 s2, $0x2A  }
.Ltmp11:
0x480: {  	_ = 	snop;
	(pc) =	sbr.rel @p0 .LBB2_12-.Ltmp11, $4  }
.Ltmp12:
0x481: {  	_ = 	snop;
	(pc) =	sbr.rel @!p0 .LBB2_20-.Ltmp12, $4  }
0x482: {  	_ = 	snop  }
0x483: {  	_ = 	snop  }
0x484: {  	_ = 	snop  }
0x485: {  	_ = 	snop  }
.LBB2_21:
0x486: {  	_ =	sfence.sel $0x180000  }
0x487: {  	[bflag:$0x0] =	sbarrier.arrive $0xFFFF  }
0x488: {  	_ =	strace $0x9000004A  }
0x489: {  	s0 =	stileid.u32;
	[bflag:$0x2] =	sbarrier.arrive $0xFFFF  }
0x48a: {  	p0 =	sne.s32 s0, $0x0;
	s0 =	rddreg [dreg:$0x3]  }
0x48b: {  	s0 =	sadd.s32 @!p0 $0x100000, s0  }
0x48c: {  	[sflag:s0] =	ssyncadd.tile.s32 @!p0 $0x1;
	_ =	shalt  }
.Lfunc_end2:
_tile_overlayer_lowered:
.L_overlay_start_2:
0x48d: {  	(tag) =	ssettag $0x2  }
0x48e: {  	s0 =	rddreg [dreg:$0x0];
	s2 =	stileid.u32  }
0x48f: {  	s1 =	rddreg [dreg:$0x1];
	p0 =	sne.s32 s2, $0x0  }
0x490: {  	s3 =	rddreg [dreg:$0x2];
	[bflag:$0x3] =	sbarrier.arrive $0xFFFF;
	s2 =	simm.s32 @!p0 $0x1C0C  }
0x491: {  	[timem:s3], [sflag:s2] =	dma.local @!p0 [hbm:s0], s1  }
0x492: {  	s0 =	simm.s32 @!p0 $0xC  }
0x493: {  	_ =	swait.ge @!p0 [sflag:s0], s1  }
0x494: {  	s1 =	ssub.s32 @!p0 $0x0, s1;
	[sflag:s0] =	ssyncset.done @!p0 $0x0  }
0x495: {  	[sflag:s0] =	ssyncadd.s32 @!p0 s1  }
0x496: {  	[bflag:$0x3] =	sbarrier.arrive $0xFFFF  }
0x497: {  	_ =	shalt  }

// kernel: kernel.7.cloned.1.call-start
scs
__scs_entry_jumppad:
0x0: {  	(pc) =	sbr.rel $0x88, $3  }
0x1: {  	(tag) =	ssettag $0x0;
	lr =	simm.s32 $0x1  }
0x2: {  	[smem:$0x3F97] =	sst lr;
	_ =	strace $0xD0000000  }
0x3: {  	_ = 	snop  }
0x4: {  	_ = 	snop  }
0x5: {  	_ = 	snop  }
0x6: {  	_ = 	snop  }
0x7: {  	_ = 	snop  }
__scs_overlays_trampoline_lowered:
0x8: {  	[smem:$0x3FA6] =	sst s0  }
0x9: {  	[smem:$0x3FA7] =	sst s1  }
0xa: {  	[smem:$0x3FA8] =	sst s2  }
0xb: {  	[smem:$0x3FA9] =	sst s3  }
0xc: {  	[smem:$0x3FAA] =	sst s4  }
0xd: {  	[smem:$0x3FAB] =	sst s5  }
0xe: {  	[smem:$0x3FAC] =	sst s6  }
0xf: {  	[smem:$0x3FAD] =	sst s7  }
0x10: {  	[smem:$0x3FAE] =	sst s8  }
0x11: {  	[smem:$0x3FAF] =	sst s9;
	s0 =	simm.s32 @!p0 $0x0  }
0x12: {  	s1 =	sld [smem:$0x3F95];
	s0 =	simm.s32 @p0 $0x1  }
0x13: {  	[smem:$0x3FB0] =	sst s0;
	s0 =	simm.s32 @!p1 $0x0  }
0x14: {  	s2 =	sld [smem:$0x3F94];
	s0 =	simm.s32 @p1 $0x1  }
0x15: {  	[smem:$0x3FB1] =	sst s0;
	s0 =	simm.s32 @!p2 $0x0  }
0x16: {  	s3 =	sld [smem:$0x3FDB];
	s0 =	simm.s32 @p2 $0x1  }
0x17: {  	s4 =	simm.s32 $0x1BF5;
	[smem:$0x3FB3] =	sst s0  }
0x18: {  	s0 =	sld [smem:$0x3F96];
	_ =	swait.ge [sflag:s4], $0x0  }
0x19: {  	s7 =	sld [smem:$0x3F97]  }
0x1a: {  	s8 =	sadd.s32 $0xFFFFE003, lr  }
0x1b: {  	s9 =	sadd.s32 $0xFFFFFEF7, lr;
	s5 =	simm.s32 $0xFFFFFFFF;
	p2 =	slt.u32 s8, $0xFFFFF086  }
0x1c: {  	p1 =	slt.u32 s9, $0xF7A;
	s5 =	simm.s32 @!p2 $0x0  }
0x1d: {  	s5 =	simm.s32 @p1 $0x1;
	p0 =	seq.s32 s7, s2  }
0x1e: {  	s7 =	smul.u32 @!p0 $0xF7A, s2;
	p2 =	seq.s32 @!p0 s5, $0x0  }
0x1f: {  	s9 =	smul.u32 $0xF7A, s1;
	s8 =	simm.s32 @!p0 $0x1BF5;
	p2 =	por !p2, p0  }
0x20: {  	[sflag:s8] =	ssyncset.s32 @!p0 $0xFFFFF086;
	s6 =	sadd.s32 @!p0 s3, s7;
	s7 =	simm.s32 @!p0 $0x108  }
0x21: {  	s3 =	sadd.s32 s3, s9;
	s6 =	sadd.s32 @!p0 $0x88, s6;
	s7 =	simm.s32 @p2 $0x1082  }
0x22: {  	[simem:s7], [sflag:s8] =	dma.local @!p0 [hbm:s6], $0xF7A  }
0x23: {  	s9 =	sor.u32 $0xD0000000, s2;
	s6 =	simm.s32 $0x108;
	_ =	swait.ge @!p0 [sflag:s8], $0x0  }
0x24: {  	s3 =	sadd.s32 $0x88, s3;
	s6 =	simm.s32 @!p1 $0x1082;
	[sflag:s4] =	ssyncset.s32 $0xFFFFF086  }
0x25: {  	[simem:s6], [sflag:s4] =	dma.local [hbm:s3], $0xF7A  }
0x26: {  	[smem:$0x3F97] =	sst s1;
	(tag) =	ssettag s2;
	_ =	strace s9  }
0x27: {  	s1 =	sld [smem:$0x3FA7]  }
0x28: {  	s2 =	sld [smem:$0x3FA8]  }
0x29: {  	s4 =	sld [smem:$0x3FAA]  }
0x2a: {  	p0 =	seq.s32 s5, $0x0;
	s5 =	sld [smem:$0x3FAB]  }
0x2b: {  	s6 =	sld [smem:$0x3FAC]  }
0x2c: {  	s7 =	sld [smem:$0x3FAD]  }
0x2d: {  	s3 =	simm.s32 $0x108;
	s8 =	sld [smem:$0x3FAE]  }
0x2e: {  	s3 =	simm.s32 @!p0 $0x1082;
	s9 =	sld [smem:$0x3FAF]  }
0x2f: {  	lr =	sadd.s32 s0, s3;
	s0 =	sld [smem:$0x3FA6]  }
0x30: {  	s3 =	sld [smem:$0x3FA9]  }
0x31: {  	[smem:$0x3FB2] =	sst s10  }
0x32: {  	s10 =	sld [smem:$0x3FB0];
	_ =	sdelay $0x3  }
0x33: {  	p0 =	seq.s32 s10, $0x1;
	s10 =	sld [smem:$0x3FB2];
	_ =	sdelay $0x3  }
0x34: {  	[smem:$0x3FB2] =	sst s10  }
0x35: {  	s10 =	sld [smem:$0x3FB1];
	_ =	sdelay $0x3  }
0x36: {  	p1 =	seq.s32 s10, $0x1;
	s10 =	sld [smem:$0x3FB2];
	_ =	sdelay $0x3  }
0x37: {  	[smem:$0x3FB2] =	sst s10  }
0x38: {  	s10 =	sld [smem:$0x3FB3]  }
0x39: {  	_ = 	snop;
	(pc) =	sbr.ind lr, $3  }
0x3a: {  	_ = 	snop  }
0x3b: {  	_ = 	snop  }
0x3c: {  	p2 =	seq.s32 s10, $0x1;
	s10 =	sld [smem:$0x3FB2]  }
0x3d: {  	_ =	shalt  }
0x3e: {  	_ =	shalt  }
0x3f: {  	_ =	shalt  }
0x40: {  	_ =	shalt  }
0x41: {  	_ =	shalt  }
0x42: {  	_ =	shalt  }
0x43: {  	_ =	shalt  }
0x44: {  	_ =	shalt  }
0x45: {  	_ =	shalt  }
0x46: {  	_ =	shalt  }
0x47: {  	_ =	shalt  }
0x48: {  	_ =	shalt  }
0x49: {  	_ =	shalt  }
0x4a: {  	_ =	shalt  }
0x4b: {  	_ =	shalt  }
0x4c: {  	_ =	shalt  }
0x4d: {  	_ =	shalt  }
0x4e: {  	_ =	shalt  }
0x4f: {  	_ =	shalt  }
0x50: {  	_ =	shalt  }
0x51: {  	_ =	shalt  }
0x52: {  	_ =	shalt  }
0x53: {  	_ =	shalt  }
0x54: {  	_ =	shalt  }
0x55: {  	_ =	shalt  }
0x56: {  	_ =	shalt  }
0x57: {  	_ =	shalt  }
0x58: {  	_ =	shalt  }
0x59: {  	_ =	shalt  }
0x5a: {  	_ =	shalt  }
0x5b: {  	_ =	shalt  }
0x5c: {  	_ =	shalt  }
0x5d: {  	_ =	shalt  }
0x5e: {  	_ =	shalt  }
0x5f: {  	_ =	shalt  }
0x60: {  	_ =	shalt  }
0x61: {  	_ =	shalt  }
0x62: {  	_ =	shalt  }
0x63: {  	_ =	shalt  }
0x64: {  	_ =	shalt  }
0x65: {  	_ =	shalt  }
0x66: {  	_ =	shalt  }
0x67: {  	_ =	shalt  }
0x68: {  	_ =	shalt  }
0x69: {  	_ =	shalt  }
0x6a: {  	_ =	shalt  }
0x6b: {  	_ =	shalt  }
0x6c: {  	_ =	shalt  }
0x6d: {  	_ =	shalt  }
0x6e: {  	_ =	shalt  }
0x6f: {  	_ =	shalt  }
0x70: {  	_ =	shalt  }
0x71: {  	_ =	shalt  }
0x72: {  	_ =	shalt  }
0x73: {  	_ =	shalt  }
0x74: {  	_ =	shalt  }
0x75: {  	_ =	shalt  }
0x76: {  	_ =	shalt  }
0x77: {  	_ =	shalt  }
0x78: {  	_ =	shalt  }
0x79: {  	_ =	shalt  }
0x7a: {  	_ =	shalt  }
0x7b: {  	_ =	shalt  }
0x7c: {  	_ =	shalt  }
0x7d: {  	_ =	shalt  }
0x7e: {  	_ =	shalt  }
0x7f: {  	_ =	shalt  }
0x80: {  	_ =	shalt  }
0x81: {  	_ =	shalt  }
0x82: {  	_ =	shalt  }
0x83: {  	_ =	shalt  }
0x84: {  	_ =	shalt  }
0x85: {  	_ =	shalt  }
0x86: {  	_ =	shalt  }
0x87: {  	_ =	shalt  }
.Lfunc_end0:
.L_simem_size_0:
called_computation_lowered:
.L_overlay_start_0:
0x88: {  	s2 =	sld [smem:$0x3FD9]  }
0x89: {  	s3 =	sld [smem:$0x3FFE];
	_ =	sdelay $0x1  }
0x8a: {  	s1 =	srdreg.scid  }
0x8b: {  	s0 =	sand.u32 $0x1, s1  }
0x8c: {  	s17 =	sshll.u32 s0, $0xA;
	s2 =	sadd.s32 s3, s2  }
0x8d: {  	s2 =	sadd.s32 s2, s17  }
0x8e: {  	[smem:$0x3FBE] =	sst s2  }
0x8f: {  	_ = 	snop  }
0x90: {  	s2 =	sld [smem:$0x3FD0];
	(tm) =	ssettm $0x1  }
0x91: {  	s18 =	sld [smem:$0x3FFB];
	_ =	sdelay $0x3  }
0x92: {  	_ =	strace s18  }
0x93: {  	s3 =	sld [smem:$0x3FFC];
	_ =	sdelay $0x3  }
0x94: {  	_ =	strace s3  }
0x95: {  	s3 =	sld [smem:$0x3FFD];
	_ =	sdelay $0x3  }
0x96: {  	_ =	strace s3  }
0x97: {  	_ =	strace $0x8FFFFFFF  }
0x98: {  	s19 =	sld [smem:$0x3FDB];
	_ =	sdelay $0x1  }
0x99: {  	s4 =	simm.s32 $_scs_section_size  }
0x9a: {  	s5 =	simm.s32 $_size__tile_overlayer_lowered;
	s6 =	simm.s32 $_tile_overlayer_lowered  }
0x9b: {  	s22 =	simm.s32 $0x1BFF;
	s21 =	sshll.u32 s6, $0x1;
	s3 =	sadd.s32 s4, s19  }
0x9c: {  	s7 =	simm.s32 $0x0;
	s20 =	sshll.u32 s5, $0x1;
	s5 =	sadd.s32 s21, s3  }
0x9d: {  	[timem:s7], [sflag:s22] =	dma.local [hbm:s5], s20  }
0x9e: {  	_ =	swait.ge [sflag:s22], s20  }
0x9f: {  	s4 =	ssub.s32 $0x0, s20;
	[sflag:s22] =	ssyncset.done $0x0  }
0xa0: {  	[sflag:s22] =	ssyncadd.s32 s4;
	_ =	sdelay $0x1  }
0xa1: {  	s23 =	simm.s32 $0x1B8B  }
0xa2: {  	_ =	swait.ge [sflag:s23], $0x1  }
0xa3: {  	[sflag:s23] =	ssyncset.done $0x0  }
0xa4: {  	s25 =	simm.s32 $0x1B8E;
	s24 =	sld [smem:$0x3FFE];
	[sflag:s23] =	ssyncadd.s32 $0xFFFFFFFF  }
0xa5: {  	s26 =	simm.s32 $execute0_lowered;
	[smem:$0x3FD2] =	sst s25  }
0xa6: {  	s5 =	sshll.u32 s26, $0x1;
	_ =	strace $0x80000046;
	[dreg:$0x1] =	wrdreg $0xFFFFFFFF  }
0xa7: {  	s28 =	simm.s32 $_size_execute0_lowered;
	s3 =	sadd.s32 s3, s5;
	[dreg:$0x0] =	wrdreg $0x0  }
0xa8: {  	s5 =	sshll.u32 s28, $0x1;
	[dreg:$0x2] =	wrdreg s3  }
0xa9: {  	[dreg:$0x3] =	wrdreg s5  }
0xaa: {  	[dreg:$0x4] =	wrdreg $0xC0  }
0xab: {  	_ =	task [dreg:s7], $0x5FFFF  }
0xac: {  	[dreg:$0x1] =	wrdreg $0xFFFFFFFF  }
0xad: {  	[dreg:$0x0] =	wrdreg $0x60  }
0xae: {  	[dreg:$0x2] =	wrdreg s24  }
0xaf: {  	[dreg:$0x3] =	wrdreg s2  }
0xb0: {  	[dreg:$0x4] =	wrdreg $0x107300  }
0xb1: {  	[dreg:$0x5] =	wrdreg $0x9  }
0xb2: {  	_ =	task.clear_ibuf [dreg:s7], $0x6FFFF;
	_ =	strace $0x90000046  }
0xb3: {  	s29 =	simm.s32 $0x9;
	_ =	strace $0x80000048  }
0xb4: {  	_ =	swait.ge [sflag:s29], $0x1  }
0xb5: {  	[sflag:s29] =	ssyncadd.s32 $0xFFFFFFFF  }
0xb6: {  	_ =	strace $0x90000048  }
0xb7: {  	_ =	sfence  }
0xb8: {  	s30 =	sld [smem:$0x0];
	_ =	sdelay $0x2  }
0xb9: {  	s31 =	sshll.u32 s1, $0xD;
	s1 =	sshrl.u32 s1, $0x2  }
0xba: {  	s3 =	sand.u32 $0x4000, s31;
	s1 =	sadd.s32 s1, s30  }
0xbb: {  	s0 =	sor.u32 s3, s0;
	s1 =	sshll.u32 s1, $0x11  }
0xbc: {  	s0 =	sor.u32 s1, s0  }
0xbd: {  	s0 =	sadd.s32 $0x8F2B, s0  }
0xbe: {  	[sflag:s0] =	ssyncadd.remote.s32 $0x1  }
0xbf: {  	_ =	sfence.sel $0xFFFF  }
0xc0: {  	[dreg:$0x0] =	wrdreg $0xFFFFFFFF;
	(pc) =	sbr.abs _section_cstart, $3  }
0xc1: {  	[dreg:$0x1] =	wrdreg $0xFFFFFFFF  }
0xc2: {  	_ =	task.clear_ibuf [dreg:s7], $0x2FFFF;
	_ =	strace $0x9FFFFFFF  }
0xc3: {  	(tm) =	ssettm $0x7FFFFFFF  }
tec
execute0_lowered:
.L_overlay_start_1:
0x0: {  	(tag) =	ssettag $0x1  }
0x1: {  	s5 =	rddreg [dreg:$0x0];
	s0 =	srdreg.scid  }
0x2: {  	s20 =	stileid.u32;
	s3 =	simm.s32 $0x0;
	s25 =	rddreg [dreg:$0x1]  }
0x3: {  	s29 =	simm.s32 $0xB;
	s30 =	simm.s32 $0x4;
	s31 =	simm.s32 $0x7  }
0x4: {  	s1 =	sand.u32 $0x1, s0;
	s2 =	smul.u32 $0x280, s20;
	[smem:$0x7FF] =	sst s3  }
0x5: {  	s8 =	sshll.u32 s20, $0x1;
	s0 =	smul.u32 $0xC800, s20;
	s13 =	sadd.s32 $0x29C00, s5  }
0x6: {  	s9 =	smul.u32 $0xC8000, s1;
	s4 =	ssub.s32 $0x2, s1;
	s3 =	sor.u32 s1, s8  }
0x7: {  	s10 =	sor.u32 $0x40, s2;
	s6 =	sshrl.u32 s4, $0x1;
	s12 =	smul.u32 $0x4E2, s3  }
0x8: {  	s17 =	sadd.s32 $0x80, s2;
	s1 =	smul.u32 $0x50, s10;
	s11 =	sadd.s32 s9, s0  }
0x9: {  	s14 =	ssub.s32 s4, s6;
	s2 =	smul.u32 $0x50, s17;
	s16 =	sshrl.u32 s11, $0x3  }
0xa: {  	s28 =	sadd.s32 s25, s12;
	s15 =	sadd.s32 s9, s1;
	s4 =	sadd.s32 s13, s16  }
0xb: {  	s18 =	sadd.s32 s9, s2;
	s3 =	sshrl.u32 s15, $0x3;
	[dreg:$0x4] =	wrdreg s4  }
0xc: {  	s4 =	sadd.s32 $0x5000, s0;
	s6 =	sshrl.u32 s18, $0x3;
	s18 =	sadd.s32 $0xA000, s0  }
0xd: {  	s3 =	sadd.s32 s13, s3;
	s8 =	sadd.s32 s9, s4;
	s6 =	sadd.s32 s13, s6  }
0xe: {  	s24 =	sadd.s32 s9, s18;
	[dreg:$0x5] =	wrdreg s3;
	s3 =	sadd.s32 $0x3C00, s0  }
0xf: {  	[dreg:$0x6] =	wrdreg s6;
	s21 =	sshrl.u32 s8, $0x3;
	s8 =	sadd.s32 $0x8C00, s0  }
0x10: {  	s26 =	sshrl.u32 s24, $0x3;
	s7 =	sadd.s32 s9, s3;
	s6 =	sadd.s32 s13, s21  }
0x11: {  	s16 =	sadd.s32 s9, s8;
	s21 =	smul.u32 $0x140, s10;
	s7 =	sshrl.u32 s7, $0x3  }
0x12: {  	[dreg:$0x8] =	wrdreg s6;
	s6 =	sadd.s32 $0x6400, s0;
	s23 =	sshrl.u32 s16, $0x3  }
0x13: {  	s16 =	sadd.s32 s13, s26;
	s19 =	sadd.s32 s13, s7;
	s7 =	sadd.s32 $0x7800, s0  }
0x14: {  	s11 =	sadd.s32 s9, s6;
	[dreg:$0xc] =	wrdreg s16;
	s16 =	sadd.s32 $0xBC00, s5  }
0x15: {  	[dreg:$0x7] =	wrdreg s19;
	s15 =	sadd.s32 s9, s7;
	s11 =	sshrl.u32 s11, $0x3  }
0x16: {  	s19 =	sadd.s32 $0xB400, s0;
	s15 =	sshrl.u32 s15, $0x3;
	s11 =	sadd.s32 s13, s11  }
0x17: {  	s9 =	sadd.s32 s9, s19;
	[dreg:$0x9] =	wrdreg s11;
	s22 =	sadd.s32 s13, s15  }
0x18: {  	s11 =	sadd.s32 s13, s23;
	s9 =	sshrl.u32 s9, $0x3;
	[dreg:$0xa] =	wrdreg s22  }
0x19: {  	s15 =	sadd.s32 $0x10C00, s5;
	s23 =	smul.u32 $0x140, s17;
	[dreg:$0xb] =	wrdreg s11  }
0x1a: {  	s11 =	rddreg [dreg:$0x2];
	s9 =	sadd.s32 s13, s9;
	s13 =	sadd.s32 s12, s5  }
0x1b: {  	s12 =	smul.u32 $0x32000, s20;
	s5 =	sadd.s32 $0xBA00, s5;
	s22 =	smax.u32 s14, $0x1  }
0x1c: {  	[dreg:$0xd] =	wrdreg s9;
	s20 =	sadd.s32 $0x1C00, s13;
	s26 =	sshrl.u32 s23, $0x2  }
0x1d: {  	s0 =	sadd.s32 s0, s11;
	_ =	strace $0x80000047;
	[dreg:$0xe] =	wrdreg s28  }
0x1e: {  	s1 =	sadd.s32 s1, s11;
	s2 =	sadd.s32 s2, s11;
	[dreg:$0xf] =	wrdreg s5  }
0x1f: {  	s3 =	sadd.s32 s3, s11;
	s4 =	sadd.s32 s4, s11;
	[dreg:$0x10] =	wrdreg s20  }
0x20: {  	s9 =	simm.s32 $0xA820;
	[dreg:$0x11] =	wrdreg s22;
	s24 =	sshrl.u32 s12, $0x2  }
0x21: {  	s5 =	sshrl.u32 s21, $0x2;
	s25 =	sadd.s32 $0xF000, s12;
	s13 =	sadd.s32 $0x14000, s12  }
0x22: {  	s14 =	sadd.s32 $0x19000, s12;
	s17 =	sadd.s32 $0x1E000, s12;
	s23 =	sadd.s32 $0x23000, s12  }
0x23: {  	s0 =	sshrl.u32 s0, $0x3;
	s10 =	sadd.s32 s24, s11;
	s5 =	sadd.s32 s5, s11  }
0x24: {  	s28 =	sshrl.u32 s25, $0x2;
	s20 =	sshrl.u32 s14, $0x2;
	s21 =	sshrl.u32 s17, $0x2  }
0x25: {  	s24 =	sadd.s32 $0x28000, s12;
	s25 =	sadd.s32 $0x2D000, s12;
	s12 =	sadd.s32 s6, s11  }
0x26: {  	s14 =	sadd.s32 s8, s11;
	s17 =	sadd.s32 s18, s11;
	[dreg:$0x1c] =	wrdreg s0  }
0x27: {  	s18 =	sadd.s32 s19, s11;
	s19 =	sshrl.u32 s1, $0x3;
	[dreg:$0x12] =	wrdreg s10  }
0x28: {  	s0 =	simm.s32 $0x0;
	[dreg:$0x13] =	wrdreg s5;
	s5 =	sadd.s32 s26, s11  }
0x29: {  	s10 =	sadd.s32 s28, s11;
	s22 =	sadd.s32 s21, s11;
	[dreg:$0x1d] =	wrdreg s19  }
0x2a: {  	s26 =	sshrl.u32 s24, $0x2;
	s28 =	sshrl.u32 s25, $0x2;
	[dreg:$0x14] =	wrdreg s5  }
0x2b: {  	s21 =	sshrl.u32 s3, $0x3;
	s25 =	sshrl.u32 s14, $0x3;
	[dreg:$0x15] =	wrdreg s10  }
0x2c: {  	s3 =	simm.s32 $0x2710;
	s14 =	simm.s32 $0x1;
	[dreg:$0x18] =	wrdreg s22  }
0x2d: {  	s19 =	simm.s32 $0x9E20;
	s5 =	sshrl.u32 s13, $0x2;
	[dreg:$0x1f] =	wrdreg s21  }
0x2e: {  	s10 =	sadd.s32 s28, s11;
	s13 =	sadd.s32 s7, s11;
	[smem:$0x7FB] =	sst s25  }
0x2f: {  	s22 =	sshrl.u32 s4, $0x3;
	s28 =	sshrl.u32 s18, $0x3;
	[dreg:$0x1b] =	wrdreg s10  }
0x30: {  	s18 =	simm.s32 $0x6720;
	s21 =	simm.s32 $0x5;
	[smem:$0x7F8] =	sst s22  }
0x31: {  	s5 =	sadd.s32 s5, s11;
	s24 =	sshrl.u32 s13, $0x3;
	[smem:$0x7FD] =	sst s28  }
0x32: {  	s13 =	simm.s32 $0xF330;
	s22 =	simm.s32 $0x3;
	[dreg:$0x16] =	wrdreg s5  }
0x33: {  	s10 =	simm.s32 $0xDA20;
	s5 =	sadd.s32 s20, s11;
	[smem:$0x7FA] =	sst s24  }
0x34: {  	v0 =	vimm.s32 $0x76543210;
	s20 =	sshrl.u32 s2, $0x3;
	[dreg:$0x17] =	wrdreg s5;
	s5 =	sshrl.u32 s23, $0x2  }
.Ltmp0:
0x35: {  	v2 =	vlaneseq.u32;
	v0 =	vunpack.c.l.s4.s8 v0;
	[dreg:$0x1e] =	wrdreg s20;
	s23 =	sshrl.u32 s12, $0x3;
	(pc) =	sbr.rel .LBB2_1-.Ltmp0, $4  }
0x36: {  	v5 =	vshrl.u32 v2, $0x3;
	s24 =	simm.s32 $0xC120;
	s5 =	sadd.s32 s5, s11;
	[smem:$0x7F9] =	sst s23  }
0x37: {  	vm0 =	vcmask $0x2300;
	v2 =	vadd.s32 $0x1, v5;
	v1 =	vunpack.c.0.s8.s32 v0;
	s12 =	simm.s32 $0xC;
	[dreg:$0x19] =	wrdreg s5;
	s5 =	sadd.s32 s26, s11  }
0x38: {  	v3 =	vadd.s32 $0x3, v5;
	v4 =	vadd.s32 $0x5, v5;
	v5 =	vadd.s32 $0x7, v5;
	s20 =	simm.s32 $0x2;
	s26 =	sshrl.u32 s17, $0x3;
	[dreg:$0x1a] =	wrdreg s5  }
0x39: {  	v0 =	vimm.f32 $0.0e+00;
	v1 =	vnsel vm0, $0x0, v1;
	vm0 =	vmmov $0xff;
	s23 =	simm.s32 $0x6;
	s17 =	simm.s32 $0x50;
	[smem:$0x7FC] =	sst s26  }
.LBB2_20:
0x3a: {  	s1 =	simm.s32 $0x8  }
0x3b: {  	_ =	swait.ge [sflag:s1], $0x1900  }
0x3c: {  	[sflag:s1] =	ssyncset.done $0x0  }
0x3d: {  	s8 =	simm.s32 $0x9;
	[sflag:s1] =	ssyncadd.s32 $0xFFFFE700  }
0x3e: {  	_ =	swait.ge [sflag:s8], $0x1900  }
0x3f: {  	[sflag:s8] =	ssyncset.done $0x0  }
0x40: {  	s25 =	simm.s32 $0xA;
	[sflag:s8] =	ssyncadd.s32 $0xFFFFE700  }
0x41: {  	_ =	swait.ge [sflag:s25], $0x1900  }
0x42: {  	[sflag:s25] =	ssyncset.done $0x0  }
0x43: {  	[sflag:s25] =	ssyncadd.s32 $0xFFFFE700  }
0x44: {  	s26 =	stileid.u32;
	[bflag:$0x0] =	sbarrier.arrive $0xFFFF  }
0x45: {  	s1 =	sshll.u32 s26, $0x6;
	s2 =	rddreg [dreg:$0x4]  }
0x46: {  	s1 =	sor.u32 $0x1C0B, s1;
	s3 =	rddreg [dreg:$0x1c]  }
0x47: {  	[hbm:s2], [sflag:s1] =	dma.local [spmem:s3], $0x280  }
0x48: {  	s2 =	rddreg [dreg:$0x5]  }
0x49: {  	s3 =	rddreg [dreg:$0x1d]  }
0x4a: {  	[hbm:s2], [sflag:s1] =	dma.local [spmem:s3], $0x280  }
0x4b: {  	s2 =	rddreg [dreg:$0x6]  }
0x4c: {  	s3 =	rddreg [dreg:$0x1e]  }
0x4d: {  	[hbm:s2], [sflag:s1] =	dma.local [spmem:s3], $0x280  }
0x4e: {  	s2 =	rddreg [dreg:$0x7]  }
0x4f: {  	s3 =	rddreg [dreg:$0x1f]  }
0x50: {  	[hbm:s2], [sflag:s1] =	dma.local [spmem:s3], $0x280  }
0x51: {  	s3 =	sld [smem:$0x7F8];
	_ =	sdelay $0x1  }
0x52: {  	s2 =	rddreg [dreg:$0x8]  }
0x53: {  	[hbm:s2], [sflag:s1] =	dma.local [spmem:s3], $0x280  }
0x54: {  	s3 =	sld [smem:$0x7F9];
	_ =	sdelay $0x1  }
0x55: {  	s2 =	rddreg [dreg:$0x9]  }
0x56: {  	[hbm:s2], [sflag:s1] =	dma.local [spmem:s3], $0x280  }
0x57: {  	s3 =	sld [smem:$0x7FA];
	_ =	sdelay $0x1  }
0x58: {  	s2 =	rddreg [dreg:$0xa]  }
0x59: {  	[hbm:s2], [sflag:s1] =	dma.local [spmem:s3], $0x280  }
0x5a: {  	s3 =	sld [smem:$0x7FB];
	_ =	sdelay $0x1  }
0x5b: {  	s2 =	rddreg [dreg:$0xb]  }
0x5c: {  	[hbm:s2], [sflag:s1] =	dma.local [spmem:s3], $0x280  }
0x5d: {  	s3 =	sld [smem:$0x7FC];
	_ =	sdelay $0x1  }
0x5e: {  	s2 =	rddreg [dreg:$0xc]  }
0x5f: {  	[hbm:s2], [sflag:s1] =	dma.local [spmem:s3], $0x280  }
0x60: {  	s3 =	sld [smem:$0x7FD];
	_ =	sdelay $0x1  }
0x61: {  	s2 =	rddreg [dreg:$0xd]  }
0x62: {  	[hbm:s2], [sflag:s1] =	dma.local [spmem:s3], $0x280  }
0x63: {  	_ =	swait.ge [sflag:s29], $0x280  }
0x64: {  	[sflag:s29] =	ssyncset.done $0x0  }
0x65: {  	[sflag:s29] =	ssyncadd.s32 $0xFFFFFD80  }
0x66: {  	_ =	swait.ge [sflag:s29], $0x280  }
0x67: {  	[sflag:s29] =	ssyncset.done $0x0  }
0x68: {  	[sflag:s29] =	ssyncadd.s32 $0xFFFFFD80  }
0x69: {  	_ =	swait.ge [sflag:s29], $0x280  }
0x6a: {  	[sflag:s29] =	ssyncset.done $0x0  }
0x6b: {  	[sflag:s29] =	ssyncadd.s32 $0xFFFFFD80  }
0x6c: {  	_ =	swait.ge [sflag:s29], $0x280  }
0x6d: {  	[sflag:s29] =	ssyncset.done $0x0  }
0x6e: {  	[sflag:s29] =	ssyncadd.s32 $0xFFFFFD80  }
0x6f: {  	_ =	swait.ge [sflag:s29], $0x280  }
0x70: {  	[sflag:s29] =	ssyncset.done $0x0  }
0x71: {  	[sflag:s29] =	ssyncadd.s32 $0xFFFFFD80  }
0x72: {  	_ =	swait.ge [sflag:s29], $0x280  }
0x73: {  	[sflag:s29] =	ssyncset.done $0x0  }
0x74: {  	[sflag:s29] =	ssyncadd.s32 $0xFFFFFD80  }
0x75: {  	_ =	swait.ge [sflag:s29], $0x280  }
0x76: {  	[sflag:s29] =	ssyncset.done $0x0  }
0x77: {  	[sflag:s29] =	ssyncadd.s32 $0xFFFFFD80  }
0x78: {  	_ =	swait.ge [sflag:s29], $0x280  }
0x79: {  	[sflag:s29] =	ssyncset.done $0x0  }
0x7a: {  	[sflag:s29] =	ssyncadd.s32 $0xFFFFFD80  }
0x7b: {  	_ =	swait.ge [sflag:s29], $0x280  }
0x7c: {  	[sflag:s29] =	ssyncset.done $0x0  }
0x7d: {  	[sflag:s29] =	ssyncadd.s32 $0xFFFFFD80  }
0x7e: {  	_ =	swait.ge [sflag:s29], $0x280  }
0x7f: {  	s0 =	sadd.s32 $0x1, s0;
	s28 =	rddreg [dreg:$0x11]  }
0x80: {  	p0 =	sne.s32 s0, s28  }
.Ltmp1:
0x81: {  	_ = 	snop;
	(pc) =	sbr.rel @!p0 .LBB2_21-.Ltmp1, $3  }
0x82: {  	_ =	sdelay $0x1  }
0x83: {  	[sflag:s29] =	ssyncset.done $0x0  }
0x84: {  	s3 =	simm.s32 $0x2710;
	[sflag:s29] =	ssyncadd.s32 $0xFFFFFD80  }
.LBB2_1:
0x85: {  	s1 =	simm.s32 $0x0;
	s2 =	rddreg [dreg:$0x10]  }
0x86: {  	[tilespmem:s1], [sflag:$0x1] =	stream.linear.gather [hbm4b:s2+s1], $0x2710, $0x38;
	[tilespmem:$0x1CF30] =	vst v63  }
0x87: {  	s26 =	rddreg [dreg:$0xe]  }
0x88: {  	[tilespmem:s3], [sflag:$0x1] =	stream.linear.gather [hbm4b:s26+s1], $0x2710, $0x38;
	[tilespmem:$0x1CF30] =	vst v63  }
0x89: {  	s28 =	rddreg [dreg:$0xf];
	s4 =	simm.s32 $0xF320  }
0x8a: {  	[tilespmem:s4], [sflag:$0xC] =	stream.linear.gather [hbm4b:s28+s1], $0x10, $0x38;
	[tilespmem:$0x1CF30] =	vst v63  }
0x8b: {  	_ =	swait.ge [sflag:s12], $0x10  }
0x8c: {  	[sflag:s12] =	ssyncset.done $0x0  }
0x8d: {  	s1 =	simm.s32 $0x0;
	[sflag:s12] =	ssyncadd.s32 $0xFFFFFFF0  }
.LBB2_2:
0x8e: {  	p0 =	sne.s32 s1, $0x4EC0  }
.Ltmp2:
0x8f: {  	_ = 	snop;
	(pc) =	sbr.rel @p0 .LBB2_2-.Ltmp2, $3  }
0x90: {  	_ =	sdelay $0x1  }
0x91: {  	s2 =	sshra.s32 s1, $0x2  }
0x92: {  	s1 =	sadd.s32 $0x140, s1;
	[tilespmem:s2+$0xF330] =	vst v0  }
0x93: {  	s1 =	simm.s32 $0x40  }
.LBB2_4:
0x94: {  	p0 =	sne.s32 s1, $0x4F00  }
.Ltmp3:
0x95: {  	_ = 	snop;
	(pc) =	sbr.rel @p0 .LBB2_4-.Ltmp3, $3  }
0x96: {  	_ =	sdelay $0x1  }
0x97: {  	s2 =	sshra.s32 s1, $0x2  }
0x98: {  	s1 =	sadd.s32 $0x140, s1;
	[tilespmem:s2+$0xF330] =	vst v0  }
0x99: {  	s1 =	simm.s32 $0x80  }
.LBB2_6:
0x9a: {  	p0 =	sne.s32 s1, $0x4F40  }
.Ltmp4:
0x9b: {  	_ = 	snop;
	(pc) =	sbr.rel @p0 .LBB2_6-.Ltmp4, $3  }
0x9c: {  	_ =	sdelay $0x1  }
0x9d: {  	s2 =	sshra.s32 s1, $0x2  }
0x9e: {  	s1 =	sadd.s32 $0x140, s1;
	[tilespmem:s2+$0xF330] =	vst v0  }
0x9f: {  	s1 =	simm.s32 $0xC0  }
.LBB2_8:
0xa0: {  	p0 =	sne.s32 s1, $0x4F80  }
.Ltmp5:
0xa1: {  	_ = 	snop;
	(pc) =	sbr.rel @p0 .LBB2_8-.Ltmp5, $3  }
0xa2: {  	_ =	sdelay $0x1  }
0xa3: {  	s2 =	sshra.s32 s1, $0x2  }
0xa4: {  	s1 =	sadd.s32 $0x140, s1;
	[tilespmem:s2+$0xF330] =	vst v0  }
0xa5: {  	s1 =	simm.s32 $0x240;
	s2 =	simm.s32 $0x40  }
.LBB2_10:
0xa6: {  	p0 =	sne.s32 s1, $0x4FC0;
	[tilespmem:s2+$0xF330] =	vst v0;
	s2 =	smov.u32 s1;
	s1 =	sadd.s32 $0x140, s1  }
.Ltmp6:
0xa7: {  	(pc) =	sbr.rel @p0 .LBB2_10-.Ltmp6, $2  }
0xa8: {  	_ =	sdelay $0x2  }
0xa9: {  	s2 =	sshra.s32 s2, $0x2  }
0xaa: {  	[tilespmem:s2+$0xF330] =	vst v0;
	s1 =	rddreg [dreg:$0x12]  }
0xab: {  	[spmem:s1] =	stream.linear.scatter [tilespmem:s13], [sflag:$0xC], $0x1400, $0x38;
	[tilespmem:$0x1CF30] =	vst v63  }
0xac: {  	_ =	swait.ge [sflag:s12], $0x1400  }
0xad: {  	[sflag:s12] =	ssyncset.done $0x0  }
0xae: {  	s5 =	rddreg [dreg:$0x13];
	[sflag:s12] =	ssyncadd.s32 $0xFFFFEC00  }
0xaf: {  	[spmem:s5] =	stream.linear.scatter [tilespmem:s13], [sflag:$0xC], $0x1400, $0x38;
	[tilespmem:$0x1CF30] =	vst v63  }
0xb0: {  	_ =	swait.ge [sflag:s12], $0x1400  }
0xb1: {  	[sflag:s12] =	ssyncset.done $0x0  }
0xb2: {  	s6 =	rddreg [dreg:$0x14];
	[sflag:s12] =	ssyncadd.s32 $0xFFFFEC00  }
0xb3: {  	[spmem:s6] =	stream.linear.scatter [tilespmem:s13], [sflag:$0xC], $0x1400, $0x38;
	[tilespmem:$0x1CF30] =	vst v63  }
0xb4: {  	_ =	swait.ge [sflag:s12], $0x1400  }
0xb5: {  	[sflag:s12] =	ssyncset.done $0x0  }
0xb6: {  	s7 =	rddreg [dreg:$0x15];
	[sflag:s12] =	ssyncadd.s32 $0xFFFFEC00  }
0xb7: {  	[spmem:s7] =	stream.linear.scatter [tilespmem:s13], [sflag:$0xC], $0x1400, $0x38;
	[tilespmem:$0x1CF30] =	vst v63  }
0xb8: {  	_ =	swait.ge [sflag:s12], $0x1400  }
0xb9: {  	[sflag:s12] =	ssyncset.done $0x0  }
0xba: {  	s8 =	rddreg [dreg:$0x16];
	[sflag:s12] =	ssyncadd.s32 $0xFFFFEC00  }
0xbb: {  	[spmem:s8] =	stream.linear.scatter [tilespmem:s13], [sflag:$0xC], $0x1400, $0x38;
	[tilespmem:$0x1CF30] =	vst v63  }
0xbc: {  	_ =	swait.ge [sflag:s12], $0x1400  }
0xbd: {  	[sflag:s12] =	ssyncset.done $0x0  }
0xbe: {  	s25 =	rddreg [dreg:$0x17];
	[sflag:s12] =	ssyncadd.s32 $0xFFFFEC00  }
0xbf: {  	[spmem:s25] =	stream.linear.scatter [tilespmem:s13], [sflag:$0xC], $0x1400, $0x38;
	[tilespmem:$0x1CF30] =	vst v63  }
0xc0: {  	_ =	swait.ge [sflag:s12], $0x1400  }
0xc1: {  	[sflag:s12] =	ssyncset.done $0x0  }
0xc2: {  	s26 =	rddreg [dreg:$0x18];
	[sflag:s12] =	ssyncadd.s32 $0xFFFFEC00  }
0xc3: {  	[spmem:s26] =	stream.linear.scatter [tilespmem:s13], [sflag:$0xC], $0x1400, $0x38;
	[tilespmem:$0x1CF30] =	vst v63  }
0xc4: {  	_ =	swait.ge [sflag:s12], $0x1400  }
0xc5: {  	[sflag:s12] =	ssyncset.done $0x0  }
0xc6: {  	s28 =	rddreg [dreg:$0x19];
	[sflag:s12] =	ssyncadd.s32 $0xFFFFEC00  }
0xc7: {  	[spmem:s28] =	stream.linear.scatter [tilespmem:s13], [sflag:$0xC], $0x1400, $0x38;
	[tilespmem:$0x1CF30] =	vst v63  }
0xc8: {  	_ =	swait.ge [sflag:s12], $0x1400  }
0xc9: {  	[sflag:s12] =	ssyncset.done $0x0  }
0xca: {  	s2 =	rddreg [dreg:$0x1a];
	[sflag:s12] =	ssyncadd.s32 $0xFFFFEC00  }
0xcb: {  	[spmem:s2] =	stream.linear.scatter [tilespmem:s13], [sflag:$0xC], $0x1400, $0x38;
	[tilespmem:$0x1CF30] =	vst v63  }
0xcc: {  	_ =	swait.ge [sflag:s12], $0x1400  }
0xcd: {  	[sflag:s12] =	ssyncset.done $0x0  }
0xce: {  	s4 =	rddreg [dreg:$0x1b];
	[sflag:s12] =	ssyncadd.s32 $0xFFFFEC00  }
0xcf: {  	[spmem:s4] =	stream.linear.scatter [tilespmem:s13], [sflag:$0xC], $0x1400, $0x38;
	[tilespmem:$0x1CF30] =	vst v63  }
0xd0: {  	_ =	swait.ge [sflag:s12], $0x1400  }
0xd1: {  	[sflag:s12] =	ssyncset.done $0x0  }
0xd2: {  	[sflag:s12] =	ssyncadd.s32 $0xFFFFEC00  }
0xd3: {  	_ =	swait.ge [sflag:s14], $0x2710  }
0xd4: {  	[sflag:s14] =	ssyncset.done $0x0  }
0xd5: {  	[sflag:s14] =	ssyncadd.s32 $0xFFFFD8F0  }
0xd6: {  	_ =	swait.ge [sflag:s14], $0x2710  }
0xd7: {  	[sflag:s14] =	ssyncset.done $0x0  }
0xd8: {  	[sflag:s14] =	ssyncadd.s32 $0xFFFFD8F0  }
0xd9: {  	s5 =	simm.s32 $0x4E20;
	s2 =	simm.s32 $0x0;
	[bflag:$0x0] =	sbarrier.arrive $0xFFFF  }
0xda: {  	v6 =	vld [tilespmem:$0xF320];
	[tilespmem:s5], [sflag:$0x2] =	stream.indirect.gather [hbm4b:s15+s17], $0x50, s2, s17, $0xb8  }
0xdb: {  	s6 =	simm.s32 $0x9920  }
0xdc: {  	[tilespmem:s6], [sflag:$0x5] =	stream.indirect.gather [hbm4b:s16+s17], $0x10, s3, s17, $0xb8;
	[tilespmem:$0x1CF30] =	vst v63  }
0xdd: {  	_ = 	snop  }
0xde: {  	[tilespmem:s18], [sflag:$0x3] =	stream.indirect.gather [hbm4b:s15+s17], $0x50, s17, s17, $0xb8;
	[tilespmem:$0x1CF30] =	vst v63  }
0xdf: {  	s7 =	simm.s32 $0x2760  }
0xe0: {  	[tilespmem:s19], [sflag:$0x6] =	stream.indirect.gather [hbm4b:s16+s17], $0x10, s7, s17, $0xb8;
	[tilespmem:$0x1CF30] =	vst v63  }
0xe1: {  	s8 =	simm.s32 $0xA0;
	s25 =	simm.s32 $0x8020  }
0xe2: {  	[tilespmem:s25], [sflag:$0x4] =	stream.indirect.gather [hbm4b:s15+s17], $0x50, s8, s17, $0xb8;
	[tilespmem:$0x1CF30] =	vst v63  }
0xe3: {  	s26 =	simm.s32 $0x27B0;
	s28 =	simm.s32 $0xA320  }
0xe4: {  	[tilespmem:s28], [sflag:$0x7] =	stream.indirect.gather [hbm4b:s16+s17], $0x10, s26, s17, $0xb8;
	[tilespmem:$0x1CF30] =	vst v63  }
.LBB2_12:
0xe5: {  	_ =	swait.ge [sflag:s20], $0x1900  }
0xe6: {  	[sflag:s20] =	ssyncset.done $0x0  }
0xe7: {  	[sflag:s20] =	ssyncadd.s32 $0xFFFFE700  }
0xe8: {  	_ =	swait.ge [sflag:s21], $0x500  }
0xe9: {  	p0 =	seq.s32 s2, $0x0;
	[sflag:s21] =	ssyncset.done $0x0  }
0xea: {  	s1 =	simm.s32 @!p0 $0x8;
	[sflag:s21] =	ssyncadd.s32 $0xFFFFFB00  }
0xeb: {  	_ =	swait.ge @!p0 [sflag:s1], $0x1900  }
0xec: {  	[sflag:s1] =	ssyncset.done @!p0 $0x0  }
0xed: {  	s28 =	simm.s32 $0x4F60;
	[sflag:s1] =	ssyncadd.s32 @!p0 $0xFFFFE700  }
0xee: {  	s3 =	simm.s32 $0x9960;
	v8 =	vld [tilespmem:s28+$0xF0]  }
0xef: {  	v7 =	vld [tilespmem:s3+$0x30];
	_ =	sdelay $0x2  }
0xf0: {  	v9 =	vld [tilespmem:s3+$0xFFFFFFC0]  }
0xf1: {  	v10 =	vld [tilespmem:s28+$0xFFFFFF10]  }
0xf2: {  	v11 =	vld [tilespmem:s3+$0xFFFFFFD0];
	v7 =	vadd.f32 v7, v8  }
0xf3: {  	v12 =	vld [tilespmem:s28+$0xFFFFFF60]  }
0xf4: {  	v13 =	vld [tilespmem:s3+$0xFFFFFFE0];
	v14 =	vmul.f32 $2.000000030e-01, v7  }
0xf5: {  	v15 =	vld [tilespmem:s28+$0xFFFFFFB0]  }
0xf6: {  	v16 =	vld [tilespmem:s3+$0xFFFFFFF0];
	v7 =	vmax.f32 v7, v14  }
0xf7: {  	v17 =	vld [tilespmem:s3+$0x0];
	v7 =	vsub.f32 v7, v6  }
0xf8: {  	v18 =	vld [tilespmem:s28+$0x50]  }
0xf9: {  	v11 =	vadd.f32 v11, v10;
	v14 =	vld [tilespmem:s28+$0x0];
	v7 =	vmul.f32 $1.442695020e+00, v7  }
0xfa: {  	v19 =	vld [tilespmem:s3+$0x10];
	v13 =	vadd.f32 v13, v12  }
0xfb: {  	v20 =	vld [tilespmem:s28+$0xA0];
	v16 =	vadd.f32 v16, v15;
	(erf) = vpow2.f32 v7;
	v7 =	vmul.f32 $2.000000030e-01, v11  }
0xfc: {  	v21 =	vld [tilespmem:s28+$0xFFFFFEC0]  }
0xfd: {  	v23 =	vld [tilespmem:s3+$0x20];
	v22 =	vmul.f32 $2.000000030e-01, v13;
	v24 =	vmul.f32 $2.000000030e-01, v16;
	v7 =	vmax.f32 v11, v7  }
0xfe: {  	v11 =	vadd.f32 v17, v14;
	v7 =	vsub.f32 v7, v6  }
0xff: {  	v19 =	vadd.f32 v19, v18;
	v13 =	vmax.f32 v13, v22;
	v16 =	vmax.f32 v16, v24  }
0x100: {  	v17 =	vmul.f32 $2.000000030e-01, v11;
	v22 =	vmul.f32 $1.442695020e+00, v7;
	v7 =	vsub.f32 v16, v6  }
0x101: {  	v9 =	vadd.f32 v9, v21;
	v13 =	vsub.f32 v13, v6  }
0x102: {  	v16 =	vmul.f32 $2.000000030e-01, v19;
	v11 =	vmax.f32 v11, v17;
	v17 =	vadd.f32 v23, v20  }
0x103: {  	s4 =	simm.s32 $0x51E0;
	v13 =	vmul.f32 $1.442695020e+00, v13;
	v23 =	vmul.f32 $2.000000030e-01, v9;
	v11 =	vsub.f32 v11, v6  }
0x104: {  	s5 =	simm.s32 $0x99E0;
	v28 =	vld [tilespmem:s4+$0xF0];
	v24 =	vmul.f32 $1.442695020e+00, v7;
	v16 =	vmax.f32 v19, v16;
	v19 =	vmul.f32 $2.000000030e-01, v17;
	v7 =	vpop (erf)  }
0x105: {  	v31 =	vld [tilespmem:s5+$0x30];
	v9 =	vmax.f32 v9, v23;
	(erf) = vpow2.f32 v22;
	v23 =	vperm.xlane v7, v1  }
0x106: {  	v8 =	vsel vm0, $0x3F800000, v8;
	v9 =	vsub.f32 v9, v6;
	(erf) = vpow2.f32 v13  }
0x107: {  	v11 =	vmul.f32 $1.442695020e+00, v11;
	v13 =	vmax.f32 v17, v19;
	v8 =	vmul.f32 v23, v8  }
0x108: {  	s3 =	simm.s32 $0xA960;
	v33 =	vld [tilespmem:s5+$0xFFFFFFC0];
	(erf) = vpow2.f32 v24;
	v9 =	vmul.f32 $1.442695020e+00, v9;
	v13 =	vsub.f32 v13, v6  }
0x109: {  	v54 =	vld [tilespmem:s4+$0xFFFFFEC0];
	v16 =	vsub.f32 v16, v6;
	(erf) = vpow2.f32 v11;
	[tilespmem:s3+$0xF0] =	vst v8  }
0x10a: {  	v31 =	vadd.f32 v31, v28;
	(erf) = vpow2.f32 v9;
	v11 =	vmul.f32 $1.442695020e+00, v13;
	v9 =	vld [tilespmem:s28+$0x100]  }
0x10b: {  	v8 =	vmul.f32 $1.442695020e+00, v16  }
0x10c: {  	v41 =	vmul.f32 $2.000000030e-01, v31  }
0x10d: {  	(erf) = vpow2.f32 v8;
	v8 =	vperm.xlane v7, v2  }
0x10e: {  	v33 =	vadd.f32 v33, v54;
	v31 =	vmax.f32 v31, v41;
	(erf) = vpow2.f32 v11;
	v11 =	vpop (erf)  }
0x10f: {  	v31 =	vsub.f32 v31, v6;
	v13 =	vpop (erf);
	v8 =	vmul.f32 v8, v9  }
0x110: {  	v38 =	vld [tilespmem:s5+$0xFFFFFFE0];
	v58 =	vmul.f32 $2.000000030e-01, v33;
	v16 =	vperm.xlane v13, v1  }
0x111: {  	v51 =	vld [tilespmem:s4+$0x50];
	v31 =	vmul.f32 $1.442695020e+00, v31;
	v9 =	vperm.xlane v11, v1;
	[tilespmem:s3+$0x100] =	vst v8;
	v8 =	vsel vm0, $0x3F800000, v12  }
0x112: {  	v52 =	vld [tilespmem:s5+$0x10];
	v10 =	vsel vm0, $0x3F800000, v10;
	v32 =	vperm.xlane v11, v4;
	v17 =	vpop (erf);
	v8 =	vmul.f32 v16, v8  }
0x113: {  	v9 =	vmul.f32 v9, v10;
	v10 =	vperm.xlane v17, v1;
	v12 =	vpop (erf);
	v19 =	vld [tilespmem:s28+$0x110]  }
0x114: {  	v43 =	vld [tilespmem:s4+$0xA0];
	v15 =	vsel vm0, $0x3F800000, v15;
	v34 =	vperm.xlane v13, v4;
	v16 =	vperm.xlane v12, v1;
	v22 =	vpop (erf)  }
0x115: {  	v45 =	vld [tilespmem:s5+$0x20];
	v14 =	vsel vm0, $0x3F800000, v14;
	[tilespmem:s3+$0xFFFFFF10] =	vst v9;
	v9 =	vmul.f32 v10, v15;
	v10 =	vperm.xlane v22, v1  }
0x116: {  	v15 =	vsel vm0, $0x3F800000, v21;
	v21 =	vld [tilespmem:s28+$0xFFFFFF20];
	[tilespmem:s3+$0xFFFFFF60] =	vst v8;
	v14 =	vmul.f32 v16, v14;
	v16 =	vperm.xlane v7, v3;
	v8 =	vpop (erf)  }
0x117: {  	v23 =	vld [tilespmem:s28+$0xFFFFFF70];
	[tilespmem:s3+$0xFFFFFFB0] =	vst v9;
	v10 =	vmul.f32 v10, v15;
	v9 =	vperm.xlane v8, v1;
	v24 =	vpop (erf)  }
0x118: {  	v15 =	vsel vm0, $0x3F800000, v18;
	v18 =	vld [tilespmem:s28+$0xFFFFFFC0];
	[tilespmem:s3+$0x0] =	vst v14;
	v14 =	vmul.f32 v16, v19;
	v25 =	vperm.xlane v24, v1  }
0x119: {  	v16 =	vsel vm0, $0x3F800000, v20;
	v19 =	vperm.xlane v11, v2;
	[tilespmem:s3+$0xFFFFFEC0] =	vst v10;
	v9 =	vmul.f32 v9, v15;
	v15 =	vld [tilespmem:s28+$0x10]  }
0x11a: {  	v10 =	vperm.xlane v13, v2;
	v20 =	vld [tilespmem:s28+$0xFFFFFED0];
	[tilespmem:s3+$0x110] =	vst v14;
	v16 =	vmul.f32 v25, v16  }
0x11b: {  	v14 =	vperm.xlane v17, v2;
	v19 =	vmul.f32 v19, v21;
	[tilespmem:s3+$0x50] =	vst v9;
	v9 =	vld [tilespmem:s28+$0x120]  }
0x11c: {  	v21 =	vperm.xlane v12, v2;
	v10 =	vmul.f32 v10, v23;
	v23 =	vld [tilespmem:s28+$0x60];
	[tilespmem:s3+$0xA0] =	vst v16  }
0x11d: {  	v14 =	vmul.f32 v14, v18;
	[tilespmem:s3+$0xFFFFFF20] =	vst v19;
	v16 =	vperm.xlane v22, v2;
	v18 =	vld [tilespmem:s28+$0xB0]  }
0x11e: {  	v19 =	vld [tilespmem:s28+$0xFFFFFF30];
	[tilespmem:s3+$0xFFFFFF70] =	vst v10;
	v10 =	vperm.xlane v7, v4;
	v15 =	vmul.f32 v21, v15  }
0x11f: {  	[tilespmem:s3+$0xFFFFFFC0] =	vst v14;
	v21 =	vperm.xlane v8, v2;
	v16 =	vmul.f32 v16, v20;
	v20 =	vld [tilespmem:s28+$0xFFFFFF80]  }
0x120: {  	v14 =	vperm.xlane v24, v2;
	v25 =	vld [tilespmem:s28+$0xFFFFFFD0];
	[tilespmem:s3+$0x10] =	vst v15;
	v9 =	vmul.f32 v10, v9  }
0x121: {  	v10 =	vperm.xlane v11, v3;
	[tilespmem:s3+$0xFFFFFED0] =	vst v16;
	v15 =	vld [tilespmem:s28+$0x20];
	v16 =	vmul.f32 v21, v23  }
0x122: {  	v35 =	vperm.xlane v17, v4;
	v21 =	vld [tilespmem:s28+$0xFFFFFEE0];
	v14 =	vmul.f32 v14, v18;
	[tilespmem:s3+$0x120] =	vst v9  }
0x123: {  	v9 =	vmul.f32 v10, v19;
	v19 =	vperm.xlane v17, v3;
	[tilespmem:s3+$0x60] =	vst v16;
	v10 =	vld [tilespmem:s28+$0x130]  }
0x124: {  	v26 =	vperm.xlane v12, v3;
	v36 =	vperm.xlane v12, v4;
	v16 =	vld [tilespmem:s28+$0x70]  }
0x125: {  	v27 =	vperm.xlane v8, v3;
	[tilespmem:s3+$0xB0] =	vst v14;
	v19 =	vmul.f32 v19, v25;
	v25 =	vld [tilespmem:s4+$0xFFFFFF10]  }
0x126: {  	(erf) = vpow2.f32 v31;
	v14 =	vperm.xlane v22, v3;
	v18 =	vld [tilespmem:s28+$0xC0]  }
0x127: {  	[tilespmem:s3+$0xFFFFFF30] =	vst v9;
	v9 =	vperm.xlane v13, v3;
	v15 =	vmul.f32 v26, v15;
	v26 =	vld [tilespmem:s5+$0xFFFFFFD0]  }
0x128: {  	v7 =	vperm.xlane v7, v5;
	v14 =	vmul.f32 v14, v21;
	v21 =	vld [tilespmem:s4+$0xFFFFFF60]  }
0x129: {  	v20 =	vmul.f32 v9, v20;
	v9 =	vnsel vm0, $0x0, v10;
	v16 =	vmul.f32 v27, v16;
	v27 =	vld [tilespmem:s4+$0xFFFFFFB0]  }
0x12a: {  	v29 =	vperm.xlane v24, v3;
	v40 =	vmul.f32 v9, v7;
	v7 =	vld [tilespmem:s5+$0xFFFFFFF0]  }
0x12b: {  	v57 =	vadd.f32 v45, v43;
	v30 =	vperm.xlane v22, v4;
	v9 =	vperm.xlane v22, v5;
	v22 =	vld [tilespmem:s4+$0x0]  }
0x12c: {  	v28 =	vsel vm0, $0x3F800000, v28;
	v37 =	vperm.xlane v8, v4;
	v18 =	vmul.f32 v29, v18;
	v29 =	vld [tilespmem:s5+$0x0]  }
0x12d: {  	v39 =	vperm.xlane v24, v4;
	v10 =	vperm.xlane v11, v5;
	v26 =	vadd.f32 v26, v25  }
0x12e: {  	v11 =	vperm.xlane v13, v5;
	v13 =	vperm.xlane v17, v5;
	v17 =	vadd.f32 v38, v21  }
0x12f: {  	v31 =	vadd.f32 v52, v51;
	v12 =	vperm.xlane v12, v5;
	v53 =	vmul.f32 $2.000000030e-01, v26  }
0x130: {  	v44 =	vmul.f32 $2.000000030e-01, v17;
	v42 =	vadd.f32 v7, v27;
	v7 =	vperm.xlane v8, v5  }
0x131: {  	v8 =	vperm.xlane v24, v5;
	v26 =	vmax.f32 v26, v53;
	v24 =	vadd.f32 v29, v22  }
0x132: {  	v17 =	vmax.f32 v17, v44;
	v46 =	vmul.f32 $2.000000030e-01, v42;
	v26 =	vsub.f32 v26, v6  }
0x133: {  	v56 =	vmul.f32 $2.000000030e-01, v31;
	[tilespmem:s3+$0x20] =	vst v15;
	v15 =	vpop (erf);
	v17 =	vsub.f32 v17, v6;
	v55 =	vmul.f32 $2.000000030e-01, v24  }
0x134: {  	v23 =	vld [tilespmem:s28+$0xFFFFFF40];
	[tilespmem:s3+$0xFFFFFEE0] =	vst v14;
	v59 =	vperm.xlane v15, v1;
	v29 =	vmax.f32 v42, v46;
	v26 =	vmul.f32 $1.442695020e+00, v26  }
0x135: {  	[tilespmem:s3+$0xFFFFFF80] =	vst v20;
	v20 =	vld [tilespmem:s28+$0xFFFFFEF0];
	v17 =	vmul.f32 $1.442695020e+00, v17;
	v29 =	vsub.f32 v29, v6;
	v24 =	vmax.f32 v24, v55  }
0x136: {  	[tilespmem:s3+$0xFFFFFFD0] =	vst v19;
	v19 =	vld [tilespmem:s28+$0xFFFFFF90];
	v14 =	vsub.f32 v24, v6;
	v24 =	vmax.f32 v31, v56;
	v31 =	vmul.f32 $2.000000030e-01, v57  }
0x137: {  	v33 =	vmax.f32 v33, v58;
	[tilespmem:s3+$0x70] =	vst v16;
	(erf) = vpow2.f32 v26;
	v29 =	vmul.f32 $1.442695020e+00, v29  }
0x138: {  	v33 =	vsub.f32 v33, v6;
	v28 =	vmul.f32 v59, v28;
	(erf) = vpow2.f32 v17;
	v17 =	vld [tilespmem:s28+$0x80]  }
0x139: {  	v14 =	vmul.f32 $1.442695020e+00, v14;
	v31 =	vmax.f32 v57, v31;
	(erf) = vpow2.f32 v29  }
0x13a: {  	s6 =	simm.s32 $0xABE0;
	v23 =	vmul.f32 v32, v23;
	v20 =	vmul.f32 v30, v20;
	v26 =	vld [tilespmem:s28+$0xFFFFFFE0];
	v31 =	vsub.f32 v31, v6  }
0x13b: {  	v16 =	vld [tilespmem:s28+$0x30];
	v19 =	vmul.f32 v34, v19;
	[tilespmem:s6+$0xF0] =	vst v28;
	v24 =	vsub.f32 v24, v6;
	(erf) = vpow2.f32 v14  }
0x13c: {  	[tilespmem:s3+$0xC0] =	vst v18;
	v28 =	vld [tilespmem:s4+$0x100];
	v18 =	vmul.f32 $1.442695020e+00, v31;
	v31 =	vmul.f32 $1.442695020e+00, v33  }
0x13d: {  	[tilespmem:s3+$0xFFFFFF40] =	vst v23;
	v24 =	vmul.f32 $1.442695020e+00, v24;
	v29 =	vld [tilespmem:s28+$0xD0];
	v23 =	vmul.f32 v37, v17  }
0x13e: {  	v17 =	vperm.xlane v15, v2;
	(erf) = vpow2.f32 v31  }
0x13f: {  	[tilespmem:s3+$0xFFFFFEF0] =	vst v20;
	(erf) = vpow2.f32 v24;
	v24 =	vmul.f32 v35, v26  }
0x140: {  	[tilespmem:s3+$0xFFFFFF90] =	vst v19;
	(erf) = vpow2.f32 v18;
	v18 =	vmul.f32 v36, v16;
	v14 =	vpop (erf)  }
0x141: {  	v30 =	vld [tilespmem:s28+$0xFFFFFF00];
	v28 =	vmul.f32 v17, v28;
	[tilespmem:s3+$0x80] =	vst v23;
	v20 =	vperm.xlane v14, v1;
	v16 =	vpop (erf)  }
0x142: {  	v50 =	vperm.xlane v15, v3;
	v19 =	vsel vm0, $0x3F800000, v25;
	v25 =	vld [tilespmem:s28+$0xFFFFFFA0];
	v26 =	vmul.f32 v39, v29;
	[tilespmem:s3+$0xFFFFFFE0] =	vst v24;
	v17 =	vpop (erf)  }
0x143: {  	v21 =	vsel vm0, $0x3F800000, v21;
	v29 =	vld [tilespmem:s28+$0xFFFFFF50];
	[tilespmem:s6+$0x100] =	vst v28;
	v19 =	vmul.f32 v20, v19;
	v20 =	vperm.xlane v17, v1  }
0x144: {  	v27 =	vsel vm0, $0x3F800000, v27;
	v31 =	vperm.xlane v14, v2;
	v28 =	vld [tilespmem:s28+$0x90];
	v24 =	vperm.xlane v16, v1;
	[tilespmem:s3+$0x30] =	vst v18;
	v18 =	vpop (erf)  }
0x145: {  	v38 =	vld [tilespmem:s28+$0xFFFFFFF0];
	v23 =	vmul.f32 v20, v27;
	v20 =	vperm.xlane v18, v1  }
0x146: {  	[tilespmem:s3+$0x130] =	vst v40;
	v35 =	vperm.xlane v14, v3;
	v24 =	vmul.f32 v24, v21;
	v27 =	vld [tilespmem:s4+$0x110]  }
0x147: {  	v22 =	vsel vm0, $0x3F800000, v22;
	v60 =	vperm.xlane v16, v2;
	v39 =	vld [tilespmem:s28+$0x40];
	v52 =	vperm.xlane v17, v2;
	[tilespmem:s6+$0xFFFFFF10] =	vst v19;
	v21 =	vpop (erf)  }
0x148: {  	v63 =	vld [tilespmem:s4+$0xFFFFFF20];
	[tilespmem:s6+$0xFFFFFF60] =	vst v24;
	v61 =	vperm.xlane v21, v1;
	v19 =	vpop (erf);
	v22 =	vmul.f32 v20, v22  }
0x149: {  	v48 =	vsel vm0, $0x3F800000, v54;
	v53 =	vperm.xlane v18, v2;
	v49 =	vld [tilespmem:s4+$0xFFFFFF70];
	[tilespmem:s6+$0xFFFFFFB0] =	vst v23;
	v24 =	vperm.xlane v19, v1;
	v20 =	vpop (erf)  }
0x14a: {  	v32 =	vsel vm0, $0x3F800000, v51;
	v51 =	vld [tilespmem:s4+$0xFFFFFFC0];
	v34 =	vmul.f32 v61, v48;
	[tilespmem:s6+$0x0] =	vst v22;
	v23 =	vperm.xlane v20, v1  }
0x14b: {  	[tilespmem:s3+$0xD0] =	vst v26;
	v22 =	vmul.f32 v24, v32;
	v24 =	vld [tilespmem:s4+$0x10];
	v26 =	vmul.f32 v50, v27  }
0x14c: {  	v43 =	vsel vm0, $0x3F800000, v43;
	v62 =	vperm.xlane v21, v2;
	v33 =	vperm.xlane v21, v3;
	v27 =	vld [tilespmem:s28+$0xE0];
	[tilespmem:s6+$0xFFFFFEC0] =	vst v34  }
0x14d: {  	v55 =	vperm.xlane v19, v2;
	v23 =	vmul.f32 v23, v43;
	v54 =	vld [tilespmem:s4+$0xFFFFFED0];
	[tilespmem:s6+$0x110] =	vst v26  }
0x14e: {  	v36 =	vperm.xlane v19, v3;
	v26 =	vmul.f32 v31, v63;
	[tilespmem:s6+$0x50] =	vst v22;
	v57 =	vld [tilespmem:s4+$0x120]  }
0x14f: {  	v56 =	vperm.xlane v20, v2;
	v31 =	vmul.f32 v60, v49;
	v58 =	vld [tilespmem:s4+$0x60];
	[tilespmem:s6+$0xA0] =	vst v23  }
0x150: {  	v22 =	vmul.f32 v52, v51;
	[tilespmem:s6+$0xFFFFFF20] =	vst v26;
	v23 =	vmul.f32 v53, v24;
	v24 =	vld [tilespmem:s4+$0xB0]  }
0x151: {  	v37 =	vperm.xlane v20, v3;
	[tilespmem:s6+$0xFFFFFF70] =	vst v31;
	v31 =	vperm.xlane v15, v4;
	v59 =	vld [tilespmem:s4+$0xFFFFFF30]  }
0x152: {  	v60 =	vperm.xlane v17, v3;
	[tilespmem:s6+$0xFFFFFFC0] =	vst v22;
	v61 =	vmul.f32 v62, v54;
	v62 =	vld [tilespmem:s4+$0xFFFFFF80]  }
0x153: {  	v30 =	vnsel vm0, $0x0, v30;
	v63 =	vperm.xlane v18, v3;
	v47 =	vld [tilespmem:s4+$0xFFFFFFD0];
	[tilespmem:s6+$0x10] =	vst v23;
	v31 =	vmul.f32 v31, v57  }
0x154: {  	v26 =	vperm.xlane v16, v3;
	v22 =	vnsel vm0, $0x0, v29;
	v48 =	vld [tilespmem:s4+$0x20];
	v32 =	vmul.f32 v55, v58;
	[tilespmem:s6+$0xFFFFFED0] =	vst v61  }
0x155: {  	v29 =	vnsel vm0, $0x0, v25;
	v23 =	vperm.xlane v21, v4;
	v34 =	vld [tilespmem:s4+$0xFFFFFEE0];
	v25 =	vmul.f32 v56, v24;
	[tilespmem:s6+$0x120] =	vst v31  }
0x156: {  	v31 =	vnsel vm0, $0x0, v38;
	v35 =	vmul.f32 v35, v59;
	v38 =	vperm.xlane v14, v4;
	[tilespmem:s6+$0x60] =	vst v32;
	v40 =	vld [tilespmem:s4+$0x130]  }
0x157: {  	v32 =	vnsel vm0, $0x0, v39;
	v24 =	vperm.xlane v16, v4;
	v39 =	vld [tilespmem:s4+$0x70];
	v45 =	vmul.f32 v26, v62;
	[tilespmem:s6+$0xB0] =	vst v25  }
0x158: {  	v43 =	vmul.f32 v60, v47;
	v25 =	vnsel vm0, $0x0, v28;
	[tilespmem:s6+$0xFFFFFF30] =	vst v35;
	v26 =	vperm.xlane v17, v4;
	v41 =	vld [tilespmem:s4+$0xC0]  }
0x159: {  	s7 =	simm.s32 $0x5460;
	s1 =	simm.s32 $0x8;
	v28 =	vnsel vm0, $0x0, v27;
	v27 =	vperm.xlane v18, v4;
	v42 =	vld [tilespmem:s4+$0xFFFFFF40];
	v44 =	vmul.f32 v63, v48;
	[tilespmem:s6+$0xFFFFFF80] =	vst v45  }
.LBB2_13:
0x15a: {  	v35 =	vld [tilespmem:s7+$0xF0];
	v45 =	vmul.f32 v33, v34;
	[tilespmem:s6+$0xFFFFFFD0] =	vst v43;
	v15 =	vperm.xlane v15, v5;
	s5 =	sadd.s32 $0x80, s5  }
0x15b: {  	s1 =	sadd.s32 $0x8, s1;
	v33 =	vperm.xlane v19, v4;
	v34 =	vperm.xlane v20, v4;
	v43 =	vld [tilespmem:s5+$0x30];
	[tilespmem:s6+$0x20] =	vst v44;
	v40 =	vnsel vm0, $0x0, v40  }
0x15c: {  	p1 =	slt.u32 s1, $0x48;
	v44 =	vld [tilespmem:s5+$0xFFFFFFC0];
	[tilespmem:s6+$0xFFFFFEE0] =	vst v45;
	v36 =	vmul.f32 v36, v39;
	v15 =	vmul.f32 v40, v15  }
0x15d: {  	v21 =	vperm.xlane v21, v5;
	v39 =	vld [tilespmem:s7+$0xFFFFFF10];
	v37 =	vmul.f32 v37, v41  }
0x15e: {  	v14 =	vperm.xlane v14, v5;
	v40 =	vld [tilespmem:s5+$0xFFFFFFD0];
	v38 =	vmul.f32 v38, v42;
	[tilespmem:s6+$0x130] =	vst v15  }
0x15f: {  	v16 =	vperm.xlane v16, v5;
	v17 =	vperm.xlane v17, v5;
	v15 =	vld [tilespmem:s7+$0xFFFFFF60];
	[tilespmem:s6+$0x70] =	vst v36  }
0x160: {  	v42 =	vperm.xlane v18, v5;
	v36 =	vld [tilespmem:s5+$0xFFFFFFE0];
	v41 =	vadd.f32 v43, v35;
	v43 =	vperm.xlane v19, v5;
	[tilespmem:s6+$0xC0] =	vst v37  }
0x161: {  	v19 =	vmul.f32 v30, v9;
	v9 =	vmov v21;
	v37 =	vld [tilespmem:s7+$0xFFFFFFB0];
	[tilespmem:s6+$0xFFFFFF40] =	vst v38;
	v38 =	vperm.xlane v20, v5  }
0x162: {  	v22 =	vmul.f32 v22, v10;
	v10 =	vmovc v14;
	v18 =	vsel vm0, $0x3F800000, v39;
	v21 =	vld [tilespmem:s5+$0xFFFFFFF0];
	v20 =	vmul.f32 $2.000000030e-01, v41  }
0x163: {  	v29 =	vmul.f32 v29, v11;
	v31 =	vmul.f32 v31, v13;
	v14 =	vadd.f32 v40, v39;
	v30 =	vld [tilespmem:s7+$0x0];
	[tilespmem:s3+$0xFFFFFF00] =	vst v19  }
0x164: {  	v11 =	vmovc v16;
	v19 =	vsel vm0, $0x3F800000, v15;
	v39 =	vld [tilespmem:s5+$0x0];
	v20 =	vmax.f32 v41, v20;
	[tilespmem:s3+$0xFFFFFF50] =	vst v22;
	v22 =	vmul.f32 v32, v12  }
0x165: {  	v13 =	vmovc v17;
	v16 =	vmul.f32 $2.000000030e-01, v14;
	v15 =	vadd.f32 v36, v15;
	v32 =	vld [tilespmem:s7+$0x50];
	v36 =	vsub.f32 v20, v6;
	[tilespmem:s3+$0xFFFFFFA0] =	vst v29  }
0x166: {  	v28 =	vmul.f32 v28, v8;
	v12 =	vmovc v42;
	v29 =	vmul.f32 v25, v7;
	v20 =	vsel vm0, $0x3F800000, v37;
	v17 =	vld [tilespmem:s5+$0x10];
	[tilespmem:s3+$0xFFFFFFF0] =	vst v31  }
0x167: {  	v8 =	vmovc v38;
	v7 =	vmovc v43;
	v31 =	vmul.f32 $2.000000030e-01, v15;
	v21 =	vadd.f32 v21, v37;
	v37 =	vld [tilespmem:s7+$0xA0];
	v36 =	vmul.f32 $1.442695020e+00, v36;
	[tilespmem:s3+$0x40] =	vst v22  }
0x168: {  	v14 =	vmax.f32 v14, v16;
	v25 =	vsel vm0, $0x3F800000, v30;
	v16 =	vld [tilespmem:s5+$0x20];
	[tilespmem:s3+$0x90] =	vst v29  }
0x169: {  	v22 =	vld [tilespmem:s7+$0xFFFFFEC0];
	v29 =	vmul.f32 $2.000000030e-01, v21;
	v30 =	vadd.f32 v39, v30;
	(erf) = vpow2.f32 v36;
	[tilespmem:s3+$0xE0] =	vst v28;
	s3 =	smov.u32 s6  }
0x16a: {  	v14 =	vsub.f32 v14, v6;
	v15 =	vmax.f32 v15, v31;
	v36 =	vsel vm0, $0x3F800000, v32;
	v28 =	vld [tilespmem:s4+$0xFFFFFEF0]  }
0x16b: {  	v21 =	vmax.f32 v21, v29;
	v29 =	vmul.f32 $2.000000030e-01, v30;
	v17 =	vadd.f32 v17, v32;
	v31 =	vld [tilespmem:s4+$0xFFFFFF90]  }
0x16c: {  	v14 =	vmul.f32 $1.442695020e+00, v14;
	v15 =	vsub.f32 v15, v6;
	v21 =	vsub.f32 v21, v6;
	v32 =	vld [tilespmem:s4+$0xFFFFFFE0]  }
0x16d: {  	v29 =	vmax.f32 v30, v29;
	v30 =	vmul.f32 $2.000000030e-01, v17;
	v16 =	vadd.f32 v16, v37;
	v38 =	vld [tilespmem:s4+$0x30]  }
0x16e: {  	v40 =	vmul.f32 $1.442695020e+00, v15;
	v39 =	vadd.f32 v44, v22;
	v15 =	vsub.f32 v29, v6;
	v29 =	vld [tilespmem:s4+$0x80]  }
0x16f: {  	v21 =	vmul.f32 $1.442695020e+00, v21;
	v17 =	vmax.f32 v17, v30;
	v30 =	vmul.f32 $2.000000030e-01, v16;
	v41 =	vld [tilespmem:s4+$0xD0]  }
0x170: {  	v42 =	vmul.f32 $2.000000030e-01, v39;
	v43 =	vmul.f32 $1.442695020e+00, v15;
	v45 =	vsub.f32 v17, v6;
	v17 =	vld [tilespmem:s4+$0xFFFFFF50]  }
0x171: {  	v44 =	vsel vm0, $0x3F800000, v22;
	v16 =	vmax.f32 v16, v30;
	(erf) = vpow2.f32 v14  }
0x172: {  	v14 =	vmax.f32 v39, v42;
	v30 =	vmul.f32 $1.442695020e+00, v45;
	v16 =	vsub.f32 v16, v6;
	v15 =	vpop (erf)  }
0x173: {  	v14 =	vsub.f32 v14, v6;
	v22 =	vperm.xlane v15, v1;
	(erf) = vpow2.f32 v40  }
0x174: {  	v35 =	vsel vm0, $0x3F800000, v35;
	v16 =	vmul.f32 $1.442695020e+00, v16;
	(erf) = vpow2.f32 v21  }
0x175: {  	v37 =	vsel vm0, $0x3F800000, v37;
	v14 =	vmul.f32 $1.442695020e+00, v14;
	v21 =	vmul.f32 v22, v35  }
0x176: {  	s6 =	sadd.s32 $0x280, s6;
	v23 =	vmul.f32 v23, v28;
	v22 =	vnsel vm0, $0x0, v17;
	(erf) = vpow2.f32 v43  }
0x177: {  	v24 =	vmul.f32 v24, v31;
	[tilespmem:s6+$0xF0] =	vst v21;
	(erf) = vpow2.f32 v14  }
0x178: {  	v21 =	vmul.f32 v26, v32;
	v17 =	vld [tilespmem:s7+$0x100];
	(erf) = vpow2.f32 v30;
	[tilespmem:s3+$0xFFFFFEF0] =	vst v23  }
0x179: {  	v30 =	vmul.f32 v27, v38;
	(erf) = vpow2.f32 v16;
	v23 =	vld [tilespmem:s4+$0xFFFFFF00];
	[tilespmem:s3+$0xFFFFFF90] =	vst v24  }
0x17a: {  	v26 =	vmul.f32 v34, v41;
	v14 =	vpop (erf);
	v24 =	vld [tilespmem:s4+$0xFFFFFFA0];
	[tilespmem:s3+$0xFFFFFFE0] =	vst v21;
	v21 =	vmul.f32 v33, v29  }
0x17b: {  	v28 =	vperm.xlane v15, v2;
	v27 =	vperm.xlane v14, v1;
	v31 =	vld [tilespmem:s4+$0xFFFFFFF0];
	[tilespmem:s3+$0x30] =	vst v30  }
0x17c: {  	v33 =	vperm.xlane v14, v2;
	v35 =	vperm.xlane v14, v3;
	v16 =	vpop (erf);
	v32 =	vld [tilespmem:s4+$0x40];
	[tilespmem:s3+$0x80] =	vst v21  }
0x17d: {  	v39 =	vperm.xlane v16, v1;
	v28 =	vmul.f32 v28, v17;
	v17 =	vpop (erf);
	v34 =	vld [tilespmem:s4+$0x90];
	[tilespmem:s3+$0xD0] =	vst v26  }
0x17e: {  	v26 =	vmul.f32 v27, v18;
	v27 =	vperm.xlane v17, v1;
	v30 =	vnsel vm0, $0x0, v23;
	v23 =	vld [tilespmem:s4+$0xE0];
	s4 =	smov.u32 s7  }
0x17f: {  	v38 =	vperm.xlane v16, v2;
	v41 =	vmul.f32 v39, v19;
	[tilespmem:s6+$0x100] =	vst v28;
	v18 =	vpop (erf);
	v29 =	vnsel vm0, $0x0, v24  }
0x180: {  	[tilespmem:s6+$0xFFFFFF10] =	vst v26;
	v28 =	vmul.f32 v27, v20;
	v24 =	vperm.xlane v18, v1;
	v26 =	vld [tilespmem:s7+$0x110];
	v21 =	vpop (erf);
	v31 =	vnsel vm0, $0x0, v31  }
0x181: {  	v27 =	vperm.xlane v21, v1;
	v39 =	vperm.xlane v21, v2;
	v40 =	vld [tilespmem:s7+$0xFFFFFF20];
	[tilespmem:s6+$0xFFFFFF60] =	vst v41;
	v19 =	vpop (erf);
	v32 =	vnsel vm0, $0x0, v32  }
0x182: {  	v41 =	vld [tilespmem:s7+$0xFFFFFF70];
	[tilespmem:s6+$0xFFFFFFB0] =	vst v28;
	v24 =	vmul.f32 v24, v25;
	v42 =	vperm.xlane v19, v1;
	v20 =	vpop (erf);
	v25 =	vnsel vm0, $0x0, v34  }
0x183: {  	v45 =	vperm.xlane v15, v3;
	v34 =	vld [tilespmem:s7+$0xFFFFFFC0];
	v43 =	vperm.xlane v20, v1;
	v28 =	vnsel vm0, $0x0, v23  }
0x184: {  	v23 =	vmul.f32 v27, v44;
	[tilespmem:s6+$0x0] =	vst v24;
	v24 =	vmul.f32 v42, v36  }
0x185: {  	v27 =	vld [tilespmem:s7+$0x10];
	v36 =	vmul.f32 v43, v37;
	v26 =	vmul.f32 v45, v26  }
0x186: {  	v37 =	vperm.xlane v18, v2;
	[tilespmem:s6+$0xFFFFFEC0] =	vst v23;
	v23 =	vperm.xlane v17, v2  }
0x187: {  	v44 =	vperm.xlane v20, v2;
	v43 =	vperm.xlane v19, v2;
	v42 =	vld [tilespmem:s7+$0xFFFFFED0];
	[tilespmem:s6+$0x110] =	vst v26  }
0x188: {  	v26 =	vmul.f32 v33, v40;
	v38 =	vmul.f32 v38, v41;
	[tilespmem:s6+$0x50] =	vst v24;
	v24 =	vld [tilespmem:s7+$0x120]  }
0x189: {  	v33 =	vperm.xlane v21, v3;
	v23 =	vmul.f32 v23, v34;
	v34 =	vld [tilespmem:s7+$0x60];
	[tilespmem:s6+$0xA0] =	vst v36  }
0x18a: {  	[tilespmem:s6+$0xFFFFFF20] =	vst v26;
	v26 =	vperm.xlane v16, v3;
	v27 =	vmul.f32 v37, v27;
	v40 =	vld [tilespmem:s7+$0xB0]  }
0x18b: {  	v45 =	vperm.xlane v17, v3;
	v37 =	vperm.xlane v15, v4;
	v41 =	vld [tilespmem:s7+$0xFFFFFF30];
	[tilespmem:s6+$0xFFFFFF70] =	vst v38  }
0x18c: {  	v46 =	vperm.xlane v18, v3;
	v38 =	vmul.f32 v39, v42;
	v39 =	vld [tilespmem:s7+$0xFFFFFF80];
	[tilespmem:s6+$0xFFFFFFC0] =	vst v23  }
0x18d: {  	v36 =	vperm.xlane v19, v3;
	v42 =	vld [tilespmem:s7+$0xFFFFFFD0];
	[tilespmem:s6+$0x10] =	vst v27;
	v24 =	vmul.f32 v37, v24  }
0x18e: {  	v37 =	vperm.xlane v20, v3;
	[tilespmem:s6+$0xFFFFFED0] =	vst v38;
	v27 =	vld [tilespmem:s7+$0x20];
	v43 =	vmul.f32 v43, v34  }
.Ltmp7:
0x18f: {  	v23 =	vperm.xlane v21, v4;
	v34 =	vld [tilespmem:s7+$0xFFFFFEE0];
	v44 =	vmul.f32 v44, v40;
	[tilespmem:s6+$0x120] =	vst v24;
	(pc) =	sbr.rel @p1 .LBB2_13-.Ltmp7, $4  }
0x190: {  	v38 =	vperm.xlane v14, v4;
	v35 =	vmul.f32 v35, v41;
	[tilespmem:s6+$0x60] =	vst v43;
	v40 =	vld [tilespmem:s7+$0x130]  }
0x191: {  	v24 =	vperm.xlane v16, v4;
	v47 =	vmul.f32 v26, v39;
	v39 =	vld [tilespmem:s7+$0x70];
	[tilespmem:s6+$0xB0] =	vst v44  }
0x192: {  	v26 =	vperm.xlane v17, v4;
	[tilespmem:s6+$0xFFFFFF30] =	vst v35;
	v43 =	vmul.f32 v45, v42;
	v41 =	vld [tilespmem:s7+$0xC0]  }
0x193: {  	s7 =	sadd.s32 $0x280, s7;
	v42 =	vld [tilespmem:s4+$0xFFFFFF40];
	[tilespmem:s6+$0xFFFFFF80] =	vst v47;
	v44 =	vmul.f32 v46, v27;
	v27 =	vperm.xlane v18, v4  }
0x194: {  	v33 =	vmul.f32 v33, v34;
	[tilespmem:s6+$0xFFFFFFD0] =	vst v43  }
0x195: {  	v15 =	vperm.xlane v15, v5;
	v9 =	vmul.f32 v30, v9;
	[tilespmem:s6+$0x20] =	vst v44  }
0x196: {  	v10 =	vmul.f32 v22, v10;
	v43 =	vnsel vm0, $0x0, v40;
	[tilespmem:s6+$0xFFFFFEE0] =	vst v33  }
0x197: {  	v15 =	vmul.f32 v43, v15;
	[tilespmem:s3+$0xFFFFFF00] =	vst v9  }
0x198: {  	v44 =	vmul.f32 v36, v39;
	[tilespmem:s3+$0xFFFFFF50] =	vst v10  }
0x199: {  	v9 =	vmul.f32 v29, v11;
	v46 =	vld [tilespmem:s4+$0xFFFFFEF0];
	[tilespmem:s6+$0x130] =	vst v15  }
0x19a: {  	v11 =	vld [tilespmem:s4+$0xFFFFFFE0];
	v15 =	vmul.f32 v38, v42;
	[tilespmem:s6+$0x70] =	vst v44  }
0x19b: {  	v10 =	vld [tilespmem:s4+$0x30];
	v45 =	vmul.f32 v37, v41;
	[tilespmem:s3+$0xFFFFFFA0] =	vst v9  }
0x19c: {  	v13 =	vmul.f32 v31, v13;
	[tilespmem:s6+$0xFFFFFF40] =	vst v15;
	v15 =	vld [tilespmem:s4+$0xFFFFFF90]  }
0x19d: {  	[tilespmem:s6+$0xC0] =	vst v45;
	v9 =	vld [tilespmem:s4+$0x80]  }
0x19e: {  	[tilespmem:s3+$0xFFFFFFF0] =	vst v13;
	v13 =	vld [tilespmem:s4+$0xD0];
	v22 =	vmul.f32 v23, v46  }
0x19f: {  	v12 =	vmul.f32 v32, v12  }
0x1a0: {  	v11 =	vmul.f32 v26, v11;
	v23 =	vperm.xlane v20, v4;
	[tilespmem:s6+$0xFFFFFEF0] =	vst v22  }
0x1a1: {  	[tilespmem:s3+$0x40] =	vst v12;
	v22 =	vperm.xlane v19, v4;
	v15 =	vmul.f32 v24, v15;
	v12 =	vld [tilespmem:s4+$0xFFFFFF00]  }
0x1a2: {  	v10 =	vmul.f32 v27, v10;
	[tilespmem:s6+$0xFFFFFFE0] =	vst v11;
	v24 =	vld [tilespmem:s4+$0xFFFFFF50]  }
0x1a3: {  	v11 =	vmul.f32 v23, v13;
	v13 =	vld [tilespmem:s4+$0xFFFFFFF0];
	v9 =	vmul.f32 v22, v9;
	[tilespmem:s6+$0xFFFFFF90] =	vst v15  }
0x1a4: {  	v7 =	vmul.f32 v25, v7;
	[tilespmem:s6+$0x30] =	vst v10;
	v15 =	vld [tilespmem:s4+$0xFFFFFFA0]  }
0x1a5: {  	v8 =	vmul.f32 v28, v8;
	v10 =	vperm.xlane v21, v5;
	v21 =	vld [tilespmem:s4+$0x40];
	[tilespmem:s6+$0x80] =	vst v9  }
0x1a6: {  	[tilespmem:s6+$0xD0] =	vst v11;
	v9 =	vperm.xlane v14, v5;
	v14 =	vld [tilespmem:s4+$0x90];
	v11 =	vnsel vm0, $0x0, v12;
	v12 =	vperm.xlane v16, v5  }
0x1a7: {  	[tilespmem:s3+$0x90] =	vst v7;
	v7 =	vnsel vm0, $0x0, v24;
	v16 =	vld [tilespmem:s4+$0xE0];
	v10 =	vmul.f32 v11, v10;
	v11 =	vperm.xlane v17, v5  }
0x1a8: {  	[tilespmem:s3+$0xE0] =	vst v8;
	v13 =	vnsel vm0, $0x0, v13;
	v7 =	vmul.f32 v7, v9  }
0x1a9: {  	v9 =	vperm.xlane v18, v5;
	v8 =	vnsel vm0, $0x0, v15;
	[tilespmem:s6+$0xFFFFFF00] =	vst v10;
	v11 =	vmul.f32 v13, v11  }
0x1aa: {  	v10 =	vperm.xlane v19, v5;
	[tilespmem:s6+$0xFFFFFF50] =	vst v7;
	v8 =	vmul.f32 v8, v12;
	v12 =	vnsel vm0, $0x0, v21  }
0x1ab: {  	v7 =	vperm.xlane v20, v5;
	v13 =	vnsel vm0, $0x0, v14;
	v9 =	vmul.f32 v12, v9;
	[tilespmem:s6+$0xFFFFFFF0] =	vst v11  }
0x1ac: {  	s1 =	smul.u32 $0x3C0, s2;
	v10 =	vmul.f32 v13, v10;
	[tilespmem:s6+$0xFFFFFFA0] =	vst v8;
	v8 =	vnsel vm0, $0x0, v16  }
0x1ad: {  	v7 =	vmul.f32 v8, v7;
	[tilespmem:s6+$0x40] =	vst v9  }
0x1ae: {  	p1 =	seq.s32 s2, $0x29;
	s3 =	sshra.s32 s1, $0x2;
	[tilespmem:s6+$0x90] =	vst v10  }
0x1af: {  	s1 =	sadd.s32 $0x2710, s3;
	s4 =	smul.u32 @!p1 $0xF0, s2;
	[tilespmem:s6+$0xE0] =	vst v7  }
0x1b0: {  	[spmem:s11] =	stream.indirect.scatter.add.f32 [tilespmem:s9], [sflag:$0x8], $0x50, s1, s17, $0xb8;
	[tilespmem:$0x1CF30] =	vst v63  }
0x1b1: {  	s5 =	simm.s32 @!p1 $0x50;
	s6 =	simm.s32 @!p1 $0x4E20;
	s1 =	sadd.s32 @!p1 $0xF0, s4  }
0x1b2: {  	[tilespmem:s6], [sflag:$0x2] =	stream.indirect.gather @!p1 [hbm4b:s15+s5], $0x50, s1, s5, $0xb8;
	[tilespmem:$0x1CF30] =	vst v63  }
0x1b3: {  	s1 =	sadd.s32 @!p1 $0x2800, s4;
	s4 =	simm.s32 @!p1 $0x9920  }
0x1b4: {  	[tilespmem:s4], [sflag:$0x5] =	stream.indirect.gather @!p1 [hbm4b:s16+s5], $0x10, s1, s5, $0xb8;
	[tilespmem:$0x1CF30] =	vst v63  }
0x1b5: {  	_ =	swait.ge [sflag:s22], $0x1900  }
0x1b6: {  	[sflag:s22] =	ssyncset.done $0x0  }
0x1b7: {  	[sflag:s22] =	ssyncadd.s32 $0xFFFFE700  }
0x1b8: {  	_ =	swait.ge [sflag:s23], $0x500  }
0x1b9: {  	[sflag:s23] =	ssyncset.done $0x0  }
0x1ba: {  	s1 =	simm.s32 @!p0 $0x9;
	[sflag:s23] =	ssyncadd.s32 $0xFFFFFB00  }
0x1bb: {  	_ =	swait.ge @!p0 [sflag:s1], $0x1900  }
0x1bc: {  	[sflag:s1] =	ssyncset.done @!p0 $0x0  }
0x1bd: {  	s4 =	simm.s32 $0x6990;
	[sflag:s1] =	ssyncadd.s32 @!p0 $0xFFFFE700  }
0x1be: {  	s26 =	simm.s32 $0x9E90;
	v7 =	vld [tilespmem:s4+$0xFFFFFE30]  }
0x1bf: {  	v8 =	vld [tilespmem:s26+$0xFFFFFFB0]  }
0x1c0: {  	v10 =	vld [tilespmem:s4+$0xFFFFFFC0]  }
0x1c1: {  	v11 =	vld [tilespmem:s4+$0xFFFFFF70]  }
0x1c2: {  	v9 =	vld [tilespmem:s26+$0x0]  }
0x1c3: {  	v12 =	vld [tilespmem:s26+$0xFFFFFFF0]  }
0x1c4: {  	v14 =	vld [tilespmem:s4+$0xFFFFFF20]  }
0x1c5: {  	v13 =	vld [tilespmem:s26+$0xFFFFFFE0];
	v8 =	vadd.f32 v8, v7;
	_ =	sdelay $0x1  }
0x1c6: {  	v15 =	vmul.f32 $2.000000030e-01, v8  }
0x1c7: {  	v12 =	vadd.f32 v12, v11  }
0x1c8: {  	v16 =	vld [tilespmem:s26+$0xFFFFFFA0];
	v9 =	vadd.f32 v9, v10;
	v8 =	vmax.f32 v8, v15  }
0x1c9: {  	v18 =	vld [tilespmem:s4+$0xFFFFFE80];
	v13 =	vadd.f32 v13, v14;
	v17 =	vmul.f32 $2.000000030e-01, v12;
	v8 =	vsub.f32 v8, v6  }
0x1ca: {  	v19 =	vmul.f32 $2.000000030e-01, v9;
	v15 =	vld [tilespmem:s26+$0xFFFFFFC0]  }
0x1cb: {  	v20 =	vld [tilespmem:s4+$0xFFFFFDE0];
	v12 =	vmax.f32 v12, v17;
	v17 =	vmul.f32 $2.000000030e-01, v13;
	v8 =	vmul.f32 $1.442695020e+00, v8  }
0x1cc: {  	v9 =	vmax.f32 v9, v19;
	v12 =	vsub.f32 v12, v6  }
0x1cd: {  	v22 =	vld [tilespmem:s4+$0xFFFFFED0];
	v9 =	vsub.f32 v9, v6;
	v13 =	vmax.f32 v13, v17;
	(erf) = vpow2.f32 v8  }
0x1ce: {  	v12 =	vmul.f32 $1.442695020e+00, v12;
	v13 =	vsub.f32 v13, v6;
	v8 =	vld [tilespmem:s26+$0xFFFFFFD0]  }
0x1cf: {  	v9 =	vmul.f32 $1.442695020e+00, v9;
	v15 =	vadd.f32 v15, v18  }
0x1d0: {  	(erf) = vpow2.f32 v12;
	v12 =	vmul.f32 $1.442695020e+00, v13;
	v13 =	vadd.f32 v16, v20  }
0x1d1: {  	(erf) = vpow2.f32 v9;
	v9 =	vmul.f32 $2.000000030e-01, v15  }
0x1d2: {  	(erf) = vpow2.f32 v12;
	v12 =	vmul.f32 $2.000000030e-01, v13  }
0x1d3: {  	v8 =	vadd.f32 v8, v22  }
0x1d4: {  	v9 =	vmax.f32 v15, v9  }
0x1d5: {  	v9 =	vsub.f32 v9, v6;
	v13 =	vmax.f32 v13, v12;
	v15 =	vmul.f32 $2.000000030e-01, v8  }
0x1d6: {  	v13 =	vsub.f32 v13, v6;
	v12 =	vpop (erf)  }
0x1d7: {  	v17 =	vld [tilespmem:s26+$0xFFFFFF90];
	v8 =	vmax.f32 v8, v15;
	v15 =	vmul.f32 $1.442695020e+00, v9;
	v9 =	vperm.xlane v12, v1  }
0x1d8: {  	v7 =	vsel vm0, $0x3F800000, v7;
	v16 =	vld [tilespmem:s4+$0xFFFFFD90];
	v8 =	vsub.f32 v8, v6  }
0x1d9: {  	v19 =	vmul.f32 $1.442695020e+00, v13;
	v9 =	vmul.f32 v9, v7  }
0x1da: {  	v13 =	vpop (erf);
	v8 =	vmul.f32 $1.442695020e+00, v8  }
0x1db: {  	s5 =	simm.s32 $0xC390;
	(erf) = vpow2.f32 v19;
	v19 =	vperm.xlane v13, v1  }
0x1dc: {  	v7 =	vpop (erf);
	[tilespmem:s5+$0xFFFFFE30] =	vst v9;
	(erf) = vpow2.f32 v8;
	v8 =	vsel vm0, $0x3F800000, v11  }
0x1dd: {  	v17 =	vadd.f32 v17, v16;
	v11 =	vld [tilespmem:s4+$0xFFFFFE40];
	v8 =	vmul.f32 v19, v8;
	v9 =	vpop (erf)  }
0x1de: {  	(erf) = vpow2.f32 v15;
	v15 =	vperm.xlane v9, v1  }
0x1df: {  	v14 =	vsel vm0, $0x3F800000, v14;
	v21 =	vmul.f32 $2.000000030e-01, v17  }
0x1e0: {  	[tilespmem:s5+$0xFFFFFF70] =	vst v8;
	v8 =	vperm.xlane v12, v2;
	v14 =	vmul.f32 v15, v14  }
0x1e1: {  	v17 =	vmax.f32 v17, v21;
	v19 =	vperm.xlane v7, v1  }
0x1e2: {  	v10 =	vsel vm0, $0x3F800000, v10;
	v15 =	vsub.f32 v17, v6;
	v8 =	vmul.f32 v8, v11;
	[tilespmem:s5+$0xFFFFFF20] =	vst v14  }
0x1e3: {  	s28 =	simm.s32 $0x9F10;
	v10 =	vmul.f32 v19, v10;
	v11 =	vld [tilespmem:s4+$0xFFFFFF30]  }
0x1e4: {  	v24 =	vld [tilespmem:s28+$0xFFFFFFB0];
	v14 =	vmul.f32 $1.442695020e+00, v15  }
0x1e5: {  	v50 =	vld [tilespmem:s28+$0x0];
	v17 =	vpop (erf)  }
0x1e6: {  	s6 =	simm.s32 $0x6C10;
	v19 =	vld [tilespmem:s4+$0xFFFFFF80];
	v15 =	vperm.xlane v9, v2;
	[tilespmem:s5+$0xFFFFFE40] =	vst v8;
	(erf) = vpow2.f32 v14;
	v8 =	vpop (erf)  }
0x1e7: {  	v34 =	vld [tilespmem:s6+$0xFFFFFF20];
	[tilespmem:s5+$0xFFFFFFC0] =	vst v10;
	v28 =	vperm.xlane v17, v1;
	v10 =	vpop (erf)  }
0x1e8: {  	v20 =	vsel vm0, $0x3F800000, v20;
	v14 =	vld [tilespmem:s4+$0xFFFFFE50];
	v26 =	vperm.xlane v10, v1;
	v11 =	vmul.f32 v15, v11  }
0x1e9: {  	v56 =	vld [tilespmem:s28+$0xFFFFFFE0];
	v29 =	vsel vm0, $0x3F800000, v18;
	v27 =	vperm.xlane v13, v2;
	v20 =	vmul.f32 v28, v20  }
0x1ea: {  	v21 =	vld [tilespmem:s6+$0xFFFFFE30];
	[tilespmem:s5+$0xFFFFFF30] =	vst v11;
	v11 =	vmul.f32 v26, v29  }
0x1eb: {  	v18 =	vld [tilespmem:s6+$0xFFFFFF70];
	v30 =	vperm.xlane v12, v3;
	v19 =	vmul.f32 v27, v19;
	[tilespmem:s5+$0xFFFFFDE0] =	vst v20  }
0x1ec: {  	v23 =	vld [tilespmem:s4+$0xFFFFFFD0];
	[tilespmem:s5+$0xFFFFFE80] =	vst v11;
	v11 =	vsel vm0, $0x3F800000, v22  }
0x1ed: {  	v27 =	vld [tilespmem:s4+$0xFFFFFDF0];
	[tilespmem:s5+$0xFFFFFF80] =	vst v19;
	v14 =	vmul.f32 v30, v14;
	v29 =	vperm.xlane v8, v1  }
0x1ee: {  	v38 =	vadd.f32 v56, v34;
	v47 =	vld [tilespmem:s4+$0xFFFFFF90]  }
0x1ef: {  	v15 =	vld [tilespmem:s6+$0xFFFFFFC0];
	[tilespmem:s5+$0xFFFFFE50] =	vst v14;
	v14 =	vadd.f32 v24, v21;
	v22 =	vmul.f32 v29, v11;
	v11 =	vpop (erf)  }
0x1f0: {  	v45 =	vmul.f32 $2.000000030e-01, v38;
	v30 =	vld [tilespmem:s28+$0xFFFFFFC0];
	v24 =	vperm.xlane v11, v1  }
0x1f1: {  	v16 =	vsel vm0, $0x3F800000, v16;
	v31 =	vperm.xlane v12, v4;
	v20 =	vld [tilespmem:s4+$0xFFFFFE90];
	v48 =	vmul.f32 $2.000000030e-01, v14  }
0x1f2: {  	v26 =	vperm.xlane v7, v2;
	v16 =	vmul.f32 v24, v16;
	v24 =	vld [tilespmem:s28+$0xFFFFFFF0]  }
0x1f3: {  	v52 =	vperm.xlane v13, v4;
	v49 =	vperm.xlane v9, v3;
	v19 =	vld [tilespmem:s4+$0xFFFFFE60];
	v14 =	vmax.f32 v14, v48  }
0x1f4: {  	v23 =	vmul.f32 v26, v23;
	v26 =	vperm.xlane v13, v3;
	[tilespmem:s5+$0xFFFFFED0] =	vst v22;
	v22 =	vsub.f32 v14, v6;
	v14 =	vld [tilespmem:s6+$0xFFFFFE80]  }
0x1f5: {  	v25 =	vld [tilespmem:s28+$0xFFFFFFA0];
	v35 =	vperm.xlane v17, v2;
	v29 =	vperm.xlane v10, v2  }
0x1f6: {  	v44 =	vld [tilespmem:s6+$0xFFFFFED0];
	v59 =	vperm.xlane v17, v3;
	v26 =	vmul.f32 v26, v47  }
0x1f7: {  	v29 =	vmul.f32 v29, v20;
	v20 =	vld [tilespmem:s4+$0xFFFFFEE0];
	[tilespmem:s5+$0xFFFFFD90] =	vst v16;
	v16 =	vmul.f32 v35, v27;
	v24 =	vadd.f32 v24, v18  }
0x1f8: {  	v51 =	vperm.xlane v8, v2;
	v28 =	vld [tilespmem:s4+$0xFFFFFF40];
	[tilespmem:s5+$0xFFFFFF90] =	vst v26;
	v26 =	vadd.f32 v50, v15;
	v53 =	vmul.f32 $1.442695020e+00, v22  }
0x1f9: {  	v27 =	vmul.f32 v31, v19;
	v19 =	vld [tilespmem:s6+$0xFFFFFDE0];
	v30 =	vadd.f32 v30, v14;
	[tilespmem:s5+$0xFFFFFDF0] =	vst v16;
	v16 =	vmul.f32 $2.000000030e-01, v24  }
0x1fa: {  	v57 =	vperm.xlane v8, v3;
	v61 =	vmul.f32 $2.000000030e-01, v26;
	v31 =	vld [tilespmem:s4+$0xFFFFFDA0]  }
0x1fb: {  	(erf) = vpow2.f32 v53;
	v58 =	vld [tilespmem:s4+$0xFFFFFE00];
	v16 =	vmax.f32 v24, v16;
	v24 =	vmul.f32 $2.000000030e-01, v30  }
0x1fc: {  	v55 =	vmul.f32 v51, v20;
	v20 =	vperm.xlane v12, v5;
	v12 =	vld [tilespmem:s4+$0xFFFFFFA0];
	v60 =	vsub.f32 v16, v6  }
0x1fd: {  	v37 =	vperm.xlane v10, v3;
	v54 =	vperm.xlane v11, v2;
	v24 =	vmax.f32 v30, v24;
	v30 =	vld [tilespmem:s28+$0xFFFFFFD0]  }
0x1fe: {  	v28 =	vmul.f32 v49, v28;
	v26 =	vmax.f32 v26, v61;
	v36 =	vmul.f32 $1.442695020e+00, v60  }
0x1ff: {  	v26 =	vsub.f32 v26, v6;
	v25 =	vadd.f32 v25, v19;
	v31 =	vmul.f32 v54, v31  }
0x200: {  	v38 =	vmax.f32 v38, v45;
	v22 =	vperm.xlane v9, v4;
	(erf) = vpow2.f32 v36  }
0x201: {  	v41 =	vld [tilespmem:s6+$0xFFFFFD90];
	v26 =	vmul.f32 $1.442695020e+00, v26;
	v62 =	vmul.f32 $2.000000030e-01, v25;
	[tilespmem:s5+$0xFFFFFDA0] =	vst v31;
	v31 =	vsub.f32 v38, v6  }
0x202: {  	v32 =	vmul.f32 v59, v58;
	v33 =	vmul.f32 v52, v12;
	v47 =	vld [tilespmem:s4+$0xFFFFFDB0];
	v30 =	vadd.f32 v30, v44  }
0x203: {  	v63 =	vld [tilespmem:s28+$0xFFFFFF90];
	[tilespmem:s5+$0xFFFFFEE0] =	vst v55;
	(erf) = vpow2.f32 v26;
	v26 =	vmul.f32 $1.442695020e+00, v31  }
0x204: {  	v46 =	vld [tilespmem:s4+$0xFFFFFEF0];
	v52 =	vperm.xlane v13, v5;
	v49 =	vmul.f32 $2.000000030e-01, v30  }
0x205: {  	v21 =	vsel vm0, $0x3F800000, v21;
	[tilespmem:s5+$0xFFFFFF40] =	vst v28;
	v12 =	vpop (erf);
	(erf) = vpow2.f32 v26;
	v26 =	vperm.xlane v11, v3  }
0x206: {  	[tilespmem:s5+$0xFFFFFE90] =	vst v29;
	v25 =	vmax.f32 v25, v62;
	v50 =	vperm.xlane v12, v1;
	v13 =	vmax.f32 v30, v49  }
0x207: {  	[tilespmem:s5+$0xFFFFFE60] =	vst v27;
	v55 =	vperm.xlane v17, v4;
	v25 =	vsub.f32 v25, v6;
	v30 =	vmul.f32 v26, v47  }
0x208: {  	v53 =	vld [tilespmem:s4+$0xFFFFFEA0];
	[tilespmem:s5+$0xFFFFFE00] =	vst v32;
	v26 =	vperm.xlane v17, v5;
	v17 =	vmul.f32 v50, v21;
	v54 =	vsub.f32 v13, v6  }
0x209: {  	[tilespmem:s5+$0xFFFFFFA0] =	vst v33;
	v33 =	vld [tilespmem:s4+$0xFFFFFF50];
	v48 =	vmul.f32 v57, v46;
	v25 =	vmul.f32 $1.442695020e+00, v25;
	v31 =	vadd.f32 v63, v41;
	v13 =	vpop (erf)  }
0x20a: {  	v29 =	vld [tilespmem:s4+$0xFFFFFE10];
	[tilespmem:s5+$0xFFFFFDB0] =	vst v30;
	v30 =	vmul.f32 $1.442695020e+00, v54;
	v21 =	vperm.xlane v13, v1  }
0x20b: {  	s8 =	simm.s32 $0xC610;
	v18 =	vsel vm0, $0x3F800000, v18;
	v27 =	vld [tilespmem:s4+$0xFFFFFFB0];
	[tilespmem:s5+$0xFFFFFEF0] =	vst v48;
	v51 =	vmul.f32 $2.000000030e-01, v31;
	(erf) = vpow2.f32 v25  }
0x20c: {  	v24 =	vsub.f32 v24, v6;
	v56 =	vld [tilespmem:s4+$0xFFFFFF00];
	[tilespmem:s8+$0xFFFFFE30] =	vst v17;
	v17 =	vpop (erf);
	(erf) = vpow2.f32 v30;
	v18 =	vmul.f32 v21, v18  }
0x20d: {  	v57 =	vld [tilespmem:s4+$0xFFFFFE70];
	v30 =	vmul.f32 v37, v53;
	v59 =	vperm.xlane v17, v1  }
0x20e: {  	v15 =	vsel vm0, $0x3F800000, v15;
	v16 =	vperm.xlane v7, v3;
	v24 =	vmul.f32 $1.442695020e+00, v24;
	v28 =	vld [tilespmem:s4+$0xFFFFFDC0]  }
0x20f: {  	v25 =	vmax.f32 v31, v51;
	v58 =	vld [tilespmem:s6+$0xFFFFFE40];
	v21 =	vperm.xlane v8, v4;
	[tilespmem:s5+$0xFFFFFEA0] =	vst v30;
	v15 =	vmul.f32 v59, v15  }
0x210: {  	v31 =	vsub.f32 v25, v6;
	(erf) = vpow2.f32 v24;
	v24 =	vmul.f32 v55, v29;
	[tilespmem:s8+$0xFFFFFF70] =	vst v18;
	v25 =	vld [tilespmem:s4+$0xFFFFFEB0];
	v18 =	vpop (erf)  }
0x211: {  	v27 =	vnsel vm0, $0x0, v27;
	v21 =	vmul.f32 v21, v56;
	v60 =	vld [tilespmem:s6+$0xFFFFFF80];
	[tilespmem:s8+$0xFFFFFFC0] =	vst v15;
	v30 =	vperm.xlane v18, v1  }
0x212: {  	v34 =	vsel vm0, $0x3F800000, v34;
	v38 =	vperm.xlane v11, v4;
	v27 =	vmul.f32 v27, v52;
	[tilespmem:s5+$0xFFFFFE10] =	vst v24;
	v35 =	vld [tilespmem:s6+$0xFFFFFFD0]  }
0x213: {  	v29 =	vperm.xlane v12, v2;
	[tilespmem:s5+$0xFFFFFF00] =	vst v21;
	v61 =	vmul.f32 v30, v34;
	v34 =	vld [tilespmem:s4+$0xFFFFFE20]  }
0x214: {  	[tilespmem:s5+$0xFFFFFFD0] =	vst v23;
	v23 =	vnsel vm0, $0x0, v57;
	v62 =	vperm.xlane v13, v2;
	v63 =	vmul.f32 $1.442695020e+00, v31;
	v21 =	vld [tilespmem:s4+$0xFFFFFF10]  }
0x215: {  	s25 =	simm.s32 $0x9F90;
	v37 =	vperm.xlane v10, v4;
	v24 =	vsel vm0, $0x3F800000, v41;
	v32 =	vmul.f32 v29, v58;
	v30 =	vld [tilespmem:s4+$0xFFFFFFE0];
	[tilespmem:s8+$0xFFFFFF20] =	vst v61  }
0x216: {  	s7 =	simm.s32 $0xC610;
	s1 =	simm.s32 $0x8;
	s26 =	simm.s32 $0x6E90;
	[tilespmem:s5+$0xFFFFFFB0] =	vst v27;
	v29 =	vsel vm0, $0x3F800000, v44;
	(erf) = vpow2.f32 v63;
	v15 =	vpop (erf);
	v31 =	vmul.f32 v62, v60;
	v36 =	vld [tilespmem:s6+$0xFFFFFF30]  }
.LBB2_15:
0x217: {  	v27 =	vld [tilespmem:s26+$0xFFFFFE30];
	s1 =	sadd.s32 $0x8, s1;
	[tilespmem:s8+$0xFFFFFE40] =	vst v32;
	v32 =	vpop (erf);
	v28 =	vmul.f32 v38, v28;
	v22 =	vmul.f32 v22, v33  }
0x218: {  	v38 =	vperm.xlane v17, v2;
	v25 =	vmul.f32 v37, v25;
	p2 =	slt.u32 s1, $0x48;
	v33 =	vld [tilespmem:s6+$0xFFFFFE50];
	v34 =	vnsel vm0, $0x0, v34  }
0x219: {  	v40 =	vperm.xlane v18, v2;
	v39 =	vperm.xlane v32, v1;
	v37 =	vld [tilespmem:s25+$0xFFFFFFB0];
	v41 =	vpop (erf);
	[tilespmem:s5+$0xFFFFFDC0] =	vst v28  }
0x21a: {  	v28 =	vperm.xlane v12, v3;
	v35 =	vmul.f32 v38, v35;
	v38 =	vld [tilespmem:s4+$0xFFFFFDD0];
	[tilespmem:s5+$0xFFFFFEB0] =	vst v25  }
0x21b: {  	v42 =	vld [tilespmem:s25+$0xFFFFFFA0];
	v36 =	vmul.f32 v40, v36;
	v40 =	vperm.xlane v13, v3;
	[tilespmem:s5+$0xFFFFFF50] =	vst v22  }
0x21c: {  	v19 =	vsel vm0, $0x3F800000, v19;
	v43 =	vperm.xlane v41, v1;
	v22 =	vperm.xlane v15, v1;
	[tilespmem:s8+$0xFFFFFFD0] =	vst v35;
	v35 =	vld [tilespmem:s4+$0xFFFFFEC0]  }
0x21d: {  	v14 =	vsel vm0, $0x3F800000, v14;
	v29 =	vmul.f32 v39, v29;
	v25 =	vld [tilespmem:s26+$0xFFFFFFC0];
	v44 =	vmul.f32 v28, v33;
	[tilespmem:s8+$0xFFFFFF30] =	vst v36  }
0x21e: {  	v14 =	vmul.f32 v43, v14;
	v19 =	vmul.f32 v22, v19;
	v28 =	vld [tilespmem:s26+$0xFFFFFF70]  }
0x21f: {  	v20 =	vmul.f32 v23, v20;
	v26 =	vmul.f32 v34, v26;
	[tilespmem:s8+$0xFFFFFE50] =	vst v44;
	v22 =	vld [tilespmem:s6+$0xFFFFFF40];
	v33 =	vpop (erf);
	v36 =	vnsel vm0, $0x0, v38  }
0x220: {  	v23 =	vld [tilespmem:s25+$0xFFFFFFC0];
	v34 =	vperm.xlane v33, v1;
	[tilespmem:s8+$0xFFFFFE80] =	vst v14;
	v14 =	vperm.xlane v41, v2  }
0x221: {  	v39 =	vperm.xlane v18, v3;
	[tilespmem:s8+$0xFFFFFDE0] =	vst v19;
	v19 =	vperm.xlane v12, v4;
	v38 =	vld [tilespmem:s6+$0xFFFFFE90];
	v35 =	vnsel vm0, $0x0, v35  }
0x222: {  	v44 =	vperm.xlane v15, v2;
	v43 =	vld [tilespmem:s6+$0xFFFFFDF0];
	[tilespmem:s8+$0xFFFFFF80] =	vst v31;
	v31 =	vperm.xlane v11, v5;
	v11 =	vmov v33  }
0x223: {  	v45 =	vperm.xlane v13, v4;
	v33 =	vadd.f32 v37, v27;
	v37 =	vld [tilespmem:s6+$0xFFFFFE60];
	[tilespmem:s8+$0xFFFFFED0] =	vst v29;
	v29 =	vperm.xlane v32, v2  }
0x224: {  	v24 =	vmul.f32 v34, v24;
	v34 =	vld [tilespmem:s6+$0xFFFFFF90];
	[tilespmem:s5+$0xFFFFFE20] =	vst v26;
	v26 =	vperm.xlane v10, v5;
	v10 =	vmov v41  }
0x225: {  	v41 =	vmul.f32 $2.000000030e-01, v33;
	v31 =	vmul.f32 v36, v31;
	v46 =	vld [tilespmem:s25+$0x0];
	[tilespmem:s5+$0xFFFFFE70] =	vst v20  }
0x226: {  	v16 =	vmul.f32 v16, v30;
	v20 =	vmul.f32 v14, v38;
	v36 =	vld [tilespmem:s6+$0xFFFFFEE0]  }
0x227: {  	v30 =	vmax.f32 v33, v41;
	v14 =	vld [tilespmem:s26+$0xFFFFFE80];
	[tilespmem:s8+$0xFFFFFD90] =	vst v24;
	v24 =	vmul.f32 v35, v26;
	v26 =	vperm.xlane v7, v5  }
0x228: {  	v30 =	vsub.f32 v30, v6;
	v35 =	vmul.f32 v44, v43;
	v33 =	vld [tilespmem:s6+$0xFFFFFDA0];
	v19 =	vmul.f32 v19, v37;
	[tilespmem:s5+$0xFFFFFFE0] =	vst v16  }
0x229: {  	v37 =	vmul.f32 v39, v22;
	v22 =	vperm.xlane v18, v4;
	v16 =	vld [tilespmem:s25+$0xFFFFFFF0];
	[tilespmem:s5+$0xFFFFFDD0] =	vst v31  }
0x22a: {  	v30 =	vmul.f32 $1.442695020e+00, v30;
	v31 =	vmul.f32 v40, v34;
	[tilespmem:s8+$0xFFFFFE60] =	vst v19;
	v34 =	vld [tilespmem:s4+$0xFFFFFF60]  }
0x22b: {  	v38 =	vperm.xlane v11, v2;
	v19 =	vld [tilespmem:s26+$0xFFFFFDE0];
	[tilespmem:s8+$0xFFFFFDF0] =	vst v35;
	v35 =	vperm.xlane v7, v4;
	v7 =	vmov v17  }
0x22c: {  	v17 =	vadd.f32 v23, v14;
	(erf) = vpow2.f32 v30;
	v39 =	vld [tilespmem:s6+$0xFFFFFE00];
	v23 =	vmul.f32 v29, v36;
	[tilespmem:s8+$0xFFFFFF90] =	vst v31  }
0x22d: {  	v31 =	vperm.xlane v10, v3;
	v36 =	vperm.xlane v32, v3;
	v29 =	vld [tilespmem:s6+$0xFFFFFE70];
	[tilespmem:s5+$0xFFFFFEC0] =	vst v24  }
0x22e: {  	v24 =	vmul.f32 v38, v33;
	v33 =	vperm.xlane v8, v5;
	v8 =	vmov v32;
	v40 =	vld [tilespmem:s26+$0xFFFFFD90];
	[tilespmem:s8+$0xFFFFFEE0] =	vst v23  }
0x22f: {  	v41 =	vperm.xlane v9, v5;
	v38 =	vperm.xlane v15, v3;
	v32 =	vadd.f32 v16, v28;
	[tilespmem:s8+$0xFFFFFE90] =	vst v20;
	v43 =	vld [tilespmem:s4+$0xFFFFFFF0]  }
0x230: {  	v9 =	vmovc v18;
	v44 =	vadd.f32 v46, v25;
	v23 =	vmul.f32 $2.000000030e-01, v17;
	v20 =	vperm.xlane v12, v5;
	v30 =	vld [tilespmem:s26+$0xFFFFFF20];
	[tilespmem:s8+$0xFFFFFDA0] =	vst v24  }
0x231: {  	v16 =	vperm.xlane v7, v3;
	v18 =	vadd.f32 v42, v19;
	v12 =	vmul.f32 $2.000000030e-01, v32;
	v24 =	vld [tilespmem:s25+$0xFFFFFFE0];
	[tilespmem:s8+$0xFFFFFF40] =	vst v37  }
0x232: {  	v17 =	vmax.f32 v17, v23;
	s8 =	sadd.s32 $0x280, s8;
	v37 =	vld [tilespmem:s25+$0xFFFFFF90];
	v23 =	vnsel vm0, $0x0, v29;
	v29 =	vnsel vm0, $0x0, v34  }
0x233: {  	v17 =	vsub.f32 v17, v6;
	v47 =	vmax.f32 v32, v12;
	v32 =	vmul.f32 $2.000000030e-01, v44;
	v34 =	vld [tilespmem:s6+$0xFFFFFFA0]  }
0x234: {  	v42 =	vmul.f32 $2.000000030e-01, v18;
	v46 =	vsub.f32 v47, v6;
	v29 =	vmul.f32 v29, v41  }
0x235: {  	v38 =	vmul.f32 v38, v39;
	v32 =	vmax.f32 v44, v32;
	v35 =	vmul.f32 v35, v43;
	v41 =	vld [tilespmem:s26+$0xFFFFFED0];
	v12 =	vpop (erf)  }
0x236: {  	v39 =	vmul.f32 $1.442695020e+00, v17;
	v32 =	vsub.f32 v32, v6;
	v17 =	vld [tilespmem:s25+$0xFFFFFFD0];
	v43 =	vadd.f32 v24, v30;
	[tilespmem:s5+$0xFFFFFF60] =	vst v29  }
0x237: {  	v18 =	vmax.f32 v18, v42;
	v24 =	vsel vm0, $0x3F800000, v40;
	v29 =	vmul.f32 $1.442695020e+00, v46;
	v42 =	vld [tilespmem:s6+$0xFFFFFEF0];
	[tilespmem:s5+$0xFFFFFFF0] =	vst v35  }
0x238: {  	v18 =	vsub.f32 v18, v6;
	v35 =	vadd.f32 v37, v40;
	v37 =	vmul.f32 $2.000000030e-01, v43;
	[tilespmem:s7+$0xFFFFFE00] =	vst v38;
	v38 =	vld [tilespmem:s4+$0x0];
	s4 =	smov.u32 s6;
	s6 =	smov.u32 s26  }
0x239: {  	v21 =	vnsel vm0, $0x0, v21;
	v34 =	vmul.f32 v45, v34;
	(erf) = vpow2.f32 v29;
	v40 =	vld [tilespmem:s4+$0xFFFFFE10]  }
0x23a: {  	v21 =	vmul.f32 v21, v33;
	v32 =	vmul.f32 $1.442695020e+00, v32;
	v37 =	vmax.f32 v43, v37  }
0x23b: {  	v18 =	vmul.f32 $1.442695020e+00, v18;
	v29 =	vsel vm0, $0x3F800000, v41;
	v33 =	vsub.f32 v37, v6;
	v37 =	vld [tilespmem:s4+$0xFFFFFDB0];
	[tilespmem:s7+$0xFFFFFFA0] =	vst v34  }
0x23c: {  	v34 =	vperm.xlane v12, v1;
	v17 =	vadd.f32 v17, v41;
	(erf) = vpow2.f32 v32;
	v32 =	vld [tilespmem:s4+$0xFFFFFFB0]  }
0x23d: {  	v36 =	vmul.f32 v36, v42;
	v33 =	vmul.f32 $1.442695020e+00, v33;
	[tilespmem:s5+$0xFFFFFF10] =	vst v21;
	v21 =	vnsel vm0, $0x0, v38  }
0x23e: {  	v38 =	vmul.f32 $2.000000030e-01, v17;
	v21 =	vmul.f32 v21, v26  }
0x23f: {  	v26 =	vperm.xlane v11, v3;
	(erf) = vpow2.f32 v33;
	[tilespmem:s7+$0xFFFFFEF0] =	vst v36  }
0x240: {  	v27 =	vsel vm0, $0x3F800000, v27;
	v33 =	vmul.f32 $2.000000030e-01, v35;
	v36 =	vperm.xlane v13, v5;
	[tilespmem:s5+$0x0] =	vst v21;
	s5 =	smov.u32 s7;
	s7 =	smov.u32 s8  }
0x241: {  	v38 =	vmax.f32 v17, v38;
	v17 =	vmul.f32 v26, v37;
	v26 =	vperm.xlane v15, v5;
	v21 =	vld [tilespmem:s4+$0xFFFFFEA0]  }
0x242: {  	v15 =	vperm.xlane v15, v4;
	v33 =	vmax.f32 v35, v33;
	v35 =	vsub.f32 v38, v6;
	v13 =	vpop (erf);
	v37 =	vld [tilespmem:s4+$0xFFFFFF00]  }
0x243: {  	v27 =	vmul.f32 v34, v27;
	v38 =	vsub.f32 v33, v6;
	v33 =	vperm.xlane v13, v1;
	[tilespmem:s5+$0xFFFFFDB0] =	vst v17  }
0x244: {  	v34 =	vmul.f32 $1.442695020e+00, v35;
	v35 =	vsel vm0, $0x3F800000, v28;
	(erf) = vpow2.f32 v18;
	v28 =	vld [tilespmem:s4+$0xFFFFFDC0]  }
0x245: {  	v32 =	vnsel vm0, $0x0, v32;
	[tilespmem:s8+$0xFFFFFE30] =	vst v27;
	v35 =	vmul.f32 v33, v35;
	v17 =	vpop (erf);
	v27 =	vperm.xlane v8, v4  }
0x246: {  	(erf) = vpow2.f32 v34;
	v21 =	vmul.f32 v31, v21;
	v33 =	vld [tilespmem:s4+$0xFFFFFF50]  }
0x247: {  	v34 =	vperm.xlane v17, v1;
	v31 =	vld [tilespmem:s26+$0xFFFFFE40];
	[tilespmem:s8+$0xFFFFFF70] =	vst v35;
	v27 =	vmul.f32 v27, v37  }
0x248: {  	v15 =	vmul.f32 v15, v40;
	v41 =	vld [tilespmem:s26+$0xFFFFFF80];
	(erf) = vpow2.f32 v39;
	v18 =	vpop (erf);
	[tilespmem:s5+$0xFFFFFEA0] =	vst v21  }
0x249: {  	v35 =	vperm.xlane v12, v2;
	v21 =	vsel vm0, $0x3F800000, v25;
	v37 =	vperm.xlane v18, v1;
	v25 =	vld [tilespmem:s4+$0xFFFFFEB0];
	[tilespmem:s5+$0xFFFFFF00] =	vst v27  }
.Ltmp8:
0x24a: {  	v39 =	vmul.f32 v32, v36;
	v27 =	vsel vm0, $0x3F800000, v30;
	v30 =	vmul.f32 v34, v21;
	[tilespmem:s5+$0xFFFFFE10] =	vst v15;
	v21 =	vld [tilespmem:s4+$0xFFFFFF10];
	(pc) =	sbr.rel @p2 .LBB2_15-.Ltmp8, $4  }
0x24b: {  	v36 =	vmul.f32 v37, v27;
	v27 =	vperm.xlane v13, v2;
	v34 =	vld [tilespmem:s4+$0xFFFFFE20]  }
0x24c: {  	v40 =	vmul.f32 $1.442695020e+00, v38;
	v37 =	vperm.xlane v10, v4;
	[tilespmem:s8+$0xFFFFFFC0] =	vst v30;
	v30 =	vld [tilespmem:s4+$0xFFFFFFE0]  }
0x24d: {  	v38 =	vperm.xlane v11, v4;
	v32 =	vmul.f32 v35, v31;
	[tilespmem:s8+$0xFFFFFF20] =	vst v36;
	v35 =	vld [tilespmem:s26+$0xFFFFFFD0];
	v15 =	vpop (erf)  }
0x24e: {  	s25 =	sadd.s32 $0x80, s25;
	v31 =	vmul.f32 v27, v41;
	s26 =	sadd.s32 $0x280, s26;
	v36 =	vld [tilespmem:s6+$0xFFFFFF30];
	(erf) = vpow2.f32 v40;
	[tilespmem:s5+$0xFFFFFFB0] =	vst v39  }
0x24f: {  	_ =	sdelay $0x2  }
0x250: {  	[tilespmem:s8+$0xFFFFFE40] =	vst v32;
	v27 =	vmul.f32 v38, v28  }
0x251: {  	v46 =	vperm.xlane v17, v2;
	v37 =	vmul.f32 v37, v25;
	v25 =	vpop (erf);
	[tilespmem:s8+$0xFFFFFF80] =	vst v31  }
0x252: {  	v33 =	vmul.f32 v22, v33;
	v51 =	vperm.xlane v15, v1;
	v14 =	vsel vm0, $0x3F800000, v14;
	[tilespmem:s5+$0xFFFFFDC0] =	vst v27;
	v22 =	vpop (erf)  }
0x253: {  	v19 =	vsel vm0, $0x3F800000, v19;
	v62 =	vmul.f32 v23, v20;
	[tilespmem:s5+$0xFFFFFEB0] =	vst v37;
	v50 =	vperm.xlane v22, v1  }
0x254: {  	v54 =	vperm.xlane v25, v1;
	[tilespmem:s5+$0xFFFFFF50] =	vst v33;
	v19 =	vmul.f32 v51, v19  }
0x255: {  	v45 =	vld [tilespmem:s6+$0xFFFFFE50];
	v16 =	vmul.f32 v16, v30;
	[tilespmem:s5+$0xFFFFFE70] =	vst v62;
	v52 =	vmul.f32 v50, v14;
	v14 =	vpop (erf)  }
0x256: {  	v32 =	vmul.f32 v46, v35;
	v55 =	vld [tilespmem:s4+$0xFFFFFDD0];
	[tilespmem:s8+$0xFFFFFDE0] =	vst v19;
	v53 =	vperm.xlane v14, v1  }
0x257: {  	v56 =	vld [tilespmem:s4+$0xFFFFFEC0];
	v59 =	vmul.f32 v54, v29;
	[tilespmem:s5+$0xFFFFFFE0] =	vst v16  }
0x258: {  	v47 =	vperm.xlane v18, v2;
	v44 =	vld [tilespmem:s4+$0xFFFFFF60];
	[tilespmem:s8+$0xFFFFFFD0] =	vst v32;
	v57 =	vmul.f32 v53, v24  }
0x259: {  	v48 =	vperm.xlane v12, v3;
	v11 =	vperm.xlane v11, v5;
	v60 =	vld [tilespmem:s6+$0xFFFFFDF0];
	[tilespmem:s8+$0xFFFFFED0] =	vst v59  }
0x25a: {  	v10 =	vperm.xlane v10, v5;
	v49 =	vmul.f32 v47, v36;
	[tilespmem:s8+$0xFFFFFD90] =	vst v57  }
0x25b: {  	v58 =	vnsel vm0, $0x0, v34;
	v27 =	vmul.f32 v48, v45;
	[tilespmem:s8+$0xFFFFFE80] =	vst v52;
	v33 =	vnsel vm0, $0x0, v55;
	v63 =	vld [tilespmem:s6+$0xFFFFFDA0]  }
0x25c: {  	v35 =	vperm.xlane v15, v2;
	[tilespmem:s8+$0xFFFFFF30] =	vst v49;
	v34 =	vld [tilespmem:s6+$0xFFFFFE90];
	v28 =	vnsel vm0, $0x0, v56;
	v11 =	vmul.f32 v33, v11  }
0x25d: {  	v9 =	vperm.xlane v9, v5;
	[tilespmem:s8+$0xFFFFFE50] =	vst v27;
	v10 =	vmul.f32 v28, v10  }
0x25e: {  	v38 =	vld [tilespmem:s6+$0xFFFFFEE0];
	v62 =	vnsel vm0, $0x0, v44;
	v40 =	vperm.xlane v14, v2;
	v39 =	vmul.f32 v35, v60;
	[tilespmem:s5+$0xFFFFFDD0] =	vst v11  }
0x25f: {  	v37 =	vld [tilespmem:s6+$0xFFFFFF90];
	v42 =	vperm.xlane v22, v2;
	v9 =	vmul.f32 v62, v9;
	[tilespmem:s5+$0xFFFFFEC0] =	vst v10  }
0x260: {  	v48 =	vld [tilespmem:s4+$0xFFFFFFF0];
	[tilespmem:s8+$0xFFFFFDF0] =	vst v39;
	v16 =	vmul.f32 v40, v63  }
0x261: {  	v45 =	vperm.xlane v25, v2;
	[tilespmem:s5+$0xFFFFFF60] =	vst v9;
	v46 =	vmul.f32 v42, v34;
	v47 =	vld [tilespmem:s6+$0xFFFFFE00]  }
0x262: {  	v43 =	vperm.xlane v13, v3;
	v61 =	vld [tilespmem:s6+$0xFFFFFE60];
	v24 =	vmul.f32 v58, v26;
	[tilespmem:s8+$0xFFFFFDA0] =	vst v16  }
0x263: {  	v52 =	vperm.xlane v7, v4;
	v19 =	vmul.f32 v45, v38;
	[tilespmem:s8+$0xFFFFFE90] =	vst v46;
	v50 =	vld [tilespmem:s6+$0xFFFFFDB0]  }
0x264: {  	v51 =	vperm.xlane v15, v3;
	v11 =	vmul.f32 v43, v37;
	[tilespmem:s5+$0xFFFFFE20] =	vst v24;
	v23 =	vld [tilespmem:s6+$0xFFFFFEA0]  }
0x265: {  	v36 =	vperm.xlane v12, v4;
	v41 =	vld [tilespmem:s6+$0xFFFFFF40];
	[tilespmem:s8+$0xFFFFFEE0] =	vst v19;
	v57 =	vmul.f32 v52, v48  }
0x266: {  	v55 =	vperm.xlane v14, v3;
	[tilespmem:s8+$0xFFFFFF90] =	vst v11;
	v54 =	vld [tilespmem:s6+$0xFFFFFEF0];
	v53 =	vmul.f32 v51, v47  }
0x267: {  	v56 =	vperm.xlane v22, v3;
	v58 =	vld [tilespmem:s6+$0xFFFFFFE0];
	v24 =	vmul.f32 v36, v61;
	[tilespmem:s5+$0xFFFFFFF0] =	vst v57  }
0x268: {  	v49 =	vperm.xlane v18, v3;
	v59 =	vld [tilespmem:s6+$0xFFFFFFA0];
	[tilespmem:s7+$0xFFFFFE00] =	vst v53;
	v60 =	vmul.f32 v55, v50  }
0x269: {  	v61 =	vperm.xlane v25, v3;
	[tilespmem:s8+$0xFFFFFE60] =	vst v24;
	v63 =	vld [tilespmem:s6+$0xFFFFFE10];
	v23 =	vmul.f32 v56, v23  }
0x26a: {  	v29 =	vperm.xlane v17, v3;
	v30 =	vld [tilespmem:s4+$0x0];
	v16 =	vmul.f32 v49, v41;
	[tilespmem:s7+$0xFFFFFDB0] =	vst v60  }
0x26b: {  	v31 =	vperm.xlane v13, v4;
	v11 =	vmul.f32 v61, v54;
	[tilespmem:s7+$0xFFFFFEA0] =	vst v23;
	v32 =	vld [tilespmem:s6+$0xFFFFFDC0]  }
0x26c: {  	v33 =	vperm.xlane v15, v4;
	v24 =	vmul.f32 v29, v58;
	[tilespmem:s8+$0xFFFFFF40] =	vst v16;
	v23 =	vld [tilespmem:s6+$0xFFFFFEB0]  }
0x26d: {  	v8 =	vperm.xlane v8, v5;
	v10 =	vmul.f32 v31, v59;
	[tilespmem:s7+$0xFFFFFEF0] =	vst v11;
	v34 =	vld [tilespmem:s6+$0xFFFFFF50]  }
0x26e: {  	v21 =	vnsel vm0, $0x0, v21;
	v36 =	vperm.xlane v14, v4;
	[tilespmem:s7+$0xFFFFFFE0] =	vst v24;
	v35 =	vld [tilespmem:s6+$0xFFFFFF00];
	v9 =	vmul.f32 v33, v63  }
0x26f: {  	v8 =	vmul.f32 v21, v8;
	v37 =	vperm.xlane v22, v4;
	v38 =	vld [tilespmem:s6+$0xFFFFFFF0];
	[tilespmem:s7+$0xFFFFFFA0] =	vst v10  }
0x270: {  	v39 =	vperm.xlane v18, v4;
	v40 =	vld [tilespmem:s6+$0xFFFFFFB0];
	[tilespmem:s7+$0xFFFFFE10] =	vst v9;
	v41 =	vmul.f32 v36, v32  }
0x271: {  	[tilespmem:s5+$0xFFFFFF10] =	vst v8;
	v8 =	vperm.xlane v25, v4;
	v42 =	vld [tilespmem:s6+$0xFFFFFE20];
	v10 =	vmul.f32 v37, v23  }
0x272: {  	v44 =	vperm.xlane v17, v4;
	v43 =	vld [tilespmem:s6+$0xFFFFFE70];
	v11 =	vmul.f32 v39, v34;
	[tilespmem:s7+$0xFFFFFDC0] =	vst v41  }
0x273: {  	v7 =	vperm.xlane v7, v5;
	v8 =	vmul.f32 v8, v35;
	[tilespmem:s7+$0xFFFFFEB0] =	vst v10;
	v45 =	vld [tilespmem:s6+$0xFFFFFDD0]  }
0x274: {  	v47 =	vperm.xlane v13, v5;
	v46 =	vnsel vm0, $0x0, v30;
	v9 =	vmul.f32 v44, v38;
	[tilespmem:s7+$0xFFFFFF50] =	vst v11;
	v48 =	vld [tilespmem:s6+$0xFFFFFEC0]  }
0x275: {  	v49 =	vperm.xlane v15, v5;
	v7 =	vmul.f32 v46, v7;
	v50 =	vnsel vm0, $0x0, v40;
	[tilespmem:s7+$0xFFFFFF00] =	vst v8;
	v8 =	vld [tilespmem:s6+$0xFFFFFF60]  }
0x276: {  	v51 =	vperm.xlane v12, v5;
	v13 =	vmul.f32 v50, v47;
	v52 =	vld [tilespmem:s6+$0xFFFFFF10];
	[tilespmem:s7+$0xFFFFFFF0] =	vst v9;
	v53 =	vnsel vm0, $0x0, v42  }
0x277: {  	v54 =	vnsel vm0, $0x0, v43;
	[tilespmem:s5+$0x0] =	vst v7;
	v55 =	vperm.xlane v14, v5;
	v56 =	vld [tilespmem:s6+$0x0];
	v7 =	vmul.f32 v53, v49  }
0x278: {  	v58 =	vperm.xlane v22, v5;
	[tilespmem:s7+$0xFFFFFFB0] =	vst v13;
	v9 =	vmul.f32 v54, v51;
	v57 =	vnsel vm0, $0x0, v45  }
0x279: {  	v59 =	vperm.xlane v18, v5;
	v11 =	vnsel vm0, $0x0, v48;
	[tilespmem:s7+$0xFFFFFE20] =	vst v7;
	v7 =	vmul.f32 v57, v55  }
0x27a: {  	v61 =	vperm.xlane v25, v5;
	[tilespmem:s7+$0xFFFFFE70] =	vst v9;
	v8 =	vnsel vm0, $0x0, v8;
	v60 =	vmul.f32 v11, v58  }
0x27b: {  	v62 =	vperm.xlane v17, v5;
	[tilespmem:s7+$0xFFFFFDD0] =	vst v7;
	v7 =	vmul.f32 v8, v59;
	v8 =	vnsel vm0, $0x0, v52  }
.Ltmp9:
0x27c: {  	v63 =	vnsel vm0, $0x0, v56;
	[tilespmem:s7+$0xFFFFFEC0] =	vst v60;
	v8 =	vmul.f32 v8, v61;
	(pc) =	sbr.rel @p1 .LBB2_20-.Ltmp9, $4  }
0x27d: {  	[tilespmem:s7+$0xFFFFFF60] =	vst v7;
	v7 =	vmul.f32 v63, v62  }
0x27e: {  	[tilespmem:s7+$0xFFFFFF10] =	vst v8  }
0x27f: {  	s1 =	sadd.s32 $0x2760, s3;
	[tilespmem:s7+$0x0] =	vst v7  }
0x280: {  	[spmem:s11] =	stream.indirect.scatter.add.f32 [tilespmem:s24], [sflag:$0x9], $0x50, s1, s17, $0xb8;
	[tilespmem:$0x1CF30] =	vst v63  }
0x281: {  	s4 =	smul.u32 $0xF0, s2;
	_ =	sdelay $0x1  }
0x282: {  	s1 =	sadd.s32 $0x140, s4  }
0x283: {  	[tilespmem:s18], [sflag:$0x3] =	stream.indirect.gather [hbm4b:s15+s17], $0x50, s1, s17, $0xb8;
	[tilespmem:$0x1CF30] =	vst v63  }
0x284: {  	s8 =	sadd.s32 $0x2850, s4  }
0x285: {  	[tilespmem:s19], [sflag:$0x6] =	stream.indirect.gather [hbm4b:s16+s17], $0x10, s8, s17, $0xb8;
	[tilespmem:$0x1CF30] =	vst v63  }
0x286: {  	_ =	swait.ge [sflag:s30], $0x1900  }
0x287: {  	[sflag:s30] =	ssyncset.done $0x0  }
0x288: {  	[sflag:s30] =	ssyncadd.s32 $0xFFFFE700  }
0x289: {  	_ =	swait.ge [sflag:s31], $0x500  }
0x28a: {  	[sflag:s31] =	ssyncset.done $0x0  }
0x28b: {  	s1 =	simm.s32 @!p0 $0xA;
	[sflag:s31] =	ssyncadd.s32 $0xFFFFFB00  }
0x28c: {  	_ =	swait.ge @!p0 [sflag:s1], $0x1900  }
0x28d: {  	[sflag:s1] =	ssyncset.done @!p0 $0x0  }
0x28e: {  	s5 =	simm.s32 $0x8290;
	[sflag:s1] =	ssyncadd.s32 @!p0 $0xFFFFE700  }
0x28f: {  	s25 =	simm.s32 $0xA390;
	v7 =	vld [tilespmem:s5+$0xFFFFFE30]  }
0x290: {  	v8 =	vld [tilespmem:s25+$0xFFFFFFB0]  }
0x291: {  	v10 =	vld [tilespmem:s5+$0xFFFFFFC0]  }
0x292: {  	v11 =	vld [tilespmem:s5+$0xFFFFFF70]  }
0x293: {  	v9 =	vld [tilespmem:s25+$0x0]  }
0x294: {  	v12 =	vld [tilespmem:s25+$0xFFFFFFF0]  }
0x295: {  	v14 =	vld [tilespmem:s5+$0xFFFFFF20]  }
0x296: {  	v13 =	vld [tilespmem:s25+$0xFFFFFFE0];
	v8 =	vadd.f32 v8, v7;
	_ =	sdelay $0x1  }
0x297: {  	v15 =	vmul.f32 $2.000000030e-01, v8  }
0x298: {  	v12 =	vadd.f32 v12, v11  }
0x299: {  	v16 =	vld [tilespmem:s25+$0xFFFFFFA0];
	v9 =	vadd.f32 v9, v10;
	v8 =	vmax.f32 v8, v15  }
0x29a: {  	v18 =	vld [tilespmem:s5+$0xFFFFFE80];
	v13 =	vadd.f32 v13, v14;
	v17 =	vmul.f32 $2.000000030e-01, v12;
	v8 =	vsub.f32 v8, v6  }
0x29b: {  	v19 =	vmul.f32 $2.000000030e-01, v9;
	v15 =	vld [tilespmem:s25+$0xFFFFFFC0]  }
0x29c: {  	v20 =	vld [tilespmem:s5+$0xFFFFFDE0];
	v12 =	vmax.f32 v12, v17;
	v17 =	vmul.f32 $2.000000030e-01, v13;
	v8 =	vmul.f32 $1.442695020e+00, v8  }
0x29d: {  	v9 =	vmax.f32 v9, v19;
	v12 =	vsub.f32 v12, v6  }
0x29e: {  	v22 =	vld [tilespmem:s5+$0xFFFFFED0];
	v9 =	vsub.f32 v9, v6;
	v13 =	vmax.f32 v13, v17;
	(erf) = vpow2.f32 v8  }
0x29f: {  	v12 =	vmul.f32 $1.442695020e+00, v12;
	v13 =	vsub.f32 v13, v6;
	v8 =	vld [tilespmem:s25+$0xFFFFFFD0]  }
0x2a0: {  	v9 =	vmul.f32 $1.442695020e+00, v9;
	v15 =	vadd.f32 v15, v18  }
0x2a1: {  	(erf) = vpow2.f32 v12;
	v12 =	vmul.f32 $1.442695020e+00, v13;
	v13 =	vadd.f32 v16, v20  }
0x2a2: {  	(erf) = vpow2.f32 v9;
	v9 =	vmul.f32 $2.000000030e-01, v15  }
0x2a3: {  	(erf) = vpow2.f32 v12;
	v12 =	vmul.f32 $2.000000030e-01, v13  }
0x2a4: {  	v8 =	vadd.f32 v8, v22  }
0x2a5: {  	v9 =	vmax.f32 v15, v9  }
0x2a6: {  	v17 =	vld [tilespmem:s25+$0xFFFFFF90];
	v9 =	vsub.f32 v9, v6;
	v13 =	vmax.f32 v13, v12;
	v15 =	vmul.f32 $2.000000030e-01, v8  }
0x2a7: {  	v16 =	vld [tilespmem:s5+$0xFFFFFD90];
	v13 =	vsub.f32 v13, v6;
	v12 =	vpop (erf)  }
0x2a8: {  	v8 =	vmax.f32 v8, v15;
	v15 =	vmul.f32 $1.442695020e+00, v9;
	v9 =	vperm.xlane v12, v1  }
0x2a9: {  	v7 =	vsel vm0, $0x3F800000, v7;
	v8 =	vsub.f32 v8, v6  }
0x2aa: {  	v19 =	vmul.f32 $1.442695020e+00, v13;
	v9 =	vmul.f32 v9, v7  }
0x2ab: {  	v13 =	vpop (erf);
	v8 =	vmul.f32 $1.442695020e+00, v8  }
0x2ac: {  	s6 =	simm.s32 $0xDC90;
	v17 =	vadd.f32 v17, v16;
	(erf) = vpow2.f32 v19;
	v19 =	vperm.xlane v13, v1  }
0x2ad: {  	v7 =	vpop (erf);
	[tilespmem:s6+$0xFFFFFE30] =	vst v9;
	(erf) = vpow2.f32 v8;
	v8 =	vsel vm0, $0x3F800000, v11  }
0x2ae: {  	v21 =	vmul.f32 $2.000000030e-01, v17;
	v11 =	vld [tilespmem:s5+$0xFFFFFE40];
	v8 =	vmul.f32 v19, v8;
	v9 =	vpop (erf)  }
0x2af: {  	(erf) = vpow2.f32 v15;
	v15 =	vperm.xlane v9, v1  }
0x2b0: {  	v14 =	vsel vm0, $0x3F800000, v14  }
0x2b1: {  	v17 =	vmax.f32 v17, v21;
	[tilespmem:s6+$0xFFFFFF70] =	vst v8;
	v8 =	vperm.xlane v12, v2;
	v14 =	vmul.f32 v15, v14  }
0x2b2: {  	v19 =	vperm.xlane v7, v1;
	v15 =	vsub.f32 v17, v6  }
0x2b3: {  	v10 =	vsel vm0, $0x3F800000, v10;
	v8 =	vmul.f32 v8, v11;
	[tilespmem:s6+$0xFFFFFF20] =	vst v14  }
0x2b4: {  	v10 =	vmul.f32 v19, v10;
	v14 =	vmul.f32 $1.442695020e+00, v15;
	v11 =	vld [tilespmem:s5+$0xFFFFFF30]  }
0x2b5: {  	s26 =	simm.s32 $0xA410  }
0x2b6: {  	s7 =	simm.s32 $0x8510;
	v37 =	vld [tilespmem:s26+$0xFFFFFFF0];
	v17 =	vpop (erf);
	(erf) = vpow2.f32 v14  }
0x2b7: {  	v28 =	vsel vm0, $0x3F800000, v18;
	v18 =	vld [tilespmem:s7+$0xFFFFFF70];
	v15 =	vperm.xlane v9, v2;
	[tilespmem:s6+$0xFFFFFE40] =	vst v8;
	v8 =	vpop (erf)  }
0x2b8: {  	[tilespmem:s6+$0xFFFFFFC0] =	vst v10;
	v27 =	vperm.xlane v17, v1;
	v14 =	vld [tilespmem:s5+$0xFFFFFE50];
	v10 =	vpop (erf)  }
0x2b9: {  	v19 =	vld [tilespmem:s5+$0xFFFFFF80];
	v26 =	vperm.xlane v10, v1;
	v11 =	vmul.f32 v15, v11  }
0x2ba: {  	v24 =	vld [tilespmem:s26+$0xFFFFFFB0];
	v20 =	vsel vm0, $0x3F800000, v20;
	v29 =	vperm.xlane v12, v3  }
0x2bb: {  	v35 =	vld [tilespmem:s26+$0x0];
	v20 =	vmul.f32 v27, v20;
	[tilespmem:s6+$0xFFFFFF30] =	vst v11;
	v11 =	vmul.f32 v26, v28  }
0x2bc: {  	v21 =	vld [tilespmem:s7+$0xFFFFFE30];
	v26 =	vperm.xlane v13, v2  }
0x2bd: {  	v58 =	vadd.f32 v37, v18;
	v23 =	vld [tilespmem:s5+$0xFFFFFFD0];
	[tilespmem:s6+$0xFFFFFDE0] =	vst v20;
	v14 =	vmul.f32 v29, v14  }
0x2be: {  	v30 =	vld [tilespmem:s5+$0xFFFFFDF0];
	v19 =	vmul.f32 v26, v19;
	v26 =	vperm.xlane v8, v1  }
0x2bf: {  	v22 =	vsel vm0, $0x3F800000, v22;
	v60 =	vmul.f32 $2.000000030e-01, v58;
	v31 =	vperm.xlane v12, v4;
	v15 =	vld [tilespmem:s7+$0xFFFFFFC0];
	[tilespmem:s6+$0xFFFFFE80] =	vst v11;
	v11 =	vpop (erf)  }
0x2c0: {  	[tilespmem:s6+$0xFFFFFE50] =	vst v14;
	v20 =	vld [tilespmem:s5+$0xFFFFFE90];
	v14 =	vmul.f32 v26, v22;
	v22 =	vperm.xlane v11, v1  }
0x2c1: {  	v16 =	vsel vm0, $0x3F800000, v16;
	v39 =	vperm.xlane v13, v4;
	v53 =	vperm.xlane v13, v5;
	v29 =	vld [tilespmem:s26+$0xFFFFFFC0]  }
0x2c2: {  	v33 =	vperm.xlane v9, v3;
	[tilespmem:s6+$0xFFFFFF80] =	vst v19;
	v19 =	vadd.f32 v24, v21;
	v24 =	vld [tilespmem:s5+$0xFFFFFE60];
	v16 =	vmul.f32 v22, v16  }
0x2c3: {  	v36 =	vperm.xlane v17, v2;
	v26 =	vperm.xlane v10, v2;
	v32 =	vld [tilespmem:s5+$0xFFFFFF90];
	[tilespmem:s6+$0xFFFFFED0] =	vst v14  }
0x2c4: {  	v63 =	vperm.xlane v17, v3;
	v28 =	vperm.xlane v7, v2;
	v14 =	vld [tilespmem:s7+$0xFFFFFE80];
	[tilespmem:s6+$0xFFFFFD90] =	vst v16  }
0x2c5: {  	v26 =	vmul.f32 v26, v20;
	v20 =	vmul.f32 v36, v30;
	v30 =	vld [tilespmem:s5+$0xFFFFFDA0]  }
0x2c6: {  	v25 =	vld [tilespmem:s26+$0xFFFFFFA0];
	v57 =	vperm.xlane v17, v4;
	v34 =	vmul.f32 $2.000000030e-01, v19  }
0x2c7: {  	v59 =	vld [tilespmem:s26+$0xFFFFFFE0];
	v23 =	vmul.f32 v28, v23;
	v28 =	vperm.xlane v13, v3  }
0x2c8: {  	v27 =	vld [tilespmem:s5+$0xFFFFFF40];
	v19 =	vmax.f32 v19, v34;
	v24 =	vmul.f32 v31, v24;
	v31 =	vperm.xlane v11, v2  }
0x2c9: {  	v38 =	vperm.xlane v8, v2;
	v40 =	vld [tilespmem:s5+$0xFFFFFEE0];
	v16 =	vsub.f32 v19, v6;
	v28 =	vmul.f32 v28, v32  }
0x2ca: {  	v34 =	vld [tilespmem:s7+$0xFFFFFF20];
	[tilespmem:s6+$0xFFFFFDF0] =	vst v20;
	v20 =	vadd.f32 v29, v14;
	v30 =	vmul.f32 v31, v30;
	v31 =	vadd.f32 v35, v15  }
0x2cb: {  	v62 =	vperm.xlane v8, v3;
	v19 =	vld [tilespmem:s7+$0xFFFFFDE0];
	v16 =	vmul.f32 $1.442695020e+00, v16  }
0x2cc: {  	v32 =	vmax.f32 v58, v60;
	[tilespmem:s6+$0xFFFFFF90] =	vst v28;
	v28 =	vmul.f32 $2.000000030e-01, v20;
	v45 =	vmul.f32 $2.000000030e-01, v31  }
0x2cd: {  	v43 =	vld [tilespmem:s7+$0xFFFFFED0];
	v27 =	vmul.f32 v33, v27;
	v32 =	vsub.f32 v32, v6;
	(erf) = vpow2.f32 v16  }
0x2ce: {  	v28 =	vmax.f32 v20, v28;
	v20 =	vperm.xlane v12, v5;
	v12 =	vmax.f32 v31, v45;
	v31 =	vld [tilespmem:s26+$0xFFFFFFD0]  }
0x2cf: {  	v61 =	vld [tilespmem:s5+$0xFFFFFE00];
	v16 =	vmul.f32 v38, v40;
	v33 =	vadd.f32 v59, v34;
	v32 =	vmul.f32 $1.442695020e+00, v32  }
0x2d0: {  	v22 =	vperm.xlane v9, v4;
	[tilespmem:s6+$0xFFFFFE90] =	vst v26;
	v26 =	vperm.xlane v17, v5;
	v25 =	vadd.f32 v25, v19  }
0x2d1: {  	v41 =	vld [tilespmem:s5+$0xFFFFFFA0];
	[tilespmem:s6+$0xFFFFFEE0] =	vst v16;
	v16 =	vmul.f32 $2.000000030e-01, v33;
	(erf) = vpow2.f32 v32  }
0x2d2: {  	v29 =	vperm.xlane v10, v3;
	v42 =	vmul.f32 $2.000000030e-01, v25;
	v28 =	vsub.f32 v28, v6  }
0x2d3: {  	v33 =	vmax.f32 v33, v16;
	v12 =	vsub.f32 v12, v6;
	v31 =	vadd.f32 v31, v43  }
0x2d4: {  	v36 =	vmul.f32 v63, v61;
	v47 =	vld [tilespmem:s5+$0xFFFFFEF0];
	[tilespmem:s6+$0xFFFFFDA0] =	vst v30;
	v30 =	vmul.f32 $1.442695020e+00, v28;
	v28 =	vsub.f32 v33, v6  }
0x2d5: {  	v49 =	vld [tilespmem:s5+$0xFFFFFDB0];
	v12 =	vmul.f32 $1.442695020e+00, v12;
	v50 =	vmul.f32 $2.000000030e-01, v31  }
0x2d6: {  	v46 =	vld [tilespmem:s26+$0xFFFFFF90];
	v25 =	vmax.f32 v25, v42;
	v48 =	vmul.f32 v39, v41;
	v28 =	vmul.f32 $1.442695020e+00, v28  }
0x2d7: {  	v35 =	vld [tilespmem:s7+$0xFFFFFD90];
	v25 =	vsub.f32 v25, v6;
	(erf) = vpow2.f32 v12;
	v13 =	vmax.f32 v31, v50  }
0x2d8: {  	[tilespmem:s6+$0xFFFFFF40] =	vst v27;
	(erf) = vpow2.f32 v28;
	v28 =	vperm.xlane v11, v3  }
0x2d9: {  	v21 =	vsel vm0, $0x3F800000, v21;
	[tilespmem:s6+$0xFFFFFE60] =	vst v24;
	v25 =	vmul.f32 $1.442695020e+00, v25;
	v32 =	vmul.f32 v62, v47;
	v12 =	vpop (erf);
	v31 =	vld [tilespmem:s5+$0xFFFFFEA0]  }
0x2da: {  	v56 =	vld [tilespmem:s5+$0xFFFFFE70];
	[tilespmem:s6+$0xFFFFFE00] =	vst v36;
	v51 =	vperm.xlane v12, v1;
	v28 =	vmul.f32 v28, v49;
	v54 =	vsub.f32 v13, v6;
	v13 =	vpop (erf)  }
0x2db: {  	v17 =	vsel vm0, $0x3F800000, v18;
	v36 =	vld [tilespmem:s5+$0xFFFFFE10];
	[tilespmem:s6+$0xFFFFFEF0] =	vst v32;
	(erf) = vpow2.f32 v25;
	v25 =	vperm.xlane v13, v1  }
0x2dc: {  	v38 =	vperm.xlane v11, v4;
	v37 =	vadd.f32 v46, v35;
	[tilespmem:s6+$0xFFFFFFA0] =	vst v48;
	v55 =	vld [tilespmem:s5+$0xFFFFFF00];
	v21 =	vmul.f32 v51, v21  }
0x2dd: {  	s1 =	simm.s32 $0xDF10;
	v24 =	vld [tilespmem:s5+$0xFFFFFFB0];
	[tilespmem:s6+$0xFFFFFDB0] =	vst v28;
	v33 =	vmul.f32 $1.442695020e+00, v54;
	v18 =	vmul.f32 v25, v17  }
0x2de: {  	v52 =	vmul.f32 $2.000000030e-01, v37;
	v28 =	vld [tilespmem:s5+$0xFFFFFDC0];
	[tilespmem:s1+$0xFFFFFE30] =	vst v21;
	v21 =	vmul.f32 v29, v31  }
0x2df: {  	v34 =	vsel vm0, $0x3F800000, v34;
	(erf) = vpow2.f32 v33;
	v33 =	vld [tilespmem:s5+$0xFFFFFF50];
	v25 =	vperm.xlane v8, v4  }
0x2e0: {  	v15 =	vsel vm0, $0x3F800000, v15;
	v29 =	vld [tilespmem:s7+$0xFFFFFE40];
	v17 =	vpop (erf);
	(erf) = vpow2.f32 v30;
	v30 =	vmul.f32 v57, v36;
	[tilespmem:s6+$0xFFFFFEA0] =	vst v21  }
0x2e1: {  	v27 =	vmax.f32 v37, v52;
	v31 =	vperm.xlane v17, v1;
	[tilespmem:s1+$0xFFFFFF70] =	vst v18;
	v58 =	vmul.f32 v25, v55;
	v25 =	vld [tilespmem:s5+$0xFFFFFEB0];
	v18 =	vpop (erf)  }
0x2e2: {  	[tilespmem:s6+$0xFFFFFFD0] =	vst v23;
	v16 =	vperm.xlane v7, v3;
	v27 =	vsub.f32 v27, v6;
	v59 =	vld [tilespmem:s7+$0xFFFFFF80];
	v61 =	vperm.xlane v18, v1  }
0x2e3: {  	v24 =	vnsel vm0, $0x0, v24;
	v60 =	vperm.xlane v12, v2;
	[tilespmem:s6+$0xFFFFFE10] =	vst v30;
	v30 =	vld [tilespmem:s5+$0xFFFFFFE0];
	v15 =	vmul.f32 v31, v15  }
0x2e4: {  	v62 =	vmul.f32 v24, v53;
	[tilespmem:s6+$0xFFFFFF00] =	vst v58;
	v31 =	vmul.f32 v61, v34;
	v34 =	vld [tilespmem:s5+$0xFFFFFE20]  }
0x2e5: {  	v23 =	vnsel vm0, $0x0, v56;
	v27 =	vmul.f32 $1.442695020e+00, v27;
	v63 =	vperm.xlane v13, v2;
	v21 =	vld [tilespmem:s5+$0xFFFFFF10];
	[tilespmem:s1+$0xFFFFFFC0] =	vst v15  }
0x2e6: {  	s28 =	simm.s32 $0x8790;
	v37 =	vperm.xlane v10, v4;
	v24 =	vsel vm0, $0x3F800000, v35;
	v32 =	vmul.f32 v60, v29;
	v35 =	vld [tilespmem:s7+$0xFFFFFFD0];
	[tilespmem:s1+$0xFFFFFF20] =	vst v31  }
0x2e7: {  	s8 =	simm.s32 $0xDF10;
	s25 =	simm.s32 $0x8;
	s26 =	simm.s32 $0xA490;
	[tilespmem:s6+$0xFFFFFFB0] =	vst v62;
	v29 =	vsel vm0, $0x3F800000, v43;
	v15 =	vpop (erf);
	(erf) = vpow2.f32 v27;
	v31 =	vmul.f32 v63, v59;
	v36 =	vld [tilespmem:s7+$0xFFFFFF30]  }
.LBB2_18:
0x2e8: {  	v27 =	vld [tilespmem:s28+$0xFFFFFE30];
	s25 =	sadd.s32 $0x8, s25;
	[tilespmem:s1+$0xFFFFFE40] =	vst v32;
	v32 =	vpop (erf);
	v28 =	vmul.f32 v38, v28;
	v22 =	vmul.f32 v22, v33  }
0x2e9: {  	v38 =	vperm.xlane v17, v2;
	v25 =	vmul.f32 v37, v25;
	p0 =	slt.u32 s25, $0x48;
	v33 =	vld [tilespmem:s7+$0xFFFFFE50];
	v34 =	vnsel vm0, $0x0, v34  }
0x2ea: {  	v40 =	vperm.xlane v18, v2;
	v39 =	vperm.xlane v32, v1;
	v37 =	vld [tilespmem:s26+$0xFFFFFFB0];
	v41 =	vpop (erf);
	[tilespmem:s6+$0xFFFFFDC0] =	vst v28  }
0x2eb: {  	v28 =	vperm.xlane v12, v3;
	v35 =	vmul.f32 v38, v35;
	v38 =	vld [tilespmem:s5+$0xFFFFFDD0];
	[tilespmem:s6+$0xFFFFFEB0] =	vst v25  }
0x2ec: {  	v42 =	vld [tilespmem:s26+$0xFFFFFFA0];
	v36 =	vmul.f32 v40, v36;
	v40 =	vperm.xlane v13, v3;
	[tilespmem:s6+$0xFFFFFF50] =	vst v22  }
0x2ed: {  	v19 =	vsel vm0, $0x3F800000, v19;
	v43 =	vperm.xlane v41, v1;
	v22 =	vperm.xlane v15, v1;
	[tilespmem:s1+$0xFFFFFFD0] =	vst v35;
	v35 =	vld [tilespmem:s5+$0xFFFFFEC0]  }
0x2ee: {  	v14 =	vsel vm0, $0x3F800000, v14;
	v29 =	vmul.f32 v39, v29;
	v25 =	vld [tilespmem:s28+$0xFFFFFFC0];
	v44 =	vmul.f32 v28, v33;
	[tilespmem:s1+$0xFFFFFF30] =	vst v36  }
0x2ef: {  	v14 =	vmul.f32 v43, v14;
	v19 =	vmul.f32 v22, v19;
	v28 =	vld [tilespmem:s28+$0xFFFFFF70]  }
0x2f0: {  	v20 =	vmul.f32 v23, v20;
	v26 =	vmul.f32 v34, v26;
	[tilespmem:s1+$0xFFFFFE50] =	vst v44;
	v22 =	vld [tilespmem:s7+$0xFFFFFF40];
	v33 =	vpop (erf);
	v36 =	vnsel vm0, $0x0, v38  }
0x2f1: {  	v23 =	vld [tilespmem:s26+$0xFFFFFFC0];
	v34 =	vperm.xlane v33, v1;
	[tilespmem:s1+$0xFFFFFE80] =	vst v14;
	v14 =	vperm.xlane v41, v2  }
0x2f2: {  	v39 =	vperm.xlane v18, v3;
	[tilespmem:s1+$0xFFFFFDE0] =	vst v19;
	v19 =	vperm.xlane v12, v4;
	v38 =	vld [tilespmem:s7+$0xFFFFFE90];
	v35 =	vnsel vm0, $0x0, v35  }
0x2f3: {  	v44 =	vperm.xlane v15, v2;
	v43 =	vld [tilespmem:s7+$0xFFFFFDF0];
	[tilespmem:s1+$0xFFFFFF80] =	vst v31;
	v31 =	vperm.xlane v11, v5;
	v11 =	vmov v33  }
0x2f4: {  	v45 =	vperm.xlane v13, v4;
	v33 =	vadd.f32 v37, v27;
	v37 =	vld [tilespmem:s7+$0xFFFFFE60];
	[tilespmem:s1+$0xFFFFFED0] =	vst v29;
	v29 =	vperm.xlane v32, v2  }
0x2f5: {  	v24 =	vmul.f32 v34, v24;
	v34 =	vld [tilespmem:s7+$0xFFFFFF90];
	[tilespmem:s6+$0xFFFFFE20] =	vst v26;
	v26 =	vperm.xlane v10, v5;
	v10 =	vmov v41  }
0x2f6: {  	v41 =	vmul.f32 $2.000000030e-01, v33;
	v31 =	vmul.f32 v36, v31;
	v46 =	vld [tilespmem:s26+$0x0];
	[tilespmem:s6+$0xFFFFFE70] =	vst v20  }
0x2f7: {  	v16 =	vmul.f32 v16, v30;
	v20 =	vmul.f32 v14, v38;
	v36 =	vld [tilespmem:s7+$0xFFFFFEE0]  }
0x2f8: {  	v30 =	vmax.f32 v33, v41;
	v14 =	vld [tilespmem:s28+$0xFFFFFE80];
	[tilespmem:s1+$0xFFFFFD90] =	vst v24;
	v24 =	vmul.f32 v35, v26;
	v26 =	vperm.xlane v7, v5  }
0x2f9: {  	v30 =	vsub.f32 v30, v6;
	v35 =	vmul.f32 v44, v43;
	v33 =	vld [tilespmem:s7+$0xFFFFFDA0];
	v19 =	vmul.f32 v19, v37;
	[tilespmem:s6+$0xFFFFFFE0] =	vst v16  }
0x2fa: {  	v37 =	vmul.f32 v39, v22;
	v22 =	vperm.xlane v18, v4;
	v16 =	vld [tilespmem:s26+$0xFFFFFFF0];
	[tilespmem:s6+$0xFFFFFDD0] =	vst v31  }
0x2fb: {  	v30 =	vmul.f32 $1.442695020e+00, v30;
	v31 =	vmul.f32 v40, v34;
	[tilespmem:s1+$0xFFFFFE60] =	vst v19;
	v34 =	vld [tilespmem:s5+$0xFFFFFF60]  }
0x2fc: {  	v38 =	vperm.xlane v11, v2;
	v19 =	vld [tilespmem:s28+$0xFFFFFDE0];
	[tilespmem:s1+$0xFFFFFDF0] =	vst v35;
	v35 =	vperm.xlane v7, v4;
	v7 =	vmov v17  }
0x2fd: {  	v17 =	vadd.f32 v23, v14;
	(erf) = vpow2.f32 v30;
	v39 =	vld [tilespmem:s7+$0xFFFFFE00];
	v23 =	vmul.f32 v29, v36;
	[tilespmem:s1+$0xFFFFFF90] =	vst v31  }
0x2fe: {  	v31 =	vperm.xlane v10, v3;
	v36 =	vperm.xlane v32, v3;
	v29 =	vld [tilespmem:s7+$0xFFFFFE70];
	[tilespmem:s6+$0xFFFFFEC0] =	vst v24  }
0x2ff: {  	v24 =	vmul.f32 v38, v33;
	v33 =	vperm.xlane v8, v5;
	v8 =	vmov v32;
	v40 =	vld [tilespmem:s28+$0xFFFFFD90];
	[tilespmem:s1+$0xFFFFFEE0] =	vst v23  }
0x300: {  	v41 =	vperm.xlane v9, v5;
	v38 =	vperm.xlane v15, v3;
	v32 =	vadd.f32 v16, v28;
	[tilespmem:s1+$0xFFFFFE90] =	vst v20;
	v43 =	vld [tilespmem:s5+$0xFFFFFFF0]  }
0x301: {  	v9 =	vmovc v18;
	v44 =	vadd.f32 v46, v25;
	v23 =	vmul.f32 $2.000000030e-01, v17;
	v20 =	vperm.xlane v12, v5;
	v30 =	vld [tilespmem:s28+$0xFFFFFF20];
	[tilespmem:s1+$0xFFFFFDA0] =	vst v24  }
0x302: {  	v16 =	vperm.xlane v7, v3;
	v18 =	vadd.f32 v42, v19;
	v12 =	vmul.f32 $2.000000030e-01, v32;
	v24 =	vld [tilespmem:s26+$0xFFFFFFE0];
	[tilespmem:s1+$0xFFFFFF40] =	vst v37  }
0x303: {  	v17 =	vmax.f32 v17, v23;
	s1 =	sadd.s32 $0x280, s1;
	v37 =	vld [tilespmem:s26+$0xFFFFFF90];
	v23 =	vnsel vm0, $0x0, v29;
	v29 =	vnsel vm0, $0x0, v34  }
0x304: {  	v17 =	vsub.f32 v17, v6;
	v47 =	vmax.f32 v32, v12;
	v32 =	vmul.f32 $2.000000030e-01, v44;
	v34 =	vld [tilespmem:s7+$0xFFFFFFA0]  }
0x305: {  	v42 =	vmul.f32 $2.000000030e-01, v18;
	v46 =	vsub.f32 v47, v6;
	v29 =	vmul.f32 v29, v41  }
0x306: {  	v38 =	vmul.f32 v38, v39;
	v32 =	vmax.f32 v44, v32;
	v35 =	vmul.f32 v35, v43;
	v41 =	vld [tilespmem:s28+$0xFFFFFED0];
	v12 =	vpop (erf)  }
0x307: {  	v39 =	vmul.f32 $1.442695020e+00, v17;
	v32 =	vsub.f32 v32, v6;
	v17 =	vld [tilespmem:s26+$0xFFFFFFD0];
	v43 =	vadd.f32 v24, v30;
	[tilespmem:s6+$0xFFFFFF60] =	vst v29  }
0x308: {  	v18 =	vmax.f32 v18, v42;
	v24 =	vsel vm0, $0x3F800000, v40;
	v29 =	vmul.f32 $1.442695020e+00, v46;
	v42 =	vld [tilespmem:s7+$0xFFFFFEF0];
	[tilespmem:s6+$0xFFFFFFF0] =	vst v35  }
0x309: {  	v18 =	vsub.f32 v18, v6;
	v35 =	vadd.f32 v37, v40;
	v37 =	vmul.f32 $2.000000030e-01, v43;
	[tilespmem:s8+$0xFFFFFE00] =	vst v38;
	v38 =	vld [tilespmem:s5+$0x0];
	s5 =	smov.u32 s7;
	s7 =	smov.u32 s28  }
0x30a: {  	v21 =	vnsel vm0, $0x0, v21;
	v34 =	vmul.f32 v45, v34;
	(erf) = vpow2.f32 v29;
	v40 =	vld [tilespmem:s5+$0xFFFFFE10]  }
0x30b: {  	v21 =	vmul.f32 v21, v33;
	v32 =	vmul.f32 $1.442695020e+00, v32;
	v37 =	vmax.f32 v43, v37  }
0x30c: {  	v18 =	vmul.f32 $1.442695020e+00, v18;
	v29 =	vsel vm0, $0x3F800000, v41;
	v33 =	vsub.f32 v37, v6;
	v37 =	vld [tilespmem:s5+$0xFFFFFDB0];
	[tilespmem:s8+$0xFFFFFFA0] =	vst v34  }
0x30d: {  	v34 =	vperm.xlane v12, v1;
	v17 =	vadd.f32 v17, v41;
	(erf) = vpow2.f32 v32;
	v32 =	vld [tilespmem:s5+$0xFFFFFFB0]  }
0x30e: {  	v36 =	vmul.f32 v36, v42;
	v33 =	vmul.f32 $1.442695020e+00, v33;
	[tilespmem:s6+$0xFFFFFF10] =	vst v21;
	v21 =	vnsel vm0, $0x0, v38  }
0x30f: {  	v38 =	vmul.f32 $2.000000030e-01, v17;
	v21 =	vmul.f32 v21, v26  }
0x310: {  	v26 =	vperm.xlane v11, v3;
	(erf) = vpow2.f32 v33;
	[tilespmem:s8+$0xFFFFFEF0] =	vst v36  }
0x311: {  	v27 =	vsel vm0, $0x3F800000, v27;
	v33 =	vmul.f32 $2.000000030e-01, v35;
	v36 =	vperm.xlane v13, v5;
	[tilespmem:s6+$0x0] =	vst v21;
	s6 =	smov.u32 s8;
	s8 =	smov.u32 s1  }
0x312: {  	v38 =	vmax.f32 v17, v38;
	v17 =	vmul.f32 v26, v37;
	v26 =	vperm.xlane v15, v5;
	v21 =	vld [tilespmem:s5+$0xFFFFFEA0]  }
0x313: {  	v15 =	vperm.xlane v15, v4;
	v33 =	vmax.f32 v35, v33;
	v35 =	vsub.f32 v38, v6;
	v13 =	vpop (erf);
	v37 =	vld [tilespmem:s5+$0xFFFFFF00]  }
0x314: {  	v27 =	vmul.f32 v34, v27;
	v38 =	vsub.f32 v33, v6;
	v33 =	vperm.xlane v13, v1;
	[tilespmem:s6+$0xFFFFFDB0] =	vst v17  }
0x315: {  	v34 =	vmul.f32 $1.442695020e+00, v35;
	v35 =	vsel vm0, $0x3F800000, v28;
	(erf) = vpow2.f32 v18;
	v28 =	vld [tilespmem:s5+$0xFFFFFDC0]  }
0x316: {  	v32 =	vnsel vm0, $0x0, v32;
	[tilespmem:s1+$0xFFFFFE30] =	vst v27;
	v35 =	vmul.f32 v33, v35;
	v17 =	vpop (erf);
	v27 =	vperm.xlane v8, v4  }
0x317: {  	(erf) = vpow2.f32 v34;
	v21 =	vmul.f32 v31, v21;
	v33 =	vld [tilespmem:s5+$0xFFFFFF50]  }
0x318: {  	v34 =	vperm.xlane v17, v1;
	v31 =	vld [tilespmem:s28+$0xFFFFFE40];
	[tilespmem:s1+$0xFFFFFF70] =	vst v35;
	v27 =	vmul.f32 v27, v37  }
0x319: {  	v15 =	vmul.f32 v15, v40;
	v41 =	vld [tilespmem:s28+$0xFFFFFF80];
	(erf) = vpow2.f32 v39;
	v18 =	vpop (erf);
	[tilespmem:s6+$0xFFFFFEA0] =	vst v21  }
0x31a: {  	v35 =	vperm.xlane v12, v2;
	v21 =	vsel vm0, $0x3F800000, v25;
	v37 =	vperm.xlane v18, v1;
	v25 =	vld [tilespmem:s5+$0xFFFFFEB0];
	[tilespmem:s6+$0xFFFFFF00] =	vst v27  }
.Ltmp10:
0x31b: {  	v39 =	vmul.f32 v32, v36;
	v27 =	vsel vm0, $0x3F800000, v30;
	v30 =	vmul.f32 v34, v21;
	[tilespmem:s6+$0xFFFFFE10] =	vst v15;
	v21 =	vld [tilespmem:s5+$0xFFFFFF10];
	(pc) =	sbr.rel @p0 .LBB2_18-.Ltmp10, $4  }
0x31c: {  	v36 =	vmul.f32 v37, v27;
	v27 =	vperm.xlane v13, v2;
	v34 =	vld [tilespmem:s5+$0xFFFFFE20]  }
0x31d: {  	v40 =	vmul.f32 $1.442695020e+00, v38;
	v37 =	vperm.xlane v10, v4;
	[tilespmem:s1+$0xFFFFFFC0] =	vst v30;
	v30 =	vld [tilespmem:s5+$0xFFFFFFE0]  }
0x31e: {  	v38 =	vperm.xlane v11, v4;
	v32 =	vmul.f32 v35, v31;
	[tilespmem:s1+$0xFFFFFF20] =	vst v36;
	v35 =	vld [tilespmem:s28+$0xFFFFFFD0];
	v15 =	vpop (erf)  }
0x31f: {  	s26 =	sadd.s32 $0x80, s26;
	v31 =	vmul.f32 v27, v41;
	s28 =	sadd.s32 $0x280, s28;
	v36 =	vld [tilespmem:s7+$0xFFFFFF30];
	(erf) = vpow2.f32 v40;
	[tilespmem:s6+$0xFFFFFFB0] =	vst v39  }
0x320: {  	_ =	sdelay $0x2  }
0x321: {  	[tilespmem:s1+$0xFFFFFE40] =	vst v32;
	v27 =	vmul.f32 v38, v28  }
0x322: {  	v46 =	vperm.xlane v17, v2;
	v37 =	vmul.f32 v37, v25;
	v25 =	vpop (erf);
	[tilespmem:s1+$0xFFFFFF80] =	vst v31  }
0x323: {  	v33 =	vmul.f32 v22, v33;
	v51 =	vperm.xlane v15, v1;
	v14 =	vsel vm0, $0x3F800000, v14;
	[tilespmem:s6+$0xFFFFFDC0] =	vst v27;
	v22 =	vpop (erf)  }
0x324: {  	v19 =	vsel vm0, $0x3F800000, v19;
	v62 =	vmul.f32 v23, v20;
	[tilespmem:s6+$0xFFFFFEB0] =	vst v37;
	v50 =	vperm.xlane v22, v1  }
0x325: {  	v54 =	vperm.xlane v25, v1;
	[tilespmem:s6+$0xFFFFFF50] =	vst v33;
	v19 =	vmul.f32 v51, v19  }
0x326: {  	v45 =	vld [tilespmem:s7+$0xFFFFFE50];
	v16 =	vmul.f32 v16, v30;
	[tilespmem:s6+$0xFFFFFE70] =	vst v62;
	v52 =	vmul.f32 v50, v14;
	v14 =	vpop (erf)  }
0x327: {  	v32 =	vmul.f32 v46, v35;
	v55 =	vld [tilespmem:s5+$0xFFFFFDD0];
	[tilespmem:s1+$0xFFFFFDE0] =	vst v19;
	v53 =	vperm.xlane v14, v1  }
0x328: {  	v56 =	vld [tilespmem:s5+$0xFFFFFEC0];
	v59 =	vmul.f32 v54, v29;
	[tilespmem:s6+$0xFFFFFFE0] =	vst v16  }
0x329: {  	v47 =	vperm.xlane v18, v2;
	v44 =	vld [tilespmem:s5+$0xFFFFFF60];
	[tilespmem:s1+$0xFFFFFFD0] =	vst v32;
	v57 =	vmul.f32 v53, v24  }
0x32a: {  	v48 =	vperm.xlane v12, v3;
	v11 =	vperm.xlane v11, v5;
	v60 =	vld [tilespmem:s7+$0xFFFFFDF0];
	[tilespmem:s1+$0xFFFFFED0] =	vst v59  }
0x32b: {  	v10 =	vperm.xlane v10, v5;
	v49 =	vmul.f32 v47, v36;
	[tilespmem:s1+$0xFFFFFD90] =	vst v57  }
0x32c: {  	v58 =	vnsel vm0, $0x0, v34;
	v27 =	vmul.f32 v48, v45;
	[tilespmem:s1+$0xFFFFFE80] =	vst v52;
	v33 =	vnsel vm0, $0x0, v55;
	v63 =	vld [tilespmem:s7+$0xFFFFFDA0]  }
0x32d: {  	v35 =	vperm.xlane v15, v2;
	[tilespmem:s1+$0xFFFFFF30] =	vst v49;
	v34 =	vld [tilespmem:s7+$0xFFFFFE90];
	v28 =	vnsel vm0, $0x0, v56;
	v11 =	vmul.f32 v33, v11  }
0x32e: {  	v9 =	vperm.xlane v9, v5;
	[tilespmem:s1+$0xFFFFFE50] =	vst v27;
	v10 =	vmul.f32 v28, v10  }
0x32f: {  	v38 =	vld [tilespmem:s7+$0xFFFFFEE0];
	v62 =	vnsel vm0, $0x0, v44;
	v40 =	vperm.xlane v14, v2;
	v39 =	vmul.f32 v35, v60;
	[tilespmem:s6+$0xFFFFFDD0] =	vst v11  }
0x330: {  	v37 =	vld [tilespmem:s7+$0xFFFFFF90];
	v42 =	vperm.xlane v22, v2;
	v9 =	vmul.f32 v62, v9;
	[tilespmem:s6+$0xFFFFFEC0] =	vst v10  }
0x331: {  	v48 =	vld [tilespmem:s5+$0xFFFFFFF0];
	[tilespmem:s1+$0xFFFFFDF0] =	vst v39;
	v16 =	vmul.f32 v40, v63  }
0x332: {  	v45 =	vperm.xlane v25, v2;
	[tilespmem:s6+$0xFFFFFF60] =	vst v9;
	v46 =	vmul.f32 v42, v34;
	v47 =	vld [tilespmem:s7+$0xFFFFFE00]  }
0x333: {  	v43 =	vperm.xlane v13, v3;
	v61 =	vld [tilespmem:s7+$0xFFFFFE60];
	v24 =	vmul.f32 v58, v26;
	[tilespmem:s1+$0xFFFFFDA0] =	vst v16  }
0x334: {  	v52 =	vperm.xlane v7, v4;
	v19 =	vmul.f32 v45, v38;
	[tilespmem:s1+$0xFFFFFE90] =	vst v46;
	v50 =	vld [tilespmem:s7+$0xFFFFFDB0]  }
0x335: {  	v51 =	vperm.xlane v15, v3;
	v11 =	vmul.f32 v43, v37;
	[tilespmem:s6+$0xFFFFFE20] =	vst v24;
	v23 =	vld [tilespmem:s7+$0xFFFFFEA0]  }
0x336: {  	v36 =	vperm.xlane v12, v4;
	v41 =	vld [tilespmem:s7+$0xFFFFFF40];
	[tilespmem:s1+$0xFFFFFEE0] =	vst v19;
	v57 =	vmul.f32 v52, v48  }
0x337: {  	v55 =	vperm.xlane v14, v3;
	[tilespmem:s1+$0xFFFFFF90] =	vst v11;
	v54 =	vld [tilespmem:s7+$0xFFFFFEF0];
	v53 =	vmul.f32 v51, v47  }
0x338: {  	v56 =	vperm.xlane v22, v3;
	v58 =	vld [tilespmem:s7+$0xFFFFFFE0];
	v24 =	vmul.f32 v36, v61;
	[tilespmem:s6+$0xFFFFFFF0] =	vst v57  }
0x339: {  	v49 =	vperm.xlane v18, v3;
	v59 =	vld [tilespmem:s7+$0xFFFFFFA0];
	[tilespmem:s8+$0xFFFFFE00] =	vst v53;
	v60 =	vmul.f32 v55, v50  }
0x33a: {  	v61 =	vperm.xlane v25, v3;
	[tilespmem:s1+$0xFFFFFE60] =	vst v24;
	v63 =	vld [tilespmem:s7+$0xFFFFFE10];
	v23 =	vmul.f32 v56, v23  }
0x33b: {  	v29 =	vperm.xlane v17, v3;
	v30 =	vld [tilespmem:s5+$0x0];
	v16 =	vmul.f32 v49, v41;
	[tilespmem:s8+$0xFFFFFDB0] =	vst v60  }
0x33c: {  	v31 =	vperm.xlane v13, v4;
	v11 =	vmul.f32 v61, v54;
	[tilespmem:s8+$0xFFFFFEA0] =	vst v23;
	v32 =	vld [tilespmem:s7+$0xFFFFFDC0]  }
0x33d: {  	v33 =	vperm.xlane v15, v4;
	v24 =	vmul.f32 v29, v58;
	[tilespmem:s1+$0xFFFFFF40] =	vst v16;
	v23 =	vld [tilespmem:s7+$0xFFFFFEB0]  }
0x33e: {  	v8 =	vperm.xlane v8, v5;
	v10 =	vmul.f32 v31, v59;
	[tilespmem:s8+$0xFFFFFEF0] =	vst v11;
	v34 =	vld [tilespmem:s7+$0xFFFFFF50]  }
0x33f: {  	v21 =	vnsel vm0, $0x0, v21;
	v36 =	vperm.xlane v14, v4;
	[tilespmem:s8+$0xFFFFFFE0] =	vst v24;
	v35 =	vld [tilespmem:s7+$0xFFFFFF00];
	v9 =	vmul.f32 v33, v63  }
0x340: {  	v8 =	vmul.f32 v21, v8;
	v37 =	vperm.xlane v22, v4;
	v38 =	vld [tilespmem:s7+$0xFFFFFFF0];
	[tilespmem:s8+$0xFFFFFFA0] =	vst v10  }
0x341: {  	v39 =	vperm.xlane v18, v4;
	v40 =	vld [tilespmem:s7+$0xFFFFFFB0];
	[tilespmem:s8+$0xFFFFFE10] =	vst v9;
	v41 =	vmul.f32 v36, v32  }
0x342: {  	[tilespmem:s6+$0xFFFFFF10] =	vst v8;
	v8 =	vperm.xlane v25, v4;
	v42 =	vld [tilespmem:s7+$0xFFFFFE20];
	v10 =	vmul.f32 v37, v23  }
0x343: {  	v44 =	vperm.xlane v17, v4;
	v43 =	vld [tilespmem:s7+$0xFFFFFE70];
	v11 =	vmul.f32 v39, v34;
	[tilespmem:s8+$0xFFFFFDC0] =	vst v41  }
0x344: {  	v7 =	vperm.xlane v7, v5;
	v8 =	vmul.f32 v8, v35;
	[tilespmem:s8+$0xFFFFFEB0] =	vst v10;
	v45 =	vld [tilespmem:s7+$0xFFFFFDD0]  }
0x345: {  	v47 =	vperm.xlane v13, v5;
	v46 =	vnsel vm0, $0x0, v30;
	v9 =	vmul.f32 v44, v38;
	[tilespmem:s8+$0xFFFFFF50] =	vst v11;
	v48 =	vld [tilespmem:s7+$0xFFFFFEC0]  }
0x346: {  	v49 =	vperm.xlane v15, v5;
	v7 =	vmul.f32 v46, v7;
	v50 =	vnsel vm0, $0x0, v40;
	[tilespmem:s8+$0xFFFFFF00] =	vst v8;
	v8 =	vld [tilespmem:s7+$0xFFFFFF60]  }
0x347: {  	v51 =	vperm.xlane v12, v5;
	v13 =	vmul.f32 v50, v47;
	v52 =	vld [tilespmem:s7+$0xFFFFFF10];
	[tilespmem:s8+$0xFFFFFFF0] =	vst v9;
	v53 =	vnsel vm0, $0x0, v42  }
0x348: {  	v54 =	vnsel vm0, $0x0, v43;
	[tilespmem:s6+$0x0] =	vst v7;
	v55 =	vperm.xlane v14, v5;
	v56 =	vld [tilespmem:s7+$0x0];
	v7 =	vmul.f32 v53, v49  }
0x349: {  	v58 =	vperm.xlane v22, v5;
	[tilespmem:s8+$0xFFFFFFB0] =	vst v13;
	v9 =	vmul.f32 v54, v51;
	v57 =	vnsel vm0, $0x0, v45  }
0x34a: {  	v59 =	vperm.xlane v18, v5;
	v11 =	vnsel vm0, $0x0, v48;
	[tilespmem:s8+$0xFFFFFE20] =	vst v7;
	v7 =	vmul.f32 v57, v55  }
0x34b: {  	v61 =	vperm.xlane v25, v5;
	[tilespmem:s8+$0xFFFFFE70] =	vst v9;
	v8 =	vnsel vm0, $0x0, v8;
	v60 =	vmul.f32 v11, v58  }
0x34c: {  	v62 =	vperm.xlane v17, v5;
	[tilespmem:s8+$0xFFFFFDD0] =	vst v7;
	v7 =	vmul.f32 v8, v59;
	v8 =	vnsel vm0, $0x0, v52  }
0x34d: {  	v63 =	vnsel vm0, $0x0, v56;
	[tilespmem:s8+$0xFFFFFEC0] =	vst v60;
	v8 =	vmul.f32 v8, v61  }
0x34e: {  	[tilespmem:s8+$0xFFFFFF60] =	vst v7;
	v7 =	vmul.f32 v63, v62  }
0x34f: {  	[tilespmem:s8+$0xFFFFFF10] =	vst v8  }
0x350: {  	s28 =	sadd.s32 $0x27B0, s3;
	p0 =	sgt.u32 s2, $0x27;
	[tilespmem:s8+$0x0] =	vst v7  }
0x351: {  	[spmem:s11] =	stream.indirect.scatter.add.f32 [tilespmem:s10], [sflag:$0xA], $0x50, s28, s17, $0xb8;
	[tilespmem:$0x1CF30] =	vst v63  }
0x352: {  	s3 =	simm.s32 @!p0 $0x50;
	s5 =	simm.s32 @!p0 $0x8020;
	s1 =	sadd.s32 @!p0 $0x190, s4  }
0x353: {  	[tilespmem:s5], [sflag:$0x4] =	stream.indirect.gather @!p0 [hbm4b:s15+s3], $0x50, s1, s3, $0xb8;
	[tilespmem:$0x1CF30] =	vst v63  }
0x354: {  	s2 =	sadd.s32 $0x1, s2;
	s1 =	sadd.s32 @!p0 $0x28A0, s4;
	s4 =	simm.s32 @!p0 $0xA320  }
0x355: {  	[tilespmem:s4], [sflag:$0x7] =	stream.indirect.gather @!p0 [hbm4b:s16+s3], $0x10, s1, s3, $0xb8;
	[tilespmem:$0x1CF30] =	vst v63  }
0x356: {  	p0 =	sne.s32 s2, $0x2A  }
.Ltmp11:
0x357: {  	_ = 	snop;
	(pc) =	sbr.rel @p0 .LBB2_12-.Ltmp11, $4  }
.Ltmp12:
0x358: {  	_ = 	snop;
	(pc) =	sbr.rel @!p0 .LBB2_20-.Ltmp12, $4  }
0x359: {  	_ = 	snop  }
0x35a: {  	_ = 	snop  }
0x35b: {  	_ = 	snop  }
0x35c: {  	_ = 	snop  }
.LBB2_21:
0x35d: {  	_ =	sfence.sel $0x180000  }
0x35e: {  	[bflag:$0x0] =	sbarrier.arrive $0xFFFF  }
0x35f: {  	_ =	strace $0x90000047  }
0x360: {  	s0 =	stileid.u32;
	[bflag:$0x2] =	sbarrier.arrive $0xFFFF  }
0x361: {  	p0 =	sne.s32 s0, $0x0;
	s0 =	rddreg [dreg:$0x3]  }
0x362: {  	s0 =	sadd.s32 @!p0 $0x100000, s0  }
0x363: {  	[sflag:s0] =	ssyncadd.tile.s32 @!p0 $0x1;
	_ =	shalt  }
.Lfunc_end2:
_tile_overlayer_lowered:
.L_overlay_start_2:
0x364: {  	(tag) =	ssettag $0x2  }
0x365: {  	s0 =	rddreg [dreg:$0x0];
	s2 =	stileid.u32  }
0x366: {  	s1 =	rddreg [dreg:$0x1];
	p0 =	sne.s32 s2, $0x0  }
0x367: {  	s3 =	rddreg [dreg:$0x2];
	[bflag:$0x3] =	sbarrier.arrive $0xFFFF;
	s2 =	simm.s32 @!p0 $0x1C0C  }
0x368: {  	[timem:s3], [sflag:s2] =	dma.local @!p0 [hbm:s0], s1  }
0x369: {  	s0 =	simm.s32 @!p0 $0xC  }
0x36a: {  	_ =	swait.ge @!p0 [sflag:s0], s1  }
0x36b: {  	s1 =	ssub.s32 @!p0 $0x0, s1;
	[sflag:s0] =	ssyncset.done @!p0 $0x0  }
0x36c: {  	[sflag:s0] =	ssyncadd.s32 @!p0 s1  }
0x36d: {  	[bflag:$0x3] =	sbarrier.arrive $0xFFFF  }
0x36e: {  	_ =	shalt  }

</sc_bundles>
